<compile_context>
chip_gen: v7x
topology: tpu7x:2x2x1
jax: 0.10.2.dev20260603
libtpu: 0.0.44.dev20260713+nightly
codegen_flags: <defaults>
</compile_context>

<pallas_src>
import functools

import jax
import jax.numpy as jnp
from jax import lax
from jax.experimental import pallas as pl
from jax.experimental.pallas import tpu as pltpu
from jax.experimental.pallas import tpu_sc as plsc

N = 10000
B = 20
NPG = 500
E = 160000
F = 256
D = 512
C = 10
M1 = 3
EPS = 1e-6

f32 = jnp.float32
i32 = jnp.int32
HI = lax.Precision.HIGHEST

NCORE = 2
NSUB = 16
EB = 100
EPT = E // NSUB
NBLK = EPT // EB
NBLK2 = NBLK // 2
EPW = E // (NCORE * NSUB)
DBLK = EPW // EB
RB = 1000
NR = N // RB
RPT = N // NSUB


def _dot(a, b):
    return jnp.dot(a, b, precision=HI, preferred_element_type=f32)


def _doth(a, b):
    return jnp.dot(a, b, precision=HI, preferred_element_type=f32)


def _score_body(x_ref, clo_ref, deg_ref, wp1_ref, wp2_ref, o_ref):
    xb = x_ref[0]
    t = jnp.tanh(_dot(xb, wp1_ref[...]))
    s = jnp.sum(t * wp2_ref[...], axis=1, keepdims=True)
    o_ref[0] = s + clo_ref[0] + deg_ref[0]


def _score_call(x3, clo3, deg3, wp1, wp2r):
    return pl.pallas_call(
        _score_body,
        grid=(B,),
        in_specs=[
            pl.BlockSpec((1, NPG, F), lambda b: (b, 0, 0)),
            pl.BlockSpec((1, NPG, 1), lambda b: (b, 0, 0)),
            pl.BlockSpec((1, NPG, 1), lambda b: (b, 0, 0)),
            pl.BlockSpec((F, F), lambda b: (0, 0)),
            pl.BlockSpec((1, F), lambda b: (0, 0)),
        ],
        out_specs=pl.BlockSpec((1, NPG, 1), lambda b: (b, 0, 0)),
        out_shape=jax.ShapeDtypeStruct((B, NPG, 1), f32),
    )(x3, clo3, deg3, wp1, wp2r)


def _top4_body(scp_ref, x_ref, kn_ref, idx_ref):
    sc = scp_ref[...]
    ii = lax.broadcasted_iota(i32, sc.shape, 1)
    iN = lax.broadcasted_iota(i32, (B, N), 1)
    boff = lax.broadcasted_iota(i32, (B, 1), 0) * NPG
    xall = x_ref[...]
    rows = []
    for j in range(M1 + 1):
        m = jnp.max(sc, axis=1, keepdims=True)
        cand = jnp.where(sc == m, ii, jnp.int32(2**30))
        idx = jnp.min(cand, axis=1, keepdims=True)
        gate = jnp.tanh(m)
        oh = jnp.where(iN == idx + boff, gate, 0.0)
        rows.append(_dot(oh, xall))
        sc = jnp.where(ii == idx, jnp.float32(-3e38), sc)
        idx_ref[:, j, :] = idx
    r0, r1, r2, r3 = rows
    a, b_ = jnp.minimum(r0, r1), jnp.maximum(r0, r1)
    c_, d_ = jnp.minimum(r2, r3), jnp.maximum(r2, r3)
    a, c_ = jnp.minimum(a, c_), jnp.maximum(a, c_)
    b_, d_ = jnp.minimum(b_, d_), jnp.maximum(b_, d_)
    b_, c_ = jnp.minimum(b_, c_), jnp.maximum(b_, c_)
    kn_ref[:, 0, :] = a
    kn_ref[:, 1, :] = b_
    kn_ref[:, 2, :] = c_
    kn_ref[:, 3, :] = d_


def _top4_call(scp, x):
    return pl.pallas_call(
        _top4_body,
        out_shape=(
            jax.ShapeDtypeStruct((B, M1 + 1, F), f32),
            jax.ShapeDtypeStruct((B, M1 + 1, 1), i32),
        ),
    )(scp, x)


def _spline_body(x_ref, kn_ref, idx_ref, deg_ref, crow_ref,
                 wx_ref, w0_ref, w1_ref, w2_ref, h1p_ref, x1_ref):
    xg = x_ref[0]
    kn = kn_ref[0]
    last = kn[3:4, :]
    pl3 = jnp.maximum(xg - last, 0.0) ** 3
    h = _doth(xg, wx_ref[...])
    for k, wr in enumerate((w0_ref, w1_ref, w2_ref)):
        kk = kn[k:k + 1, :]
        dk = (jnp.maximum(xg - kk, 0.0) ** 3 - pl3) / (last - kk + EPS)
        h = h + _doth(dk, wr[...])
    h = h + crow_ref[...]
    idxb = idx_ref[0]
    oh = (lax.broadcasted_iota(i32, (M1 + 1, NPG), 1) == idxb).astype(f32)
    hr = _dot(oh, h)
    x1_ref[0] = jnp.max(hr, axis=0, keepdims=True)
    d = deg_ref[0]
    dv = lax.rsqrt(1.0 + d[:, 0:1] + d[:, 1:2])
    hp = h * dv
    h1p_ref[0, 0] = hp[:, 0:128]
    h1p_ref[1, 0] = hp[:, 128:256]


def _spline_call(x3, kn, idx4, degpB, crow, wx, w0, w1, w2):
    return pl.pallas_call(
        _spline_body,
        grid=(B,),
        in_specs=[
            pl.BlockSpec((1, NPG, F), lambda b: (b, 0, 0)),
            pl.BlockSpec((1, M1 + 1, F), lambda b: (b, 0, 0)),
            pl.BlockSpec((1, M1 + 1, 1), lambda b: (b, 0, 0)),
            pl.BlockSpec((1, NPG, 2), lambda b: (b, 0, 0)),
            pl.BlockSpec((1, F), lambda b: (0, 0)),
            pl.BlockSpec((F, F), lambda b: (0, 0)),
            pl.BlockSpec((F, F), lambda b: (0, 0)),
            pl.BlockSpec((F, F), lambda b: (0, 0)),
            pl.BlockSpec((F, F), lambda b: (0, 0)),
        ],
        out_specs=(
            pl.BlockSpec((2, 1, NPG, 128), lambda b: (0, b, 0, 0)),
            pl.BlockSpec((1, 1, F), lambda b: (b, 0, 0)),
        ),
        out_shape=(
            jax.ShapeDtypeStruct((2, B, NPG, 128), f32),
            jax.ShapeDtypeStruct((B, 1, F), f32),
        ),
    )(x3, kn, idx4, degpB, crow, wx, w0, w1, w2)


def _make_deg_kernel():
    mesh = plsc.VectorSubcoreMesh(core_axis_name="c", subcore_axis_name="s")

    @functools.partial(
        pl.kernel,
        out_type=jax.ShapeDtypeStruct((NCORE, N), f32),
        mesh=mesh,
        scratch_types=[
            pltpu.VMEM((DBLK, EB), i32),
            pltpu.VMEM((EB,), f32),
            pltpu.VMEM_SHARED((N,), f32),
            pltpu.SemaphoreType.DMA,
        ],
    )
    def deg_kernel(dst_hbm, ones_hbm, zeros_hbm, out_hbm, dst_v, ones_v,
                   acc_sh, sem):
        c = lax.axis_index("c")
        s = lax.axis_index("s")
        wid = c * NSUB + s
        pltpu.sync_copy(dst_hbm.at[wid], dst_v)
        pltpu.sync_copy(ones_hbm, ones_v)

        @pl.when(s == 0)
        def _():
            pltpu.sync_copy(zeros_hbm, acc_sh)

        plsc.subcore_barrier()

        def body(j, carry):
            pltpu.sync_copy(ones_v, acc_sh.at[dst_v.at[j]], add=True)
            return carry

        lax.fori_loop(0, DBLK, body, 0)
        plsc.subcore_barrier()

        @pl.when(s == 0)
        def _():
            pltpu.sync_copy(acc_sh, out_hbm.at[c])

    return deg_kernel


CH0 = 632
CH1 = N - CH0 * (NSUB - 1)


def _make_scatter_kernel(nch):
    cpc = nch // NCORE
    mesh = plsc.VectorSubcoreMesh(core_axis_name="c", subcore_axis_name="s")

    @functools.partial(
        pl.kernel,
        out_type=jax.ShapeDtypeStruct((nch * N, 128), f32),
        mesh=mesh,
        scratch_types=[
            pltpu.VMEM((NBLK2, EB), i32),
            pltpu.VMEM((NBLK2, EB), i32),
            pltpu.VMEM((EB, 128), f32),
            pltpu.VMEM((EB, 128), f32),
            pltpu.VMEM_SHARED((N, 128), f32),
            pltpu.SemaphoreType.DMA,
            pltpu.SemaphoreType.DMA,
        ],
    )
    def scat_kernel(hp_hbm, srcg_hbm, dst_hbm, out_hbm, src_v, dst_v, buf0,
                    buf1, acc_sh, sem0, sem1):
        c = lax.axis_index("c")
        s = lax.axis_index("s")
        for t in range(cpc):
            q = c * cpc + t
            @pl.when(s < NSUB - 1)
            def _():
                st = pl.multiple_of(q * N + s * CH0, 8)
                sl = pl.multiple_of(s * CH0, 8)
                pltpu.sync_copy(hp_hbm.at[pl.ds(st, CH0)],
                                acc_sh.at[pl.ds(sl, CH0)])

            @pl.when(s == NSUB - 1)
            def _():
                st = pl.multiple_of(q * N + CH0 * (NSUB - 1), 8)
                pltpu.sync_copy(hp_hbm.at[pl.ds(st, CH1)],
                                acc_sh.at[pl.ds(CH0 * (NSUB - 1), CH1)])

            plsc.subcore_barrier()

            for half in range(2):
                pltpu.sync_copy(srcg_hbm.at[q, s, half], src_v)
                pltpu.sync_copy(dst_hbm.at[s, half], dst_v)
                pltpu.async_copy(hp_hbm.at[src_v.at[0]], buf0, sem0)

                def body(i, carry):
                    j0 = i * 2
                    j1 = j0 + 1
                    pltpu.async_copy(hp_hbm.at[src_v.at[j1]], buf1, sem1)
                    pltpu.make_async_copy(hp_hbm.at[src_v.at[j0]], buf0,
                                          sem0).wait()
                    pltpu.sync_copy(buf0, acc_sh.at[dst_v.at[j0]], add=True)

                    @pl.when(j1 + 1 < NBLK2)
                    def _():
                        pltpu.async_copy(hp_hbm.at[src_v.at[j1 + 1]], buf0,
                                         sem0)

                    pltpu.make_async_copy(hp_hbm.at[src_v.at[j1]], buf1,
                                          sem1).wait()
                    pltpu.sync_copy(buf1, acc_sh.at[dst_v.at[j1]], add=True)
                    return carry

                lax.fori_loop(0, NBLK2 // 2, body, 0)
            plsc.subcore_barrier()

            @pl.when(s < NSUB - 1)
            def _():
                st = pl.multiple_of(q * N + s * CH0, 8)
                sl = pl.multiple_of(s * CH0, 8)
                pltpu.sync_copy(acc_sh.at[pl.ds(sl, CH0)],
                                out_hbm.at[pl.ds(st, CH0)])

            @pl.when(s == NSUB - 1)
            def _():
                st = pl.multiple_of(q * N + CH0 * (NSUB - 1), 8)
                pltpu.sync_copy(acc_sh.at[pl.ds(CH0 * (NSUB - 1), CH1)],
                                out_hbm.at[pl.ds(st, CH1)])

            plsc.subcore_barrier()

    return scat_kernel


def _post1_body(agg_ref, deg_ref, w_ref, bc_ref, y_ref, st_ref, tacc, sacc):
    r = pl.program_id(1)
    ci = pl.program_id(2)
    d = deg_ref[0]
    dv = lax.rsqrt(1.0 + d[:, 0:1] + d[:, 1:2])
    part = _doth(agg_ref[0, 0] * dv, w_ref[0, 0])

    @pl.when(ci == 0)
    def _():
        tacc[...] = part

    @pl.when(ci > 0)
    def _():
        tacc[...] = tacc[...] + part

    @pl.when(ci == 1)
    def _():
        yv = jnp.maximum(tacc[...] + bc_ref[0], 0.0)
        y_ref[0, 0] = yv
        s1 = jnp.sum(yv, axis=0, keepdims=True)
        s2 = jnp.sum(yv * yv, axis=0, keepdims=True)

        @pl.when(r == 0)
        def _():
            sacc[0:1] = s1
            sacc[1:2] = s2

        @pl.when(r > 0)
        def _():
            sacc[0:1] = sacc[0:1] + s1
            sacc[1:2] = sacc[1:2] + s2

        @pl.when(r == NR - 1)
        def _():
            st_ref[0] = sacc[0:2]


def _post1_call(agg1, degpR, wc1r, bc1r):
    return pl.pallas_call(
        _post1_body,
        grid=(4, NR, 2),
        in_specs=[
            pl.BlockSpec((1, 1, RB, 128), lambda co, r, ci: (ci, r, 0, 0)),
            pl.BlockSpec((1, RB, 2), lambda co, r, ci: (r, 0, 0)),
            pl.BlockSpec((1, 1, 128, 128), lambda co, r, ci: (ci, co, 0, 0)),
            pl.BlockSpec((1, 1, 128), lambda co, r, ci: (co, 0, 0)),
        ],
        out_specs=(
            pl.BlockSpec((1, 1, RB, 128), lambda co, r, ci: (co, r, 0, 0)),
            pl.BlockSpec((1, 2, 128), lambda co, r, ci: (co, 0, 0)),
        ),
        out_shape=(
            jax.ShapeDtypeStruct((4, NR, RB, 128), f32),
            jax.ShapeDtypeStruct((4, 2, 128), f32),
        ),
        scratch_shapes=[
            pltpu.VMEM((RB, 128), f32),
            pltpu.VMEM((8, 128), f32),
        ],
    )(agg1, degpR, wc1r, bc1r)


def _mm_body(y_ref, st_ref, g_ref, be_ref, deg_ref, w_ref, o_ref, tacc):
    ci = pl.program_id(2)
    st = st_ref[0]
    m = st[0:1] * (1.0 / N)
    v = st[1:2] * (1.0 / N) - m * m
    a = g_ref[0] * lax.rsqrt(v + 1e-5)
    cs = be_ref[0] - m * a
    xbn = y_ref[0, 0] * a + cs
    part = _doth(xbn, w_ref[0, 0])

    @pl.when(ci == 0)
    def _():
        tacc[...] = part

    @pl.when(ci > 0)
    def _():
        tacc[...] = tacc[...] + part

    @pl.when(ci == 3)
    def _():
        d = deg_ref[0]
        dv = lax.rsqrt(1.0 + d[:, 0:1] + d[:, 1:2])
        o_ref[0, 0] = tacc[...] * dv


def _mm_call(yl, st, gr, ber, degpR, wr):
    return pl.pallas_call(
        _mm_body,
        grid=(4, NR, 4),
        in_specs=[
            pl.BlockSpec((1, 1, RB, 128), lambda co, r, ci: (ci, r, 0, 0)),
            pl.BlockSpec((1, 2, 128), lambda co, r, ci: (ci, 0, 0)),
            pl.BlockSpec((1, 1, 128), lambda co, r, ci: (ci, 0, 0)),
            pl.BlockSpec((1, 1, 128), lambda co, r, ci: (ci, 0, 0)),
            pl.BlockSpec((1, RB, 2), lambda co, r, ci: (r, 0, 0)),
            pl.BlockSpec((1, 1, 128, 128), lambda co, r, ci: (ci, co, 0, 0)),
        ],
        out_specs=pl.BlockSpec((1, 1, RB, 128), lambda co, r, ci: (co, r, 0, 0)),
        out_shape=jax.ShapeDtypeStruct((4, NR, RB, 128), f32),
        scratch_shapes=[pltpu.VMEM((RB, 128), f32)],
    )(yl, st, gr, ber, degpR, wr)


def _post23_body(agg_ref, bc_ref, deg_ref, y_ref, st_ref, sacc):
    r = pl.program_id(1)
    d = deg_ref[0]
    dv = lax.rsqrt(1.0 + d[:, 0:1] + d[:, 1:2])
    yv = jnp.maximum(agg_ref[0, 0] * dv + bc_ref[0], 0.0)
    y_ref[0, 0] = yv
    s1 = jnp.sum(yv, axis=0, keepdims=True)
    s2 = jnp.sum(yv * yv, axis=0, keepdims=True)

    @pl.when(r == 0)
    def _():
        sacc[0:1] = s1
        sacc[1:2] = s2

    @pl.when(r > 0)
    def _():
        sacc[0:1] = sacc[0:1] + s1
        sacc[1:2] = sacc[1:2] + s2

    @pl.when(r == NR - 1)
    def _():
        st_ref[0] = sacc[0:2]


def _post23_call(agg, bcr, degpR):
    return pl.pallas_call(
        _post23_body,
        grid=(4, NR),
        in_specs=[
            pl.BlockSpec((1, 1, RB, 128), lambda co, r: (co, r, 0, 0)),
            pl.BlockSpec((1, 1, 128), lambda co, r: (co, 0, 0)),
            pl.BlockSpec((1, RB, 2), lambda co, r: (r, 0, 0)),
        ],
        out_specs=(
            pl.BlockSpec((1, 1, RB, 128), lambda co, r: (co, r, 0, 0)),
            pl.BlockSpec((1, 2, 128), lambda co, r: (co, 0, 0)),
        ),
        out_shape=(
            jax.ShapeDtypeStruct((4, NR, RB, 128), f32),
            jax.ShapeDtypeStruct((4, 2, 128), f32),
        ),
        scratch_shapes=[pltpu.VMEM((8, 128), f32)],
    )(agg, bcr, degpR)


def _final_body(y_ref, st_ref, g_ref, be_ref, x1_ref, wf1_ref, bf1_ref,
                wf2_ref, bf2_ref, o_ref):
    parts = []
    for cc in range(4):
        st = st_ref[cc]
        m = st[0:1] * (1.0 / N)
        v = st[1:2] * (1.0 / N) - m * m
        a = g_ref[cc] * lax.rsqrt(v + 1e-5)
        cs = be_ref[cc] - m * a
        yb = y_ref[cc, 0]
        hg_c = a * (jnp.sum(yb, axis=0, keepdims=True) * (1.0 / NPG)) + cs
        parts.append(hg_c)
    hg = jnp.concatenate(parts, axis=1)
    z = jnp.concatenate([hg, x1_ref[0]], axis=1)
    z = jnp.maximum(_doth(z, wf1_ref[...]) + bf1_ref[...], 0.0)
    z = _doth(z, wf2_ref[...]) + bf2_ref[...]
    mz = jnp.max(z, axis=1, keepdims=True)
    lse = jnp.log(jnp.sum(jnp.exp(z - mz), axis=1, keepdims=True)) + mz
    o_ref[0] = z - lse


def _final_call(y3g, st3, g3r, be3r, x1, wf1, bf1r, wf2, bf2r):
    return pl.pallas_call(
        _final_body,
        grid=(B,),
        in_specs=[
            pl.BlockSpec((4, 1, NPG, 128), lambda b: (0, b, 0, 0)),
            pl.BlockSpec((4, 2, 128), lambda b: (0, 0, 0)),
            pl.BlockSpec((4, 1, 128), lambda b: (0, 0, 0)),
            pl.BlockSpec((4, 1, 128), lambda b: (0, 0, 0)),
            pl.BlockSpec((1, 1, F), lambda b: (b, 0, 0)),
            pl.BlockSpec((D + F, D), lambda b: (0, 0)),
            pl.BlockSpec((1, D), lambda b: (0, 0)),
            pl.BlockSpec((D, C), lambda b: (0, 0)),
            pl.BlockSpec((1, C), lambda b: (0, 0)),
        ],
        out_specs=pl.BlockSpec((1, 1, C), lambda b: (b, 0, 0)),
        out_shape=jax.ShapeDtypeStruct((B, 1, C), f32),
    )(y3g, st3, g3r, be3r, x1, wf1, bf1r, wf2, bf2r)


@functools.cache
def _get_deg_kernel():
    return _make_deg_kernel()


@functools.cache
def _get_scatter_kernel(nch):
    return _make_scatter_kernel(nch)


def kernel(x, edge_index, batch, y, degree, closeness, Wp1, Wp2, Wsm, bsm,
           Wc1, bc1, g1, be1, Wc2, bc2, g2, be2, Wc3, bc3, g3, be3,
           Wf1, bf1, Wf2, bf2):
    x3 = x.reshape(B, NPG, F)
    clo3 = closeness.reshape(B, NPG, 1)
    degin3 = degree.reshape(B, NPG, 1)
    wp2r = Wp2.reshape(1, F)

    score = _score_call(x3, clo3, degin3, Wp1, wp2r)
    scp = jnp.concatenate(
        [score.reshape(B, NPG), jnp.full((B, 12), -3e38, f32)], axis=1)
    kn, idx4 = _top4_call(scp, x)

    src = edge_index[0]
    dst = edge_index[1]
    dst32 = dst.reshape(NCORE * NSUB, DBLK, EB)
    ones_eb = jnp.ones((EB,), f32)
    zeros_n = jnp.zeros((N,), f32)
    degp = _get_deg_kernel()(dst32, ones_eb, zeros_n)
    degp2 = jnp.moveaxis(degp, 0, 1)
    degpB = degp2.reshape(B, NPG, 2)
    degpR = degp2.reshape(NR, RB, 2)

    crow = Wsm[0:1] + bsm[None, :]
    wx = Wsm[1:1 + F]
    w0 = Wsm[1 + F:1 + 2 * F]
    w1 = Wsm[1 + 2 * F:1 + 3 * F]
    w2 = Wsm[1 + 3 * F:1 + 4 * F]
    h1p, x1 = _spline_call(x3, kn, idx4, degpB, crow, wx, w0, w1, w2)

    dst16 = dst.reshape(NSUB, 2, NBLK2, EB)
    srcg2 = (src[None, :].astype(i32)
             + (jnp.arange(2, dtype=i32) * N)[:, None]).reshape(
                 2, NSUB, 2, NBLK2, EB)
    srcg4 = (src[None, :].astype(i32)
             + (jnp.arange(4, dtype=i32) * N)[:, None]).reshape(
                 4, NSUB, 2, NBLK2, EB)

    agg1 = _get_scatter_kernel(2)(h1p.reshape(2 * N, 128), srcg2, dst16)
    agg1 = agg1.reshape(2, NR, RB, 128)

    wc1r = Wc1.reshape(2, 128, 4, 128).transpose(0, 2, 1, 3)
    bc1r = bc1.reshape(4, 1, 128)
    y1, st1 = _post1_call(agg1, degpR, wc1r, bc1r)

    wc2r = Wc2.reshape(4, 128, 4, 128).transpose(0, 2, 1, 3)
    h2p2 = _mm_call(y1, st1, g1.reshape(4, 1, 128), be1.reshape(4, 1, 128),
                    degpR, wc2r)
    agg2 = _get_scatter_kernel(4)(h2p2.reshape(4 * N, 128), srcg4, dst16)
    y2, st2 = _post23_call(agg2.reshape(4, NR, RB, 128),
                           bc2.reshape(4, 1, 128), degpR)

    wc3r = Wc3.reshape(4, 128, 4, 128).transpose(0, 2, 1, 3)
    h2p3 = _mm_call(y2, st2, g2.reshape(4, 1, 128), be2.reshape(4, 1, 128),
                    degpR, wc3r)
    agg3 = _get_scatter_kernel(4)(h2p3.reshape(4 * N, 128), srcg4, dst16)
    y3, st3 = _post23_call(agg3.reshape(4, NR, RB, 128),
                           bc3.reshape(4, 1, 128), degpR)

    out = _final_call(y3.reshape(4, B, NPG, 128), st3,
                      g3.reshape(4, 1, 128), be3.reshape(4, 1, 128),
                      x1, Wf1, bf1.reshape(1, D), Wf2, bf2.reshape(1, C))
    return out.reshape(B, C)

# --- scband reference (transcript-rebuilt; emitter-appended) ---
"""Pipeline reference for scband-net-41678362640782 (READ-ONLY COPY).

The authoritative reference and input builder live on the scoring server;
editing this copy changes nothing except your own understanding.
"""

import jax, jax.numpy as jnp
import numpy as np

N = 10000; B = 20; NPG = 500; E = 160000
F = 256; D = 512; C = 10
M1 = 3; RATIO1 = 0.1; EPS = 1e-6
K1 = int(np.ceil(RATIO1 * NPG))


def setup_inputs(seed: int = 0):
    key = jax.random.key(seed)
    ks = jax.random.split(key, 16)
    def w(k, shape):
        return jax.random.normal(k, shape, jnp.float32) / np.sqrt(shape[0])
    inp = {}
    inp['x'] = jax.random.normal(ks[0], (N, F), jnp.float32)
    inp['edge_index'] = jax.random.randint(ks[1], (2, E), 0, N, dtype=jnp.int32)
    inp['batch'] = jnp.repeat(jnp.arange(B, dtype=jnp.int32), NPG)
    inp['y'] = jax.random.randint(ks[2], (B,), 0, C, dtype=jnp.int32)
    inp['degree'] = jax.random.uniform(ks[3], (N,), jnp.float32)
    inp['closeness'] = jax.random.uniform(ks[4], (N,), jnp.float32)
    inp['Wp1'] = w(ks[5], (F, F)); inp['Wp2'] = w(ks[6], (F, 1))
    EXP = 1 + (M1 + 1) * F
    inp['Wsm'] = w(ks[7], (EXP, F)); inp['bsm'] = jnp.zeros((F,), jnp.float32)
    inp['Wc1'] = w(ks[8], (F, D)); inp['bc1'] = jnp.zeros((D,), jnp.float32)
    inp['g1'] = jnp.ones((D,), jnp.float32); inp['be1'] = jnp.zeros((D,), jnp.float32)
    inp['Wc2'] = w(ks[9], (D, D)); inp['bc2'] = jnp.zeros((D,), jnp.float32)
    inp['g2'] = jnp.ones((D,), jnp.float32); inp['be2'] = jnp.zeros((D,), jnp.float32)
    inp['Wc3'] = w(ks[10], (D, D)); inp['bc3'] = jnp.zeros((D,), jnp.float32)
    inp['g3'] = jnp.ones((D,), jnp.float32); inp['be3'] = jnp.zeros((D,), jnp.float32)
    inp['Wf1'] = w(ks[11], (F + D, D)); inp['bf1'] = jnp.zeros((D,), jnp.float32)
    inp['Wf2'] = w(ks[12], (D, C)); inp['bf2'] = jnp.zeros((C,), jnp.float32)
    return inp


def _gcn(x, src, dst, W, b):
    n = x.shape[0]
    loop = jnp.arange(n, dtype=src.dtype)
    s = jnp.concatenate([src, loop]); d = jnp.concatenate([dst, loop])
    deg = jnp.zeros((n,), x.dtype).at[d].add(1.0)
    dinv = 1.0 / jnp.sqrt(deg)
    h = x @ W
    msg = h[s] * (dinv[s] * dinv[d])[:, None]
    return jnp.zeros((n, W.shape[1]), x.dtype).at[d].add(msg) + b


def _bn(x, g, b):
    m = x.mean(0); v = x.var(0)
    return g * (x - m) / jnp.sqrt(v + 1e-5) + b


def _forward(x, degree, closeness, Wp1, Wp2, Wsm, bsm, Wc1, bc1, g1, be1, Wc2, bc2, g2, be2, Wc3, bc3, g3, be3, Wf1, bf1, Wf2, bf2, edge_index, batch):
    src, dst = edge_index[0], edge_index[1]
    # NodeImportance pool: learned score + closeness/degree centrality, per-graph top-k
    s = jnp.tanh(x @ Wp1)
    s = (s @ Wp2)[:, 0]
    score = s + closeness + degree
    score_g = score.reshape(B, NPG)
    vals, idx = jax.lax.top_k(score_g, K1)
    perm = (idx + (jnp.arange(B) * NPG)[:, None]).reshape(-1)
    gate = jnp.tanh(vals).reshape(-1, 1)
    topk_x = x[perm] * gate
    # normalize_perm: exactly M1+1 knots per graph
    knots_x = topk_x.reshape(B, K1, F)[:, :M1 + 1, :]
    perm_n = perm.reshape(B, K1)[:, :M1 + 1].reshape(-1)
    # smooth_spline_learned: truncated cubic spline expansion around knots
    knots = jnp.sort(knots_x, axis=1)
    xg = x.reshape(B, NPG, F)
    last = knots[:, -1:, :]
    plast = jnp.maximum(xg - last, 0.0) ** 3
    basis = [jnp.ones((B, NPG, 1), x.dtype), xg]
    for k in range(M1):
        kk = knots[:, k:k + 1, :]
        dk = (jnp.maximum(xg - kk, 0.0) ** 3 - plast) / (last - kk + EPS)
        basis.append(dk)
    feats = jnp.concatenate(basis, axis=-1).reshape(N, 1 + (M1 + 1) * F)
    h = feats @ Wsm + bsm
    x1 = jnp.max(h[perm_n].reshape(B, M1 + 1, F), axis=1)  # gmp over knots
    # conv stack: relu(GCN) then BN
    h = _bn(jax.nn.relu(_gcn(h, src, dst, Wc1, bc1)), g1, be1)
    h = _bn(jax.nn.relu(_gcn(h, src, dst, Wc2, bc2)), g2, be2)
    h = _bn(jax.nn.relu(_gcn(h, src, dst, Wc3, bc3)), g3, be3)
    hg = h.reshape(B, NPG, D).mean(axis=1)  # gap
    z = jnp.concatenate([hg, x1], axis=-1)  # add_knot
    z = jax.nn.relu(z @ Wf1 + bf1)
    z = z @ Wf2 + bf2  # dropout is identity in eval
    return jax.nn.log_softmax(z, axis=-1)


def reference(x, edge_index, batch, y, degree, closeness, Wp1, Wp2, Wsm, bsm, Wc1, bc1, g1, be1, Wc2, bc2, g2, be2, Wc3, bc3, g3, be3, Wf1, bf1, Wf2, bf2):
    return _forward(x, degree, closeness, Wp1, Wp2, Wsm, bsm, Wc1, bc1, g1, be1, Wc2, bc2, g2, be2, Wc3, bc3, g3, be3, Wf1, bf1, Wf2, bf2, edge_index, batch)

if __name__ == "__main__":
    import jax
    _d = setup_inputs()
    print(jax.jit(kernel)(*tuple(_d.values())))

</pallas_src>

<mosaic_0001>
#map = affine_map<(d0, d1) -> (0, 0)>
#map1 = affine_map<(d0, d1) -> (0, 0, 0, 0, 0)>
#map2 = affine_map<(d0, d1) -> (0, 0, 0, 0)>
module attributes {stable_mosaic.version = 14 : i64} {
  func.func @scat_kernel(%arg0: i32, %arg1: i32, %arg2: memref<40000x128xf32, #tpu.memory_space<hbm>>, %arg3: memref<4x16x2x50x100xi32, #tpu.memory_space<hbm>>, %arg4: memref<16x2x50x100xi32, #tpu.memory_space<hbm>>, %arg5: memref<40000x128xf32, #tpu.memory_space<hbm>>, %arg6: memref<50x100xi32, #tpu.memory_space<vmem>>, %arg7: memref<50x100xi32, #tpu.memory_space<vmem>>, %arg8: memref<100x128xf32, #tpu.memory_space<vmem>>, %arg9: memref<100x128xf32, #tpu.memory_space<vmem>>, %arg10: memref<10000x128xf32, #tpu.memory_space<vmem_shared>>, %arg11: memref<!tpu.dma_semaphore, #tpu.memory_space<semaphore_mem>>, %arg12: memref<!tpu.dma_semaphore, #tpu.memory_space<semaphore_mem>>) attributes {dimension_semantics = [#tpu.dimension_semantics<core_parallel>, #tpu.dimension_semantics<subcore_parallel>], iteration_bounds = array<i64: 2, 16>, scalar_prefetch = 0 : i64, scratch_operands = 7 : i64, tpu.core_type = #tpu.core_type<sc_vector_subcore>, window_params = [{transform_indices = #map}, {transform_indices = #map1}, {transform_indices = #map2}, {transform_indices = #map}]} {
    %mul3A = arith.constant 2 : i32
    %mul3A_0 = arith.muli %arg0, %mul3A : i32
    %add3A = arith.constant 0 : i32
    %add3A_1 = arith.addi %mul3A_0, %add3A : i32
    %lt3A = arith.constant 15 : i32
    %lt3A_2 = arith.cmpi slt, %arg1, %lt3A : i32
    %convert_element_type3A = arith.extui %lt3A_2 : i1 to i32
    %cond3A = arith.constant 0 : i32
    %cond3A_3 = arith.cmpi ne, %convert_element_type3A, %cond3A : i32
    scf.if %cond3A_3 {
      %mul3A_104 = arith.constant 10000 : i32
      %mul3A_105 = arith.muli %add3A_1, %mul3A_104 : i32
      %mul3A_106 = arith.constant 632 : i32
      %mul3A_107 = arith.muli %arg1, %mul3A_106 : i32
      %add3A_108 = arith.addi %mul3A_105, %mul3A_107 : i32
      %multiple_of3A = tpu.assume_multiple %add3A_108, 8 : i32
      %mul3A_109 = arith.constant 632 : i32
      %mul3A_110 = arith.muli %arg1, %mul3A_109 : i32
      %multiple_of3A_111 = tpu.assume_multiple %mul3A_110, 8 : i32
      "tpu.region"() ({
        %run_scoped3A_112 = tpu.sem_alloc : memref<!tpu.dma_semaphore, #tpu.memory_space<semaphore_mem>>
        %dma_start3A_113 = arith.constant 0 : i32
        %dma_start3A_114 = tpu.memref_slice %arg10[%multiple_of3A_111, %dma_start3A_113] : memref<10000x128xf32, #tpu.memory_space<vmem_shared>> -> memref<632x128xf32, #tpu.memory_space<vmem_shared>>
        %dma_start3A_115 = arith.constant 0 : i32
        %dma_start3A_116 = tpu.memref_slice %arg2[%multiple_of3A, %dma_start3A_115] : memref<40000x128xf32, #tpu.memory_space<hbm>> -> memref<632x128xf32, #tpu.memory_space<hbm>>
        tpu.enqueue_dma source(%dma_start3A_116 : memref<632x128xf32, #tpu.memory_space<hbm>>) target(%dma_start3A_114 : memref<632x128xf32, #tpu.memory_space<vmem_shared>>) target_semaphore(%run_scoped3A_112 : memref<!tpu.dma_semaphore, #tpu.memory_space<semaphore_mem>>)
        %dma_wait3A = arith.constant 0 : i32
        %dma_wait3A_117 = tpu.memref_slice %arg10[%multiple_of3A_111, %dma_wait3A] : memref<10000x128xf32, #tpu.memory_space<vmem_shared>> -> memref<632x128xf32, #tpu.memory_space<vmem_shared>>
        %dma_wait3A_118 = arith.constant 0 : i32
        %dma_wait3A_119 = tpu.memref_slice %arg2[%multiple_of3A, %dma_wait3A_118] : memref<40000x128xf32, #tpu.memory_space<hbm>> -> memref<632x128xf32, #tpu.memory_space<hbm>>
        tpu.wait_dma2 semaphore(%run_scoped3A_112 : memref<!tpu.dma_semaphore, #tpu.memory_space<semaphore_mem>>) src(%dma_wait3A_119 : memref<632x128xf32, #tpu.memory_space<hbm>>) dst(%dma_wait3A_117 : memref<632x128xf32, #tpu.memory_space<vmem_shared>>)
        tpu.yield
      }) : () -> ()
    } else {
    }
    %eq3A = arith.constant 15 : i32
    %eq3A_4 = arith.cmpi eq, %arg1, %eq3A : i32
    %convert_element_type3A_5 = arith.extui %eq3A_4 : i1 to i32
    %cond3A_6 = arith.constant 0 : i32
    %cond3A_7 = arith.cmpi ne, %convert_element_type3A_5, %cond3A_6 : i32
    scf.if %cond3A_7 {
      %mul3A_104 = arith.constant 10000 : i32
      %mul3A_105 = arith.muli %add3A_1, %mul3A_104 : i32
      %add3A_106 = arith.constant 9480 : i32
      %add3A_107 = arith.addi %mul3A_105, %add3A_106 : i32
      %multiple_of3A = tpu.assume_multiple %add3A_107, 8 : i32
      "tpu.region"() ({
        %run_scoped3A_108 = tpu.sem_alloc : memref<!tpu.dma_semaphore, #tpu.memory_space<semaphore_mem>>
        %dma_start3A_109 = arith.constant 9480 : i32
        %dma_start3A_110 = arith.constant 0 : i32
        %dma_start3A_111 = tpu.memref_slice %arg10[%dma_start3A_109, %dma_start3A_110] : memref<10000x128xf32, #tpu.memory_space<vmem_shared>> -> memref<520x128xf32, #tpu.memory_space<vmem_shared>>
        %dma_start3A_112 = arith.constant 0 : i32
        %dma_start3A_113 = tpu.memref_slice %arg2[%multiple_of3A, %dma_start3A_112] : memref<40000x128xf32, #tpu.memory_space<hbm>> -> memref<520x128xf32, #tpu.memory_space<hbm>>
        tpu.enqueue_dma source(%dma_start3A_113 : memref<520x128xf32, #tpu.memory_space<hbm>>) target(%dma_start3A_111 : memref<520x128xf32, #tpu.memory_space<vmem_shared>>) target_semaphore(%run_scoped3A_108 : memref<!tpu.dma_semaphore, #tpu.memory_space<semaphore_mem>>)
        %dma_wait3A = arith.constant 9480 : i32
        %dma_wait3A_114 = arith.constant 0 : i32
        %dma_wait3A_115 = tpu.memref_slice %arg10[%dma_wait3A, %dma_wait3A_114] : memref<10000x128xf32, #tpu.memory_space<vmem_shared>> -> memref<520x128xf32, #tpu.memory_space<vmem_shared>>
        %dma_wait3A_116 = arith.constant 0 : i32
        %dma_wait3A_117 = tpu.memref_slice %arg2[%multiple_of3A, %dma_wait3A_116] : memref<40000x128xf32, #tpu.memory_space<hbm>> -> memref<520x128xf32, #tpu.memory_space<hbm>>
        tpu.wait_dma2 semaphore(%run_scoped3A_108 : memref<!tpu.dma_semaphore, #tpu.memory_space<semaphore_mem>>) src(%dma_wait3A_117 : memref<520x128xf32, #tpu.memory_space<hbm>>) dst(%dma_wait3A_115 : memref<520x128xf32, #tpu.memory_space<vmem_shared>>)
        tpu.yield
      }) : () -> ()
    } else {
    }
    %barrier3A = arith.constant 0 : index
    tpu.barrier barrier_id(%barrier3A)
    %run_scoped3A = arith.constant 0 : i32
    "tpu.region"() ({
      %run_scoped3A_104 = tpu.sem_alloc : memref<!tpu.dma_semaphore, #tpu.memory_space<semaphore_mem>>
      %dma_start3A_105 = arith.constant 0 : i32
      %dma_start3A_106 = arith.constant 0 : i32
      %dma_start3A_107 = tpu.memref_slice %arg3[%add3A_1, %arg1, %run_scoped3A, %dma_start3A_105, %dma_start3A_106] : memref<4x16x2x50x100xi32, #tpu.memory_space<hbm>> -> memref<1x1x1x50x100xi32, #tpu.memory_space<hbm>>
      %dma_start3A_108 = tpu.memref_squeeze %dma_start3A_107 : memref<1x1x1x50x100xi32, #tpu.memory_space<hbm>> -> memref<50x100xi32, #tpu.memory_space<hbm>>
      %dma_start3A_109 = arith.constant 0 : i32
      %dma_start3A_110 = arith.constant 0 : i32
      %dma_start3A_111 = tpu.memref_slice %arg3[%add3A_1, %arg1, %run_scoped3A, %dma_start3A_109, %dma_start3A_110] : memref<4x16x2x50x100xi32, #tpu.memory_space<hbm>> -> memref<1x1x1x50x100xi32, #tpu.memory_space<hbm>>
      %dma_start3A_112 = tpu.memref_squeeze %dma_start3A_111 : memref<1x1x1x50x100xi32, #tpu.memory_space<hbm>> -> memref<50x100xi32, #tpu.memory_space<hbm>>
      tpu.enqueue_dma source(%dma_start3A_112 : memref<50x100xi32, #tpu.memory_space<hbm>>) target(%arg6 : memref<50x100xi32, #tpu.memory_space<vmem>>) target_semaphore(%run_scoped3A_104 : memref<!tpu.dma_semaphore, #tpu.memory_space<semaphore_mem>>)
      %dma_wait3A = arith.constant 0 : i32
      %dma_wait3A_113 = arith.constant 0 : i32
      %dma_wait3A_114 = tpu.memref_slice %arg3[%add3A_1, %arg1, %run_scoped3A, %dma_wait3A, %dma_wait3A_113] : memref<4x16x2x50x100xi32, #tpu.memory_space<hbm>> -> memref<1x1x1x50x100xi32, #tpu.memory_space<hbm>>
      %dma_wait3A_115 = tpu.memref_squeeze %dma_wait3A_114 : memref<1x1x1x50x100xi32, #tpu.memory_space<hbm>> -> memref<50x100xi32, #tpu.memory_space<hbm>>
      %dma_wait3A_116 = arith.constant 0 : i32
      %dma_wait3A_117 = arith.constant 0 : i32
      %dma_wait3A_118 = tpu.memref_slice %arg3[%add3A_1, %arg1, %run_scoped3A, %dma_wait3A_116, %dma_wait3A_117] : memref<4x16x2x50x100xi32, #tpu.memory_space<hbm>> -> memref<1x1x1x50x100xi32, #tpu.memory_space<hbm>>
      %dma_wait3A_119 = tpu.memref_squeeze %dma_wait3A_118 : memref<1x1x1x50x100xi32, #tpu.memory_space<hbm>> -> memref<50x100xi32, #tpu.memory_space<hbm>>
      tpu.wait_dma2 semaphore(%run_scoped3A_104 : memref<!tpu.dma_semaphore, #tpu.memory_space<semaphore_mem>>) src(%dma_wait3A_119 : memref<50x100xi32, #tpu.memory_space<hbm>>) dst(%arg6 : memref<50x100xi32, #tpu.memory_space<vmem>>)
      tpu.yield
    }) : () -> ()
    %run_scoped3A_8 = arith.constant 0 : i32
    "tpu.region"() ({
      %run_scoped3A_104 = tpu.sem_alloc : memref<!tpu.dma_semaphore, #tpu.memory_space<semaphore_mem>>
      %dma_start3A_105 = arith.constant 0 : i32
      %dma_start3A_106 = arith.constant 0 : i32
      %dma_start3A_107 = tpu.memref_slice %arg4[%arg1, %run_scoped3A_8, %dma_start3A_105, %dma_start3A_106] : memref<16x2x50x100xi32, #tpu.memory_space<hbm>> -> memref<1x1x50x100xi32, #tpu.memory_space<hbm>>
      %dma_start3A_108 = tpu.memref_squeeze %dma_start3A_107 : memref<1x1x50x100xi32, #tpu.memory_space<hbm>> -> memref<50x100xi32, #tpu.memory_space<hbm>>
      %dma_start3A_109 = arith.constant 0 : i32
      %dma_start3A_110 = arith.constant 0 : i32
      %dma_start3A_111 = tpu.memref_slice %arg4[%arg1, %run_scoped3A_8, %dma_start3A_109, %dma_start3A_110] : memref<16x2x50x100xi32, #tpu.memory_space<hbm>> -> memref<1x1x50x100xi32, #tpu.memory_space<hbm>>
      %dma_start3A_112 = tpu.memref_squeeze %dma_start3A_111 : memref<1x1x50x100xi32, #tpu.memory_space<hbm>> -> memref<50x100xi32, #tpu.memory_space<hbm>>
      tpu.enqueue_dma source(%dma_start3A_112 : memref<50x100xi32, #tpu.memory_space<hbm>>) target(%arg7 : memref<50x100xi32, #tpu.memory_space<vmem>>) target_semaphore(%run_scoped3A_104 : memref<!tpu.dma_semaphore, #tpu.memory_space<semaphore_mem>>)
      %dma_wait3A = arith.constant 0 : i32
      %dma_wait3A_113 = arith.constant 0 : i32
      %dma_wait3A_114 = tpu.memref_slice %arg4[%arg1, %run_scoped3A_8, %dma_wait3A, %dma_wait3A_113] : memref<16x2x50x100xi32, #tpu.memory_space<hbm>> -> memref<1x1x50x100xi32, #tpu.memory_space<hbm>>
      %dma_wait3A_115 = tpu.memref_squeeze %dma_wait3A_114 : memref<1x1x50x100xi32, #tpu.memory_space<hbm>> -> memref<50x100xi32, #tpu.memory_space<hbm>>
      %dma_wait3A_116 = arith.constant 0 : i32
      %dma_wait3A_117 = arith.constant 0 : i32
      %dma_wait3A_118 = tpu.memref_slice %arg4[%arg1, %run_scoped3A_8, %dma_wait3A_116, %dma_wait3A_117] : memref<16x2x50x100xi32, #tpu.memory_space<hbm>> -> memref<1x1x50x100xi32, #tpu.memory_space<hbm>>
      %dma_wait3A_119 = tpu.memref_squeeze %dma_wait3A_118 : memref<1x1x50x100xi32, #tpu.memory_space<hbm>> -> memref<50x100xi32, #tpu.memory_space<hbm>>
      tpu.wait_dma2 semaphore(%run_scoped3A_104 : memref<!tpu.dma_semaphore, #tpu.memory_space<semaphore_mem>>) src(%dma_wait3A_119 : memref<50x100xi32, #tpu.memory_space<hbm>>) dst(%arg7 : memref<50x100xi32, #tpu.memory_space<vmem>>)
      tpu.yield
    }) : () -> ()
    %dma_start3A = arith.constant 0 : i32
    %dma_start3A_9 = arith.constant 0 : i32
    %dma_start3A_10 = tpu.memref_slice %arg6[%dma_start3A, %dma_start3A_9] : memref<50x100xi32, #tpu.memory_space<vmem>> -> memref<1x100xi32, #tpu.memory_space<vmem>>
    %dma_start3A_11 = tpu.memref_squeeze %dma_start3A_10 : memref<1x100xi32, #tpu.memory_space<vmem>> -> memref<100xi32, #tpu.memory_space<vmem>>
    %dma_start3A_12 = arith.constant 0 : i32
    %dma_start3A_13 = arith.constant 0 : i32
    %dma_start3A_14 = tpu.memref_slice %arg2[%dma_start3A_12, %dma_start3A_13] : memref<40000x128xf32, #tpu.memory_space<hbm>> -> memref<40000x128xf32, #tpu.memory_space<hbm>>
    tpu.enqueue_indirect_dma source(%dma_start3A_14 : memref<40000x128xf32, #tpu.memory_space<hbm>>) target(%arg8 : memref<100x128xf32, #tpu.memory_space<vmem>>) offsets(%dma_start3A_11 : memref<100xi32, #tpu.memory_space<vmem>>) semaphore(%arg11 : memref<!tpu.dma_semaphore, #tpu.memory_space<semaphore_mem>>)
    %scan3A = arith.constant 0 : i32
    %scan3A_15 = arith.constant 0 : i32
    %scan3A_16 = arith.constant 25 : i32
    %scan3A_17 = arith.addi %scan3A_15, %scan3A_16 : i32
    %scan3A_18 = arith.constant 1 : i32
    scf.for %scan3A_104 = %scan3A_15 to %scan3A_17 step %scan3A_18  : i32 {
      %mul3A_105 = arith.constant 2 : i32
      %mul3A_106 = arith.muli %scan3A_104, %mul3A_105 : i32
      %add3A_107 = arith.constant 1 : i32
      %add3A_108 = arith.addi %mul3A_106, %add3A_107 : i32
      %dma_start3A_109 = arith.constant 0 : i32
      %dma_start3A_110 = tpu.memref_slice %arg6[%add3A_108, %dma_start3A_109] : memref<50x100xi32, #tpu.memory_space<vmem>> -> memref<1x100xi32, #tpu.memory_space<vmem>>
      %dma_start3A_111 = tpu.memref_squeeze %dma_start3A_110 : memref<1x100xi32, #tpu.memory_space<vmem>> -> memref<100xi32, #tpu.memory_space<vmem>>
      %dma_start3A_112 = arith.constant 0 : i32
      %dma_start3A_113 = arith.constant 0 : i32
      %dma_start3A_114 = tpu.memref_slice %arg2[%dma_start3A_112, %dma_start3A_113] : memref<40000x128xf32, #tpu.memory_space<hbm>> -> memref<40000x128xf32, #tpu.memory_space<hbm>>
      tpu.enqueue_indirect_dma source(%dma_start3A_114 : memref<40000x128xf32, #tpu.memory_space<hbm>>) target(%arg9 : memref<100x128xf32, #tpu.memory_space<vmem>>) offsets(%dma_start3A_111 : memref<100xi32, #tpu.memory_space<vmem>>) semaphore(%arg12 : memref<!tpu.dma_semaphore, #tpu.memory_space<semaphore_mem>>)
      %dma_wait3A = arith.constant 0 : i32
      %dma_wait3A_115 = tpu.memref_slice %arg6[%mul3A_106, %dma_wait3A] : memref<50x100xi32, #tpu.memory_space<vmem>> -> memref<1x100xi32, #tpu.memory_space<vmem>>
      %dma_wait3A_116 = tpu.memref_squeeze %dma_wait3A_115 : memref<1x100xi32, #tpu.memory_space<vmem>> -> memref<100xi32, #tpu.memory_space<vmem>>
      %dma_wait3A_117 = arith.constant 0 : i32
      %dma_wait3A_118 = arith.constant 0 : i32
      %dma_wait3A_119 = tpu.memref_slice %arg2[%dma_wait3A_117, %dma_wait3A_118] : memref<40000x128xf32, #tpu.memory_space<hbm>> -> memref<40000x128xf32, #tpu.memory_space<hbm>>
      tpu.wait_indirect_dma semaphore(%arg11 : memref<!tpu.dma_semaphore, #tpu.memory_space<semaphore_mem>>) src(%dma_wait3A_119 : memref<40000x128xf32, #tpu.memory_space<hbm>>) dst(%arg8 : memref<100x128xf32, #tpu.memory_space<vmem>>)
      "tpu.region"() ({
        %run_scoped3A_133 = tpu.sem_alloc : memref<!tpu.dma_semaphore, #tpu.memory_space<semaphore_mem>>
        %dma_start3A_134 = arith.constant 0 : i32
        %dma_start3A_135 = tpu.memref_slice %arg7[%mul3A_106, %dma_start3A_134] : memref<50x100xi32, #tpu.memory_space<vmem>> -> memref<1x100xi32, #tpu.memory_space<vmem>>
        %dma_start3A_136 = tpu.memref_squeeze %dma_start3A_135 : memref<1x100xi32, #tpu.memory_space<vmem>> -> memref<100xi32, #tpu.memory_space<vmem>>
        %dma_start3A_137 = arith.constant 0 : i32
        %dma_start3A_138 = arith.constant 0 : i32
        %dma_start3A_139 = tpu.memref_slice %arg10[%dma_start3A_137, %dma_start3A_138] : memref<10000x128xf32, #tpu.memory_space<vmem_shared>> -> memref<10000x128xf32, #tpu.memory_space<vmem_shared>>
        tpu.enqueue_indirect_dma source(%arg8 : memref<100x128xf32, #tpu.memory_space<vmem>>) target(%dma_start3A_139 : memref<10000x128xf32, #tpu.memory_space<vmem_shared>>) offsets(%dma_start3A_136 : memref<100xi32, #tpu.memory_space<vmem>>) semaphore(%run_scoped3A_133 : memref<!tpu.dma_semaphore, #tpu.memory_space<semaphore_mem>>) {add = true}
        %dma_wait3A_140 = arith.constant 0 : i32
        %dma_wait3A_141 = tpu.memref_slice %arg7[%mul3A_106, %dma_wait3A_140] : memref<50x100xi32, #tpu.memory_space<vmem>> -> memref<1x100xi32, #tpu.memory_space<vmem>>
        %dma_wait3A_142 = tpu.memref_squeeze %dma_wait3A_141 : memref<1x100xi32, #tpu.memory_space<vmem>> -> memref<100xi32, #tpu.memory_space<vmem>>
        %dma_wait3A_143 = arith.constant 0 : i32
        %dma_wait3A_144 = arith.constant 0 : i32
        %dma_wait3A_145 = tpu.memref_slice %arg10[%dma_wait3A_143, %dma_wait3A_144] : memref<10000x128xf32, #tpu.memory_space<vmem_shared>> -> memref<10000x128xf32, #tpu.memory_space<vmem_shared>>
        tpu.wait_indirect_dma semaphore(%run_scoped3A_133 : memref<!tpu.dma_semaphore, #tpu.memory_space<semaphore_mem>>) src(%arg8 : memref<100x128xf32, #tpu.memory_space<vmem>>) dst(%dma_wait3A_145 : memref<10000x128xf32, #tpu.memory_space<vmem_shared>>)
        tpu.yield
      }) : () -> ()
      %add3A_120 = arith.constant 1 : i32
      %add3A_121 = arith.addi %add3A_108, %add3A_120 : i32
      %lt3A_122 = arith.constant 50 : i32
      %lt3A_123 = arith.cmpi slt, %add3A_121, %lt3A_122 : i32
      %convert_element_type3A_124 = arith.extui %lt3A_123 : i1 to i32
      %cond3A_125 = arith.constant 0 : i32
      %cond3A_126 = arith.cmpi ne, %convert_element_type3A_124, %cond3A_125 : i32
      scf.if %cond3A_126 {
        %add3A_133 = arith.constant 1 : i32
        %add3A_134 = arith.addi %add3A_108, %add3A_133 : i32
        %dma_start3A_135 = arith.constant 0 : i32
        %dma_start3A_136 = tpu.memref_slice %arg6[%add3A_134, %dma_start3A_135] : memref<50x100xi32, #tpu.memory_space<vmem>> -> memref<1x100xi32, #tpu.memory_space<vmem>>
        %dma_start3A_137 = tpu.memref_squeeze %dma_start3A_136 : memref<1x100xi32, #tpu.memory_space<vmem>> -> memref<100xi32, #tpu.memory_space<vmem>>
        %dma_start3A_138 = arith.constant 0 : i32
        %dma_start3A_139 = arith.constant 0 : i32
        %dma_start3A_140 = tpu.memref_slice %arg2[%dma_start3A_138, %dma_start3A_139] : memref<40000x128xf32, #tpu.memory_space<hbm>> -> memref<40000x128xf32, #tpu.memory_space<hbm>>
        tpu.enqueue_indirect_dma source(%dma_start3A_140 : memref<40000x128xf32, #tpu.memory_space<hbm>>) target(%arg8 : memref<100x128xf32, #tpu.memory_space<vmem>>) offsets(%dma_start3A_137 : memref<100xi32, #tpu.memory_space<vmem>>) semaphore(%arg11 : memref<!tpu.dma_semaphore, #tpu.memory_space<semaphore_mem>>)
      } else {
      }
      %dma_wait3A_127 = arith.constant 0 : i32
      %dma_wait3A_128 = tpu.memref_slice %arg6[%add3A_108, %dma_wait3A_127] : memref<50x100xi32, #tpu.memory_space<vmem>> -> memref<1x100xi32, #tpu.memory_space<vmem>>
      %dma_wait3A_129 = tpu.memref_squeeze %dma_wait3A_128 : memref<1x100xi32, #tpu.memory_space<vmem>> -> memref<100xi32, #tpu.memory_space<vmem>>
      %dma_wait3A_130 = arith.constant 0 : i32
      %dma_wait3A_131 = arith.constant 0 : i32
      %dma_wait3A_132 = tpu.memref_slice %arg2[%dma_wait3A_130, %dma_wait3A_131] : memref<40000x128xf32, #tpu.memory_space<hbm>> -> memref<40000x128xf32, #tpu.memory_space<hbm>>
      tpu.wait_indirect_dma semaphore(%arg12 : memref<!tpu.dma_semaphore, #tpu.memory_space<semaphore_mem>>) src(%dma_wait3A_132 : memref<40000x128xf32, #tpu.memory_space<hbm>>) dst(%arg9 : memref<100x128xf32, #tpu.memory_space<vmem>>)
      "tpu.region"() ({
        %run_scoped3A_133 = tpu.sem_alloc : memref<!tpu.dma_semaphore, #tpu.memory_space<semaphore_mem>>
        %dma_start3A_134 = arith.constant 0 : i32
        %dma_start3A_135 = tpu.memref_slice %arg7[%add3A_108, %dma_start3A_134] : memref<50x100xi32, #tpu.memory_space<vmem>> -> memref<1x100xi32, #tpu.memory_space<vmem>>
        %dma_start3A_136 = tpu.memref_squeeze %dma_start3A_135 : memref<1x100xi32, #tpu.memory_space<vmem>> -> memref<100xi32, #tpu.memory_space<vmem>>
        %dma_start3A_137 = arith.constant 0 : i32
        %dma_start3A_138 = arith.constant 0 : i32
        %dma_start3A_139 = tpu.memref_slice %arg10[%dma_start3A_137, %dma_start3A_138] : memref<10000x128xf32, #tpu.memory_space<vmem_shared>> -> memref<10000x128xf32, #tpu.memory_space<vmem_shared>>
        tpu.enqueue_indirect_dma source(%arg9 : memref<100x128xf32, #tpu.memory_space<vmem>>) target(%dma_start3A_139 : memref<10000x128xf32, #tpu.memory_space<vmem_shared>>) offsets(%dma_start3A_136 : memref<100xi32, #tpu.memory_space<vmem>>) semaphore(%run_scoped3A_133 : memref<!tpu.dma_semaphore, #tpu.memory_space<semaphore_mem>>) {add = true}
        %dma_wait3A_140 = arith.constant 0 : i32
        %dma_wait3A_141 = tpu.memref_slice %arg7[%add3A_108, %dma_wait3A_140] : memref<50x100xi32, #tpu.memory_space<vmem>> -> memref<1x100xi32, #tpu.memory_space<vmem>>
        %dma_wait3A_142 = tpu.memref_squeeze %dma_wait3A_141 : memref<1x100xi32, #tpu.memory_space<vmem>> -> memref<100xi32, #tpu.memory_space<vmem>>
        %dma_wait3A_143 = arith.constant 0 : i32
        %dma_wait3A_144 = arith.constant 0 : i32
        %dma_wait3A_145 = tpu.memref_slice %arg10[%dma_wait3A_143, %dma_wait3A_144] : memref<10000x128xf32, #tpu.memory_space<vmem_shared>> -> memref<10000x128xf32, #tpu.memory_space<vmem_shared>>
        tpu.wait_indirect_dma semaphore(%run_scoped3A_133 : memref<!tpu.dma_semaphore, #tpu.memory_space<semaphore_mem>>) src(%arg9 : memref<100x128xf32, #tpu.memory_space<vmem>>) dst(%dma_wait3A_145 : memref<10000x128xf32, #tpu.memory_space<vmem_shared>>)
        tpu.yield
      }) : () -> ()
    }
    %scan3A_19 = arith.constant 25 : i32
    %run_scoped3A_20 = arith.constant 1 : i32
    "tpu.region"() ({
      %run_scoped3A_104 = tpu.sem_alloc : memref<!tpu.dma_semaphore, #tpu.memory_space<semaphore_mem>>
      %dma_start3A_105 = arith.constant 0 : i32
      %dma_start3A_106 = arith.constant 0 : i32
      %dma_start3A_107 = tpu.memref_slice %arg3[%add3A_1, %arg1, %run_scoped3A_20, %dma_start3A_105, %dma_start3A_106] : memref<4x16x2x50x100xi32, #tpu.memory_space<hbm>> -> memref<1x1x1x50x100xi32, #tpu.memory_space<hbm>>
      %dma_start3A_108 = tpu.memref_squeeze %dma_start3A_107 : memref<1x1x1x50x100xi32, #tpu.memory_space<hbm>> -> memref<50x100xi32, #tpu.memory_space<hbm>>
      %dma_start3A_109 = arith.constant 0 : i32
      %dma_start3A_110 = arith.constant 0 : i32
      %dma_start3A_111 = tpu.memref_slice %arg3[%add3A_1, %arg1, %run_scoped3A_20, %dma_start3A_109, %dma_start3A_110] : memref<4x16x2x50x100xi32, #tpu.memory_space<hbm>> -> memref<1x1x1x50x100xi32, #tpu.memory_space<hbm>>
      %dma_start3A_112 = tpu.memref_squeeze %dma_start3A_111 : memref<1x1x1x50x100xi32, #tpu.memory_space<hbm>> -> memref<50x100xi32, #tpu.memory_space<hbm>>
      tpu.enqueue_dma source(%dma_start3A_112 : memref<50x100xi32, #tpu.memory_space<hbm>>) target(%arg6 : memref<50x100xi32, #tpu.memory_space<vmem>>) target_semaphore(%run_scoped3A_104 : memref<!tpu.dma_semaphore, #tpu.memory_space<semaphore_mem>>)
      %dma_wait3A = arith.constant 0 : i32
      %dma_wait3A_113 = arith.constant 0 : i32
      %dma_wait3A_114 = tpu.memref_slice %arg3[%add3A_1, %arg1, %run_scoped3A_20, %dma_wait3A, %dma_wait3A_113] : memref<4x16x2x50x100xi32, #tpu.memory_space<hbm>> -> memref<1x1x1x50x100xi32, #tpu.memory_space<hbm>>
      %dma_wait3A_115 = tpu.memref_squeeze %dma_wait3A_114 : memref<1x1x1x50x100xi32, #tpu.memory_space<hbm>> -> memref<50x100xi32, #tpu.memory_space<hbm>>
      %dma_wait3A_116 = arith.constant 0 : i32
      %dma_wait3A_117 = arith.constant 0 : i32
      %dma_wait3A_118 = tpu.memref_slice %arg3[%add3A_1, %arg1, %run_scoped3A_20, %dma_wait3A_116, %dma_wait3A_117] : memref<4x16x2x50x100xi32, #tpu.memory_space<hbm>> -> memref<1x1x1x50x100xi32, #tpu.memory_space<hbm>>
      %dma_wait3A_119 = tpu.memref_squeeze %dma_wait3A_118 : memref<1x1x1x50x100xi32, #tpu.memory_space<hbm>> -> memref<50x100xi32, #tpu.memory_space<hbm>>
      tpu.wait_dma2 semaphore(%run_scoped3A_104 : memref<!tpu.dma_semaphore, #tpu.memory_space<semaphore_mem>>) src(%dma_wait3A_119 : memref<50x100xi32, #tpu.memory_space<hbm>>) dst(%arg6 : memref<50x100xi32, #tpu.memory_space<vmem>>)
      tpu.yield
    }) : () -> ()
    %run_scoped3A_21 = arith.constant 1 : i32
    "tpu.region"() ({
      %run_scoped3A_104 = tpu.sem_alloc : memref<!tpu.dma_semaphore, #tpu.memory_space<semaphore_mem>>
      %dma_start3A_105 = arith.constant 0 : i32
      %dma_start3A_106 = arith.constant 0 : i32
      %dma_start3A_107 = tpu.memref_slice %arg4[%arg1, %run_scoped3A_21, %dma_start3A_105, %dma_start3A_106] : memref<16x2x50x100xi32, #tpu.memory_space<hbm>> -> memref<1x1x50x100xi32, #tpu.memory_space<hbm>>
      %dma_start3A_108 = tpu.memref_squeeze %dma_start3A_107 : memref<1x1x50x100xi32, #tpu.memory_space<hbm>> -> memref<50x100xi32, #tpu.memory_space<hbm>>
      %dma_start3A_109 = arith.constant 0 : i32
      %dma_start3A_110 = arith.constant 0 : i32
      %dma_start3A_111 = tpu.memref_slice %arg4[%arg1, %run_scoped3A_21, %dma_start3A_109, %dma_start3A_110] : memref<16x2x50x100xi32, #tpu.memory_space<hbm>> -> memref<1x1x50x100xi32, #tpu.memory_space<hbm>>
      %dma_start3A_112 = tpu.memref_squeeze %dma_start3A_111 : memref<1x1x50x100xi32, #tpu.memory_space<hbm>> -> memref<50x100xi32, #tpu.memory_space<hbm>>
      tpu.enqueue_dma source(%dma_start3A_112 : memref<50x100xi32, #tpu.memory_space<hbm>>) target(%arg7 : memref<50x100xi32, #tpu.memory_space<vmem>>) target_semaphore(%run_scoped3A_104 : memref<!tpu.dma_semaphore, #tpu.memory_space<semaphore_mem>>)
      %dma_wait3A = arith.constant 0 : i32
      %dma_wait3A_113 = arith.constant 0 : i32
      %dma_wait3A_114 = tpu.memref_slice %arg4[%arg1, %run_scoped3A_21, %dma_wait3A, %dma_wait3A_113] : memref<16x2x50x100xi32, #tpu.memory_space<hbm>> -> memref<1x1x50x100xi32, #tpu.memory_space<hbm>>
      %dma_wait3A_115 = tpu.memref_squeeze %dma_wait3A_114 : memref<1x1x50x100xi32, #tpu.memory_space<hbm>> -> memref<50x100xi32, #tpu.memory_space<hbm>>
      %dma_wait3A_116 = arith.constant 0 : i32
      %dma_wait3A_117 = arith.constant 0 : i32
      %dma_wait3A_118 = tpu.memref_slice %arg4[%arg1, %run_scoped3A_21, %dma_wait3A_116, %dma_wait3A_117] : memref<16x2x50x100xi32, #tpu.memory_space<hbm>> -> memref<1x1x50x100xi32, #tpu.memory_space<hbm>>
      %dma_wait3A_119 = tpu.memref_squeeze %dma_wait3A_118 : memref<1x1x50x100xi32, #tpu.memory_space<hbm>> -> memref<50x100xi32, #tpu.memory_space<hbm>>
      tpu.wait_dma2 semaphore(%run_scoped3A_104 : memref<!tpu.dma_semaphore, #tpu.memory_space<semaphore_mem>>) src(%dma_wait3A_119 : memref<50x100xi32, #tpu.memory_space<hbm>>) dst(%arg7 : memref<50x100xi32, #tpu.memory_space<vmem>>)
      tpu.yield
    }) : () -> ()
    %dma_start3A_22 = arith.constant 0 : i32
    %dma_start3A_23 = arith.constant 0 : i32
    %dma_start3A_24 = tpu.memref_slice %arg6[%dma_start3A_22, %dma_start3A_23] : memref<50x100xi32, #tpu.memory_space<vmem>> -> memref<1x100xi32, #tpu.memory_space<vmem>>
    %dma_start3A_25 = tpu.memref_squeeze %dma_start3A_24 : memref<1x100xi32, #tpu.memory_space<vmem>> -> memref<100xi32, #tpu.memory_space<vmem>>
    %dma_start3A_26 = arith.constant 0 : i32
    %dma_start3A_27 = arith.constant 0 : i32
    %dma_start3A_28 = tpu.memref_slice %arg2[%dma_start3A_26, %dma_start3A_27] : memref<40000x128xf32, #tpu.memory_space<hbm>> -> memref<40000x128xf32, #tpu.memory_space<hbm>>
    tpu.enqueue_indirect_dma source(%dma_start3A_28 : memref<40000x128xf32, #tpu.memory_space<hbm>>) target(%arg8 : memref<100x128xf32, #tpu.memory_space<vmem>>) offsets(%dma_start3A_25 : memref<100xi32, #tpu.memory_space<vmem>>) semaphore(%arg11 : memref<!tpu.dma_semaphore, #tpu.memory_space<semaphore_mem>>)
    %scan3A_29 = arith.constant 0 : i32
    %scan3A_30 = arith.constant 0 : i32
    %scan3A_31 = arith.constant 25 : i32
    %scan3A_32 = arith.addi %scan3A_30, %scan3A_31 : i32
    %scan3A_33 = arith.constant 1 : i32
    scf.for %scan3A_104 = %scan3A_30 to %scan3A_32 step %scan3A_33  : i32 {
      %mul3A_105 = arith.constant 2 : i32
      %mul3A_106 = arith.muli %scan3A_104, %mul3A_105 : i32
      %add3A_107 = arith.constant 1 : i32
      %add3A_108 = arith.addi %mul3A_106, %add3A_107 : i32
      %dma_start3A_109 = arith.constant 0 : i32
      %dma_start3A_110 = tpu.memref_slice %arg6[%add3A_108, %dma_start3A_109] : memref<50x100xi32, #tpu.memory_space<vmem>> -> memref<1x100xi32, #tpu.memory_space<vmem>>
      %dma_start3A_111 = tpu.memref_squeeze %dma_start3A_110 : memref<1x100xi32, #tpu.memory_space<vmem>> -> memref<100xi32, #tpu.memory_space<vmem>>
      %dma_start3A_112 = arith.constant 0 : i32
      %dma_start3A_113 = arith.constant 0 : i32
      %dma_start3A_114 = tpu.memref_slice %arg2[%dma_start3A_112, %dma_start3A_113] : memref<40000x128xf32, #tpu.memory_space<hbm>> -> memref<40000x128xf32, #tpu.memory_space<hbm>>
      tpu.enqueue_indirect_dma source(%dma_start3A_114 : memref<40000x128xf32, #tpu.memory_space<hbm>>) target(%arg9 : memref<100x128xf32, #tpu.memory_space<vmem>>) offsets(%dma_start3A_111 : memref<100xi32, #tpu.memory_space<vmem>>) semaphore(%arg12 : memref<!tpu.dma_semaphore, #tpu.memory_space<semaphore_mem>>)
      %dma_wait3A = arith.constant 0 : i32
      %dma_wait3A_115 = tpu.memref_slice %arg6[%mul3A_106, %dma_wait3A] : memref<50x100xi32, #tpu.memory_space<vmem>> -> memref<1x100xi32, #tpu.memory_space<vmem>>
      %dma_wait3A_116 = tpu.memref_squeeze %dma_wait3A_115 : memref<1x100xi32, #tpu.memory_space<vmem>> -> memref<100xi32, #tpu.memory_space<vmem>>
      %dma_wait3A_117 = arith.constant 0 : i32
      %dma_wait3A_118 = arith.constant 0 : i32
      %dma_wait3A_119 = tpu.memref_slice %arg2[%dma_wait3A_117, %dma_wait3A_118] : memref<40000x128xf32, #tpu.memory_space<hbm>> -> memref<40000x128xf32, #tpu.memory_space<hbm>>
      tpu.wait_indirect_dma semaphore(%arg11 : memref<!tpu.dma_semaphore, #tpu.memory_space<semaphore_mem>>) src(%dma_wait3A_119 : memref<40000x128xf32, #tpu.memory_space<hbm>>) dst(%arg8 : memref<100x128xf32, #tpu.memory_space<vmem>>)
      "tpu.region"() ({
        %run_scoped3A_133 = tpu.sem_alloc : memref<!tpu.dma_semaphore, #tpu.memory_space<semaphore_mem>>
        %dma_start3A_134 = arith.constant 0 : i32
        %dma_start3A_135 = tpu.memref_slice %arg7[%mul3A_106, %dma_start3A_134] : memref<50x100xi32, #tpu.memory_space<vmem>> -> memref<1x100xi32, #tpu.memory_space<vmem>>
        %dma_start3A_136 = tpu.memref_squeeze %dma_start3A_135 : memref<1x100xi32, #tpu.memory_space<vmem>> -> memref<100xi32, #tpu.memory_space<vmem>>
        %dma_start3A_137 = arith.constant 0 : i32
        %dma_start3A_138 = arith.constant 0 : i32
        %dma_start3A_139 = tpu.memref_slice %arg10[%dma_start3A_137, %dma_start3A_138] : memref<10000x128xf32, #tpu.memory_space<vmem_shared>> -> memref<10000x128xf32, #tpu.memory_space<vmem_shared>>
        tpu.enqueue_indirect_dma source(%arg8 : memref<100x128xf32, #tpu.memory_space<vmem>>) target(%dma_start3A_139 : memref<10000x128xf32, #tpu.memory_space<vmem_shared>>) offsets(%dma_start3A_136 : memref<100xi32, #tpu.memory_space<vmem>>) semaphore(%run_scoped3A_133 : memref<!tpu.dma_semaphore, #tpu.memory_space<semaphore_mem>>) {add = true}
        %dma_wait3A_140 = arith.constant 0 : i32
        %dma_wait3A_141 = tpu.memref_slice %arg7[%mul3A_106, %dma_wait3A_140] : memref<50x100xi32, #tpu.memory_space<vmem>> -> memref<1x100xi32, #tpu.memory_space<vmem>>
        %dma_wait3A_142 = tpu.memref_squeeze %dma_wait3A_141 : memref<1x100xi32, #tpu.memory_space<vmem>> -> memref<100xi32, #tpu.memory_space<vmem>>
        %dma_wait3A_143 = arith.constant 0 : i32
        %dma_wait3A_144 = arith.constant 0 : i32
        %dma_wait3A_145 = tpu.memref_slice %arg10[%dma_wait3A_143, %dma_wait3A_144] : memref<10000x128xf32, #tpu.memory_space<vmem_shared>> -> memref<10000x128xf32, #tpu.memory_space<vmem_shared>>
        tpu.wait_indirect_dma semaphore(%run_scoped3A_133 : memref<!tpu.dma_semaphore, #tpu.memory_space<semaphore_mem>>) src(%arg8 : memref<100x128xf32, #tpu.memory_space<vmem>>) dst(%dma_wait3A_145 : memref<10000x128xf32, #tpu.memory_space<vmem_shared>>)
        tpu.yield
      }) : () -> ()
      %add3A_120 = arith.constant 1 : i32
      %add3A_121 = arith.addi %add3A_108, %add3A_120 : i32
      %lt3A_122 = arith.constant 50 : i32
      %lt3A_123 = arith.cmpi slt, %add3A_121, %lt3A_122 : i32
      %convert_element_type3A_124 = arith.extui %lt3A_123 : i1 to i32
      %cond3A_125 = arith.constant 0 : i32
      %cond3A_126 = arith.cmpi ne, %convert_element_type3A_124, %cond3A_125 : i32
      scf.if %cond3A_126 {
        %add3A_133 = arith.constant 1 : i32
        %add3A_134 = arith.addi %add3A_108, %add3A_133 : i32
        %dma_start3A_135 = arith.constant 0 : i32
        %dma_start3A_136 = tpu.memref_slice %arg6[%add3A_134, %dma_start3A_135] : memref<50x100xi32, #tpu.memory_space<vmem>> -> memref<1x100xi32, #tpu.memory_space<vmem>>
        %dma_start3A_137 = tpu.memref_squeeze %dma_start3A_136 : memref<1x100xi32, #tpu.memory_space<vmem>> -> memref<100xi32, #tpu.memory_space<vmem>>
        %dma_start3A_138 = arith.constant 0 : i32
        %dma_start3A_139 = arith.constant 0 : i32
        %dma_start3A_140 = tpu.memref_slice %arg2[%dma_start3A_138, %dma_start3A_139] : memref<40000x128xf32, #tpu.memory_space<hbm>> -> memref<40000x128xf32, #tpu.memory_space<hbm>>
        tpu.enqueue_indirect_dma source(%dma_start3A_140 : memref<40000x128xf32, #tpu.memory_space<hbm>>) target(%arg8 : memref<100x128xf32, #tpu.memory_space<vmem>>) offsets(%dma_start3A_137 : memref<100xi32, #tpu.memory_space<vmem>>) semaphore(%arg11 : memref<!tpu.dma_semaphore, #tpu.memory_space<semaphore_mem>>)
      } else {
      }
      %dma_wait3A_127 = arith.constant 0 : i32
      %dma_wait3A_128 = tpu.memref_slice %arg6[%add3A_108, %dma_wait3A_127] : memref<50x100xi32, #tpu.memory_space<vmem>> -> memref<1x100xi32, #tpu.memory_space<vmem>>
      %dma_wait3A_129 = tpu.memref_squeeze %dma_wait3A_128 : memref<1x100xi32, #tpu.memory_space<vmem>> -> memref<100xi32, #tpu.memory_space<vmem>>
      %dma_wait3A_130 = arith.constant 0 : i32
      %dma_wait3A_131 = arith.constant 0 : i32
      %dma_wait3A_132 = tpu.memref_slice %arg2[%dma_wait3A_130, %dma_wait3A_131] : memref<40000x128xf32, #tpu.memory_space<hbm>> -> memref<40000x128xf32, #tpu.memory_space<hbm>>
      tpu.wait_indirect_dma semaphore(%arg12 : memref<!tpu.dma_semaphore, #tpu.memory_space<semaphore_mem>>) src(%dma_wait3A_132 : memref<40000x128xf32, #tpu.memory_space<hbm>>) dst(%arg9 : memref<100x128xf32, #tpu.memory_space<vmem>>)
      "tpu.region"() ({
        %run_scoped3A_133 = tpu.sem_alloc : memref<!tpu.dma_semaphore, #tpu.memory_space<semaphore_mem>>
        %dma_start3A_134 = arith.constant 0 : i32
        %dma_start3A_135 = tpu.memref_slice %arg7[%add3A_108, %dma_start3A_134] : memref<50x100xi32, #tpu.memory_space<vmem>> -> memref<1x100xi32, #tpu.memory_space<vmem>>
        %dma_start3A_136 = tpu.memref_squeeze %dma_start3A_135 : memref<1x100xi32, #tpu.memory_space<vmem>> -> memref<100xi32, #tpu.memory_space<vmem>>
        %dma_start3A_137 = arith.constant 0 : i32
        %dma_start3A_138 = arith.constant 0 : i32
        %dma_start3A_139 = tpu.memref_slice %arg10[%dma_start3A_137, %dma_start3A_138] : memref<10000x128xf32, #tpu.memory_space<vmem_shared>> -> memref<10000x128xf32, #tpu.memory_space<vmem_shared>>
        tpu.enqueue_indirect_dma source(%arg9 : memref<100x128xf32, #tpu.memory_space<vmem>>) target(%dma_start3A_139 : memref<10000x128xf32, #tpu.memory_space<vmem_shared>>) offsets(%dma_start3A_136 : memref<100xi32, #tpu.memory_space<vmem>>) semaphore(%run_scoped3A_133 : memref<!tpu.dma_semaphore, #tpu.memory_space<semaphore_mem>>) {add = true}
        %dma_wait3A_140 = arith.constant 0 : i32
        %dma_wait3A_141 = tpu.memref_slice %arg7[%add3A_108, %dma_wait3A_140] : memref<50x100xi32, #tpu.memory_space<vmem>> -> memref<1x100xi32, #tpu.memory_space<vmem>>
        %dma_wait3A_142 = tpu.memref_squeeze %dma_wait3A_141 : memref<1x100xi32, #tpu.memory_space<vmem>> -> memref<100xi32, #tpu.memory_space<vmem>>
        %dma_wait3A_143 = arith.constant 0 : i32
        %dma_wait3A_144 = arith.constant 0 : i32
        %dma_wait3A_145 = tpu.memref_slice %arg10[%dma_wait3A_143, %dma_wait3A_144] : memref<10000x128xf32, #tpu.memory_space<vmem_shared>> -> memref<10000x128xf32, #tpu.memory_space<vmem_shared>>
        tpu.wait_indirect_dma semaphore(%run_scoped3A_133 : memref<!tpu.dma_semaphore, #tpu.memory_space<semaphore_mem>>) src(%arg9 : memref<100x128xf32, #tpu.memory_space<vmem>>) dst(%dma_wait3A_145 : memref<10000x128xf32, #tpu.memory_space<vmem_shared>>)
        tpu.yield
      }) : () -> ()
    }
    %scan3A_34 = arith.constant 25 : i32
    %barrier3A_35 = arith.constant 0 : index
    tpu.barrier barrier_id(%barrier3A_35)
    %lt3A_36 = arith.constant 15 : i32
    %lt3A_37 = arith.cmpi slt, %arg1, %lt3A_36 : i32
    %convert_element_type3A_38 = arith.extui %lt3A_37 : i1 to i32
    %cond3A_39 = arith.constant 0 : i32
    %cond3A_40 = arith.cmpi ne, %convert_element_type3A_38, %cond3A_39 : i32
    scf.if %cond3A_40 {
      %mul3A_104 = arith.constant 10000 : i32
      %mul3A_105 = arith.muli %add3A_1, %mul3A_104 : i32
      %mul3A_106 = arith.constant 632 : i32
      %mul3A_107 = arith.muli %arg1, %mul3A_106 : i32
      %add3A_108 = arith.addi %mul3A_105, %mul3A_107 : i32
      %multiple_of3A = tpu.assume_multiple %add3A_108, 8 : i32
      %mul3A_109 = arith.constant 632 : i32
      %mul3A_110 = arith.muli %arg1, %mul3A_109 : i32
      %multiple_of3A_111 = tpu.assume_multiple %mul3A_110, 8 : i32
      "tpu.region"() ({
        %run_scoped3A_112 = tpu.sem_alloc : memref<!tpu.dma_semaphore, #tpu.memory_space<semaphore_mem>>
        %dma_start3A_113 = arith.constant 0 : i32
        %dma_start3A_114 = tpu.memref_slice %arg5[%multiple_of3A, %dma_start3A_113] : memref<40000x128xf32, #tpu.memory_space<hbm>> -> memref<632x128xf32, #tpu.memory_space<hbm>>
        %dma_start3A_115 = arith.constant 0 : i32
        %dma_start3A_116 = tpu.memref_slice %arg10[%multiple_of3A_111, %dma_start3A_115] : memref<10000x128xf32, #tpu.memory_space<vmem_shared>> -> memref<632x128xf32, #tpu.memory_space<vmem_shared>>
        tpu.enqueue_dma source(%dma_start3A_116 : memref<632x128xf32, #tpu.memory_space<vmem_shared>>) target(%dma_start3A_114 : memref<632x128xf32, #tpu.memory_space<hbm>>) target_semaphore(%run_scoped3A_112 : memref<!tpu.dma_semaphore, #tpu.memory_space<semaphore_mem>>)
        %dma_wait3A = arith.constant 0 : i32
        %dma_wait3A_117 = tpu.memref_slice %arg5[%multiple_of3A, %dma_wait3A] : memref<40000x128xf32, #tpu.memory_space<hbm>> -> memref<632x128xf32, #tpu.memory_space<hbm>>
        %dma_wait3A_118 = arith.constant 0 : i32
        %dma_wait3A_119 = tpu.memref_slice %arg10[%multiple_of3A_111, %dma_wait3A_118] : memref<10000x128xf32, #tpu.memory_space<vmem_shared>> -> memref<632x128xf32, #tpu.memory_space<vmem_shared>>
        tpu.wait_dma2 semaphore(%run_scoped3A_112 : memref<!tpu.dma_semaphore, #tpu.memory_space<semaphore_mem>>) src(%dma_wait3A_119 : memref<632x128xf32, #tpu.memory_space<vmem_shared>>) dst(%dma_wait3A_117 : memref<632x128xf32, #tpu.memory_space<hbm>>)
        tpu.yield
      }) : () -> ()
    } else {
    }
    %eq3A_41 = arith.constant 15 : i32
    %eq3A_42 = arith.cmpi eq, %arg1, %eq3A_41 : i32
    %convert_element_type3A_43 = arith.extui %eq3A_42 : i1 to i32
    %cond3A_44 = arith.constant 0 : i32
    %cond3A_45 = arith.cmpi ne, %convert_element_type3A_43, %cond3A_44 : i32
    scf.if %cond3A_45 {
      %mul3A_104 = arith.constant 10000 : i32
      %mul3A_105 = arith.muli %add3A_1, %mul3A_104 : i32
      %add3A_106 = arith.constant 9480 : i32
      %add3A_107 = arith.addi %mul3A_105, %add3A_106 : i32
      %multiple_of3A = tpu.assume_multiple %add3A_107, 8 : i32
      "tpu.region"() ({
        %run_scoped3A_108 = tpu.sem_alloc : memref<!tpu.dma_semaphore, #tpu.memory_space<semaphore_mem>>
        %dma_start3A_109 = arith.constant 0 : i32
        %dma_start3A_110 = tpu.memref_slice %arg5[%multiple_of3A, %dma_start3A_109] : memref<40000x128xf32, #tpu.memory_space<hbm>> -> memref<520x128xf32, #tpu.memory_space<hbm>>
        %dma_start3A_111 = arith.constant 9480 : i32
        %dma_start3A_112 = arith.constant 0 : i32
        %dma_start3A_113 = tpu.memref_slice %arg10[%dma_start3A_111, %dma_start3A_112] : memref<10000x128xf32, #tpu.memory_space<vmem_shared>> -> memref<520x128xf32, #tpu.memory_space<vmem_shared>>
        tpu.enqueue_dma source(%dma_start3A_113 : memref<520x128xf32, #tpu.memory_space<vmem_shared>>) target(%dma_start3A_110 : memref<520x128xf32, #tpu.memory_space<hbm>>) target_semaphore(%run_scoped3A_108 : memref<!tpu.dma_semaphore, #tpu.memory_space<semaphore_mem>>)
        %dma_wait3A = arith.constant 0 : i32
        %dma_wait3A_114 = tpu.memref_slice %arg5[%multiple_of3A, %dma_wait3A] : memref<40000x128xf32, #tpu.memory_space<hbm>> -> memref<520x128xf32, #tpu.memory_space<hbm>>
        %dma_wait3A_115 = arith.constant 9480 : i32
        %dma_wait3A_116 = arith.constant 0 : i32
        %dma_wait3A_117 = tpu.memref_slice %arg10[%dma_wait3A_115, %dma_wait3A_116] : memref<10000x128xf32, #tpu.memory_space<vmem_shared>> -> memref<520x128xf32, #tpu.memory_space<vmem_shared>>
        tpu.wait_dma2 semaphore(%run_scoped3A_108 : memref<!tpu.dma_semaphore, #tpu.memory_space<semaphore_mem>>) src(%dma_wait3A_117 : memref<520x128xf32, #tpu.memory_space<vmem_shared>>) dst(%dma_wait3A_114 : memref<520x128xf32, #tpu.memory_space<hbm>>)
        tpu.yield
      }) : () -> ()
    } else {
    }
    %barrier3A_46 = arith.constant 0 : index
    tpu.barrier barrier_id(%barrier3A_46)
    %mul3A_47 = arith.constant 2 : i32
    %mul3A_48 = arith.muli %arg0, %mul3A_47 : i32
    %add3A_49 = arith.constant 1 : i32
    %add3A_50 = arith.addi %mul3A_48, %add3A_49 : i32
    %lt3A_51 = arith.constant 15 : i32
    %lt3A_52 = arith.cmpi slt, %arg1, %lt3A_51 : i32
    %convert_element_type3A_53 = arith.extui %lt3A_52 : i1 to i32
    %cond3A_54 = arith.constant 0 : i32
    %cond3A_55 = arith.cmpi ne, %convert_element_type3A_53, %cond3A_54 : i32
    scf.if %cond3A_55 {
      %mul3A_104 = arith.constant 10000 : i32
      %mul3A_105 = arith.muli %add3A_50, %mul3A_104 : i32
      %mul3A_106 = arith.constant 632 : i32
      %mul3A_107 = arith.muli %arg1, %mul3A_106 : i32
      %add3A_108 = arith.addi %mul3A_105, %mul3A_107 : i32
      %multiple_of3A = tpu.assume_multiple %add3A_108, 8 : i32
      %mul3A_109 = arith.constant 632 : i32
      %mul3A_110 = arith.muli %arg1, %mul3A_109 : i32
      %multiple_of3A_111 = tpu.assume_multiple %mul3A_110, 8 : i32
      "tpu.region"() ({
        %run_scoped3A_112 = tpu.sem_alloc : memref<!tpu.dma_semaphore, #tpu.memory_space<semaphore_mem>>
        %dma_start3A_113 = arith.constant 0 : i32
        %dma_start3A_114 = tpu.memref_slice %arg10[%multiple_of3A_111, %dma_start3A_113] : memref<10000x128xf32, #tpu.memory_space<vmem_shared>> -> memref<632x128xf32, #tpu.memory_space<vmem_shared>>
        %dma_start3A_115 = arith.constant 0 : i32
        %dma_start3A_116 = tpu.memref_slice %arg2[%multiple_of3A, %dma_start3A_115] : memref<40000x128xf32, #tpu.memory_space<hbm>> -> memref<632x128xf32, #tpu.memory_space<hbm>>
        tpu.enqueue_dma source(%dma_start3A_116 : memref<632x128xf32, #tpu.memory_space<hbm>>) target(%dma_start3A_114 : memref<632x128xf32, #tpu.memory_space<vmem_shared>>) target_semaphore(%run_scoped3A_112 : memref<!tpu.dma_semaphore, #tpu.memory_space<semaphore_mem>>)
        %dma_wait3A = arith.constant 0 : i32
        %dma_wait3A_117 = tpu.memref_slice %arg10[%multiple_of3A_111, %dma_wait3A] : memref<10000x128xf32, #tpu.memory_space<vmem_shared>> -> memref<632x128xf32, #tpu.memory_space<vmem_shared>>
        %dma_wait3A_118 = arith.constant 0 : i32
        %dma_wait3A_119 = tpu.memref_slice %arg2[%multiple_of3A, %dma_wait3A_118] : memref<40000x128xf32, #tpu.memory_space<hbm>> -> memref<632x128xf32, #tpu.memory_space<hbm>>
        tpu.wait_dma2 semaphore(%run_scoped3A_112 : memref<!tpu.dma_semaphore, #tpu.memory_space<semaphore_mem>>) src(%dma_wait3A_119 : memref<632x128xf32, #tpu.memory_space<hbm>>) dst(%dma_wait3A_117 : memref<632x128xf32, #tpu.memory_space<vmem_shared>>)
        tpu.yield
      }) : () -> ()
    } else {
    }
    %eq3A_56 = arith.constant 15 : i32
    %eq3A_57 = arith.cmpi eq, %arg1, %eq3A_56 : i32
    %convert_element_type3A_58 = arith.extui %eq3A_57 : i1 to i32
    %cond3A_59 = arith.constant 0 : i32
    %cond3A_60 = arith.cmpi ne, %convert_element_type3A_58, %cond3A_59 : i32
    scf.if %cond3A_60 {
      %mul3A_104 = arith.constant 10000 : i32
      %mul3A_105 = arith.muli %add3A_50, %mul3A_104 : i32
      %add3A_106 = arith.constant 9480 : i32
      %add3A_107 = arith.addi %mul3A_105, %add3A_106 : i32
      %multiple_of3A = tpu.assume_multiple %add3A_107, 8 : i32
      "tpu.region"() ({
        %run_scoped3A_108 = tpu.sem_alloc : memref<!tpu.dma_semaphore, #tpu.memory_space<semaphore_mem>>
        %dma_start3A_109 = arith.constant 9480 : i32
        %dma_start3A_110 = arith.constant 0 : i32
        %dma_start3A_111 = tpu.memref_slice %arg10[%dma_start3A_109, %dma_start3A_110] : memref<10000x128xf32, #tpu.memory_space<vmem_shared>> -> memref<520x128xf32, #tpu.memory_space<vmem_shared>>
        %dma_start3A_112 = arith.constant 0 : i32
        %dma_start3A_113 = tpu.memref_slice %arg2[%multiple_of3A, %dma_start3A_112] : memref<40000x128xf32, #tpu.memory_space<hbm>> -> memref<520x128xf32, #tpu.memory_space<hbm>>
        tpu.enqueue_dma source(%dma_start3A_113 : memref<520x128xf32, #tpu.memory_space<hbm>>) target(%dma_start3A_111 : memref<520x128xf32, #tpu.memory_space<vmem_shared>>) target_semaphore(%run_scoped3A_108 : memref<!tpu.dma_semaphore, #tpu.memory_space<semaphore_mem>>)
        %dma_wait3A = arith.constant 9480 : i32
        %dma_wait3A_114 = arith.constant 0 : i32
        %dma_wait3A_115 = tpu.memref_slice %arg10[%dma_wait3A, %dma_wait3A_114] : memref<10000x128xf32, #tpu.memory_space<vmem_shared>> -> memref<520x128xf32, #tpu.memory_space<vmem_shared>>
        %dma_wait3A_116 = arith.constant 0 : i32
        %dma_wait3A_117 = tpu.memref_slice %arg2[%multiple_of3A, %dma_wait3A_116] : memref<40000x128xf32, #tpu.memory_space<hbm>> -> memref<520x128xf32, #tpu.memory_space<hbm>>
        tpu.wait_dma2 semaphore(%run_scoped3A_108 : memref<!tpu.dma_semaphore, #tpu.memory_space<semaphore_mem>>) src(%dma_wait3A_117 : memref<520x128xf32, #tpu.memory_space<hbm>>) dst(%dma_wait3A_115 : memref<520x128xf32, #tpu.memory_space<vmem_shared>>)
        tpu.yield
      }) : () -> ()
    } else {
    }
    %barrier3A_61 = arith.constant 0 : index
    tpu.barrier barrier_id(%barrier3A_61)
    %run_scoped3A_62 = arith.constant 0 : i32
    "tpu.region"() ({
      %run_scoped3A_104 = tpu.sem_alloc : memref<!tpu.dma_semaphore, #tpu.memory_space<semaphore_mem>>
      %dma_start3A_105 = arith.constant 0 : i32
      %dma_start3A_106 = arith.constant 0 : i32
      %dma_start3A_107 = tpu.memref_slice %arg3[%add3A_50, %arg1, %run_scoped3A_62, %dma_start3A_105, %dma_start3A_106] : memref<4x16x2x50x100xi32, #tpu.memory_space<hbm>> -> memref<1x1x1x50x100xi32, #tpu.memory_space<hbm>>
      %dma_start3A_108 = tpu.memref_squeeze %dma_start3A_107 : memref<1x1x1x50x100xi32, #tpu.memory_space<hbm>> -> memref<50x100xi32, #tpu.memory_space<hbm>>
      %dma_start3A_109 = arith.constant 0 : i32
      %dma_start3A_110 = arith.constant 0 : i32
      %dma_start3A_111 = tpu.memref_slice %arg3[%add3A_50, %arg1, %run_scoped3A_62, %dma_start3A_109, %dma_start3A_110] : memref<4x16x2x50x100xi32, #tpu.memory_space<hbm>> -> memref<1x1x1x50x100xi32, #tpu.memory_space<hbm>>
      %dma_start3A_112 = tpu.memref_squeeze %dma_start3A_111 : memref<1x1x1x50x100xi32, #tpu.memory_space<hbm>> -> memref<50x100xi32, #tpu.memory_space<hbm>>
      tpu.enqueue_dma source(%dma_start3A_112 : memref<50x100xi32, #tpu.memory_space<hbm>>) target(%arg6 : memref<50x100xi32, #tpu.memory_space<vmem>>) target_semaphore(%run_scoped3A_104 : memref<!tpu.dma_semaphore, #tpu.memory_space<semaphore_mem>>)
      %dma_wait3A = arith.constant 0 : i32
      %dma_wait3A_113 = arith.constant 0 : i32
      %dma_wait3A_114 = tpu.memref_slice %arg3[%add3A_50, %arg1, %run_scoped3A_62, %dma_wait3A, %dma_wait3A_113] : memref<4x16x2x50x100xi32, #tpu.memory_space<hbm>> -> memref<1x1x1x50x100xi32, #tpu.memory_space<hbm>>
      %dma_wait3A_115 = tpu.memref_squeeze %dma_wait3A_114 : memref<1x1x1x50x100xi32, #tpu.memory_space<hbm>> -> memref<50x100xi32, #tpu.memory_space<hbm>>
      %dma_wait3A_116 = arith.constant 0 : i32
      %dma_wait3A_117 = arith.constant 0 : i32
      %dma_wait3A_118 = tpu.memref_slice %arg3[%add3A_50, %arg1, %run_scoped3A_62, %dma_wait3A_116, %dma_wait3A_117] : memref<4x16x2x50x100xi32, #tpu.memory_space<hbm>> -> memref<1x1x1x50x100xi32, #tpu.memory_space<hbm>>
      %dma_wait3A_119 = tpu.memref_squeeze %dma_wait3A_118 : memref<1x1x1x50x100xi32, #tpu.memory_space<hbm>> -> memref<50x100xi32, #tpu.memory_space<hbm>>
      tpu.wait_dma2 semaphore(%run_scoped3A_104 : memref<!tpu.dma_semaphore, #tpu.memory_space<semaphore_mem>>) src(%dma_wait3A_119 : memref<50x100xi32, #tpu.memory_space<hbm>>) dst(%arg6 : memref<50x100xi32, #tpu.memory_space<vmem>>)
      tpu.yield
    }) : () -> ()
    %run_scoped3A_63 = arith.constant 0 : i32
    "tpu.region"() ({
      %run_scoped3A_104 = tpu.sem_alloc : memref<!tpu.dma_semaphore, #tpu.memory_space<semaphore_mem>>
      %dma_start3A_105 = arith.constant 0 : i32
      %dma_start3A_106 = arith.constant 0 : i32
      %dma_start3A_107 = tpu.memref_slice %arg4[%arg1, %run_scoped3A_63, %dma_start3A_105, %dma_start3A_106] : memref<16x2x50x100xi32, #tpu.memory_space<hbm>> -> memref<1x1x50x100xi32, #tpu.memory_space<hbm>>
      %dma_start3A_108 = tpu.memref_squeeze %dma_start3A_107 : memref<1x1x50x100xi32, #tpu.memory_space<hbm>> -> memref<50x100xi32, #tpu.memory_space<hbm>>
      %dma_start3A_109 = arith.constant 0 : i32
      %dma_start3A_110 = arith.constant 0 : i32
      %dma_start3A_111 = tpu.memref_slice %arg4[%arg1, %run_scoped3A_63, %dma_start3A_109, %dma_start3A_110] : memref<16x2x50x100xi32, #tpu.memory_space<hbm>> -> memref<1x1x50x100xi32, #tpu.memory_space<hbm>>
      %dma_start3A_112 = tpu.memref_squeeze %dma_start3A_111 : memref<1x1x50x100xi32, #tpu.memory_space<hbm>> -> memref<50x100xi32, #tpu.memory_space<hbm>>
      tpu.enqueue_dma source(%dma_start3A_112 : memref<50x100xi32, #tpu.memory_space<hbm>>) target(%arg7 : memref<50x100xi32, #tpu.memory_space<vmem>>) target_semaphore(%run_scoped3A_104 : memref<!tpu.dma_semaphore, #tpu.memory_space<semaphore_mem>>)
      %dma_wait3A = arith.constant 0 : i32
      %dma_wait3A_113 = arith.constant 0 : i32
      %dma_wait3A_114 = tpu.memref_slice %arg4[%arg1, %run_scoped3A_63, %dma_wait3A, %dma_wait3A_113] : memref<16x2x50x100xi32, #tpu.memory_space<hbm>> -> memref<1x1x50x100xi32, #tpu.memory_space<hbm>>
      %dma_wait3A_115 = tpu.memref_squeeze %dma_wait3A_114 : memref<1x1x50x100xi32, #tpu.memory_space<hbm>> -> memref<50x100xi32, #tpu.memory_space<hbm>>
      %dma_wait3A_116 = arith.constant 0 : i32
      %dma_wait3A_117 = arith.constant 0 : i32
      %dma_wait3A_118 = tpu.memref_slice %arg4[%arg1, %run_scoped3A_63, %dma_wait3A_116, %dma_wait3A_117] : memref<16x2x50x100xi32, #tpu.memory_space<hbm>> -> memref<1x1x50x100xi32, #tpu.memory_space<hbm>>
      %dma_wait3A_119 = tpu.memref_squeeze %dma_wait3A_118 : memref<1x1x50x100xi32, #tpu.memory_space<hbm>> -> memref<50x100xi32, #tpu.memory_space<hbm>>
      tpu.wait_dma2 semaphore(%run_scoped3A_104 : memref<!tpu.dma_semaphore, #tpu.memory_space<semaphore_mem>>) src(%dma_wait3A_119 : memref<50x100xi32, #tpu.memory_space<hbm>>) dst(%arg7 : memref<50x100xi32, #tpu.memory_space<vmem>>)
      tpu.yield
    }) : () -> ()
    %dma_start3A_64 = arith.constant 0 : i32
    %dma_start3A_65 = arith.constant 0 : i32
    %dma_start3A_66 = tpu.memref_slice %arg6[%dma_start3A_64, %dma_start3A_65] : memref<50x100xi32, #tpu.memory_space<vmem>> -> memref<1x100xi32, #tpu.memory_space<vmem>>
    %dma_start3A_67 = tpu.memref_squeeze %dma_start3A_66 : memref<1x100xi32, #tpu.memory_space<vmem>> -> memref<100xi32, #tpu.memory_space<vmem>>
    %dma_start3A_68 = arith.constant 0 : i32
    %dma_start3A_69 = arith.constant 0 : i32
    %dma_start3A_70 = tpu.memref_slice %arg2[%dma_start3A_68, %dma_start3A_69] : memref<40000x128xf32, #tpu.memory_space<hbm>> -> memref<40000x128xf32, #tpu.memory_space<hbm>>
    tpu.enqueue_indirect_dma source(%dma_start3A_70 : memref<40000x128xf32, #tpu.memory_space<hbm>>) target(%arg8 : memref<100x128xf32, #tpu.memory_space<vmem>>) offsets(%dma_start3A_67 : memref<100xi32, #tpu.memory_space<vmem>>) semaphore(%arg11 : memref<!tpu.dma_semaphore, #tpu.memory_space<semaphore_mem>>)
    %scan3A_71 = arith.constant 0 : i32
    %scan3A_72 = arith.constant 0 : i32
    %scan3A_73 = arith.constant 25 : i32
    %scan3A_74 = arith.addi %scan3A_72, %scan3A_73 : i32
    %scan3A_75 = arith.constant 1 : i32
    scf.for %scan3A_104 = %scan3A_72 to %scan3A_74 step %scan3A_75  : i32 {
      %mul3A_105 = arith.constant 2 : i32
      %mul3A_106 = arith.muli %scan3A_104, %mul3A_105 : i32
      %add3A_107 = arith.constant 1 : i32
      %add3A_108 = arith.addi %mul3A_106, %add3A_107 : i32
      %dma_start3A_109 = arith.constant 0 : i32
      %dma_start3A_110 = tpu.memref_slice %arg6[%add3A_108, %dma_start3A_109] : memref<50x100xi32, #tpu.memory_space<vmem>> -> memref<1x100xi32, #tpu.memory_space<vmem>>
      %dma_start3A_111 = tpu.memref_squeeze %dma_start3A_110 : memref<1x100xi32, #tpu.memory_space<vmem>> -> memref<100xi32, #tpu.memory_space<vmem>>
      %dma_start3A_112 = arith.constant 0 : i32
      %dma_start3A_113 = arith.constant 0 : i32
      %dma_start3A_114 = tpu.memref_slice %arg2[%dma_start3A_112, %dma_start3A_113] : memref<40000x128xf32, #tpu.memory_space<hbm>> -> memref<40000x128xf32, #tpu.memory_space<hbm>>
      tpu.enqueue_indirect_dma source(%dma_start3A_114 : memref<40000x128xf32, #tpu.memory_space<hbm>>) target(%arg9 : memref<100x128xf32, #tpu.memory_space<vmem>>) offsets(%dma_start3A_111 : memref<100xi32, #tpu.memory_space<vmem>>) semaphore(%arg12 : memref<!tpu.dma_semaphore, #tpu.memory_space<semaphore_mem>>)
      %dma_wait3A = arith.constant 0 : i32
      %dma_wait3A_115 = tpu.memref_slice %arg6[%mul3A_106, %dma_wait3A] : memref<50x100xi32, #tpu.memory_space<vmem>> -> memref<1x100xi32, #tpu.memory_space<vmem>>
      %dma_wait3A_116 = tpu.memref_squeeze %dma_wait3A_115 : memref<1x100xi32, #tpu.memory_space<vmem>> -> memref<100xi32, #tpu.memory_space<vmem>>
      %dma_wait3A_117 = arith.constant 0 : i32
      %dma_wait3A_118 = arith.constant 0 : i32
      %dma_wait3A_119 = tpu.memref_slice %arg2[%dma_wait3A_117, %dma_wait3A_118] : memref<40000x128xf32, #tpu.memory_space<hbm>> -> memref<40000x128xf32, #tpu.memory_space<hbm>>
      tpu.wait_indirect_dma semaphore(%arg11 : memref<!tpu.dma_semaphore, #tpu.memory_space<semaphore_mem>>) src(%dma_wait3A_119 : memref<40000x128xf32, #tpu.memory_space<hbm>>) dst(%arg8 : memref<100x128xf32, #tpu.memory_space<vmem>>)
      "tpu.region"() ({
        %run_scoped3A_133 = tpu.sem_alloc : memref<!tpu.dma_semaphore, #tpu.memory_space<semaphore_mem>>
        %dma_start3A_134 = arith.constant 0 : i32
        %dma_start3A_135 = tpu.memref_slice %arg7[%mul3A_106, %dma_start3A_134] : memref<50x100xi32, #tpu.memory_space<vmem>> -> memref<1x100xi32, #tpu.memory_space<vmem>>
        %dma_start3A_136 = tpu.memref_squeeze %dma_start3A_135 : memref<1x100xi32, #tpu.memory_space<vmem>> -> memref<100xi32, #tpu.memory_space<vmem>>
        %dma_start3A_137 = arith.constant 0 : i32
        %dma_start3A_138 = arith.constant 0 : i32
        %dma_start3A_139 = tpu.memref_slice %arg10[%dma_start3A_137, %dma_start3A_138] : memref<10000x128xf32, #tpu.memory_space<vmem_shared>> -> memref<10000x128xf32, #tpu.memory_space<vmem_shared>>
        tpu.enqueue_indirect_dma source(%arg8 : memref<100x128xf32, #tpu.memory_space<vmem>>) target(%dma_start3A_139 : memref<10000x128xf32, #tpu.memory_space<vmem_shared>>) offsets(%dma_start3A_136 : memref<100xi32, #tpu.memory_space<vmem>>) semaphore(%run_scoped3A_133 : memref<!tpu.dma_semaphore, #tpu.memory_space<semaphore_mem>>) {add = true}
        %dma_wait3A_140 = arith.constant 0 : i32
        %dma_wait3A_141 = tpu.memref_slice %arg7[%mul3A_106, %dma_wait3A_140] : memref<50x100xi32, #tpu.memory_space<vmem>> -> memref<1x100xi32, #tpu.memory_space<vmem>>
        %dma_wait3A_142 = tpu.memref_squeeze %dma_wait3A_141 : memref<1x100xi32, #tpu.memory_space<vmem>> -> memref<100xi32, #tpu.memory_space<vmem>>
        %dma_wait3A_143 = arith.constant 0 : i32
        %dma_wait3A_144 = arith.constant 0 : i32
        %dma_wait3A_145 = tpu.memref_slice %arg10[%dma_wait3A_143, %dma_wait3A_144] : memref<10000x128xf32, #tpu.memory_space<vmem_shared>> -> memref<10000x128xf32, #tpu.memory_space<vmem_shared>>
        tpu.wait_indirect_dma semaphore(%run_scoped3A_133 : memref<!tpu.dma_semaphore, #tpu.memory_space<semaphore_mem>>) src(%arg8 : memref<100x128xf32, #tpu.memory_space<vmem>>) dst(%dma_wait3A_145 : memref<10000x128xf32, #tpu.memory_space<vmem_shared>>)
        tpu.yield
      }) : () -> ()
      %add3A_120 = arith.constant 1 : i32
      %add3A_121 = arith.addi %add3A_108, %add3A_120 : i32
      %lt3A_122 = arith.constant 50 : i32
      %lt3A_123 = arith.cmpi slt, %add3A_121, %lt3A_122 : i32
      %convert_element_type3A_124 = arith.extui %lt3A_123 : i1 to i32
      %cond3A_125 = arith.constant 0 : i32
      %cond3A_126 = arith.cmpi ne, %convert_element_type3A_124, %cond3A_125 : i32
      scf.if %cond3A_126 {
        %add3A_133 = arith.constant 1 : i32
        %add3A_134 = arith.addi %add3A_108, %add3A_133 : i32
        %dma_start3A_135 = arith.constant 0 : i32
        %dma_start3A_136 = tpu.memref_slice %arg6[%add3A_134, %dma_start3A_135] : memref<50x100xi32, #tpu.memory_space<vmem>> -> memref<1x100xi32, #tpu.memory_space<vmem>>
        %dma_start3A_137 = tpu.memref_squeeze %dma_start3A_136 : memref<1x100xi32, #tpu.memory_space<vmem>> -> memref<100xi32, #tpu.memory_space<vmem>>
        %dma_start3A_138 = arith.constant 0 : i32
        %dma_start3A_139 = arith.constant 0 : i32
        %dma_start3A_140 = tpu.memref_slice %arg2[%dma_start3A_138, %dma_start3A_139] : memref<40000x128xf32, #tpu.memory_space<hbm>> -> memref<40000x128xf32, #tpu.memory_space<hbm>>
        tpu.enqueue_indirect_dma source(%dma_start3A_140 : memref<40000x128xf32, #tpu.memory_space<hbm>>) target(%arg8 : memref<100x128xf32, #tpu.memory_space<vmem>>) offsets(%dma_start3A_137 : memref<100xi32, #tpu.memory_space<vmem>>) semaphore(%arg11 : memref<!tpu.dma_semaphore, #tpu.memory_space<semaphore_mem>>)
      } else {
      }
      %dma_wait3A_127 = arith.constant 0 : i32
      %dma_wait3A_128 = tpu.memref_slice %arg6[%add3A_108, %dma_wait3A_127] : memref<50x100xi32, #tpu.memory_space<vmem>> -> memref<1x100xi32, #tpu.memory_space<vmem>>
      %dma_wait3A_129 = tpu.memref_squeeze %dma_wait3A_128 : memref<1x100xi32, #tpu.memory_space<vmem>> -> memref<100xi32, #tpu.memory_space<vmem>>
      %dma_wait3A_130 = arith.constant 0 : i32
      %dma_wait3A_131 = arith.constant 0 : i32
      %dma_wait3A_132 = tpu.memref_slice %arg2[%dma_wait3A_130, %dma_wait3A_131] : memref<40000x128xf32, #tpu.memory_space<hbm>> -> memref<40000x128xf32, #tpu.memory_space<hbm>>
      tpu.wait_indirect_dma semaphore(%arg12 : memref<!tpu.dma_semaphore, #tpu.memory_space<semaphore_mem>>) src(%dma_wait3A_132 : memref<40000x128xf32, #tpu.memory_space<hbm>>) dst(%arg9 : memref<100x128xf32, #tpu.memory_space<vmem>>)
      "tpu.region"() ({
        %run_scoped3A_133 = tpu.sem_alloc : memref<!tpu.dma_semaphore, #tpu.memory_space<semaphore_mem>>
        %dma_start3A_134 = arith.constant 0 : i32
        %dma_start3A_135 = tpu.memref_slice %arg7[%add3A_108, %dma_start3A_134] : memref<50x100xi32, #tpu.memory_space<vmem>> -> memref<1x100xi32, #tpu.memory_space<vmem>>
        %dma_start3A_136 = tpu.memref_squeeze %dma_start3A_135 : memref<1x100xi32, #tpu.memory_space<vmem>> -> memref<100xi32, #tpu.memory_space<vmem>>
        %dma_start3A_137 = arith.constant 0 : i32
        %dma_start3A_138 = arith.constant 0 : i32
        %dma_start3A_139 = tpu.memref_slice %arg10[%dma_start3A_137, %dma_start3A_138] : memref<10000x128xf32, #tpu.memory_space<vmem_shared>> -> memref<10000x128xf32, #tpu.memory_space<vmem_shared>>
        tpu.enqueue_indirect_dma source(%arg9 : memref<100x128xf32, #tpu.memory_space<vmem>>) target(%dma_start3A_139 : memref<10000x128xf32, #tpu.memory_space<vmem_shared>>) offsets(%dma_start3A_136 : memref<100xi32, #tpu.memory_space<vmem>>) semaphore(%run_scoped3A_133 : memref<!tpu.dma_semaphore, #tpu.memory_space<semaphore_mem>>) {add = true}
        %dma_wait3A_140 = arith.constant 0 : i32
        %dma_wait3A_141 = tpu.memref_slice %arg7[%add3A_108, %dma_wait3A_140] : memref<50x100xi32, #tpu.memory_space<vmem>> -> memref<1x100xi32, #tpu.memory_space<vmem>>
        %dma_wait3A_142 = tpu.memref_squeeze %dma_wait3A_141 : memref<1x100xi32, #tpu.memory_space<vmem>> -> memref<100xi32, #tpu.memory_space<vmem>>
        %dma_wait3A_143 = arith.constant 0 : i32
        %dma_wait3A_144 = arith.constant 0 : i32
        %dma_wait3A_145 = tpu.memref_slice %arg10[%dma_wait3A_143, %dma_wait3A_144] : memref<10000x128xf32, #tpu.memory_space<vmem_shared>> -> memref<10000x128xf32, #tpu.memory_space<vmem_shared>>
        tpu.wait_indirect_dma semaphore(%run_scoped3A_133 : memref<!tpu.dma_semaphore, #tpu.memory_space<semaphore_mem>>) src(%arg9 : memref<100x128xf32, #tpu.memory_space<vmem>>) dst(%dma_wait3A_145 : memref<10000x128xf32, #tpu.memory_space<vmem_shared>>)
        tpu.yield
      }) : () -> ()
    }
    %scan3A_76 = arith.constant 25 : i32
    %run_scoped3A_77 = arith.constant 1 : i32
    "tpu.region"() ({
      %run_scoped3A_104 = tpu.sem_alloc : memref<!tpu.dma_semaphore, #tpu.memory_space<semaphore_mem>>
      %dma_start3A_105 = arith.constant 0 : i32
      %dma_start3A_106 = arith.constant 0 : i32
      %dma_start3A_107 = tpu.memref_slice %arg3[%add3A_50, %arg1, %run_scoped3A_77, %dma_start3A_105, %dma_start3A_106] : memref<4x16x2x50x100xi32, #tpu.memory_space<hbm>> -> memref<1x1x1x50x100xi32, #tpu.memory_space<hbm>>
      %dma_start3A_108 = tpu.memref_squeeze %dma_start3A_107 : memref<1x1x1x50x100xi32, #tpu.memory_space<hbm>> -> memref<50x100xi32, #tpu.memory_space<hbm>>
      %dma_start3A_109 = arith.constant 0 : i32
      %dma_start3A_110 = arith.constant 0 : i32
      %dma_start3A_111 = tpu.memref_slice %arg3[%add3A_50, %arg1, %run_scoped3A_77, %dma_start3A_109, %dma_start3A_110] : memref<4x16x2x50x100xi32, #tpu.memory_space<hbm>> -> memref<1x1x1x50x100xi32, #tpu.memory_space<hbm>>
      %dma_start3A_112 = tpu.memref_squeeze %dma_start3A_111 : memref<1x1x1x50x100xi32, #tpu.memory_space<hbm>> -> memref<50x100xi32, #tpu.memory_space<hbm>>
      tpu.enqueue_dma source(%dma_start3A_112 : memref<50x100xi32, #tpu.memory_space<hbm>>) target(%arg6 : memref<50x100xi32, #tpu.memory_space<vmem>>) target_semaphore(%run_scoped3A_104 : memref<!tpu.dma_semaphore, #tpu.memory_space<semaphore_mem>>)
      %dma_wait3A = arith.constant 0 : i32
      %dma_wait3A_113 = arith.constant 0 : i32
      %dma_wait3A_114 = tpu.memref_slice %arg3[%add3A_50, %arg1, %run_scoped3A_77, %dma_wait3A, %dma_wait3A_113] : memref<4x16x2x50x100xi32, #tpu.memory_space<hbm>> -> memref<1x1x1x50x100xi32, #tpu.memory_space<hbm>>
      %dma_wait3A_115 = tpu.memref_squeeze %dma_wait3A_114 : memref<1x1x1x50x100xi32, #tpu.memory_space<hbm>> -> memref<50x100xi32, #tpu.memory_space<hbm>>
      %dma_wait3A_116 = arith.constant 0 : i32
      %dma_wait3A_117 = arith.constant 0 : i32
      %dma_wait3A_118 = tpu.memref_slice %arg3[%add3A_50, %arg1, %run_scoped3A_77, %dma_wait3A_116, %dma_wait3A_117] : memref<4x16x2x50x100xi32, #tpu.memory_space<hbm>> -> memref<1x1x1x50x100xi32, #tpu.memory_space<hbm>>
      %dma_wait3A_119 = tpu.memref_squeeze %dma_wait3A_118 : memref<1x1x1x50x100xi32, #tpu.memory_space<hbm>> -> memref<50x100xi32, #tpu.memory_space<hbm>>
      tpu.wait_dma2 semaphore(%run_scoped3A_104 : memref<!tpu.dma_semaphore, #tpu.memory_space<semaphore_mem>>) src(%dma_wait3A_119 : memref<50x100xi32, #tpu.memory_space<hbm>>) dst(%arg6 : memref<50x100xi32, #tpu.memory_space<vmem>>)
      tpu.yield
    }) : () -> ()
    %run_scoped3A_78 = arith.constant 1 : i32
    "tpu.region"() ({
      %run_scoped3A_104 = tpu.sem_alloc : memref<!tpu.dma_semaphore, #tpu.memory_space<semaphore_mem>>
      %dma_start3A_105 = arith.constant 0 : i32
      %dma_start3A_106 = arith.constant 0 : i32
      %dma_start3A_107 = tpu.memref_slice %arg4[%arg1, %run_scoped3A_78, %dma_start3A_105, %dma_start3A_106] : memref<16x2x50x100xi32, #tpu.memory_space<hbm>> -> memref<1x1x50x100xi32, #tpu.memory_space<hbm>>
      %dma_start3A_108 = tpu.memref_squeeze %dma_start3A_107 : memref<1x1x50x100xi32, #tpu.memory_space<hbm>> -> memref<50x100xi32, #tpu.memory_space<hbm>>
      %dma_start3A_109 = arith.constant 0 : i32
      %dma_start3A_110 = arith.constant 0 : i32
      %dma_start3A_111 = tpu.memref_slice %arg4[%arg1, %run_scoped3A_78, %dma_start3A_109, %dma_start3A_110] : memref<16x2x50x100xi32, #tpu.memory_space<hbm>> -> memref<1x1x50x100xi32, #tpu.memory_space<hbm>>
      %dma_start3A_112 = tpu.memref_squeeze %dma_start3A_111 : memref<1x1x50x100xi32, #tpu.memory_space<hbm>> -> memref<50x100xi32, #tpu.memory_space<hbm>>
      tpu.enqueue_dma source(%dma_start3A_112 : memref<50x100xi32, #tpu.memory_space<hbm>>) target(%arg7 : memref<50x100xi32, #tpu.memory_space<vmem>>) target_semaphore(%run_scoped3A_104 : memref<!tpu.dma_semaphore, #tpu.memory_space<semaphore_mem>>)
      %dma_wait3A = arith.constant 0 : i32
      %dma_wait3A_113 = arith.constant 0 : i32
      %dma_wait3A_114 = tpu.memref_slice %arg4[%arg1, %run_scoped3A_78, %dma_wait3A, %dma_wait3A_113] : memref<16x2x50x100xi32, #tpu.memory_space<hbm>> -> memref<1x1x50x100xi32, #tpu.memory_space<hbm>>
      %dma_wait3A_115 = tpu.memref_squeeze %dma_wait3A_114 : memref<1x1x50x100xi32, #tpu.memory_space<hbm>> -> memref<50x100xi32, #tpu.memory_space<hbm>>
      %dma_wait3A_116 = arith.constant 0 : i32
      %dma_wait3A_117 = arith.constant 0 : i32
      %dma_wait3A_118 = tpu.memref_slice %arg4[%arg1, %run_scoped3A_78, %dma_wait3A_116, %dma_wait3A_117] : memref<16x2x50x100xi32, #tpu.memory_space<hbm>> -> memref<1x1x50x100xi32, #tpu.memory_space<hbm>>
      %dma_wait3A_119 = tpu.memref_squeeze %dma_wait3A_118 : memref<1x1x50x100xi32, #tpu.memory_space<hbm>> -> memref<50x100xi32, #tpu.memory_space<hbm>>
      tpu.wait_dma2 semaphore(%run_scoped3A_104 : memref<!tpu.dma_semaphore, #tpu.memory_space<semaphore_mem>>) src(%dma_wait3A_119 : memref<50x100xi32, #tpu.memory_space<hbm>>) dst(%arg7 : memref<50x100xi32, #tpu.memory_space<vmem>>)
      tpu.yield
    }) : () -> ()
    %dma_start3A_79 = arith.constant 0 : i32
    %dma_start3A_80 = arith.constant 0 : i32
    %dma_start3A_81 = tpu.memref_slice %arg6[%dma_start3A_79, %dma_start3A_80] : memref<50x100xi32, #tpu.memory_space<vmem>> -> memref<1x100xi32, #tpu.memory_space<vmem>>
    %dma_start3A_82 = tpu.memref_squeeze %dma_start3A_81 : memref<1x100xi32, #tpu.memory_space<vmem>> -> memref<100xi32, #tpu.memory_space<vmem>>
    %dma_start3A_83 = arith.constant 0 : i32
    %dma_start3A_84 = arith.constant 0 : i32
    %dma_start3A_85 = tpu.memref_slice %arg2[%dma_start3A_83, %dma_start3A_84] : memref<40000x128xf32, #tpu.memory_space<hbm>> -> memref<40000x128xf32, #tpu.memory_space<hbm>>
    tpu.enqueue_indirect_dma source(%dma_start3A_85 : memref<40000x128xf32, #tpu.memory_space<hbm>>) target(%arg8 : memref<100x128xf32, #tpu.memory_space<vmem>>) offsets(%dma_start3A_82 : memref<100xi32, #tpu.memory_space<vmem>>) semaphore(%arg11 : memref<!tpu.dma_semaphore, #tpu.memory_space<semaphore_mem>>)
    %scan3A_86 = arith.constant 0 : i32
    %scan3A_87 = arith.constant 0 : i32
    %scan3A_88 = arith.constant 25 : i32
    %scan3A_89 = arith.addi %scan3A_87, %scan3A_88 : i32
    %scan3A_90 = arith.constant 1 : i32
    scf.for %scan3A_104 = %scan3A_87 to %scan3A_89 step %scan3A_90  : i32 {
      %mul3A_105 = arith.constant 2 : i32
      %mul3A_106 = arith.muli %scan3A_104, %mul3A_105 : i32
      %add3A_107 = arith.constant 1 : i32
      %add3A_108 = arith.addi %mul3A_106, %add3A_107 : i32
      %dma_start3A_109 = arith.constant 0 : i32
      %dma_start3A_110 = tpu.memref_slice %arg6[%add3A_108, %dma_start3A_109] : memref<50x100xi32, #tpu.memory_space<vmem>> -> memref<1x100xi32, #tpu.memory_space<vmem>>
      %dma_start3A_111 = tpu.memref_squeeze %dma_start3A_110 : memref<1x100xi32, #tpu.memory_space<vmem>> -> memref<100xi32, #tpu.memory_space<vmem>>
      %dma_start3A_112 = arith.constant 0 : i32
      %dma_start3A_113 = arith.constant 0 : i32
      %dma_start3A_114 = tpu.memref_slice %arg2[%dma_start3A_112, %dma_start3A_113] : memref<40000x128xf32, #tpu.memory_space<hbm>> -> memref<40000x128xf32, #tpu.memory_space<hbm>>
      tpu.enqueue_indirect_dma source(%dma_start3A_114 : memref<40000x128xf32, #tpu.memory_space<hbm>>) target(%arg9 : memref<100x128xf32, #tpu.memory_space<vmem>>) offsets(%dma_start3A_111 : memref<100xi32, #tpu.memory_space<vmem>>) semaphore(%arg12 : memref<!tpu.dma_semaphore, #tpu.memory_space<semaphore_mem>>)
      %dma_wait3A = arith.constant 0 : i32
      %dma_wait3A_115 = tpu.memref_slice %arg6[%mul3A_106, %dma_wait3A] : memref<50x100xi32, #tpu.memory_space<vmem>> -> memref<1x100xi32, #tpu.memory_space<vmem>>
      %dma_wait3A_116 = tpu.memref_squeeze %dma_wait3A_115 : memref<1x100xi32, #tpu.memory_space<vmem>> -> memref<100xi32, #tpu.memory_space<vmem>>
      %dma_wait3A_117 = arith.constant 0 : i32
      %dma_wait3A_118 = arith.constant 0 : i32
      %dma_wait3A_119 = tpu.memref_slice %arg2[%dma_wait3A_117, %dma_wait3A_118] : memref<40000x128xf32, #tpu.memory_space<hbm>> -> memref<40000x128xf32, #tpu.memory_space<hbm>>
      tpu.wait_indirect_dma semaphore(%arg11 : memref<!tpu.dma_semaphore, #tpu.memory_space<semaphore_mem>>) src(%dma_wait3A_119 : memref<40000x128xf32, #tpu.memory_space<hbm>>) dst(%arg8 : memref<100x128xf32, #tpu.memory_space<vmem>>)
      "tpu.region"() ({
        %run_scoped3A_133 = tpu.sem_alloc : memref<!tpu.dma_semaphore, #tpu.memory_space<semaphore_mem>>
        %dma_start3A_134 = arith.constant 0 : i32
        %dma_start3A_135 = tpu.memref_slice %arg7[%mul3A_106, %dma_start3A_134] : memref<50x100xi32, #tpu.memory_space<vmem>> -> memref<1x100xi32, #tpu.memory_space<vmem>>
        %dma_start3A_136 = tpu.memref_squeeze %dma_start3A_135 : memref<1x100xi32, #tpu.memory_space<vmem>> -> memref<100xi32, #tpu.memory_space<vmem>>
        %dma_start3A_137 = arith.constant 0 : i32
        %dma_start3A_138 = arith.constant 0 : i32
        %dma_start3A_139 = tpu.memref_slice %arg10[%dma_start3A_137, %dma_start3A_138] : memref<10000x128xf32, #tpu.memory_space<vmem_shared>> -> memref<10000x128xf32, #tpu.memory_space<vmem_shared>>
        tpu.enqueue_indirect_dma source(%arg8 : memref<100x128xf32, #tpu.memory_space<vmem>>) target(%dma_start3A_139 : memref<10000x128xf32, #tpu.memory_space<vmem_shared>>) offsets(%dma_start3A_136 : memref<100xi32, #tpu.memory_space<vmem>>) semaphore(%run_scoped3A_133 : memref<!tpu.dma_semaphore, #tpu.memory_space<semaphore_mem>>) {add = true}
        %dma_wait3A_140 = arith.constant 0 : i32
        %dma_wait3A_141 = tpu.memref_slice %arg7[%mul3A_106, %dma_wait3A_140] : memref<50x100xi32, #tpu.memory_space<vmem>> -> memref<1x100xi32, #tpu.memory_space<vmem>>
        %dma_wait3A_142 = tpu.memref_squeeze %dma_wait3A_141 : memref<1x100xi32, #tpu.memory_space<vmem>> -> memref<100xi32, #tpu.memory_space<vmem>>
        %dma_wait3A_143 = arith.constant 0 : i32
        %dma_wait3A_144 = arith.constant 0 : i32
        %dma_wait3A_145 = tpu.memref_slice %arg10[%dma_wait3A_143, %dma_wait3A_144] : memref<10000x128xf32, #tpu.memory_space<vmem_shared>> -> memref<10000x128xf32, #tpu.memory_space<vmem_shared>>
        tpu.wait_indirect_dma semaphore(%run_scoped3A_133 : memref<!tpu.dma_semaphore, #tpu.memory_space<semaphore_mem>>) src(%arg8 : memref<100x128xf32, #tpu.memory_space<vmem>>) dst(%dma_wait3A_145 : memref<10000x128xf32, #tpu.memory_space<vmem_shared>>)
        tpu.yield
      }) : () -> ()
      %add3A_120 = arith.constant 1 : i32
      %add3A_121 = arith.addi %add3A_108, %add3A_120 : i32
      %lt3A_122 = arith.constant 50 : i32
      %lt3A_123 = arith.cmpi slt, %add3A_121, %lt3A_122 : i32
      %convert_element_type3A_124 = arith.extui %lt3A_123 : i1 to i32
      %cond3A_125 = arith.constant 0 : i32
      %cond3A_126 = arith.cmpi ne, %convert_element_type3A_124, %cond3A_125 : i32
      scf.if %cond3A_126 {
        %add3A_133 = arith.constant 1 : i32
        %add3A_134 = arith.addi %add3A_108, %add3A_133 : i32
        %dma_start3A_135 = arith.constant 0 : i32
        %dma_start3A_136 = tpu.memref_slice %arg6[%add3A_134, %dma_start3A_135] : memref<50x100xi32, #tpu.memory_space<vmem>> -> memref<1x100xi32, #tpu.memory_space<vmem>>
        %dma_start3A_137 = tpu.memref_squeeze %dma_start3A_136 : memref<1x100xi32, #tpu.memory_space<vmem>> -> memref<100xi32, #tpu.memory_space<vmem>>
        %dma_start3A_138 = arith.constant 0 : i32
        %dma_start3A_139 = arith.constant 0 : i32
        %dma_start3A_140 = tpu.memref_slice %arg2[%dma_start3A_138, %dma_start3A_139] : memref<40000x128xf32, #tpu.memory_space<hbm>> -> memref<40000x128xf32, #tpu.memory_space<hbm>>
        tpu.enqueue_indirect_dma source(%dma_start3A_140 : memref<40000x128xf32, #tpu.memory_space<hbm>>) target(%arg8 : memref<100x128xf32, #tpu.memory_space<vmem>>) offsets(%dma_start3A_137 : memref<100xi32, #tpu.memory_space<vmem>>) semaphore(%arg11 : memref<!tpu.dma_semaphore, #tpu.memory_space<semaphore_mem>>)
      } else {
      }
      %dma_wait3A_127 = arith.constant 0 : i32
      %dma_wait3A_128 = tpu.memref_slice %arg6[%add3A_108, %dma_wait3A_127] : memref<50x100xi32, #tpu.memory_space<vmem>> -> memref<1x100xi32, #tpu.memory_space<vmem>>
      %dma_wait3A_129 = tpu.memref_squeeze %dma_wait3A_128 : memref<1x100xi32, #tpu.memory_space<vmem>> -> memref<100xi32, #tpu.memory_space<vmem>>
      %dma_wait3A_130 = arith.constant 0 : i32
      %dma_wait3A_131 = arith.constant 0 : i32
      %dma_wait3A_132 = tpu.memref_slice %arg2[%dma_wait3A_130, %dma_wait3A_131] : memref<40000x128xf32, #tpu.memory_space<hbm>> -> memref<40000x128xf32, #tpu.memory_space<hbm>>
      tpu.wait_indirect_dma semaphore(%arg12 : memref<!tpu.dma_semaphore, #tpu.memory_space<semaphore_mem>>) src(%dma_wait3A_132 : memref<40000x128xf32, #tpu.memory_space<hbm>>) dst(%arg9 : memref<100x128xf32, #tpu.memory_space<vmem>>)
      "tpu.region"() ({
        %run_scoped3A_133 = tpu.sem_alloc : memref<!tpu.dma_semaphore, #tpu.memory_space<semaphore_mem>>
        %dma_start3A_134 = arith.constant 0 : i32
        %dma_start3A_135 = tpu.memref_slice %arg7[%add3A_108, %dma_start3A_134] : memref<50x100xi32, #tpu.memory_space<vmem>> -> memref<1x100xi32, #tpu.memory_space<vmem>>
        %dma_start3A_136 = tpu.memref_squeeze %dma_start3A_135 : memref<1x100xi32, #tpu.memory_space<vmem>> -> memref<100xi32, #tpu.memory_space<vmem>>
        %dma_start3A_137 = arith.constant 0 : i32
        %dma_start3A_138 = arith.constant 0 : i32
        %dma_start3A_139 = tpu.memref_slice %arg10[%dma_start3A_137, %dma_start3A_138] : memref<10000x128xf32, #tpu.memory_space<vmem_shared>> -> memref<10000x128xf32, #tpu.memory_space<vmem_shared>>
        tpu.enqueue_indirect_dma source(%arg9 : memref<100x128xf32, #tpu.memory_space<vmem>>) target(%dma_start3A_139 : memref<10000x128xf32, #tpu.memory_space<vmem_shared>>) offsets(%dma_start3A_136 : memref<100xi32, #tpu.memory_space<vmem>>) semaphore(%run_scoped3A_133 : memref<!tpu.dma_semaphore, #tpu.memory_space<semaphore_mem>>) {add = true}
        %dma_wait3A_140 = arith.constant 0 : i32
        %dma_wait3A_141 = tpu.memref_slice %arg7[%add3A_108, %dma_wait3A_140] : memref<50x100xi32, #tpu.memory_space<vmem>> -> memref<1x100xi32, #tpu.memory_space<vmem>>
        %dma_wait3A_142 = tpu.memref_squeeze %dma_wait3A_141 : memref<1x100xi32, #tpu.memory_space<vmem>> -> memref<100xi32, #tpu.memory_space<vmem>>
        %dma_wait3A_143 = arith.constant 0 : i32
        %dma_wait3A_144 = arith.constant 0 : i32
        %dma_wait3A_145 = tpu.memref_slice %arg10[%dma_wait3A_143, %dma_wait3A_144] : memref<10000x128xf32, #tpu.memory_space<vmem_shared>> -> memref<10000x128xf32, #tpu.memory_space<vmem_shared>>
        tpu.wait_indirect_dma semaphore(%run_scoped3A_133 : memref<!tpu.dma_semaphore, #tpu.memory_space<semaphore_mem>>) src(%arg9 : memref<100x128xf32, #tpu.memory_space<vmem>>) dst(%dma_wait3A_145 : memref<10000x128xf32, #tpu.memory_space<vmem_shared>>)
        tpu.yield
      }) : () -> ()
    }
    %scan3A_91 = arith.constant 25 : i32
    %barrier3A_92 = arith.constant 0 : index
    tpu.barrier barrier_id(%barrier3A_92)
    %lt3A_93 = arith.constant 15 : i32
    %lt3A_94 = arith.cmpi slt, %arg1, %lt3A_93 : i32
    %convert_element_type3A_95 = arith.extui %lt3A_94 : i1 to i32
    %cond3A_96 = arith.constant 0 : i32
    %cond3A_97 = arith.cmpi ne, %convert_element_type3A_95, %cond3A_96 : i32
    scf.if %cond3A_97 {
      %mul3A_104 = arith.constant 10000 : i32
      %mul3A_105 = arith.muli %add3A_50, %mul3A_104 : i32
      %mul3A_106 = arith.constant 632 : i32
      %mul3A_107 = arith.muli %arg1, %mul3A_106 : i32
      %add3A_108 = arith.addi %mul3A_105, %mul3A_107 : i32
      %multiple_of3A = tpu.assume_multiple %add3A_108, 8 : i32
      %mul3A_109 = arith.constant 632 : i32
      %mul3A_110 = arith.muli %arg1, %mul3A_109 : i32
      %multiple_of3A_111 = tpu.assume_multiple %mul3A_110, 8 : i32
      "tpu.region"() ({
        %run_scoped3A_112 = tpu.sem_alloc : memref<!tpu.dma_semaphore, #tpu.memory_space<semaphore_mem>>
        %dma_start3A_113 = arith.constant 0 : i32
        %dma_start3A_114 = tpu.memref_slice %arg5[%multiple_of3A, %dma_start3A_113] : memref<40000x128xf32, #tpu.memory_space<hbm>> -> memref<632x128xf32, #tpu.memory_space<hbm>>
        %dma_start3A_115 = arith.constant 0 : i32
        %dma_start3A_116 = tpu.memref_slice %arg10[%multiple_of3A_111, %dma_start3A_115] : memref<10000x128xf32, #tpu.memory_space<vmem_shared>> -> memref<632x128xf32, #tpu.memory_space<vmem_shared>>
        tpu.enqueue_dma source(%dma_start3A_116 : memref<632x128xf32, #tpu.memory_space<vmem_shared>>) target(%dma_start3A_114 : memref<632x128xf32, #tpu.memory_space<hbm>>) target_semaphore(%run_scoped3A_112 : memref<!tpu.dma_semaphore, #tpu.memory_space<semaphore_mem>>)
        %dma_wait3A = arith.constant 0 : i32
        %dma_wait3A_117 = tpu.memref_slice %arg5[%multiple_of3A, %dma_wait3A] : memref<40000x128xf32, #tpu.memory_space<hbm>> -> memref<632x128xf32, #tpu.memory_space<hbm>>
        %dma_wait3A_118 = arith.constant 0 : i32
        %dma_wait3A_119 = tpu.memref_slice %arg10[%multiple_of3A_111, %dma_wait3A_118] : memref<10000x128xf32, #tpu.memory_space<vmem_shared>> -> memref<632x128xf32, #tpu.memory_space<vmem_shared>>
        tpu.wait_dma2 semaphore(%run_scoped3A_112 : memref<!tpu.dma_semaphore, #tpu.memory_space<semaphore_mem>>) src(%dma_wait3A_119 : memref<632x128xf32, #tpu.memory_space<vmem_shared>>) dst(%dma_wait3A_117 : memref<632x128xf32, #tpu.memory_space<hbm>>)
        tpu.yield
      }) : () -> ()
    } else {
    }
    %eq3A_98 = arith.constant 15 : i32
    %eq3A_99 = arith.cmpi eq, %arg1, %eq3A_98 : i32
    %convert_element_type3A_100 = arith.extui %eq3A_99 : i1 to i32
    %cond3A_101 = arith.constant 0 : i32
    %cond3A_102 = arith.cmpi ne, %convert_element_type3A_100, %cond3A_101 : i32
    scf.if %cond3A_102 {
      %mul3A_104 = arith.constant 10000 : i32
      %mul3A_105 = arith.muli %add3A_50, %mul3A_104 : i32
      %add3A_106 = arith.constant 9480 : i32
      %add3A_107 = arith.addi %mul3A_105, %add3A_106 : i32
      %multiple_of3A = tpu.assume_multiple %add3A_107, 8 : i32
      "tpu.region"() ({
        %run_scoped3A_108 = tpu.sem_alloc : memref<!tpu.dma_semaphore, #tpu.memory_space<semaphore_mem>>
        %dma_start3A_109 = arith.constant 0 : i32
        %dma_start3A_110 = tpu.memref_slice %arg5[%multiple_of3A, %dma_start3A_109] : memref<40000x128xf32, #tpu.memory_space<hbm>> -> memref<520x128xf32, #tpu.memory_space<hbm>>
        %dma_start3A_111 = arith.constant 9480 : i32
        %dma_start3A_112 = arith.constant 0 : i32
        %dma_start3A_113 = tpu.memref_slice %arg10[%dma_start3A_111, %dma_start3A_112] : memref<10000x128xf32, #tpu.memory_space<vmem_shared>> -> memref<520x128xf32, #tpu.memory_space<vmem_shared>>
        tpu.enqueue_dma source(%dma_start3A_113 : memref<520x128xf32, #tpu.memory_space<vmem_shared>>) target(%dma_start3A_110 : memref<520x128xf32, #tpu.memory_space<hbm>>) target_semaphore(%run_scoped3A_108 : memref<!tpu.dma_semaphore, #tpu.memory_space<semaphore_mem>>)
        %dma_wait3A = arith.constant 0 : i32
        %dma_wait3A_114 = tpu.memref_slice %arg5[%multiple_of3A, %dma_wait3A] : memref<40000x128xf32, #tpu.memory_space<hbm>> -> memref<520x128xf32, #tpu.memory_space<hbm>>
        %dma_wait3A_115 = arith.constant 9480 : i32
        %dma_wait3A_116 = arith.constant 0 : i32
        %dma_wait3A_117 = tpu.memref_slice %arg10[%dma_wait3A_115, %dma_wait3A_116] : memref<10000x128xf32, #tpu.memory_space<vmem_shared>> -> memref<520x128xf32, #tpu.memory_space<vmem_shared>>
        tpu.wait_dma2 semaphore(%run_scoped3A_108 : memref<!tpu.dma_semaphore, #tpu.memory_space<semaphore_mem>>) src(%dma_wait3A_117 : memref<520x128xf32, #tpu.memory_space<vmem_shared>>) dst(%dma_wait3A_114 : memref<520x128xf32, #tpu.memory_space<hbm>>)
        tpu.yield
      }) : () -> ()
    } else {
    }
    %barrier3A_103 = arith.constant 0 : index
    tpu.barrier barrier_id(%barrier3A_103)
    return
  }
}

#map = affine_map<(d0, d1) -> (0, 0, 0)>
#map1 = affine_map<(d0, d1) -> (0)>
#map2 = affine_map<(d0, d1) -> (0, 0)>
module attributes {stable_mosaic.version = 14 : i64} {
  func.func @deg_kernel(%arg0: i32, %arg1: i32, %arg2: memref<32x50x100xi32, #tpu.memory_space<hbm>>, %arg3: memref<100xf32, #tpu.memory_space<hbm>>, %arg4: memref<10000xf32, #tpu.memory_space<hbm>>, %arg5: memref<2x10000xf32, #tpu.memory_space<hbm>>, %arg6: memref<50x100xi32, #tpu.memory_space<vmem>>, %arg7: memref<100xf32, #tpu.memory_space<vmem>>, %arg8: memref<10000xf32, #tpu.memory_space<vmem_shared>>, %arg9: memref<!tpu.dma_semaphore, #tpu.memory_space<semaphore_mem>>) attributes {dimension_semantics = [#tpu.dimension_semantics<core_parallel>, #tpu.dimension_semantics<subcore_parallel>], iteration_bounds = array<i64: 2, 16>, scalar_prefetch = 0 : i64, scratch_operands = 4 : i64, tpu.core_type = #tpu.core_type<sc_vector_subcore>, window_params = [{transform_indices = #map}, {transform_indices = #map1}, {transform_indices = #map1}, {transform_indices = #map2}]} {
    %mul3A = arith.constant 16 : i32
    %mul3A_0 = arith.muli %arg0, %mul3A : i32
    %add3A = arith.addi %mul3A_0, %arg1 : i32
    "tpu.region"() ({
      %run_scoped3A = tpu.sem_alloc : memref<!tpu.dma_semaphore, #tpu.memory_space<semaphore_mem>>
      %dma_start3A = arith.constant 0 : i32
      %dma_start3A_14 = arith.constant 0 : i32
      %dma_start3A_15 = tpu.memref_slice %arg2[%add3A, %dma_start3A, %dma_start3A_14] : memref<32x50x100xi32, #tpu.memory_space<hbm>> -> memref<1x50x100xi32, #tpu.memory_space<hbm>>
      %dma_start3A_16 = tpu.memref_squeeze %dma_start3A_15 : memref<1x50x100xi32, #tpu.memory_space<hbm>> -> memref<50x100xi32, #tpu.memory_space<hbm>>
      %dma_start3A_17 = arith.constant 0 : i32
      %dma_start3A_18 = arith.constant 0 : i32
      %dma_start3A_19 = tpu.memref_slice %arg2[%add3A, %dma_start3A_17, %dma_start3A_18] : memref<32x50x100xi32, #tpu.memory_space<hbm>> -> memref<1x50x100xi32, #tpu.memory_space<hbm>>
      %dma_start3A_20 = tpu.memref_squeeze %dma_start3A_19 : memref<1x50x100xi32, #tpu.memory_space<hbm>> -> memref<50x100xi32, #tpu.memory_space<hbm>>
      tpu.enqueue_dma source(%dma_start3A_20 : memref<50x100xi32, #tpu.memory_space<hbm>>) target(%arg6 : memref<50x100xi32, #tpu.memory_space<vmem>>) target_semaphore(%run_scoped3A : memref<!tpu.dma_semaphore, #tpu.memory_space<semaphore_mem>>)
      %dma_wait3A = arith.constant 0 : i32
      %dma_wait3A_21 = arith.constant 0 : i32
      %dma_wait3A_22 = tpu.memref_slice %arg2[%add3A, %dma_wait3A, %dma_wait3A_21] : memref<32x50x100xi32, #tpu.memory_space<hbm>> -> memref<1x50x100xi32, #tpu.memory_space<hbm>>
      %dma_wait3A_23 = tpu.memref_squeeze %dma_wait3A_22 : memref<1x50x100xi32, #tpu.memory_space<hbm>> -> memref<50x100xi32, #tpu.memory_space<hbm>>
      %dma_wait3A_24 = arith.constant 0 : i32
      %dma_wait3A_25 = arith.constant 0 : i32
      %dma_wait3A_26 = tpu.memref_slice %arg2[%add3A, %dma_wait3A_24, %dma_wait3A_25] : memref<32x50x100xi32, #tpu.memory_space<hbm>> -> memref<1x50x100xi32, #tpu.memory_space<hbm>>
      %dma_wait3A_27 = tpu.memref_squeeze %dma_wait3A_26 : memref<1x50x100xi32, #tpu.memory_space<hbm>> -> memref<50x100xi32, #tpu.memory_space<hbm>>
      tpu.wait_dma2 semaphore(%run_scoped3A : memref<!tpu.dma_semaphore, #tpu.memory_space<semaphore_mem>>) src(%dma_wait3A_27 : memref<50x100xi32, #tpu.memory_space<hbm>>) dst(%arg6 : memref<50x100xi32, #tpu.memory_space<vmem>>)
      tpu.yield
    }) : () -> ()
    "tpu.region"() ({
      %run_scoped3A = tpu.sem_alloc : memref<!tpu.dma_semaphore, #tpu.memory_space<semaphore_mem>>
      tpu.enqueue_dma source(%arg3 : memref<100xf32, #tpu.memory_space<hbm>>) target(%arg7 : memref<100xf32, #tpu.memory_space<vmem>>) target_semaphore(%run_scoped3A : memref<!tpu.dma_semaphore, #tpu.memory_space<semaphore_mem>>)
      tpu.wait_dma2 semaphore(%run_scoped3A : memref<!tpu.dma_semaphore, #tpu.memory_space<semaphore_mem>>) src(%arg3 : memref<100xf32, #tpu.memory_space<hbm>>) dst(%arg7 : memref<100xf32, #tpu.memory_space<vmem>>)
      tpu.yield
    }) : () -> ()
    %eq3A = arith.constant 0 : i32
    %eq3A_1 = arith.cmpi eq, %arg1, %eq3A : i32
    %convert_element_type3A = arith.extui %eq3A_1 : i1 to i32
    %cond3A = arith.constant 0 : i32
    %cond3A_2 = arith.cmpi ne, %convert_element_type3A, %cond3A : i32
    scf.if %cond3A_2 {
      "tpu.region"() ({
        %run_scoped3A = tpu.sem_alloc : memref<!tpu.dma_semaphore, #tpu.memory_space<semaphore_mem>>
        tpu.enqueue_dma source(%arg4 : memref<10000xf32, #tpu.memory_space<hbm>>) target(%arg8 : memref<10000xf32, #tpu.memory_space<vmem_shared>>) target_semaphore(%run_scoped3A : memref<!tpu.dma_semaphore, #tpu.memory_space<semaphore_mem>>)
        tpu.wait_dma2 semaphore(%run_scoped3A : memref<!tpu.dma_semaphore, #tpu.memory_space<semaphore_mem>>) src(%arg4 : memref<10000xf32, #tpu.memory_space<hbm>>) dst(%arg8 : memref<10000xf32, #tpu.memory_space<vmem_shared>>)
        tpu.yield
      }) : () -> ()
    } else {
    }
    %barrier3A = arith.constant 0 : index
    tpu.barrier barrier_id(%barrier3A)
    %scan3A = arith.constant 0 : i32
    %scan3A_3 = arith.constant 0 : i32
    %scan3A_4 = arith.constant 50 : i32
    %scan3A_5 = arith.addi %scan3A_3, %scan3A_4 : i32
    %scan3A_6 = arith.constant 1 : i32
    scf.for %scan3A_14 = %scan3A_3 to %scan3A_5 step %scan3A_6  : i32 {
      "tpu.region"() ({
        %run_scoped3A = tpu.sem_alloc : memref<!tpu.dma_semaphore, #tpu.memory_space<semaphore_mem>>
        %dma_start3A = arith.constant 0 : i32
        %dma_start3A_15 = tpu.memref_slice %arg6[%scan3A_14, %dma_start3A] : memref<50x100xi32, #tpu.memory_space<vmem>> -> memref<1x100xi32, #tpu.memory_space<vmem>>
        %dma_start3A_16 = tpu.memref_squeeze %dma_start3A_15 : memref<1x100xi32, #tpu.memory_space<vmem>> -> memref<100xi32, #tpu.memory_space<vmem>>
        %dma_start3A_17 = arith.constant 0 : i32
        %dma_start3A_18 = tpu.memref_slice %arg8[%dma_start3A_17] : memref<10000xf32, #tpu.memory_space<vmem_shared>> -> memref<10000xf32, #tpu.memory_space<vmem_shared>>
        tpu.enqueue_indirect_dma source(%arg7 : memref<100xf32, #tpu.memory_space<vmem>>) target(%dma_start3A_18 : memref<10000xf32, #tpu.memory_space<vmem_shared>>) offsets(%dma_start3A_16 : memref<100xi32, #tpu.memory_space<vmem>>) semaphore(%run_scoped3A : memref<!tpu.dma_semaphore, #tpu.memory_space<semaphore_mem>>) {add = true}
        %dma_wait3A = arith.constant 0 : i32
        %dma_wait3A_19 = tpu.memref_slice %arg6[%scan3A_14, %dma_wait3A] : memref<50x100xi32, #tpu.memory_space<vmem>> -> memref<1x100xi32, #tpu.memory_space<vmem>>
        %dma_wait3A_20 = tpu.memref_squeeze %dma_wait3A_19 : memref<1x100xi32, #tpu.memory_space<vmem>> -> memref<100xi32, #tpu.memory_space<vmem>>
        %dma_wait3A_21 = arith.constant 0 : i32
        %dma_wait3A_22 = tpu.memref_slice %arg8[%dma_wait3A_21] : memref<10000xf32, #tpu.memory_space<vmem_shared>> -> memref<10000xf32, #tpu.memory_space<vmem_shared>>
        tpu.wait_indirect_dma semaphore(%run_scoped3A : memref<!tpu.dma_semaphore, #tpu.memory_space<semaphore_mem>>) src(%arg7 : memref<100xf32, #tpu.memory_space<vmem>>) dst(%dma_wait3A_22 : memref<10000xf32, #tpu.memory_space<vmem_shared>>)
        tpu.yield
      }) : () -> ()
    }
    %scan3A_7 = arith.constant 50 : i32
    %barrier3A_8 = arith.constant 0 : index
    tpu.barrier barrier_id(%barrier3A_8)
    %eq3A_9 = arith.constant 0 : i32
    %eq3A_10 = arith.cmpi eq, %arg1, %eq3A_9 : i32
    %convert_element_type3A_11 = arith.extui %eq3A_10 : i1 to i32
    %cond3A_12 = arith.constant 0 : i32
    %cond3A_13 = arith.cmpi ne, %convert_element_type3A_11, %cond3A_12 : i32
    scf.if %cond3A_13 {
      "tpu.region"() ({
        %run_scoped3A = tpu.sem_alloc : memref<!tpu.dma_semaphore, #tpu.memory_space<semaphore_mem>>
        %dma_start3A = arith.constant 0 : i32
        %dma_start3A_14 = tpu.memref_slice %arg5[%arg0, %dma_start3A] : memref<2x10000xf32, #tpu.memory_space<hbm>> -> memref<1x10000xf32, #tpu.memory_space<hbm>>
        %dma_start3A_15 = tpu.memref_squeeze %dma_start3A_14 : memref<1x10000xf32, #tpu.memory_space<hbm>> -> memref<10000xf32, #tpu.memory_space<hbm>>
        tpu.enqueue_dma source(%arg8 : memref<10000xf32, #tpu.memory_space<vmem_shared>>) target(%dma_start3A_15 : memref<10000xf32, #tpu.memory_space<hbm>>) target_semaphore(%run_scoped3A : memref<!tpu.dma_semaphore, #tpu.memory_space<semaphore_mem>>)
        %dma_wait3A = arith.constant 0 : i32
        %dma_wait3A_16 = tpu.memref_slice %arg5[%arg0, %dma_wait3A] : memref<2x10000xf32, #tpu.memory_space<hbm>> -> memref<1x10000xf32, #tpu.memory_space<hbm>>
        %dma_wait3A_17 = tpu.memref_squeeze %dma_wait3A_16 : memref<1x10000xf32, #tpu.memory_space<hbm>> -> memref<10000xf32, #tpu.memory_space<hbm>>
        tpu.wait_dma2 semaphore(%run_scoped3A : memref<!tpu.dma_semaphore, #tpu.memory_space<semaphore_mem>>) src(%arg8 : memref<10000xf32, #tpu.memory_space<vmem_shared>>) dst(%dma_wait3A_17 : memref<10000xf32, #tpu.memory_space<hbm>>)
        tpu.yield
      }) : () -> ()
    } else {
    }
    return
  }
}

#map = affine_map<(d0, d1) -> (0, 0)>
#map1 = affine_map<(d0, d1) -> (0, 0, 0, 0, 0)>
#map2 = affine_map<(d0, d1) -> (0, 0, 0, 0)>
module attributes {stable_mosaic.version = 14 : i64} {
  func.func @scat_kernel(%arg0: i32, %arg1: i32, %arg2: memref<40000x128xf32, #tpu.memory_space<hbm>>, %arg3: memref<4x16x2x50x100xi32, #tpu.memory_space<hbm>>, %arg4: memref<16x2x50x100xi32, #tpu.memory_space<hbm>>, %arg5: memref<40000x128xf32, #tpu.memory_space<hbm>>, %arg6: memref<50x100xi32, #tpu.memory_space<vmem>>, %arg7: memref<50x100xi32, #tpu.memory_space<vmem>>, %arg8: memref<100x128xf32, #tpu.memory_space<vmem>>, %arg9: memref<100x128xf32, #tpu.memory_space<vmem>>, %arg10: memref<10000x128xf32, #tpu.memory_space<vmem_shared>>, %arg11: memref<!tpu.dma_semaphore, #tpu.memory_space<semaphore_mem>>, %arg12: memref<!tpu.dma_semaphore, #tpu.memory_space<semaphore_mem>>) attributes {dimension_semantics = [#tpu.dimension_semantics<core_parallel>, #tpu.dimension_semantics<subcore_parallel>], iteration_bounds = array<i64: 2, 16>, scalar_prefetch = 0 : i64, scratch_operands = 7 : i64, tpu.core_type = #tpu.core_type<sc_vector_subcore>, window_params = [{transform_indices = #map}, {transform_indices = #map1}, {transform_indices = #map2}, {transform_indices = #map}]} {
    %mul3A = arith.constant 2 : i32
    %mul3A_0 = arith.muli %arg0, %mul3A : i32
    %add3A = arith.constant 0 : i32
    %add3A_1 = arith.addi %mul3A_0, %add3A : i32
    %lt3A = arith.constant 15 : i32
    %lt3A_2 = arith.cmpi slt, %arg1, %lt3A : i32
    %convert_element_type3A = arith.extui %lt3A_2 : i1 to i32
    %cond3A = arith.constant 0 : i32
    %cond3A_3 = arith.cmpi ne, %convert_element_type3A, %cond3A : i32
    scf.if %cond3A_3 {
      %mul3A_104 = arith.constant 10000 : i32
      %mul3A_105 = arith.muli %add3A_1, %mul3A_104 : i32
      %mul3A_106 = arith.constant 632 : i32
      %mul3A_107 = arith.muli %arg1, %mul3A_106 : i32
      %add3A_108 = arith.addi %mul3A_105, %mul3A_107 : i32
      %multiple_of3A = tpu.assume_multiple %add3A_108, 8 : i32
      %mul3A_109 = arith.constant 632 : i32
      %mul3A_110 = arith.muli %arg1, %mul3A_109 : i32
      %multiple_of3A_111 = tpu.assume_multiple %mul3A_110, 8 : i32
      "tpu.region"() ({
        %run_scoped3A_112 = tpu.sem_alloc : memref<!tpu.dma_semaphore, #tpu.memory_space<semaphore_mem>>
        %dma_start3A_113 = arith.constant 0 : i32
        %dma_start3A_114 = tpu.memref_slice %arg10[%multiple_of3A_111, %dma_start3A_113] : memref<10000x128xf32, #tpu.memory_space<vmem_shared>> -> memref<632x128xf32, #tpu.memory_space<vmem_shared>>
        %dma_start3A_115 = arith.constant 0 : i32
        %dma_start3A_116 = tpu.memref_slice %arg2[%multiple_of3A, %dma_start3A_115] : memref<40000x128xf32, #tpu.memory_space<hbm>> -> memref<632x128xf32, #tpu.memory_space<hbm>>
        tpu.enqueue_dma source(%dma_start3A_116 : memref<632x128xf32, #tpu.memory_space<hbm>>) target(%dma_start3A_114 : memref<632x128xf32, #tpu.memory_space<vmem_shared>>) target_semaphore(%run_scoped3A_112 : memref<!tpu.dma_semaphore, #tpu.memory_space<semaphore_mem>>)
        %dma_wait3A = arith.constant 0 : i32
        %dma_wait3A_117 = tpu.memref_slice %arg10[%multiple_of3A_111, %dma_wait3A] : memref<10000x128xf32, #tpu.memory_space<vmem_shared>> -> memref<632x128xf32, #tpu.memory_space<vmem_shared>>
        %dma_wait3A_118 = arith.constant 0 : i32
        %dma_wait3A_119 = tpu.memref_slice %arg2[%multiple_of3A, %dma_wait3A_118] : memref<40000x128xf32, #tpu.memory_space<hbm>> -> memref<632x128xf32, #tpu.memory_space<hbm>>
        tpu.wait_dma2 semaphore(%run_scoped3A_112 : memref<!tpu.dma_semaphore, #tpu.memory_space<semaphore_mem>>) src(%dma_wait3A_119 : memref<632x128xf32, #tpu.memory_space<hbm>>) dst(%dma_wait3A_117 : memref<632x128xf32, #tpu.memory_space<vmem_shared>>)
        tpu.yield
      }) : () -> ()
    } else {
    }
    %eq3A = arith.constant 15 : i32
    %eq3A_4 = arith.cmpi eq, %arg1, %eq3A : i32
    %convert_element_type3A_5 = arith.extui %eq3A_4 : i1 to i32
    %cond3A_6 = arith.constant 0 : i32
    %cond3A_7 = arith.cmpi ne, %convert_element_type3A_5, %cond3A_6 : i32
    scf.if %cond3A_7 {
      %mul3A_104 = arith.constant 10000 : i32
      %mul3A_105 = arith.muli %add3A_1, %mul3A_104 : i32
      %add3A_106 = arith.constant 9480 : i32
      %add3A_107 = arith.addi %mul3A_105, %add3A_106 : i32
      %multiple_of3A = tpu.assume_multiple %add3A_107, 8 : i32
      "tpu.region"() ({
        %run_scoped3A_108 = tpu.sem_alloc : memref<!tpu.dma_semaphore, #tpu.memory_space<semaphore_mem>>
        %dma_start3A_109 = arith.constant 9480 : i32
        %dma_start3A_110 = arith.constant 0 : i32
        %dma_start3A_111 = tpu.memref_slice %arg10[%dma_start3A_109, %dma_start3A_110] : memref<10000x128xf32, #tpu.memory_space<vmem_shared>> -> memref<520x128xf32, #tpu.memory_space<vmem_shared>>
        %dma_start3A_112 = arith.constant 0 : i32
        %dma_start3A_113 = tpu.memref_slice %arg2[%multiple_of3A, %dma_start3A_112] : memref<40000x128xf32, #tpu.memory_space<hbm>> -> memref<520x128xf32, #tpu.memory_space<hbm>>
        tpu.enqueue_dma source(%dma_start3A_113 : memref<520x128xf32, #tpu.memory_space<hbm>>) target(%dma_start3A_111 : memref<520x128xf32, #tpu.memory_space<vmem_shared>>) target_semaphore(%run_scoped3A_108 : memref<!tpu.dma_semaphore, #tpu.memory_space<semaphore_mem>>)
        %dma_wait3A = arith.constant 9480 : i32
        %dma_wait3A_114 = arith.constant 0 : i32
        %dma_wait3A_115 = tpu.memref_slice %arg10[%dma_wait3A, %dma_wait3A_114] : memref<10000x128xf32, #tpu.memory_space<vmem_shared>> -> memref<520x128xf32, #tpu.memory_space<vmem_shared>>
        %dma_wait3A_116 = arith.constant 0 : i32
        %dma_wait3A_117 = tpu.memref_slice %arg2[%multiple_of3A, %dma_wait3A_116] : memref<40000x128xf32, #tpu.memory_space<hbm>> -> memref<520x128xf32, #tpu.memory_space<hbm>>
        tpu.wait_dma2 semaphore(%run_scoped3A_108 : memref<!tpu.dma_semaphore, #tpu.memory_space<semaphore_mem>>) src(%dma_wait3A_117 : memref<520x128xf32, #tpu.memory_space<hbm>>) dst(%dma_wait3A_115 : memref<520x128xf32, #tpu.memory_space<vmem_shared>>)
        tpu.yield
      }) : () -> ()
    } else {
    }
    %barrier3A = arith.constant 0 : index
    tpu.barrier barrier_id(%barrier3A)
    %run_scoped3A = arith.constant 0 : i32
    "tpu.region"() ({
      %run_scoped3A_104 = tpu.sem_alloc : memref<!tpu.dma_semaphore, #tpu.memory_space<semaphore_mem>>
      %dma_start3A_105 = arith.constant 0 : i32
      %dma_start3A_106 = arith.constant 0 : i32
      %dma_start3A_107 = tpu.memref_slice %arg3[%add3A_1, %arg1, %run_scoped3A, %dma_start3A_105, %dma_start3A_106] : memref<4x16x2x50x100xi32, #tpu.memory_space<hbm>> -> memref<1x1x1x50x100xi32, #tpu.memory_space<hbm>>
      %dma_start3A_108 = tpu.memref_squeeze %dma_start3A_107 : memref<1x1x1x50x100xi32, #tpu.memory_space<hbm>> -> memref<50x100xi32, #tpu.memory_space<hbm>>
      %dma_start3A_109 = arith.constant 0 : i32
      %dma_start3A_110 = arith.constant 0 : i32
      %dma_start3A_111 = tpu.memref_slice %arg3[%add3A_1, %arg1, %run_scoped3A, %dma_start3A_109, %dma_start3A_110] : memref<4x16x2x50x100xi32, #tpu.memory_space<hbm>> -> memref<1x1x1x50x100xi32, #tpu.memory_space<hbm>>
      %dma_start3A_112 = tpu.memref_squeeze %dma_start3A_111 : memref<1x1x1x50x100xi32, #tpu.memory_space<hbm>> -> memref<50x100xi32, #tpu.memory_space<hbm>>
      tpu.enqueue_dma source(%dma_start3A_112 : memref<50x100xi32, #tpu.memory_space<hbm>>) target(%arg6 : memref<50x100xi32, #tpu.memory_space<vmem>>) target_semaphore(%run_scoped3A_104 : memref<!tpu.dma_semaphore, #tpu.memory_space<semaphore_mem>>)
      %dma_wait3A = arith.constant 0 : i32
      %dma_wait3A_113 = arith.constant 0 : i32
      %dma_wait3A_114 = tpu.memref_slice %arg3[%add3A_1, %arg1, %run_scoped3A, %dma_wait3A, %dma_wait3A_113] : memref<4x16x2x50x100xi32, #tpu.memory_space<hbm>> -> memref<1x1x1x50x100xi32, #tpu.memory_space<hbm>>
      %dma_wait3A_115 = tpu.memref_squeeze %dma_wait3A_114 : memref<1x1x1x50x100xi32, #tpu.memory_space<hbm>> -> memref<50x100xi32, #tpu.memory_space<hbm>>
      %dma_wait3A_116 = arith.constant 0 : i32
      %dma_wait3A_117 = arith.constant 0 : i32
      %dma_wait3A_118 = tpu.memref_slice %arg3[%add3A_1, %arg1, %run_scoped3A, %dma_wait3A_116, %dma_wait3A_117] : memref<4x16x2x50x100xi32, #tpu.memory_space<hbm>> -> memref<1x1x1x50x100xi32, #tpu.memory_space<hbm>>
      %dma_wait3A_119 = tpu.memref_squeeze %dma_wait3A_118 : memref<1x1x1x50x100xi32, #tpu.memory_space<hbm>> -> memref<50x100xi32, #tpu.memory_space<hbm>>
      tpu.wait_dma2 semaphore(%run_scoped3A_104 : memref<!tpu.dma_semaphore, #tpu.memory_space<semaphore_mem>>) src(%dma_wait3A_119 : memref<50x100xi32, #tpu.memory_space<hbm>>) dst(%arg6 : memref<50x100xi32, #tpu.memory_space<vmem>>)
      tpu.yield
    }) : () -> ()
    %run_scoped3A_8 = arith.constant 0 : i32
    "tpu.region"() ({
      %run_scoped3A_104 = tpu.sem_alloc : memref<!tpu.dma_semaphore, #tpu.memory_space<semaphore_mem>>
      %dma_start3A_105 = arith.constant 0 : i32
      %dma_start3A_106 = arith.constant 0 : i32
      %dma_start3A_107 = tpu.memref_slice %arg4[%arg1, %run_scoped3A_8, %dma_start3A_105, %dma_start3A_106] : memref<16x2x50x100xi32, #tpu.memory_space<hbm>> -> memref<1x1x50x100xi32, #tpu.memory_space<hbm>>
      %dma_start3A_108 = tpu.memref_squeeze %dma_start3A_107 : memref<1x1x50x100xi32, #tpu.memory_space<hbm>> -> memref<50x100xi32, #tpu.memory_space<hbm>>
      %dma_start3A_109 = arith.constant 0 : i32
      %dma_start3A_110 = arith.constant 0 : i32
      %dma_start3A_111 = tpu.memref_slice %arg4[%arg1, %run_scoped3A_8, %dma_start3A_109, %dma_start3A_110] : memref<16x2x50x100xi32, #tpu.memory_space<hbm>> -> memref<1x1x50x100xi32, #tpu.memory_space<hbm>>
      %dma_start3A_112 = tpu.memref_squeeze %dma_start3A_111 : memref<1x1x50x100xi32, #tpu.memory_space<hbm>> -> memref<50x100xi32, #tpu.memory_space<hbm>>
      tpu.enqueue_dma source(%dma_start3A_112 : memref<50x100xi32, #tpu.memory_space<hbm>>) target(%arg7 : memref<50x100xi32, #tpu.memory_space<vmem>>) target_semaphore(%run_scoped3A_104 : memref<!tpu.dma_semaphore, #tpu.memory_space<semaphore_mem>>)
      %dma_wait3A = arith.constant 0 : i32
      %dma_wait3A_113 = arith.constant 0 : i32
      %dma_wait3A_114 = tpu.memref_slice %arg4[%arg1, %run_scoped3A_8, %dma_wait3A, %dma_wait3A_113] : memref<16x2x50x100xi32, #tpu.memory_space<hbm>> -> memref<1x1x50x100xi32, #tpu.memory_space<hbm>>
      %dma_wait3A_115 = tpu.memref_squeeze %dma_wait3A_114 : memref<1x1x50x100xi32, #tpu.memory_space<hbm>> -> memref<50x100xi32, #tpu.memory_space<hbm>>
      %dma_wait3A_116 = arith.constant 0 : i32
      %dma_wait3A_117 = arith.constant 0 : i32
      %dma_wait3A_118 = tpu.memref_slice %arg4[%arg1, %run_scoped3A_8, %dma_wait3A_116, %dma_wait3A_117] : memref<16x2x50x100xi32, #tpu.memory_space<hbm>> -> memref<1x1x50x100xi32, #tpu.memory_space<hbm>>
      %dma_wait3A_119 = tpu.memref_squeeze %dma_wait3A_118 : memref<1x1x50x100xi32, #tpu.memory_space<hbm>> -> memref<50x100xi32, #tpu.memory_space<hbm>>
      tpu.wait_dma2 semaphore(%run_scoped3A_104 : memref<!tpu.dma_semaphore, #tpu.memory_space<semaphore_mem>>) src(%dma_wait3A_119 : memref<50x100xi32, #tpu.memory_space<hbm>>) dst(%arg7 : memref<50x100xi32, #tpu.memory_space<vmem>>)
      tpu.yield
    }) : () -> ()
    %dma_start3A = arith.constant 0 : i32
    %dma_start3A_9 = arith.constant 0 : i32
    %dma_start3A_10 = tpu.memref_slice %arg6[%dma_start3A, %dma_start3A_9] : memref<50x100xi32, #tpu.memory_space<vmem>> -> memref<1x100xi32, #tpu.memory_space<vmem>>
    %dma_start3A_11 = tpu.memref_squeeze %dma_start3A_10 : memref<1x100xi32, #tpu.memory_space<vmem>> -> memref<100xi32, #tpu.memory_space<vmem>>
    %dma_start3A_12 = arith.constant 0 : i32
    %dma_start3A_13 = arith.constant 0 : i32
    %dma_start3A_14 = tpu.memref_slice %arg2[%dma_start3A_12, %dma_start3A_13] : memref<40000x128xf32, #tpu.memory_space<hbm>> -> memref<40000x128xf32, #tpu.memory_space<hbm>>
    tpu.enqueue_indirect_dma source(%dma_start3A_14 : memref<40000x128xf32, #tpu.memory_space<hbm>>) target(%arg8 : memref<100x128xf32, #tpu.memory_space<vmem>>) offsets(%dma_start3A_11 : memref<100xi32, #tpu.memory_space<vmem>>) semaphore(%arg11 : memref<!tpu.dma_semaphore, #tpu.memory_space<semaphore_mem>>)
    %scan3A = arith.constant 0 : i32
    %scan3A_15 = arith.constant 0 : i32
    %scan3A_16 = arith.constant 25 : i32
    %scan3A_17 = arith.addi %scan3A_15, %scan3A_16 : i32
    %scan3A_18 = arith.constant 1 : i32
    scf.for %scan3A_104 = %scan3A_15 to %scan3A_17 step %scan3A_18  : i32 {
      %mul3A_105 = arith.constant 2 : i32
      %mul3A_106 = arith.muli %scan3A_104, %mul3A_105 : i32
      %add3A_107 = arith.constant 1 : i32
      %add3A_108 = arith.addi %mul3A_106, %add3A_107 : i32
      %dma_start3A_109 = arith.constant 0 : i32
      %dma_start3A_110 = tpu.memref_slice %arg6[%add3A_108, %dma_start3A_109] : memref<50x100xi32, #tpu.memory_space<vmem>> -> memref<1x100xi32, #tpu.memory_space<vmem>>
      %dma_start3A_111 = tpu.memref_squeeze %dma_start3A_110 : memref<1x100xi32, #tpu.memory_space<vmem>> -> memref<100xi32, #tpu.memory_space<vmem>>
      %dma_start3A_112 = arith.constant 0 : i32
      %dma_start3A_113 = arith.constant 0 : i32
      %dma_start3A_114 = tpu.memref_slice %arg2[%dma_start3A_112, %dma_start3A_113] : memref<40000x128xf32, #tpu.memory_space<hbm>> -> memref<40000x128xf32, #tpu.memory_space<hbm>>
      tpu.enqueue_indirect_dma source(%dma_start3A_114 : memref<40000x128xf32, #tpu.memory_space<hbm>>) target(%arg9 : memref<100x128xf32, #tpu.memory_space<vmem>>) offsets(%dma_start3A_111 : memref<100xi32, #tpu.memory_space<vmem>>) semaphore(%arg12 : memref<!tpu.dma_semaphore, #tpu.memory_space<semaphore_mem>>)
      %dma_wait3A = arith.constant 0 : i32
      %dma_wait3A_115 = tpu.memref_slice %arg6[%mul3A_106, %dma_wait3A] : memref<50x100xi32, #tpu.memory_space<vmem>> -> memref<1x100xi32, #tpu.memory_space<vmem>>
      %dma_wait3A_116 = tpu.memref_squeeze %dma_wait3A_115 : memref<1x100xi32, #tpu.memory_space<vmem>> -> memref<100xi32, #tpu.memory_space<vmem>>
      %dma_wait3A_117 = arith.constant 0 : i32
      %dma_wait3A_118 = arith.constant 0 : i32
      %dma_wait3A_119 = tpu.memref_slice %arg2[%dma_wait3A_117, %dma_wait3A_118] : memref<40000x128xf32, #tpu.memory_space<hbm>> -> memref<40000x128xf32, #tpu.memory_space<hbm>>
      tpu.wait_indirect_dma semaphore(%arg11 : memref<!tpu.dma_semaphore, #tpu.memory_space<semaphore_mem>>) src(%dma_wait3A_119 : memref<40000x128xf32, #tpu.memory_space<hbm>>) dst(%arg8 : memref<100x128xf32, #tpu.memory_space<vmem>>)
      "tpu.region"() ({
        %run_scoped3A_133 = tpu.sem_alloc : memref<!tpu.dma_semaphore, #tpu.memory_space<semaphore_mem>>
        %dma_start3A_134 = arith.constant 0 : i32
        %dma_start3A_135 = tpu.memref_slice %arg7[%mul3A_106, %dma_start3A_134] : memref<50x100xi32, #tpu.memory_space<vmem>> -> memref<1x100xi32, #tpu.memory_space<vmem>>
        %dma_start3A_136 = tpu.memref_squeeze %dma_start3A_135 : memref<1x100xi32, #tpu.memory_space<vmem>> -> memref<100xi32, #tpu.memory_space<vmem>>
        %dma_start3A_137 = arith.constant 0 : i32
        %dma_start3A_138 = arith.constant 0 : i32
        %dma_start3A_139 = tpu.memref_slice %arg10[%dma_start3A_137, %dma_start3A_138] : memref<10000x128xf32, #tpu.memory_space<vmem_shared>> -> memref<10000x128xf32, #tpu.memory_space<vmem_shared>>
        tpu.enqueue_indirect_dma source(%arg8 : memref<100x128xf32, #tpu.memory_space<vmem>>) target(%dma_start3A_139 : memref<10000x128xf32, #tpu.memory_space<vmem_shared>>) offsets(%dma_start3A_136 : memref<100xi32, #tpu.memory_space<vmem>>) semaphore(%run_scoped3A_133 : memref<!tpu.dma_semaphore, #tpu.memory_space<semaphore_mem>>) {add = true}
        %dma_wait3A_140 = arith.constant 0 : i32
        %dma_wait3A_141 = tpu.memref_slice %arg7[%mul3A_106, %dma_wait3A_140] : memref<50x100xi32, #tpu.memory_space<vmem>> -> memref<1x100xi32, #tpu.memory_space<vmem>>
        %dma_wait3A_142 = tpu.memref_squeeze %dma_wait3A_141 : memref<1x100xi32, #tpu.memory_space<vmem>> -> memref<100xi32, #tpu.memory_space<vmem>>
        %dma_wait3A_143 = arith.constant 0 : i32
        %dma_wait3A_144 = arith.constant 0 : i32
        %dma_wait3A_145 = tpu.memref_slice %arg10[%dma_wait3A_143, %dma_wait3A_144] : memref<10000x128xf32, #tpu.memory_space<vmem_shared>> -> memref<10000x128xf32, #tpu.memory_space<vmem_shared>>
        tpu.wait_indirect_dma semaphore(%run_scoped3A_133 : memref<!tpu.dma_semaphore, #tpu.memory_space<semaphore_mem>>) src(%arg8 : memref<100x128xf32, #tpu.memory_space<vmem>>) dst(%dma_wait3A_145 : memref<10000x128xf32, #tpu.memory_space<vmem_shared>>)
        tpu.yield
      }) : () -> ()
      %add3A_120 = arith.constant 1 : i32
      %add3A_121 = arith.addi %add3A_108, %add3A_120 : i32
      %lt3A_122 = arith.constant 50 : i32
      %lt3A_123 = arith.cmpi slt, %add3A_121, %lt3A_122 : i32
      %convert_element_type3A_124 = arith.extui %lt3A_123 : i1 to i32
      %cond3A_125 = arith.constant 0 : i32
      %cond3A_126 = arith.cmpi ne, %convert_element_type3A_124, %cond3A_125 : i32
      scf.if %cond3A_126 {
        %add3A_133 = arith.constant 1 : i32
        %add3A_134 = arith.addi %add3A_108, %add3A_133 : i32
        %dma_start3A_135 = arith.constant 0 : i32
        %dma_start3A_136 = tpu.memref_slice %arg6[%add3A_134, %dma_start3A_135] : memref<50x100xi32, #tpu.memory_space<vmem>> -> memref<1x100xi32, #tpu.memory_space<vmem>>
        %dma_start3A_137 = tpu.memref_squeeze %dma_start3A_136 : memref<1x100xi32, #tpu.memory_space<vmem>> -> memref<100xi32, #tpu.memory_space<vmem>>
        %dma_start3A_138 = arith.constant 0 : i32
        %dma_start3A_139 = arith.constant 0 : i32
        %dma_start3A_140 = tpu.memref_slice %arg2[%dma_start3A_138, %dma_start3A_139] : memref<40000x128xf32, #tpu.memory_space<hbm>> -> memref<40000x128xf32, #tpu.memory_space<hbm>>
        tpu.enqueue_indirect_dma source(%dma_start3A_140 : memref<40000x128xf32, #tpu.memory_space<hbm>>) target(%arg8 : memref<100x128xf32, #tpu.memory_space<vmem>>) offsets(%dma_start3A_137 : memref<100xi32, #tpu.memory_space<vmem>>) semaphore(%arg11 : memref<!tpu.dma_semaphore, #tpu.memory_space<semaphore_mem>>)
      } else {
      }
      %dma_wait3A_127 = arith.constant 0 : i32
      %dma_wait3A_128 = tpu.memref_slice %arg6[%add3A_108, %dma_wait3A_127] : memref<50x100xi32, #tpu.memory_space<vmem>> -> memref<1x100xi32, #tpu.memory_space<vmem>>
      %dma_wait3A_129 = tpu.memref_squeeze %dma_wait3A_128 : memref<1x100xi32, #tpu.memory_space<vmem>> -> memref<100xi32, #tpu.memory_space<vmem>>
      %dma_wait3A_130 = arith.constant 0 : i32
      %dma_wait3A_131 = arith.constant 0 : i32
      %dma_wait3A_132 = tpu.memref_slice %arg2[%dma_wait3A_130, %dma_wait3A_131] : memref<40000x128xf32, #tpu.memory_space<hbm>> -> memref<40000x128xf32, #tpu.memory_space<hbm>>
      tpu.wait_indirect_dma semaphore(%arg12 : memref<!tpu.dma_semaphore, #tpu.memory_space<semaphore_mem>>) src(%dma_wait3A_132 : memref<40000x128xf32, #tpu.memory_space<hbm>>) dst(%arg9 : memref<100x128xf32, #tpu.memory_space<vmem>>)
      "tpu.region"() ({
        %run_scoped3A_133 = tpu.sem_alloc : memref<!tpu.dma_semaphore, #tpu.memory_space<semaphore_mem>>
        %dma_start3A_134 = arith.constant 0 : i32
        %dma_start3A_135 = tpu.memref_slice %arg7[%add3A_108, %dma_start3A_134] : memref<50x100xi32, #tpu.memory_space<vmem>> -> memref<1x100xi32, #tpu.memory_space<vmem>>
        %dma_start3A_136 = tpu.memref_squeeze %dma_start3A_135 : memref<1x100xi32, #tpu.memory_space<vmem>> -> memref<100xi32, #tpu.memory_space<vmem>>
        %dma_start3A_137 = arith.constant 0 : i32
        %dma_start3A_138 = arith.constant 0 : i32
        %dma_start3A_139 = tpu.memref_slice %arg10[%dma_start3A_137, %dma_start3A_138] : memref<10000x128xf32, #tpu.memory_space<vmem_shared>> -> memref<10000x128xf32, #tpu.memory_space<vmem_shared>>
        tpu.enqueue_indirect_dma source(%arg9 : memref<100x128xf32, #tpu.memory_space<vmem>>) target(%dma_start3A_139 : memref<10000x128xf32, #tpu.memory_space<vmem_shared>>) offsets(%dma_start3A_136 : memref<100xi32, #tpu.memory_space<vmem>>) semaphore(%run_scoped3A_133 : memref<!tpu.dma_semaphore, #tpu.memory_space<semaphore_mem>>) {add = true}
        %dma_wait3A_140 = arith.constant 0 : i32
        %dma_wait3A_141 = tpu.memref_slice %arg7[%add3A_108, %dma_wait3A_140] : memref<50x100xi32, #tpu.memory_space<vmem>> -> memref<1x100xi32, #tpu.memory_space<vmem>>
        %dma_wait3A_142 = tpu.memref_squeeze %dma_wait3A_141 : memref<1x100xi32, #tpu.memory_space<vmem>> -> memref<100xi32, #tpu.memory_space<vmem>>
        %dma_wait3A_143 = arith.constant 0 : i32
        %dma_wait3A_144 = arith.constant 0 : i32
        %dma_wait3A_145 = tpu.memref_slice %arg10[%dma_wait3A_143, %dma_wait3A_144] : memref<10000x128xf32, #tpu.memory_space<vmem_shared>> -> memref<10000x128xf32, #tpu.memory_space<vmem_shared>>
        tpu.wait_indirect_dma semaphore(%run_scoped3A_133 : memref<!tpu.dma_semaphore, #tpu.memory_space<semaphore_mem>>) src(%arg9 : memref<100x128xf32, #tpu.memory_space<vmem>>) dst(%dma_wait3A_145 : memref<10000x128xf32, #tpu.memory_space<vmem_shared>>)
        tpu.yield
      }) : () -> ()
    }
    %scan3A_19 = arith.constant 25 : i32
    %run_scoped3A_20 = arith.constant 1 : i32
    "tpu.region"() ({
      %run_scoped3A_104 = tpu.sem_alloc : memref<!tpu.dma_semaphore, #tpu.memory_space<semaphore_mem>>
      %dma_start3A_105 = arith.constant 0 : i32
      %dma_start3A_106 = arith.constant 0 : i32
      %dma_start3A_107 = tpu.memref_slice %arg3[%add3A_1, %arg1, %run_scoped3A_20, %dma_start3A_105, %dma_start3A_106] : memref<4x16x2x50x100xi32, #tpu.memory_space<hbm>> -> memref<1x1x1x50x100xi32, #tpu.memory_space<hbm>>
      %dma_start3A_108 = tpu.memref_squeeze %dma_start3A_107 : memref<1x1x1x50x100xi32, #tpu.memory_space<hbm>> -> memref<50x100xi32, #tpu.memory_space<hbm>>
      %dma_start3A_109 = arith.constant 0 : i32
      %dma_start3A_110 = arith.constant 0 : i32
      %dma_start3A_111 = tpu.memref_slice %arg3[%add3A_1, %arg1, %run_scoped3A_20, %dma_start3A_109, %dma_start3A_110] : memref<4x16x2x50x100xi32, #tpu.memory_space<hbm>> -> memref<1x1x1x50x100xi32, #tpu.memory_space<hbm>>
      %dma_start3A_112 = tpu.memref_squeeze %dma_start3A_111 : memref<1x1x1x50x100xi32, #tpu.memory_space<hbm>> -> memref<50x100xi32, #tpu.memory_space<hbm>>
      tpu.enqueue_dma source(%dma_start3A_112 : memref<50x100xi32, #tpu.memory_space<hbm>>) target(%arg6 : memref<50x100xi32, #tpu.memory_space<vmem>>) target_semaphore(%run_scoped3A_104 : memref<!tpu.dma_semaphore, #tpu.memory_space<semaphore_mem>>)
      %dma_wait3A = arith.constant 0 : i32
      %dma_wait3A_113 = arith.constant 0 : i32
      %dma_wait3A_114 = tpu.memref_slice %arg3[%add3A_1, %arg1, %run_scoped3A_20, %dma_wait3A, %dma_wait3A_113] : memref<4x16x2x50x100xi32, #tpu.memory_space<hbm>> -> memref<1x1x1x50x100xi32, #tpu.memory_space<hbm>>
      %dma_wait3A_115 = tpu.memref_squeeze %dma_wait3A_114 : memref<1x1x1x50x100xi32, #tpu.memory_space<hbm>> -> memref<50x100xi32, #tpu.memory_space<hbm>>
      %dma_wait3A_116 = arith.constant 0 : i32
      %dma_wait3A_117 = arith.constant 0 : i32
      %dma_wait3A_118 = tpu.memref_slice %arg3[%add3A_1, %arg1, %run_scoped3A_20, %dma_wait3A_116, %dma_wait3A_117] : memref<4x16x2x50x100xi32, #tpu.memory_space<hbm>> -> memref<1x1x1x50x100xi32, #tpu.memory_space<hbm>>
      %dma_wait3A_119 = tpu.memref_squeeze %dma_wait3A_118 : memref<1x1x1x50x100xi32, #tpu.memory_space<hbm>> -> memref<50x100xi32, #tpu.memory_space<hbm>>
      tpu.wait_dma2 semaphore(%run_scoped3A_104 : memref<!tpu.dma_semaphore, #tpu.memory_space<semaphore_mem>>) src(%dma_wait3A_119 : memref<50x100xi32, #tpu.memory_space<hbm>>) dst(%arg6 : memref<50x100xi32, #tpu.memory_space<vmem>>)
      tpu.yield
    }) : () -> ()
    %run_scoped3A_21 = arith.constant 1 : i32
    "tpu.region"() ({
      %run_scoped3A_104 = tpu.sem_alloc : memref<!tpu.dma_semaphore, #tpu.memory_space<semaphore_mem>>
      %dma_start3A_105 = arith.constant 0 : i32
      %dma_start3A_106 = arith.constant 0 : i32
      %dma_start3A_107 = tpu.memref_slice %arg4[%arg1, %run_scoped3A_21, %dma_start3A_105, %dma_start3A_106] : memref<16x2x50x100xi32, #tpu.memory_space<hbm>> -> memref<1x1x50x100xi32, #tpu.memory_space<hbm>>
      %dma_start3A_108 = tpu.memref_squeeze %dma_start3A_107 : memref<1x1x50x100xi32, #tpu.memory_space<hbm>> -> memref<50x100xi32, #tpu.memory_space<hbm>>
      %dma_start3A_109 = arith.constant 0 : i32
      %dma_start3A_110 = arith.constant 0 : i32
      %dma_start3A_111 = tpu.memref_slice %arg4[%arg1, %run_scoped3A_21, %dma_start3A_109, %dma_start3A_110] : memref<16x2x50x100xi32, #tpu.memory_space<hbm>> -> memref<1x1x50x100xi32, #tpu.memory_space<hbm>>
      %dma_start3A_112 = tpu.memref_squeeze %dma_start3A_111 : memref<1x1x50x100xi32, #tpu.memory_space<hbm>> -> memref<50x100xi32, #tpu.memory_space<hbm>>
      tpu.enqueue_dma source(%dma_start3A_112 : memref<50x100xi32, #tpu.memory_space<hbm>>) target(%arg7 : memref<50x100xi32, #tpu.memory_space<vmem>>) target_semaphore(%run_scoped3A_104 : memref<!tpu.dma_semaphore, #tpu.memory_space<semaphore_mem>>)
      %dma_wait3A = arith.constant 0 : i32
      %dma_wait3A_113 = arith.constant 0 : i32
      %dma_wait3A_114 = tpu.memref_slice %arg4[%arg1, %run_scoped3A_21, %dma_wait3A, %dma_wait3A_113] : memref<16x2x50x100xi32, #tpu.memory_space<hbm>> -> memref<1x1x50x100xi32, #tpu.memory_space<hbm>>
      %dma_wait3A_115 = tpu.memref_squeeze %dma_wait3A_114 : memref<1x1x50x100xi32, #tpu.memory_space<hbm>> -> memref<50x100xi32, #tpu.memory_space<hbm>>
      %dma_wait3A_116 = arith.constant 0 : i32
      %dma_wait3A_117 = arith.constant 0 : i32
      %dma_wait3A_118 = tpu.memref_slice %arg4[%arg1, %run_scoped3A_21, %dma_wait3A_116, %dma_wait3A_117] : memref<16x2x50x100xi32, #tpu.memory_space<hbm>> -> memref<1x1x50x100xi32, #tpu.memory_space<hbm>>
      %dma_wait3A_119 = tpu.memref_squeeze %dma_wait3A_118 : memref<1x1x50x100xi32, #tpu.memory_space<hbm>> -> memref<50x100xi32, #tpu.memory_space<hbm>>
      tpu.wait_dma2 semaphore(%run_scoped3A_104 : memref<!tpu.dma_semaphore, #tpu.memory_space<semaphore_mem>>) src(%dma_wait3A_119 : memref<50x100xi32, #tpu.memory_space<hbm>>) dst(%arg7 : memref<50x100xi32, #tpu.memory_space<vmem>>)
      tpu.yield
    }) : () -> ()
    %dma_start3A_22 = arith.constant 0 : i32
    %dma_start3A_23 = arith.constant 0 : i32
    %dma_start3A_24 = tpu.memref_slice %arg6[%dma_start3A_22, %dma_start3A_23] : memref<50x100xi32, #tpu.memory_space<vmem>> -> memref<1x100xi32, #tpu.memory_space<vmem>>
    %dma_start3A_25 = tpu.memref_squeeze %dma_start3A_24 : memref<1x100xi32, #tpu.memory_space<vmem>> -> memref<100xi32, #tpu.memory_space<vmem>>
    %dma_start3A_26 = arith.constant 0 : i32
    %dma_start3A_27 = arith.constant 0 : i32
    %dma_start3A_28 = tpu.memref_slice %arg2[%dma_start3A_26, %dma_start3A_27] : memref<40000x128xf32, #tpu.memory_space<hbm>> -> memref<40000x128xf32, #tpu.memory_space<hbm>>
    tpu.enqueue_indirect_dma source(%dma_start3A_28 : memref<40000x128xf32, #tpu.memory_space<hbm>>) target(%arg8 : memref<100x128xf32, #tpu.memory_space<vmem>>) offsets(%dma_start3A_25 : memref<100xi32, #tpu.memory_space<vmem>>) semaphore(%arg11 : memref<!tpu.dma_semaphore, #tpu.memory_space<semaphore_mem>>)
    %scan3A_29 = arith.constant 0 : i32
    %scan3A_30 = arith.constant 0 : i32
    %scan3A_31 = arith.constant 25 : i32
    %scan3A_32 = arith.addi %scan3A_30, %scan3A_31 : i32
    %scan3A_33 = arith.constant 1 : i32
    scf.for %scan3A_104 = %scan3A_30 to %scan3A_32 step %scan3A_33  : i32 {
      %mul3A_105 = arith.constant 2 : i32
      %mul3A_106 = arith.muli %scan3A_104, %mul3A_105 : i32
      %add3A_107 = arith.constant 1 : i32
      %add3A_108 = arith.addi %mul3A_106, %add3A_107 : i32
      %dma_start3A_109 = arith.constant 0 : i32
      %dma_start3A_110 = tpu.memref_slice %arg6[%add3A_108, %dma_start3A_109] : memref<50x100xi32, #tpu.memory_space<vmem>> -> memref<1x100xi32, #tpu.memory_space<vmem>>
      %dma_start3A_111 = tpu.memref_squeeze %dma_start3A_110 : memref<1x100xi32, #tpu.memory_space<vmem>> -> memref<100xi32, #tpu.memory_space<vmem>>
      %dma_start3A_112 = arith.constant 0 : i32
      %dma_start3A_113 = arith.constant 0 : i32
      %dma_start3A_114 = tpu.memref_slice %arg2[%dma_start3A_112, %dma_start3A_113] : memref<40000x128xf32, #tpu.memory_space<hbm>> -> memref<40000x128xf32, #tpu.memory_space<hbm>>
      tpu.enqueue_indirect_dma source(%dma_start3A_114 : memref<40000x128xf32, #tpu.memory_space<hbm>>) target(%arg9 : memref<100x128xf32, #tpu.memory_space<vmem>>) offsets(%dma_start3A_111 : memref<100xi32, #tpu.memory_space<vmem>>) semaphore(%arg12 : memref<!tpu.dma_semaphore, #tpu.memory_space<semaphore_mem>>)
      %dma_wait3A = arith.constant 0 : i32
      %dma_wait3A_115 = tpu.memref_slice %arg6[%mul3A_106, %dma_wait3A] : memref<50x100xi32, #tpu.memory_space<vmem>> -> memref<1x100xi32, #tpu.memory_space<vmem>>
      %dma_wait3A_116 = tpu.memref_squeeze %dma_wait3A_115 : memref<1x100xi32, #tpu.memory_space<vmem>> -> memref<100xi32, #tpu.memory_space<vmem>>
      %dma_wait3A_117 = arith.constant 0 : i32
      %dma_wait3A_118 = arith.constant 0 : i32
      %dma_wait3A_119 = tpu.memref_slice %arg2[%dma_wait3A_117, %dma_wait3A_118] : memref<40000x128xf32, #tpu.memory_space<hbm>> -> memref<40000x128xf32, #tpu.memory_space<hbm>>
      tpu.wait_indirect_dma semaphore(%arg11 : memref<!tpu.dma_semaphore, #tpu.memory_space<semaphore_mem>>) src(%dma_wait3A_119 : memref<40000x128xf32, #tpu.memory_space<hbm>>) dst(%arg8 : memref<100x128xf32, #tpu.memory_space<vmem>>)
      "tpu.region"() ({
        %run_scoped3A_133 = tpu.sem_alloc : memref<!tpu.dma_semaphore, #tpu.memory_space<semaphore_mem>>
        %dma_start3A_134 = arith.constant 0 : i32
        %dma_start3A_135 = tpu.memref_slice %arg7[%mul3A_106, %dma_start3A_134] : memref<50x100xi32, #tpu.memory_space<vmem>> -> memref<1x100xi32, #tpu.memory_space<vmem>>
        %dma_start3A_136 = tpu.memref_squeeze %dma_start3A_135 : memref<1x100xi32, #tpu.memory_space<vmem>> -> memref<100xi32, #tpu.memory_space<vmem>>
        %dma_start3A_137 = arith.constant 0 : i32
        %dma_start3A_138 = arith.constant 0 : i32
        %dma_start3A_139 = tpu.memref_slice %arg10[%dma_start3A_137, %dma_start3A_138] : memref<10000x128xf32, #tpu.memory_space<vmem_shared>> -> memref<10000x128xf32, #tpu.memory_space<vmem_shared>>
        tpu.enqueue_indirect_dma source(%arg8 : memref<100x128xf32, #tpu.memory_space<vmem>>) target(%dma_start3A_139 : memref<10000x128xf32, #tpu.memory_space<vmem_shared>>) offsets(%dma_start3A_136 : memref<100xi32, #tpu.memory_space<vmem>>) semaphore(%run_scoped3A_133 : memref<!tpu.dma_semaphore, #tpu.memory_space<semaphore_mem>>) {add = true}
        %dma_wait3A_140 = arith.constant 0 : i32
        %dma_wait3A_141 = tpu.memref_slice %arg7[%mul3A_106, %dma_wait3A_140] : memref<50x100xi32, #tpu.memory_space<vmem>> -> memref<1x100xi32, #tpu.memory_space<vmem>>
        %dma_wait3A_142 = tpu.memref_squeeze %dma_wait3A_141 : memref<1x100xi32, #tpu.memory_space<vmem>> -> memref<100xi32, #tpu.memory_space<vmem>>
        %dma_wait3A_143 = arith.constant 0 : i32
        %dma_wait3A_144 = arith.constant 0 : i32
        %dma_wait3A_145 = tpu.memref_slice %arg10[%dma_wait3A_143, %dma_wait3A_144] : memref<10000x128xf32, #tpu.memory_space<vmem_shared>> -> memref<10000x128xf32, #tpu.memory_space<vmem_shared>>
        tpu.wait_indirect_dma semaphore(%run_scoped3A_133 : memref<!tpu.dma_semaphore, #tpu.memory_space<semaphore_mem>>) src(%arg8 : memref<100x128xf32, #tpu.memory_space<vmem>>) dst(%dma_wait3A_145 : memref<10000x128xf32, #tpu.memory_space<vmem_shared>>)
        tpu.yield
      }) : () -> ()
      %add3A_120 = arith.constant 1 : i32
      %add3A_121 = arith.addi %add3A_108, %add3A_120 : i32
      %lt3A_122 = arith.constant 50 : i32
      %lt3A_123 = arith.cmpi slt, %add3A_121, %lt3A_122 : i32
      %convert_element_type3A_124 = arith.extui %lt3A_123 : i1 to i32
      %cond3A_125 = arith.constant 0 : i32
      %cond3A_126 = arith.cmpi ne, %convert_element_type3A_124, %cond3A_125 : i32
      scf.if %cond3A_126 {
        %add3A_133 = arith.constant 1 : i32
        %add3A_134 = arith.addi %add3A_108, %add3A_133 : i32
        %dma_start3A_135 = arith.constant 0 : i32
        %dma_start3A_136 = tpu.memref_slice %arg6[%add3A_134, %dma_start3A_135] : memref<50x100xi32, #tpu.memory_space<vmem>> -> memref<1x100xi32, #tpu.memory_space<vmem>>
        %dma_start3A_137 = tpu.memref_squeeze %dma_start3A_136 : memref<1x100xi32, #tpu.memory_space<vmem>> -> memref<100xi32, #tpu.memory_space<vmem>>
        %dma_start3A_138 = arith.constant 0 : i32
        %dma_start3A_139 = arith.constant 0 : i32
        %dma_start3A_140 = tpu.memref_slice %arg2[%dma_start3A_138, %dma_start3A_139] : memref<40000x128xf32, #tpu.memory_space<hbm>> -> memref<40000x128xf32, #tpu.memory_space<hbm>>
        tpu.enqueue_indirect_dma source(%dma_start3A_140 : memref<40000x128xf32, #tpu.memory_space<hbm>>) target(%arg8 : memref<100x128xf32, #tpu.memory_space<vmem>>) offsets(%dma_start3A_137 : memref<100xi32, #tpu.memory_space<vmem>>) semaphore(%arg11 : memref<!tpu.dma_semaphore, #tpu.memory_space<semaphore_mem>>)
      } else {
      }
      %dma_wait3A_127 = arith.constant 0 : i32
      %dma_wait3A_128 = tpu.memref_slice %arg6[%add3A_108, %dma_wait3A_127] : memref<50x100xi32, #tpu.memory_space<vmem>> -> memref<1x100xi32, #tpu.memory_space<vmem>>
      %dma_wait3A_129 = tpu.memref_squeeze %dma_wait3A_128 : memref<1x100xi32, #tpu.memory_space<vmem>> -> memref<100xi32, #tpu.memory_space<vmem>>
      %dma_wait3A_130 = arith.constant 0 : i32
      %dma_wait3A_131 = arith.constant 0 : i32
      %dma_wait3A_132 = tpu.memref_slice %arg2[%dma_wait3A_130, %dma_wait3A_131] : memref<40000x128xf32, #tpu.memory_space<hbm>> -> memref<40000x128xf32, #tpu.memory_space<hbm>>
      tpu.wait_indirect_dma semaphore(%arg12 : memref<!tpu.dma_semaphore, #tpu.memory_space<semaphore_mem>>) src(%dma_wait3A_132 : memref<40000x128xf32, #tpu.memory_space<hbm>>) dst(%arg9 : memref<100x128xf32, #tpu.memory_space<vmem>>)
      "tpu.region"() ({
        %run_scoped3A_133 = tpu.sem_alloc : memref<!tpu.dma_semaphore, #tpu.memory_space<semaphore_mem>>
        %dma_start3A_134 = arith.constant 0 : i32
        %dma_start3A_135 = tpu.memref_slice %arg7[%add3A_108, %dma_start3A_134] : memref<50x100xi32, #tpu.memory_space<vmem>> -> memref<1x100xi32, #tpu.memory_space<vmem>>
        %dma_start3A_136 = tpu.memref_squeeze %dma_start3A_135 : memref<1x100xi32, #tpu.memory_space<vmem>> -> memref<100xi32, #tpu.memory_space<vmem>>
        %dma_start3A_137 = arith.constant 0 : i32
        %dma_start3A_138 = arith.constant 0 : i32
        %dma_start3A_139 = tpu.memref_slice %arg10[%dma_start3A_137, %dma_start3A_138] : memref<10000x128xf32, #tpu.memory_space<vmem_shared>> -> memref<10000x128xf32, #tpu.memory_space<vmem_shared>>
        tpu.enqueue_indirect_dma source(%arg9 : memref<100x128xf32, #tpu.memory_space<vmem>>) target(%dma_start3A_139 : memref<10000x128xf32, #tpu.memory_space<vmem_shared>>) offsets(%dma_start3A_136 : memref<100xi32, #tpu.memory_space<vmem>>) semaphore(%run_scoped3A_133 : memref<!tpu.dma_semaphore, #tpu.memory_space<semaphore_mem>>) {add = true}
        %dma_wait3A_140 = arith.constant 0 : i32
        %dma_wait3A_141 = tpu.memref_slice %arg7[%add3A_108, %dma_wait3A_140] : memref<50x100xi32, #tpu.memory_space<vmem>> -> memref<1x100xi32, #tpu.memory_space<vmem>>
        %dma_wait3A_142 = tpu.memref_squeeze %dma_wait3A_141 : memref<1x100xi32, #tpu.memory_space<vmem>> -> memref<100xi32, #tpu.memory_space<vmem>>
        %dma_wait3A_143 = arith.constant 0 : i32
        %dma_wait3A_144 = arith.constant 0 : i32
        %dma_wait3A_145 = tpu.memref_slice %arg10[%dma_wait3A_143, %dma_wait3A_144] : memref<10000x128xf32, #tpu.memory_space<vmem_shared>> -> memref<10000x128xf32, #tpu.memory_space<vmem_shared>>
        tpu.wait_indirect_dma semaphore(%run_scoped3A_133 : memref<!tpu.dma_semaphore, #tpu.memory_space<semaphore_mem>>) src(%arg9 : memref<100x128xf32, #tpu.memory_space<vmem>>) dst(%dma_wait3A_145 : memref<10000x128xf32, #tpu.memory_space<vmem_shared>>)
        tpu.yield
      }) : () -> ()
    }
    %scan3A_34 = arith.constant 25 : i32
    %barrier3A_35 = arith.constant 0 : index
    tpu.barrier barrier_id(%barrier3A_35)
    %lt3A_36 = arith.constant 15 : i32
    %lt3A_37 = arith.cmpi slt, %arg1, %lt3A_36 : i32
    %convert_element_type3A_38 = arith.extui %lt3A_37 : i1 to i32
    %cond3A_39 = arith.constant 0 : i32
    %cond3A_40 = arith.cmpi ne, %convert_element_type3A_38, %cond3A_39 : i32
    scf.if %cond3A_40 {
      %mul3A_104 = arith.constant 10000 : i32
      %mul3A_105 = arith.muli %add3A_1, %mul3A_104 : i32
      %mul3A_106 = arith.constant 632 : i32
      %mul3A_107 = arith.muli %arg1, %mul3A_106 : i32
      %add3A_108 = arith.addi %mul3A_105, %mul3A_107 : i32
      %multiple_of3A = tpu.assume_multiple %add3A_108, 8 : i32
      %mul3A_109 = arith.constant 632 : i32
      %mul3A_110 = arith.muli %arg1, %mul3A_109 : i32
      %multiple_of3A_111 = tpu.assume_multiple %mul3A_110, 8 : i32
      "tpu.region"() ({
        %run_scoped3A_112 = tpu.sem_alloc : memref<!tpu.dma_semaphore, #tpu.memory_space<semaphore_mem>>
        %dma_start3A_113 = arith.constant 0 : i32
        %dma_start3A_114 = tpu.memref_slice %arg5[%multiple_of3A, %dma_start3A_113] : memref<40000x128xf32, #tpu.memory_space<hbm>> -> memref<632x128xf32, #tpu.memory_space<hbm>>
        %dma_start3A_115 = arith.constant 0 : i32
        %dma_start3A_116 = tpu.memref_slice %arg10[%multiple_of3A_111, %dma_start3A_115] : memref<10000x128xf32, #tpu.memory_space<vmem_shared>> -> memref<632x128xf32, #tpu.memory_space<vmem_shared>>
        tpu.enqueue_dma source(%dma_start3A_116 : memref<632x128xf32, #tpu.memory_space<vmem_shared>>) target(%dma_start3A_114 : memref<632x128xf32, #tpu.memory_space<hbm>>) target_semaphore(%run_scoped3A_112 : memref<!tpu.dma_semaphore, #tpu.memory_space<semaphore_mem>>)
        %dma_wait3A = arith.constant 0 : i32
        %dma_wait3A_117 = tpu.memref_slice %arg5[%multiple_of3A, %dma_wait3A] : memref<40000x128xf32, #tpu.memory_space<hbm>> -> memref<632x128xf32, #tpu.memory_space<hbm>>
        %dma_wait3A_118 = arith.constant 0 : i32
        %dma_wait3A_119 = tpu.memref_slice %arg10[%multiple_of3A_111, %dma_wait3A_118] : memref<10000x128xf32, #tpu.memory_space<vmem_shared>> -> memref<632x128xf32, #tpu.memory_space<vmem_shared>>
        tpu.wait_dma2 semaphore(%run_scoped3A_112 : memref<!tpu.dma_semaphore, #tpu.memory_space<semaphore_mem>>) src(%dma_wait3A_119 : memref<632x128xf32, #tpu.memory_space<vmem_shared>>) dst(%dma_wait3A_117 : memref<632x128xf32, #tpu.memory_space<hbm>>)
        tpu.yield
      }) : () -> ()
    } else {
    }
    %eq3A_41 = arith.constant 15 : i32
    %eq3A_42 = arith.cmpi eq, %arg1, %eq3A_41 : i32
    %convert_element_type3A_43 = arith.extui %eq3A_42 : i1 to i32
    %cond3A_44 = arith.constant 0 : i32
    %cond3A_45 = arith.cmpi ne, %convert_element_type3A_43, %cond3A_44 : i32
    scf.if %cond3A_45 {
      %mul3A_104 = arith.constant 10000 : i32
      %mul3A_105 = arith.muli %add3A_1, %mul3A_104 : i32
      %add3A_106 = arith.constant 9480 : i32
      %add3A_107 = arith.addi %mul3A_105, %add3A_106 : i32
      %multiple_of3A = tpu.assume_multiple %add3A_107, 8 : i32
      "tpu.region"() ({
        %run_scoped3A_108 = tpu.sem_alloc : memref<!tpu.dma_semaphore, #tpu.memory_space<semaphore_mem>>
        %dma_start3A_109 = arith.constant 0 : i32
        %dma_start3A_110 = tpu.memref_slice %arg5[%multiple_of3A, %dma_start3A_109] : memref<40000x128xf32, #tpu.memory_space<hbm>> -> memref<520x128xf32, #tpu.memory_space<hbm>>
        %dma_start3A_111 = arith.constant 9480 : i32
        %dma_start3A_112 = arith.constant 0 : i32
        %dma_start3A_113 = tpu.memref_slice %arg10[%dma_start3A_111, %dma_start3A_112] : memref<10000x128xf32, #tpu.memory_space<vmem_shared>> -> memref<520x128xf32, #tpu.memory_space<vmem_shared>>
        tpu.enqueue_dma source(%dma_start3A_113 : memref<520x128xf32, #tpu.memory_space<vmem_shared>>) target(%dma_start3A_110 : memref<520x128xf32, #tpu.memory_space<hbm>>) target_semaphore(%run_scoped3A_108 : memref<!tpu.dma_semaphore, #tpu.memory_space<semaphore_mem>>)
        %dma_wait3A = arith.constant 0 : i32
        %dma_wait3A_114 = tpu.memref_slice %arg5[%multiple_of3A, %dma_wait3A] : memref<40000x128xf32, #tpu.memory_space<hbm>> -> memref<520x128xf32, #tpu.memory_space<hbm>>
        %dma_wait3A_115 = arith.constant 9480 : i32
        %dma_wait3A_116 = arith.constant 0 : i32
        %dma_wait3A_117 = tpu.memref_slice %arg10[%dma_wait3A_115, %dma_wait3A_116] : memref<10000x128xf32, #tpu.memory_space<vmem_shared>> -> memref<520x128xf32, #tpu.memory_space<vmem_shared>>
        tpu.wait_dma2 semaphore(%run_scoped3A_108 : memref<!tpu.dma_semaphore, #tpu.memory_space<semaphore_mem>>) src(%dma_wait3A_117 : memref<520x128xf32, #tpu.memory_space<vmem_shared>>) dst(%dma_wait3A_114 : memref<520x128xf32, #tpu.memory_space<hbm>>)
        tpu.yield
      }) : () -> ()
    } else {
    }
    %barrier3A_46 = arith.constant 0 : index
    tpu.barrier barrier_id(%barrier3A_46)
    %mul3A_47 = arith.constant 2 : i32
    %mul3A_48 = arith.muli %arg0, %mul3A_47 : i32
    %add3A_49 = arith.constant 1 : i32
    %add3A_50 = arith.addi %mul3A_48, %add3A_49 : i32
    %lt3A_51 = arith.constant 15 : i32
    %lt3A_52 = arith.cmpi slt, %arg1, %lt3A_51 : i32
    %convert_element_type3A_53 = arith.extui %lt3A_52 : i1 to i32
    %cond3A_54 = arith.constant 0 : i32
    %cond3A_55 = arith.cmpi ne, %convert_element_type3A_53, %cond3A_54 : i32
    scf.if %cond3A_55 {
      %mul3A_104 = arith.constant 10000 : i32
      %mul3A_105 = arith.muli %add3A_50, %mul3A_104 : i32
      %mul3A_106 = arith.constant 632 : i32
      %mul3A_107 = arith.muli %arg1, %mul3A_106 : i32
      %add3A_108 = arith.addi %mul3A_105, %mul3A_107 : i32
      %multiple_of3A = tpu.assume_multiple %add3A_108, 8 : i32
      %mul3A_109 = arith.constant 632 : i32
      %mul3A_110 = arith.muli %arg1, %mul3A_109 : i32
      %multiple_of3A_111 = tpu.assume_multiple %mul3A_110, 8 : i32
      "tpu.region"() ({
        %run_scoped3A_112 = tpu.sem_alloc : memref<!tpu.dma_semaphore, #tpu.memory_space<semaphore_mem>>
        %dma_start3A_113 = arith.constant 0 : i32
        %dma_start3A_114 = tpu.memref_slice %arg10[%multiple_of3A_111, %dma_start3A_113] : memref<10000x128xf32, #tpu.memory_space<vmem_shared>> -> memref<632x128xf32, #tpu.memory_space<vmem_shared>>
        %dma_start3A_115 = arith.constant 0 : i32
        %dma_start3A_116 = tpu.memref_slice %arg2[%multiple_of3A, %dma_start3A_115] : memref<40000x128xf32, #tpu.memory_space<hbm>> -> memref<632x128xf32, #tpu.memory_space<hbm>>
        tpu.enqueue_dma source(%dma_start3A_116 : memref<632x128xf32, #tpu.memory_space<hbm>>) target(%dma_start3A_114 : memref<632x128xf32, #tpu.memory_space<vmem_shared>>) target_semaphore(%run_scoped3A_112 : memref<!tpu.dma_semaphore, #tpu.memory_space<semaphore_mem>>)
        %dma_wait3A = arith.constant 0 : i32
        %dma_wait3A_117 = tpu.memref_slice %arg10[%multiple_of3A_111, %dma_wait3A] : memref<10000x128xf32, #tpu.memory_space<vmem_shared>> -> memref<632x128xf32, #tpu.memory_space<vmem_shared>>
        %dma_wait3A_118 = arith.constant 0 : i32
        %dma_wait3A_119 = tpu.memref_slice %arg2[%multiple_of3A, %dma_wait3A_118] : memref<40000x128xf32, #tpu.memory_space<hbm>> -> memref<632x128xf32, #tpu.memory_space<hbm>>
        tpu.wait_dma2 semaphore(%run_scoped3A_112 : memref<!tpu.dma_semaphore, #tpu.memory_space<semaphore_mem>>) src(%dma_wait3A_119 : memref<632x128xf32, #tpu.memory_space<hbm>>) dst(%dma_wait3A_117 : memref<632x128xf32, #tpu.memory_space<vmem_shared>>)
        tpu.yield
      }) : () -> ()
    } else {
    }
    %eq3A_56 = arith.constant 15 : i32
    %eq3A_57 = arith.cmpi eq, %arg1, %eq3A_56 : i32
    %convert_element_type3A_58 = arith.extui %eq3A_57 : i1 to i32
    %cond3A_59 = arith.constant 0 : i32
    %cond3A_60 = arith.cmpi ne, %convert_element_type3A_58, %cond3A_59 : i32
    scf.if %cond3A_60 {
      %mul3A_104 = arith.constant 10000 : i32
      %mul3A_105 = arith.muli %add3A_50, %mul3A_104 : i32
      %add3A_106 = arith.constant 9480 : i32
      %add3A_107 = arith.addi %mul3A_105, %add3A_106 : i32
      %multiple_of3A = tpu.assume_multiple %add3A_107, 8 : i32
      "tpu.region"() ({
        %run_scoped3A_108 = tpu.sem_alloc : memref<!tpu.dma_semaphore, #tpu.memory_space<semaphore_mem>>
        %dma_start3A_109 = arith.constant 9480 : i32
        %dma_start3A_110 = arith.constant 0 : i32
        %dma_start3A_111 = tpu.memref_slice %arg10[%dma_start3A_109, %dma_start3A_110] : memref<10000x128xf32, #tpu.memory_space<vmem_shared>> -> memref<520x128xf32, #tpu.memory_space<vmem_shared>>
        %dma_start3A_112 = arith.constant 0 : i32
        %dma_start3A_113 = tpu.memref_slice %arg2[%multiple_of3A, %dma_start3A_112] : memref<40000x128xf32, #tpu.memory_space<hbm>> -> memref<520x128xf32, #tpu.memory_space<hbm>>
        tpu.enqueue_dma source(%dma_start3A_113 : memref<520x128xf32, #tpu.memory_space<hbm>>) target(%dma_start3A_111 : memref<520x128xf32, #tpu.memory_space<vmem_shared>>) target_semaphore(%run_scoped3A_108 : memref<!tpu.dma_semaphore, #tpu.memory_space<semaphore_mem>>)
        %dma_wait3A = arith.constant 9480 : i32
        %dma_wait3A_114 = arith.constant 0 : i32
        %dma_wait3A_115 = tpu.memref_slice %arg10[%dma_wait3A, %dma_wait3A_114] : memref<10000x128xf32, #tpu.memory_space<vmem_shared>> -> memref<520x128xf32, #tpu.memory_space<vmem_shared>>
        %dma_wait3A_116 = arith.constant 0 : i32
        %dma_wait3A_117 = tpu.memref_slice %arg2[%multiple_of3A, %dma_wait3A_116] : memref<40000x128xf32, #tpu.memory_space<hbm>> -> memref<520x128xf32, #tpu.memory_space<hbm>>
        tpu.wait_dma2 semaphore(%run_scoped3A_108 : memref<!tpu.dma_semaphore, #tpu.memory_space<semaphore_mem>>) src(%dma_wait3A_117 : memref<520x128xf32, #tpu.memory_space<hbm>>) dst(%dma_wait3A_115 : memref<520x128xf32, #tpu.memory_space<vmem_shared>>)
        tpu.yield
      }) : () -> ()
    } else {
    }
    %barrier3A_61 = arith.constant 0 : index
    tpu.barrier barrier_id(%barrier3A_61)
    %run_scoped3A_62 = arith.constant 0 : i32
    "tpu.region"() ({
      %run_scoped3A_104 = tpu.sem_alloc : memref<!tpu.dma_semaphore, #tpu.memory_space<semaphore_mem>>
      %dma_start3A_105 = arith.constant 0 : i32
      %dma_start3A_106 = arith.constant 0 : i32
      %dma_start3A_107 = tpu.memref_slice %arg3[%add3A_50, %arg1, %run_scoped3A_62, %dma_start3A_105, %dma_start3A_106] : memref<4x16x2x50x100xi32, #tpu.memory_space<hbm>> -> memref<1x1x1x50x100xi32, #tpu.memory_space<hbm>>
      %dma_start3A_108 = tpu.memref_squeeze %dma_start3A_107 : memref<1x1x1x50x100xi32, #tpu.memory_space<hbm>> -> memref<50x100xi32, #tpu.memory_space<hbm>>
      %dma_start3A_109 = arith.constant 0 : i32
      %dma_start3A_110 = arith.constant 0 : i32
      %dma_start3A_111 = tpu.memref_slice %arg3[%add3A_50, %arg1, %run_scoped3A_62, %dma_start3A_109, %dma_start3A_110] : memref<4x16x2x50x100xi32, #tpu.memory_space<hbm>> -> memref<1x1x1x50x100xi32, #tpu.memory_space<hbm>>
      %dma_start3A_112 = tpu.memref_squeeze %dma_start3A_111 : memref<1x1x1x50x100xi32, #tpu.memory_space<hbm>> -> memref<50x100xi32, #tpu.memory_space<hbm>>
      tpu.enqueue_dma source(%dma_start3A_112 : memref<50x100xi32, #tpu.memory_space<hbm>>) target(%arg6 : memref<50x100xi32, #tpu.memory_space<vmem>>) target_semaphore(%run_scoped3A_104 : memref<!tpu.dma_semaphore, #tpu.memory_space<semaphore_mem>>)
      %dma_wait3A = arith.constant 0 : i32
      %dma_wait3A_113 = arith.constant 0 : i32
      %dma_wait3A_114 = tpu.memref_slice %arg3[%add3A_50, %arg1, %run_scoped3A_62, %dma_wait3A, %dma_wait3A_113] : memref<4x16x2x50x100xi32, #tpu.memory_space<hbm>> -> memref<1x1x1x50x100xi32, #tpu.memory_space<hbm>>
      %dma_wait3A_115 = tpu.memref_squeeze %dma_wait3A_114 : memref<1x1x1x50x100xi32, #tpu.memory_space<hbm>> -> memref<50x100xi32, #tpu.memory_space<hbm>>
      %dma_wait3A_116 = arith.constant 0 : i32
      %dma_wait3A_117 = arith.constant 0 : i32
      %dma_wait3A_118 = tpu.memref_slice %arg3[%add3A_50, %arg1, %run_scoped3A_62, %dma_wait3A_116, %dma_wait3A_117] : memref<4x16x2x50x100xi32, #tpu.memory_space<hbm>> -> memref<1x1x1x50x100xi32, #tpu.memory_space<hbm>>
      %dma_wait3A_119 = tpu.memref_squeeze %dma_wait3A_118 : memref<1x1x1x50x100xi32, #tpu.memory_space<hbm>> -> memref<50x100xi32, #tpu.memory_space<hbm>>
      tpu.wait_dma2 semaphore(%run_scoped3A_104 : memref<!tpu.dma_semaphore, #tpu.memory_space<semaphore_mem>>) src(%dma_wait3A_119 : memref<50x100xi32, #tpu.memory_space<hbm>>) dst(%arg6 : memref<50x100xi32, #tpu.memory_space<vmem>>)
      tpu.yield
    }) : () -> ()
    %run_scoped3A_63 = arith.constant 0 : i32
    "tpu.region"() ({
      %run_scoped3A_104 = tpu.sem_alloc : memref<!tpu.dma_semaphore, #tpu.memory_space<semaphore_mem>>
      %dma_start3A_105 = arith.constant 0 : i32
      %dma_start3A_106 = arith.constant 0 : i32
      %dma_start3A_107 = tpu.memref_slice %arg4[%arg1, %run_scoped3A_63, %dma_start3A_105, %dma_start3A_106] : memref<16x2x50x100xi32, #tpu.memory_space<hbm>> -> memref<1x1x50x100xi32, #tpu.memory_space<hbm>>
      %dma_start3A_108 = tpu.memref_squeeze %dma_start3A_107 : memref<1x1x50x100xi32, #tpu.memory_space<hbm>> -> memref<50x100xi32, #tpu.memory_space<hbm>>
      %dma_start3A_109 = arith.constant 0 : i32
      %dma_start3A_110 = arith.constant 0 : i32
      %dma_start3A_111 = tpu.memref_slice %arg4[%arg1, %run_scoped3A_63, %dma_start3A_109, %dma_start3A_110] : memref<16x2x50x100xi32, #tpu.memory_space<hbm>> -> memref<1x1x50x100xi32, #tpu.memory_space<hbm>>
      %dma_start3A_112 = tpu.memref_squeeze %dma_start3A_111 : memref<1x1x50x100xi32, #tpu.memory_space<hbm>> -> memref<50x100xi32, #tpu.memory_space<hbm>>
      tpu.enqueue_dma source(%dma_start3A_112 : memref<50x100xi32, #tpu.memory_space<hbm>>) target(%arg7 : memref<50x100xi32, #tpu.memory_space<vmem>>) target_semaphore(%run_scoped3A_104 : memref<!tpu.dma_semaphore, #tpu.memory_space<semaphore_mem>>)
      %dma_wait3A = arith.constant 0 : i32
      %dma_wait3A_113 = arith.constant 0 : i32
      %dma_wait3A_114 = tpu.memref_slice %arg4[%arg1, %run_scoped3A_63, %dma_wait3A, %dma_wait3A_113] : memref<16x2x50x100xi32, #tpu.memory_space<hbm>> -> memref<1x1x50x100xi32, #tpu.memory_space<hbm>>
      %dma_wait3A_115 = tpu.memref_squeeze %dma_wait3A_114 : memref<1x1x50x100xi32, #tpu.memory_space<hbm>> -> memref<50x100xi32, #tpu.memory_space<hbm>>
      %dma_wait3A_116 = arith.constant 0 : i32
      %dma_wait3A_117 = arith.constant 0 : i32
      %dma_wait3A_118 = tpu.memref_slice %arg4[%arg1, %run_scoped3A_63, %dma_wait3A_116, %dma_wait3A_117] : memref<16x2x50x100xi32, #tpu.memory_space<hbm>> -> memref<1x1x50x100xi32, #tpu.memory_space<hbm>>
      %dma_wait3A_119 = tpu.memref_squeeze %dma_wait3A_118 : memref<1x1x50x100xi32, #tpu.memory_space<hbm>> -> memref<50x100xi32, #tpu.memory_space<hbm>>
      tpu.wait_dma2 semaphore(%run_scoped3A_104 : memref<!tpu.dma_semaphore, #tpu.memory_space<semaphore_mem>>) src(%dma_wait3A_119 : memref<50x100xi32, #tpu.memory_space<hbm>>) dst(%arg7 : memref<50x100xi32, #tpu.memory_space<vmem>>)
      tpu.yield
    }) : () -> ()
    %dma_start3A_64 = arith.constant 0 : i32
    %dma_start3A_65 = arith.constant 0 : i32
    %dma_start3A_66 = tpu.memref_slice %arg6[%dma_start3A_64, %dma_start3A_65] : memref<50x100xi32, #tpu.memory_space<vmem>> -> memref<1x100xi32, #tpu.memory_space<vmem>>
    %dma_start3A_67 = tpu.memref_squeeze %dma_start3A_66 : memref<1x100xi32, #tpu.memory_space<vmem>> -> memref<100xi32, #tpu.memory_space<vmem>>
    %dma_start3A_68 = arith.constant 0 : i32
    %dma_start3A_69 = arith.constant 0 : i32
    %dma_start3A_70 = tpu.memref_slice %arg2[%dma_start3A_68, %dma_start3A_69] : memref<40000x128xf32, #tpu.memory_space<hbm>> -> memref<40000x128xf32, #tpu.memory_space<hbm>>
    tpu.enqueue_indirect_dma source(%dma_start3A_70 : memref<40000x128xf32, #tpu.memory_space<hbm>>) target(%arg8 : memref<100x128xf32, #tpu.memory_space<vmem>>) offsets(%dma_start3A_67 : memref<100xi32, #tpu.memory_space<vmem>>) semaphore(%arg11 : memref<!tpu.dma_semaphore, #tpu.memory_space<semaphore_mem>>)
    %scan3A_71 = arith.constant 0 : i32
    %scan3A_72 = arith.constant 0 : i32
    %scan3A_73 = arith.constant 25 : i32
    %scan3A_74 = arith.addi %scan3A_72, %scan3A_73 : i32
    %scan3A_75 = arith.constant 1 : i32
    scf.for %scan3A_104 = %scan3A_72 to %scan3A_74 step %scan3A_75  : i32 {
      %mul3A_105 = arith.constant 2 : i32
      %mul3A_106 = arith.muli %scan3A_104, %mul3A_105 : i32
      %add3A_107 = arith.constant 1 : i32
      %add3A_108 = arith.addi %mul3A_106, %add3A_107 : i32
      %dma_start3A_109 = arith.constant 0 : i32
      %dma_start3A_110 = tpu.memref_slice %arg6[%add3A_108, %dma_start3A_109] : memref<50x100xi32, #tpu.memory_space<vmem>> -> memref<1x100xi32, #tpu.memory_space<vmem>>
      %dma_start3A_111 = tpu.memref_squeeze %dma_start3A_110 : memref<1x100xi32, #tpu.memory_space<vmem>> -> memref<100xi32, #tpu.memory_space<vmem>>
      %dma_start3A_112 = arith.constant 0 : i32
      %dma_start3A_113 = arith.constant 0 : i32
      %dma_start3A_114 = tpu.memref_slice %arg2[%dma_start3A_112, %dma_start3A_113] : memref<40000x128xf32, #tpu.memory_space<hbm>> -> memref<40000x128xf32, #tpu.memory_space<hbm>>
      tpu.enqueue_indirect_dma source(%dma_start3A_114 : memref<40000x128xf32, #tpu.memory_space<hbm>>) target(%arg9 : memref<100x128xf32, #tpu.memory_space<vmem>>) offsets(%dma_start3A_111 : memref<100xi32, #tpu.memory_space<vmem>>) semaphore(%arg12 : memref<!tpu.dma_semaphore, #tpu.memory_space<semaphore_mem>>)
      %dma_wait3A = arith.constant 0 : i32
      %dma_wait3A_115 = tpu.memref_slice %arg6[%mul3A_106, %dma_wait3A] : memref<50x100xi32, #tpu.memory_space<vmem>> -> memref<1x100xi32, #tpu.memory_space<vmem>>
      %dma_wait3A_116 = tpu.memref_squeeze %dma_wait3A_115 : memref<1x100xi32, #tpu.memory_space<vmem>> -> memref<100xi32, #tpu.memory_space<vmem>>
      %dma_wait3A_117 = arith.constant 0 : i32
      %dma_wait3A_118 = arith.constant 0 : i32
      %dma_wait3A_119 = tpu.memref_slice %arg2[%dma_wait3A_117, %dma_wait3A_118] : memref<40000x128xf32, #tpu.memory_space<hbm>> -> memref<40000x128xf32, #tpu.memory_space<hbm>>
      tpu.wait_indirect_dma semaphore(%arg11 : memref<!tpu.dma_semaphore, #tpu.memory_space<semaphore_mem>>) src(%dma_wait3A_119 : memref<40000x128xf32, #tpu.memory_space<hbm>>) dst(%arg8 : memref<100x128xf32, #tpu.memory_space<vmem>>)
      "tpu.region"() ({
        %run_scoped3A_133 = tpu.sem_alloc : memref<!tpu.dma_semaphore, #tpu.memory_space<semaphore_mem>>
        %dma_start3A_134 = arith.constant 0 : i32
        %dma_start3A_135 = tpu.memref_slice %arg7[%mul3A_106, %dma_start3A_134] : memref<50x100xi32, #tpu.memory_space<vmem>> -> memref<1x100xi32, #tpu.memory_space<vmem>>
        %dma_start3A_136 = tpu.memref_squeeze %dma_start3A_135 : memref<1x100xi32, #tpu.memory_space<vmem>> -> memref<100xi32, #tpu.memory_space<vmem>>
        %dma_start3A_137 = arith.constant 0 : i32
        %dma_start3A_138 = arith.constant 0 : i32
        %dma_start3A_139 = tpu.memref_slice %arg10[%dma_start3A_137, %dma_start3A_138] : memref<10000x128xf32, #tpu.memory_space<vmem_shared>> -> memref<10000x128xf32, #tpu.memory_space<vmem_shared>>
        tpu.enqueue_indirect_dma source(%arg8 : memref<100x128xf32, #tpu.memory_space<vmem>>) target(%dma_start3A_139 : memref<10000x128xf32, #tpu.memory_space<vmem_shared>>) offsets(%dma_start3A_136 : memref<100xi32, #tpu.memory_space<vmem>>) semaphore(%run_scoped3A_133 : memref<!tpu.dma_semaphore, #tpu.memory_space<semaphore_mem>>) {add = true}
        %dma_wait3A_140 = arith.constant 0 : i32
        %dma_wait3A_141 = tpu.memref_slice %arg7[%mul3A_106, %dma_wait3A_140] : memref<50x100xi32, #tpu.memory_space<vmem>> -> memref<1x100xi32, #tpu.memory_space<vmem>>
        %dma_wait3A_142 = tpu.memref_squeeze %dma_wait3A_141 : memref<1x100xi32, #tpu.memory_space<vmem>> -> memref<100xi32, #tpu.memory_space<vmem>>
        %dma_wait3A_143 = arith.constant 0 : i32
        %dma_wait3A_144 = arith.constant 0 : i32
        %dma_wait3A_145 = tpu.memref_slice %arg10[%dma_wait3A_143, %dma_wait3A_144] : memref<10000x128xf32, #tpu.memory_space<vmem_shared>> -> memref<10000x128xf32, #tpu.memory_space<vmem_shared>>
        tpu.wait_indirect_dma semaphore(%run_scoped3A_133 : memref<!tpu.dma_semaphore, #tpu.memory_space<semaphore_mem>>) src(%arg8 : memref<100x128xf32, #tpu.memory_space<vmem>>) dst(%dma_wait3A_145 : memref<10000x128xf32, #tpu.memory_space<vmem_shared>>)
        tpu.yield
      }) : () -> ()
      %add3A_120 = arith.constant 1 : i32
      %add3A_121 = arith.addi %add3A_108, %add3A_120 : i32
      %lt3A_122 = arith.constant 50 : i32
      %lt3A_123 = arith.cmpi slt, %add3A_121, %lt3A_122 : i32
      %convert_element_type3A_124 = arith.extui %lt3A_123 : i1 to i32
      %cond3A_125 = arith.constant 0 : i32
      %cond3A_126 = arith.cmpi ne, %convert_element_type3A_124, %cond3A_125 : i32
      scf.if %cond3A_126 {
        %add3A_133 = arith.constant 1 : i32
        %add3A_134 = arith.addi %add3A_108, %add3A_133 : i32
        %dma_start3A_135 = arith.constant 0 : i32
        %dma_start3A_136 = tpu.memref_slice %arg6[%add3A_134, %dma_start3A_135] : memref<50x100xi32, #tpu.memory_space<vmem>> -> memref<1x100xi32, #tpu.memory_space<vmem>>
        %dma_start3A_137 = tpu.memref_squeeze %dma_start3A_136 : memref<1x100xi32, #tpu.memory_space<vmem>> -> memref<100xi32, #tpu.memory_space<vmem>>
        %dma_start3A_138 = arith.constant 0 : i32
        %dma_start3A_139 = arith.constant 0 : i32
        %dma_start3A_140 = tpu.memref_slice %arg2[%dma_start3A_138, %dma_start3A_139] : memref<40000x128xf32, #tpu.memory_space<hbm>> -> memref<40000x128xf32, #tpu.memory_space<hbm>>
        tpu.enqueue_indirect_dma source(%dma_start3A_140 : memref<40000x128xf32, #tpu.memory_space<hbm>>) target(%arg8 : memref<100x128xf32, #tpu.memory_space<vmem>>) offsets(%dma_start3A_137 : memref<100xi32, #tpu.memory_space<vmem>>) semaphore(%arg11 : memref<!tpu.dma_semaphore, #tpu.memory_space<semaphore_mem>>)
      } else {
      }
      %dma_wait3A_127 = arith.constant 0 : i32
      %dma_wait3A_128 = tpu.memref_slice %arg6[%add3A_108, %dma_wait3A_127] : memref<50x100xi32, #tpu.memory_space<vmem>> -> memref<1x100xi32, #tpu.memory_space<vmem>>
      %dma_wait3A_129 = tpu.memref_squeeze %dma_wait3A_128 : memref<1x100xi32, #tpu.memory_space<vmem>> -> memref<100xi32, #tpu.memory_space<vmem>>
      %dma_wait3A_130 = arith.constant 0 : i32
      %dma_wait3A_131 = arith.constant 0 : i32
      %dma_wait3A_132 = tpu.memref_slice %arg2[%dma_wait3A_130, %dma_wait3A_131] : memref<40000x128xf32, #tpu.memory_space<hbm>> -> memref<40000x128xf32, #tpu.memory_space<hbm>>
      tpu.wait_indirect_dma semaphore(%arg12 : memref<!tpu.dma_semaphore, #tpu.memory_space<semaphore_mem>>) src(%dma_wait3A_132 : memref<40000x128xf32, #tpu.memory_space<hbm>>) dst(%arg9 : memref<100x128xf32, #tpu.memory_space<vmem>>)
      "tpu.region"() ({
        %run_scoped3A_133 = tpu.sem_alloc : memref<!tpu.dma_semaphore, #tpu.memory_space<semaphore_mem>>
        %dma_start3A_134 = arith.constant 0 : i32
        %dma_start3A_135 = tpu.memref_slice %arg7[%add3A_108, %dma_start3A_134] : memref<50x100xi32, #tpu.memory_space<vmem>> -> memref<1x100xi32, #tpu.memory_space<vmem>>
        %dma_start3A_136 = tpu.memref_squeeze %dma_start3A_135 : memref<1x100xi32, #tpu.memory_space<vmem>> -> memref<100xi32, #tpu.memory_space<vmem>>
        %dma_start3A_137 = arith.constant 0 : i32
        %dma_start3A_138 = arith.constant 0 : i32
        %dma_start3A_139 = tpu.memref_slice %arg10[%dma_start3A_137, %dma_start3A_138] : memref<10000x128xf32, #tpu.memory_space<vmem_shared>> -> memref<10000x128xf32, #tpu.memory_space<vmem_shared>>
        tpu.enqueue_indirect_dma source(%arg9 : memref<100x128xf32, #tpu.memory_space<vmem>>) target(%dma_start3A_139 : memref<10000x128xf32, #tpu.memory_space<vmem_shared>>) offsets(%dma_start3A_136 : memref<100xi32, #tpu.memory_space<vmem>>) semaphore(%run_scoped3A_133 : memref<!tpu.dma_semaphore, #tpu.memory_space<semaphore_mem>>) {add = true}
        %dma_wait3A_140 = arith.constant 0 : i32
        %dma_wait3A_141 = tpu.memref_slice %arg7[%add3A_108, %dma_wait3A_140] : memref<50x100xi32, #tpu.memory_space<vmem>> -> memref<1x100xi32, #tpu.memory_space<vmem>>
        %dma_wait3A_142 = tpu.memref_squeeze %dma_wait3A_141 : memref<1x100xi32, #tpu.memory_space<vmem>> -> memref<100xi32, #tpu.memory_space<vmem>>
        %dma_wait3A_143 = arith.constant 0 : i32
        %dma_wait3A_144 = arith.constant 0 : i32
        %dma_wait3A_145 = tpu.memref_slice %arg10[%dma_wait3A_143, %dma_wait3A_144] : memref<10000x128xf32, #tpu.memory_space<vmem_shared>> -> memref<10000x128xf32, #tpu.memory_space<vmem_shared>>
        tpu.wait_indirect_dma semaphore(%run_scoped3A_133 : memref<!tpu.dma_semaphore, #tpu.memory_space<semaphore_mem>>) src(%arg9 : memref<100x128xf32, #tpu.memory_space<vmem>>) dst(%dma_wait3A_145 : memref<10000x128xf32, #tpu.memory_space<vmem_shared>>)
        tpu.yield
      }) : () -> ()
    }
    %scan3A_76 = arith.constant 25 : i32
    %run_scoped3A_77 = arith.constant 1 : i32
    "tpu.region"() ({
      %run_scoped3A_104 = tpu.sem_alloc : memref<!tpu.dma_semaphore, #tpu.memory_space<semaphore_mem>>
      %dma_start3A_105 = arith.constant 0 : i32
      %dma_start3A_106 = arith.constant 0 : i32
      %dma_start3A_107 = tpu.memref_slice %arg3[%add3A_50, %arg1, %run_scoped3A_77, %dma_start3A_105, %dma_start3A_106] : memref<4x16x2x50x100xi32, #tpu.memory_space<hbm>> -> memref<1x1x1x50x100xi32, #tpu.memory_space<hbm>>
      %dma_start3A_108 = tpu.memref_squeeze %dma_start3A_107 : memref<1x1x1x50x100xi32, #tpu.memory_space<hbm>> -> memref<50x100xi32, #tpu.memory_space<hbm>>
      %dma_start3A_109 = arith.constant 0 : i32
      %dma_start3A_110 = arith.constant 0 : i32
      %dma_start3A_111 = tpu.memref_slice %arg3[%add3A_50, %arg1, %run_scoped3A_77, %dma_start3A_109, %dma_start3A_110] : memref<4x16x2x50x100xi32, #tpu.memory_space<hbm>> -> memref<1x1x1x50x100xi32, #tpu.memory_space<hbm>>
      %dma_start3A_112 = tpu.memref_squeeze %dma_start3A_111 : memref<1x1x1x50x100xi32, #tpu.memory_space<hbm>> -> memref<50x100xi32, #tpu.memory_space<hbm>>
      tpu.enqueue_dma source(%dma_start3A_112 : memref<50x100xi32, #tpu.memory_space<hbm>>) target(%arg6 : memref<50x100xi32, #tpu.memory_space<vmem>>) target_semaphore(%run_scoped3A_104 : memref<!tpu.dma_semaphore, #tpu.memory_space<semaphore_mem>>)
      %dma_wait3A = arith.constant 0 : i32
      %dma_wait3A_113 = arith.constant 0 : i32
      %dma_wait3A_114 = tpu.memref_slice %arg3[%add3A_50, %arg1, %run_scoped3A_77, %dma_wait3A, %dma_wait3A_113] : memref<4x16x2x50x100xi32, #tpu.memory_space<hbm>> -> memref<1x1x1x50x100xi32, #tpu.memory_space<hbm>>
      %dma_wait3A_115 = tpu.memref_squeeze %dma_wait3A_114 : memref<1x1x1x50x100xi32, #tpu.memory_space<hbm>> -> memref<50x100xi32, #tpu.memory_space<hbm>>
      %dma_wait3A_116 = arith.constant 0 : i32
      %dma_wait3A_117 = arith.constant 0 : i32
      %dma_wait3A_118 = tpu.memref_slice %arg3[%add3A_50, %arg1, %run_scoped3A_77, %dma_wait3A_116, %dma_wait3A_117] : memref<4x16x2x50x100xi32, #tpu.memory_space<hbm>> -> memref<1x1x1x50x100xi32, #tpu.memory_space<hbm>>
      %dma_wait3A_119 = tpu.memref_squeeze %dma_wait3A_118 : memref<1x1x1x50x100xi32, #tpu.memory_space<hbm>> -> memref<50x100xi32, #tpu.memory_space<hbm>>
      tpu.wait_dma2 semaphore(%run_scoped3A_104 : memref<!tpu.dma_semaphore, #tpu.memory_space<semaphore_mem>>) src(%dma_wait3A_119 : memref<50x100xi32, #tpu.memory_space<hbm>>) dst(%arg6 : memref<50x100xi32, #tpu.memory_space<vmem>>)
      tpu.yield
    }) : () -> ()
    %run_scoped3A_78 = arith.constant 1 : i32
    "tpu.region"() ({
      %run_scoped3A_104 = tpu.sem_alloc : memref<!tpu.dma_semaphore, #tpu.memory_space<semaphore_mem>>
      %dma_start3A_105 = arith.constant 0 : i32
      %dma_start3A_106 = arith.constant 0 : i32
      %dma_start3A_107 = tpu.memref_slice %arg4[%arg1, %run_scoped3A_78, %dma_start3A_105, %dma_start3A_106] : memref<16x2x50x100xi32, #tpu.memory_space<hbm>> -> memref<1x1x50x100xi32, #tpu.memory_space<hbm>>
      %dma_start3A_108 = tpu.memref_squeeze %dma_start3A_107 : memref<1x1x50x100xi32, #tpu.memory_space<hbm>> -> memref<50x100xi32, #tpu.memory_space<hbm>>
      %dma_start3A_109 = arith.constant 0 : i32
      %dma_start3A_110 = arith.constant 0 : i32
      %dma_start3A_111 = tpu.memref_slice %arg4[%arg1, %run_scoped3A_78, %dma_start3A_109, %dma_start3A_110] : memref<16x2x50x100xi32, #tpu.memory_space<hbm>> -> memref<1x1x50x100xi32, #tpu.memory_space<hbm>>
      %dma_start3A_112 = tpu.memref_squeeze %dma_start3A_111 : memref<1x1x50x100xi32, #tpu.memory_space<hbm>> -> memref<50x100xi32, #tpu.memory_space<hbm>>
      tpu.enqueue_dma source(%dma_start3A_112 : memref<50x100xi32, #tpu.memory_space<hbm>>) target(%arg7 : memref<50x100xi32, #tpu.memory_space<vmem>>) target_semaphore(%run_scoped3A_104 : memref<!tpu.dma_semaphore, #tpu.memory_space<semaphore_mem>>)
      %dma_wait3A = arith.constant 0 : i32
      %dma_wait3A_113 = arith.constant 0 : i32
      %dma_wait3A_114 = tpu.memref_slice %arg4[%arg1, %run_scoped3A_78, %dma_wait3A, %dma_wait3A_113] : memref<16x2x50x100xi32, #tpu.memory_space<hbm>> -> memref<1x1x50x100xi32, #tpu.memory_space<hbm>>
      %dma_wait3A_115 = tpu.memref_squeeze %dma_wait3A_114 : memref<1x1x50x100xi32, #tpu.memory_space<hbm>> -> memref<50x100xi32, #tpu.memory_space<hbm>>
      %dma_wait3A_116 = arith.constant 0 : i32
      %dma_wait3A_117 = arith.constant 0 : i32
      %dma_wait3A_118 = tpu.memref_slice %arg4[%arg1, %run_scoped3A_78, %dma_wait3A_116, %dma_wait3A_117] : memref<16x2x50x100xi32, #tpu.memory_space<hbm>> -> memref<1x1x50x100xi32, #tpu.memory_space<hbm>>
      %dma_wait3A_119 = tpu.memref_squeeze %dma_wait3A_118 : memref<1x1x50x100xi32, #tpu.memory_space<hbm>> -> memref<50x100xi32, #tpu.memory_space<hbm>>
      tpu.wait_dma2 semaphore(%run_scoped3A_104 : memref<!tpu.dma_semaphore, #tpu.memory_space<semaphore_mem>>) src(%dma_wait3A_119 : memref<50x100xi32, #tpu.memory_space<hbm>>) dst(%arg7 : memref<50x100xi32, #tpu.memory_space<vmem>>)
      tpu.yield
    }) : () -> ()
    %dma_start3A_79 = arith.constant 0 : i32
    %dma_start3A_80 = arith.constant 0 : i32
    %dma_start3A_81 = tpu.memref_slice %arg6[%dma_start3A_79, %dma_start3A_80] : memref<50x100xi32, #tpu.memory_space<vmem>> -> memref<1x100xi32, #tpu.memory_space<vmem>>
    %dma_start3A_82 = tpu.memref_squeeze %dma_start3A_81 : memref<1x100xi32, #tpu.memory_space<vmem>> -> memref<100xi32, #tpu.memory_space<vmem>>
    %dma_start3A_83 = arith.constant 0 : i32
    %dma_start3A_84 = arith.constant 0 : i32
    %dma_start3A_85 = tpu.memref_slice %arg2[%dma_start3A_83, %dma_start3A_84] : memref<40000x128xf32, #tpu.memory_space<hbm>> -> memref<40000x128xf32, #tpu.memory_space<hbm>>
    tpu.enqueue_indirect_dma source(%dma_start3A_85 : memref<40000x128xf32, #tpu.memory_space<hbm>>) target(%arg8 : memref<100x128xf32, #tpu.memory_space<vmem>>) offsets(%dma_start3A_82 : memref<100xi32, #tpu.memory_space<vmem>>) semaphore(%arg11 : memref<!tpu.dma_semaphore, #tpu.memory_space<semaphore_mem>>)
    %scan3A_86 = arith.constant 0 : i32
    %scan3A_87 = arith.constant 0 : i32
    %scan3A_88 = arith.constant 25 : i32
    %scan3A_89 = arith.addi %scan3A_87, %scan3A_88 : i32
    %scan3A_90 = arith.constant 1 : i32
    scf.for %scan3A_104 = %scan3A_87 to %scan3A_89 step %scan3A_90  : i32 {
      %mul3A_105 = arith.constant 2 : i32
      %mul3A_106 = arith.muli %scan3A_104, %mul3A_105 : i32
      %add3A_107 = arith.constant 1 : i32
      %add3A_108 = arith.addi %mul3A_106, %add3A_107 : i32
      %dma_start3A_109 = arith.constant 0 : i32
      %dma_start3A_110 = tpu.memref_slice %arg6[%add3A_108, %dma_start3A_109] : memref<50x100xi32, #tpu.memory_space<vmem>> -> memref<1x100xi32, #tpu.memory_space<vmem>>
      %dma_start3A_111 = tpu.memref_squeeze %dma_start3A_110 : memref<1x100xi32, #tpu.memory_space<vmem>> -> memref<100xi32, #tpu.memory_space<vmem>>
      %dma_start3A_112 = arith.constant 0 : i32
      %dma_start3A_113 = arith.constant 0 : i32
      %dma_start3A_114 = tpu.memref_slice %arg2[%dma_start3A_112, %dma_start3A_113] : memref<40000x128xf32, #tpu.memory_space<hbm>> -> memref<40000x128xf32, #tpu.memory_space<hbm>>
      tpu.enqueue_indirect_dma source(%dma_start3A_114 : memref<40000x128xf32, #tpu.memory_space<hbm>>) target(%arg9 : memref<100x128xf32, #tpu.memory_space<vmem>>) offsets(%dma_start3A_111 : memref<100xi32, #tpu.memory_space<vmem>>) semaphore(%arg12 : memref<!tpu.dma_semaphore, #tpu.memory_space<semaphore_mem>>)
      %dma_wait3A = arith.constant 0 : i32
      %dma_wait3A_115 = tpu.memref_slice %arg6[%mul3A_106, %dma_wait3A] : memref<50x100xi32, #tpu.memory_space<vmem>> -> memref<1x100xi32, #tpu.memory_space<vmem>>
      %dma_wait3A_116 = tpu.memref_squeeze %dma_wait3A_115 : memref<1x100xi32, #tpu.memory_space<vmem>> -> memref<100xi32, #tpu.memory_space<vmem>>
      %dma_wait3A_117 = arith.constant 0 : i32
      %dma_wait3A_118 = arith.constant 0 : i32
      %dma_wait3A_119 = tpu.memref_slice %arg2[%dma_wait3A_117, %dma_wait3A_118] : memref<40000x128xf32, #tpu.memory_space<hbm>> -> memref<40000x128xf32, #tpu.memory_space<hbm>>
      tpu.wait_indirect_dma semaphore(%arg11 : memref<!tpu.dma_semaphore, #tpu.memory_space<semaphore_mem>>) src(%dma_wait3A_119 : memref<40000x128xf32, #tpu.memory_space<hbm>>) dst(%arg8 : memref<100x128xf32, #tpu.memory_space<vmem>>)
      "tpu.region"() ({
        %run_scoped3A_133 = tpu.sem_alloc : memref<!tpu.dma_semaphore, #tpu.memory_space<semaphore_mem>>
        %dma_start3A_134 = arith.constant 0 : i32
        %dma_start3A_135 = tpu.memref_slice %arg7[%mul3A_106, %dma_start3A_134] : memref<50x100xi32, #tpu.memory_space<vmem>> -> memref<1x100xi32, #tpu.memory_space<vmem>>
        %dma_start3A_136 = tpu.memref_squeeze %dma_start3A_135 : memref<1x100xi32, #tpu.memory_space<vmem>> -> memref<100xi32, #tpu.memory_space<vmem>>
        %dma_start3A_137 = arith.constant 0 : i32
        %dma_start3A_138 = arith.constant 0 : i32
        %dma_start3A_139 = tpu.memref_slice %arg10[%dma_start3A_137, %dma_start3A_138] : memref<10000x128xf32, #tpu.memory_space<vmem_shared>> -> memref<10000x128xf32, #tpu.memory_space<vmem_shared>>
        tpu.enqueue_indirect_dma source(%arg8 : memref<100x128xf32, #tpu.memory_space<vmem>>) target(%dma_start3A_139 : memref<10000x128xf32, #tpu.memory_space<vmem_shared>>) offsets(%dma_start3A_136 : memref<100xi32, #tpu.memory_space<vmem>>) semaphore(%run_scoped3A_133 : memref<!tpu.dma_semaphore, #tpu.memory_space<semaphore_mem>>) {add = true}
        %dma_wait3A_140 = arith.constant 0 : i32
        %dma_wait3A_141 = tpu.memref_slice %arg7[%mul3A_106, %dma_wait3A_140] : memref<50x100xi32, #tpu.memory_space<vmem>> -> memref<1x100xi32, #tpu.memory_space<vmem>>
        %dma_wait3A_142 = tpu.memref_squeeze %dma_wait3A_141 : memref<1x100xi32, #tpu.memory_space<vmem>> -> memref<100xi32, #tpu.memory_space<vmem>>
        %dma_wait3A_143 = arith.constant 0 : i32
        %dma_wait3A_144 = arith.constant 0 : i32
        %dma_wait3A_145 = tpu.memref_slice %arg10[%dma_wait3A_143, %dma_wait3A_144] : memref<10000x128xf32, #tpu.memory_space<vmem_shared>> -> memref<10000x128xf32, #tpu.memory_space<vmem_shared>>
        tpu.wait_indirect_dma semaphore(%run_scoped3A_133 : memref<!tpu.dma_semaphore, #tpu.memory_space<semaphore_mem>>) src(%arg8 : memref<100x128xf32, #tpu.memory_space<vmem>>) dst(%dma_wait3A_145 : memref<10000x128xf32, #tpu.memory_space<vmem_shared>>)
        tpu.yield
      }) : () -> ()
      %add3A_120 = arith.constant 1 : i32
      %add3A_121 = arith.addi %add3A_108, %add3A_120 : i32
      %lt3A_122 = arith.constant 50 : i32
      %lt3A_123 = arith.cmpi slt, %add3A_121, %lt3A_122 : i32
      %convert_element_type3A_124 = arith.extui %lt3A_123 : i1 to i32
      %cond3A_125 = arith.constant 0 : i32
      %cond3A_126 = arith.cmpi ne, %convert_element_type3A_124, %cond3A_125 : i32
      scf.if %cond3A_126 {
        %add3A_133 = arith.constant 1 : i32
        %add3A_134 = arith.addi %add3A_108, %add3A_133 : i32
        %dma_start3A_135 = arith.constant 0 : i32
        %dma_start3A_136 = tpu.memref_slice %arg6[%add3A_134, %dma_start3A_135] : memref<50x100xi32, #tpu.memory_space<vmem>> -> memref<1x100xi32, #tpu.memory_space<vmem>>
        %dma_start3A_137 = tpu.memref_squeeze %dma_start3A_136 : memref<1x100xi32, #tpu.memory_space<vmem>> -> memref<100xi32, #tpu.memory_space<vmem>>
        %dma_start3A_138 = arith.constant 0 : i32
        %dma_start3A_139 = arith.constant 0 : i32
        %dma_start3A_140 = tpu.memref_slice %arg2[%dma_start3A_138, %dma_start3A_139] : memref<40000x128xf32, #tpu.memory_space<hbm>> -> memref<40000x128xf32, #tpu.memory_space<hbm>>
        tpu.enqueue_indirect_dma source(%dma_start3A_140 : memref<40000x128xf32, #tpu.memory_space<hbm>>) target(%arg8 : memref<100x128xf32, #tpu.memory_space<vmem>>) offsets(%dma_start3A_137 : memref<100xi32, #tpu.memory_space<vmem>>) semaphore(%arg11 : memref<!tpu.dma_semaphore, #tpu.memory_space<semaphore_mem>>)
      } else {
      }
      %dma_wait3A_127 = arith.constant 0 : i32
      %dma_wait3A_128 = tpu.memref_slice %arg6[%add3A_108, %dma_wait3A_127] : memref<50x100xi32, #tpu.memory_space<vmem>> -> memref<1x100xi32, #tpu.memory_space<vmem>>
      %dma_wait3A_129 = tpu.memref_squeeze %dma_wait3A_128 : memref<1x100xi32, #tpu.memory_space<vmem>> -> memref<100xi32, #tpu.memory_space<vmem>>
      %dma_wait3A_130 = arith.constant 0 : i32
      %dma_wait3A_131 = arith.constant 0 : i32
      %dma_wait3A_132 = tpu.memref_slice %arg2[%dma_wait3A_130, %dma_wait3A_131] : memref<40000x128xf32, #tpu.memory_space<hbm>> -> memref<40000x128xf32, #tpu.memory_space<hbm>>
      tpu.wait_indirect_dma semaphore(%arg12 : memref<!tpu.dma_semaphore, #tpu.memory_space<semaphore_mem>>) src(%dma_wait3A_132 : memref<40000x128xf32, #tpu.memory_space<hbm>>) dst(%arg9 : memref<100x128xf32, #tpu.memory_space<vmem>>)
      "tpu.region"() ({
        %run_scoped3A_133 = tpu.sem_alloc : memref<!tpu.dma_semaphore, #tpu.memory_space<semaphore_mem>>
        %dma_start3A_134 = arith.constant 0 : i32
        %dma_start3A_135 = tpu.memref_slice %arg7[%add3A_108, %dma_start3A_134] : memref<50x100xi32, #tpu.memory_space<vmem>> -> memref<1x100xi32, #tpu.memory_space<vmem>>
        %dma_start3A_136 = tpu.memref_squeeze %dma_start3A_135 : memref<1x100xi32, #tpu.memory_space<vmem>> -> memref<100xi32, #tpu.memory_space<vmem>>
        %dma_start3A_137 = arith.constant 0 : i32
        %dma_start3A_138 = arith.constant 0 : i32
        %dma_start3A_139 = tpu.memref_slice %arg10[%dma_start3A_137, %dma_start3A_138] : memref<10000x128xf32, #tpu.memory_space<vmem_shared>> -> memref<10000x128xf32, #tpu.memory_space<vmem_shared>>
        tpu.enqueue_indirect_dma source(%arg9 : memref<100x128xf32, #tpu.memory_space<vmem>>) target(%dma_start3A_139 : memref<10000x128xf32, #tpu.memory_space<vmem_shared>>) offsets(%dma_start3A_136 : memref<100xi32, #tpu.memory_space<vmem>>) semaphore(%run_scoped3A_133 : memref<!tpu.dma_semaphore, #tpu.memory_space<semaphore_mem>>) {add = true}
        %dma_wait3A_140 = arith.constant 0 : i32
        %dma_wait3A_141 = tpu.memref_slice %arg7[%add3A_108, %dma_wait3A_140] : memref<50x100xi32, #tpu.memory_space<vmem>> -> memref<1x100xi32, #tpu.memory_space<vmem>>
        %dma_wait3A_142 = tpu.memref_squeeze %dma_wait3A_141 : memref<1x100xi32, #tpu.memory_space<vmem>> -> memref<100xi32, #tpu.memory_space<vmem>>
        %dma_wait3A_143 = arith.constant 0 : i32
        %dma_wait3A_144 = arith.constant 0 : i32
        %dma_wait3A_145 = tpu.memref_slice %arg10[%dma_wait3A_143, %dma_wait3A_144] : memref<10000x128xf32, #tpu.memory_space<vmem_shared>> -> memref<10000x128xf32, #tpu.memory_space<vmem_shared>>
        tpu.wait_indirect_dma semaphore(%run_scoped3A_133 : memref<!tpu.dma_semaphore, #tpu.memory_space<semaphore_mem>>) src(%arg9 : memref<100x128xf32, #tpu.memory_space<vmem>>) dst(%dma_wait3A_145 : memref<10000x128xf32, #tpu.memory_space<vmem_shared>>)
        tpu.yield
      }) : () -> ()
    }
    %scan3A_91 = arith.constant 25 : i32
    %barrier3A_92 = arith.constant 0 : index
    tpu.barrier barrier_id(%barrier3A_92)
    %lt3A_93 = arith.constant 15 : i32
    %lt3A_94 = arith.cmpi slt, %arg1, %lt3A_93 : i32
    %convert_element_type3A_95 = arith.extui %lt3A_94 : i1 to i32
    %cond3A_96 = arith.constant 0 : i32
    %cond3A_97 = arith.cmpi ne, %convert_element_type3A_95, %cond3A_96 : i32
    scf.if %cond3A_97 {
      %mul3A_104 = arith.constant 10000 : i32
      %mul3A_105 = arith.muli %add3A_50, %mul3A_104 : i32
      %mul3A_106 = arith.constant 632 : i32
      %mul3A_107 = arith.muli %arg1, %mul3A_106 : i32
      %add3A_108 = arith.addi %mul3A_105, %mul3A_107 : i32
      %multiple_of3A = tpu.assume_multiple %add3A_108, 8 : i32
      %mul3A_109 = arith.constant 632 : i32
      %mul3A_110 = arith.muli %arg1, %mul3A_109 : i32
      %multiple_of3A_111 = tpu.assume_multiple %mul3A_110, 8 : i32
      "tpu.region"() ({
        %run_scoped3A_112 = tpu.sem_alloc : memref<!tpu.dma_semaphore, #tpu.memory_space<semaphore_mem>>
        %dma_start3A_113 = arith.constant 0 : i32
        %dma_start3A_114 = tpu.memref_slice %arg5[%multiple_of3A, %dma_start3A_113] : memref<40000x128xf32, #tpu.memory_space<hbm>> -> memref<632x128xf32, #tpu.memory_space<hbm>>
        %dma_start3A_115 = arith.constant 0 : i32
        %dma_start3A_116 = tpu.memref_slice %arg10[%multiple_of3A_111, %dma_start3A_115] : memref<10000x128xf32, #tpu.memory_space<vmem_shared>> -> memref<632x128xf32, #tpu.memory_space<vmem_shared>>
        tpu.enqueue_dma source(%dma_start3A_116 : memref<632x128xf32, #tpu.memory_space<vmem_shared>>) target(%dma_start3A_114 : memref<632x128xf32, #tpu.memory_space<hbm>>) target_semaphore(%run_scoped3A_112 : memref<!tpu.dma_semaphore, #tpu.memory_space<semaphore_mem>>)
        %dma_wait3A = arith.constant 0 : i32
        %dma_wait3A_117 = tpu.memref_slice %arg5[%multiple_of3A, %dma_wait3A] : memref<40000x128xf32, #tpu.memory_space<hbm>> -> memref<632x128xf32, #tpu.memory_space<hbm>>
        %dma_wait3A_118 = arith.constant 0 : i32
        %dma_wait3A_119 = tpu.memref_slice %arg10[%multiple_of3A_111, %dma_wait3A_118] : memref<10000x128xf32, #tpu.memory_space<vmem_shared>> -> memref<632x128xf32, #tpu.memory_space<vmem_shared>>
        tpu.wait_dma2 semaphore(%run_scoped3A_112 : memref<!tpu.dma_semaphore, #tpu.memory_space<semaphore_mem>>) src(%dma_wait3A_119 : memref<632x128xf32, #tpu.memory_space<vmem_shared>>) dst(%dma_wait3A_117 : memref<632x128xf32, #tpu.memory_space<hbm>>)
        tpu.yield
      }) : () -> ()
    } else {
    }
    %eq3A_98 = arith.constant 15 : i32
    %eq3A_99 = arith.cmpi eq, %arg1, %eq3A_98 : i32
    %convert_element_type3A_100 = arith.extui %eq3A_99 : i1 to i32
    %cond3A_101 = arith.constant 0 : i32
    %cond3A_102 = arith.cmpi ne, %convert_element_type3A_100, %cond3A_101 : i32
    scf.if %cond3A_102 {
      %mul3A_104 = arith.constant 10000 : i32
      %mul3A_105 = arith.muli %add3A_50, %mul3A_104 : i32
      %add3A_106 = arith.constant 9480 : i32
      %add3A_107 = arith.addi %mul3A_105, %add3A_106 : i32
      %multiple_of3A = tpu.assume_multiple %add3A_107, 8 : i32
      "tpu.region"() ({
        %run_scoped3A_108 = tpu.sem_alloc : memref<!tpu.dma_semaphore, #tpu.memory_space<semaphore_mem>>
        %dma_start3A_109 = arith.constant 0 : i32
        %dma_start3A_110 = tpu.memref_slice %arg5[%multiple_of3A, %dma_start3A_109] : memref<40000x128xf32, #tpu.memory_space<hbm>> -> memref<520x128xf32, #tpu.memory_space<hbm>>
        %dma_start3A_111 = arith.constant 9480 : i32
        %dma_start3A_112 = arith.constant 0 : i32
        %dma_start3A_113 = tpu.memref_slice %arg10[%dma_start3A_111, %dma_start3A_112] : memref<10000x128xf32, #tpu.memory_space<vmem_shared>> -> memref<520x128xf32, #tpu.memory_space<vmem_shared>>
        tpu.enqueue_dma source(%dma_start3A_113 : memref<520x128xf32, #tpu.memory_space<vmem_shared>>) target(%dma_start3A_110 : memref<520x128xf32, #tpu.memory_space<hbm>>) target_semaphore(%run_scoped3A_108 : memref<!tpu.dma_semaphore, #tpu.memory_space<semaphore_mem>>)
        %dma_wait3A = arith.constant 0 : i32
        %dma_wait3A_114 = tpu.memref_slice %arg5[%multiple_of3A, %dma_wait3A] : memref<40000x128xf32, #tpu.memory_space<hbm>> -> memref<520x128xf32, #tpu.memory_space<hbm>>
        %dma_wait3A_115 = arith.constant 9480 : i32
        %dma_wait3A_116 = arith.constant 0 : i32
        %dma_wait3A_117 = tpu.memref_slice %arg10[%dma_wait3A_115, %dma_wait3A_116] : memref<10000x128xf32, #tpu.memory_space<vmem_shared>> -> memref<520x128xf32, #tpu.memory_space<vmem_shared>>
        tpu.wait_dma2 semaphore(%run_scoped3A_108 : memref<!tpu.dma_semaphore, #tpu.memory_space<semaphore_mem>>) src(%dma_wait3A_117 : memref<520x128xf32, #tpu.memory_space<vmem_shared>>) dst(%dma_wait3A_114 : memref<520x128xf32, #tpu.memory_space<hbm>>)
        tpu.yield
      }) : () -> ()
    } else {
    }
    %barrier3A_103 = arith.constant 0 : index
    tpu.barrier barrier_id(%barrier3A_103)
    return
  }
}

#map = affine_map<(d0, d1) -> (0, 0)>
#map1 = affine_map<(d0, d1) -> (0, 0, 0, 0, 0)>
#map2 = affine_map<(d0, d1) -> (0, 0, 0, 0)>
module attributes {stable_mosaic.version = 14 : i64} {
  func.func @scat_kernel(%arg0: i32, %arg1: i32, %arg2: memref<20000x128xf32, #tpu.memory_space<hbm>>, %arg3: memref<2x16x2x50x100xi32, #tpu.memory_space<hbm>>, %arg4: memref<16x2x50x100xi32, #tpu.memory_space<hbm>>, %arg5: memref<20000x128xf32, #tpu.memory_space<hbm>>, %arg6: memref<50x100xi32, #tpu.memory_space<vmem>>, %arg7: memref<50x100xi32, #tpu.memory_space<vmem>>, %arg8: memref<100x128xf32, #tpu.memory_space<vmem>>, %arg9: memref<100x128xf32, #tpu.memory_space<vmem>>, %arg10: memref<10000x128xf32, #tpu.memory_space<vmem_shared>>, %arg11: memref<!tpu.dma_semaphore, #tpu.memory_space<semaphore_mem>>, %arg12: memref<!tpu.dma_semaphore, #tpu.memory_space<semaphore_mem>>) attributes {dimension_semantics = [#tpu.dimension_semantics<core_parallel>, #tpu.dimension_semantics<subcore_parallel>], iteration_bounds = array<i64: 2, 16>, scalar_prefetch = 0 : i64, scratch_operands = 7 : i64, tpu.core_type = #tpu.core_type<sc_vector_subcore>, window_params = [{transform_indices = #map}, {transform_indices = #map1}, {transform_indices = #map2}, {transform_indices = #map}]} {
    %mul3A = arith.constant 1 : i32
    %mul3A_0 = arith.muli %arg0, %mul3A : i32
    %add3A = arith.constant 0 : i32
    %add3A_1 = arith.addi %mul3A_0, %add3A : i32
    %lt3A = arith.constant 15 : i32
    %lt3A_2 = arith.cmpi slt, %arg1, %lt3A : i32
    %convert_element_type3A = arith.extui %lt3A_2 : i1 to i32
    %cond3A = arith.constant 0 : i32
    %cond3A_3 = arith.cmpi ne, %convert_element_type3A, %cond3A : i32
    scf.if %cond3A_3 {
      %mul3A_47 = arith.constant 10000 : i32
      %mul3A_48 = arith.muli %add3A_1, %mul3A_47 : i32
      %mul3A_49 = arith.constant 632 : i32
      %mul3A_50 = arith.muli %arg1, %mul3A_49 : i32
      %add3A_51 = arith.addi %mul3A_48, %mul3A_50 : i32
      %multiple_of3A = tpu.assume_multiple %add3A_51, 8 : i32
      %mul3A_52 = arith.constant 632 : i32
      %mul3A_53 = arith.muli %arg1, %mul3A_52 : i32
      %multiple_of3A_54 = tpu.assume_multiple %mul3A_53, 8 : i32
      "tpu.region"() ({
        %run_scoped3A_55 = tpu.sem_alloc : memref<!tpu.dma_semaphore, #tpu.memory_space<semaphore_mem>>
        %dma_start3A_56 = arith.constant 0 : i32
        %dma_start3A_57 = tpu.memref_slice %arg10[%multiple_of3A_54, %dma_start3A_56] : memref<10000x128xf32, #tpu.memory_space<vmem_shared>> -> memref<632x128xf32, #tpu.memory_space<vmem_shared>>
        %dma_start3A_58 = arith.constant 0 : i32
        %dma_start3A_59 = tpu.memref_slice %arg2[%multiple_of3A, %dma_start3A_58] : memref<20000x128xf32, #tpu.memory_space<hbm>> -> memref<632x128xf32, #tpu.memory_space<hbm>>
        tpu.enqueue_dma source(%dma_start3A_59 : memref<632x128xf32, #tpu.memory_space<hbm>>) target(%dma_start3A_57 : memref<632x128xf32, #tpu.memory_space<vmem_shared>>) target_semaphore(%run_scoped3A_55 : memref<!tpu.dma_semaphore, #tpu.memory_space<semaphore_mem>>)
        %dma_wait3A = arith.constant 0 : i32
        %dma_wait3A_60 = tpu.memref_slice %arg10[%multiple_of3A_54, %dma_wait3A] : memref<10000x128xf32, #tpu.memory_space<vmem_shared>> -> memref<632x128xf32, #tpu.memory_space<vmem_shared>>
        %dma_wait3A_61 = arith.constant 0 : i32
        %dma_wait3A_62 = tpu.memref_slice %arg2[%multiple_of3A, %dma_wait3A_61] : memref<20000x128xf32, #tpu.memory_space<hbm>> -> memref<632x128xf32, #tpu.memory_space<hbm>>
        tpu.wait_dma2 semaphore(%run_scoped3A_55 : memref<!tpu.dma_semaphore, #tpu.memory_space<semaphore_mem>>) src(%dma_wait3A_62 : memref<632x128xf32, #tpu.memory_space<hbm>>) dst(%dma_wait3A_60 : memref<632x128xf32, #tpu.memory_space<vmem_shared>>)
        tpu.yield
      }) : () -> ()
    } else {
    }
    %eq3A = arith.constant 15 : i32
    %eq3A_4 = arith.cmpi eq, %arg1, %eq3A : i32
    %convert_element_type3A_5 = arith.extui %eq3A_4 : i1 to i32
    %cond3A_6 = arith.constant 0 : i32
    %cond3A_7 = arith.cmpi ne, %convert_element_type3A_5, %cond3A_6 : i32
    scf.if %cond3A_7 {
      %mul3A_47 = arith.constant 10000 : i32
      %mul3A_48 = arith.muli %add3A_1, %mul3A_47 : i32
      %add3A_49 = arith.constant 9480 : i32
      %add3A_50 = arith.addi %mul3A_48, %add3A_49 : i32
      %multiple_of3A = tpu.assume_multiple %add3A_50, 8 : i32
      "tpu.region"() ({
        %run_scoped3A_51 = tpu.sem_alloc : memref<!tpu.dma_semaphore, #tpu.memory_space<semaphore_mem>>
        %dma_start3A_52 = arith.constant 9480 : i32
        %dma_start3A_53 = arith.constant 0 : i32
        %dma_start3A_54 = tpu.memref_slice %arg10[%dma_start3A_52, %dma_start3A_53] : memref<10000x128xf32, #tpu.memory_space<vmem_shared>> -> memref<520x128xf32, #tpu.memory_space<vmem_shared>>
        %dma_start3A_55 = arith.constant 0 : i32
        %dma_start3A_56 = tpu.memref_slice %arg2[%multiple_of3A, %dma_start3A_55] : memref<20000x128xf32, #tpu.memory_space<hbm>> -> memref<520x128xf32, #tpu.memory_space<hbm>>
        tpu.enqueue_dma source(%dma_start3A_56 : memref<520x128xf32, #tpu.memory_space<hbm>>) target(%dma_start3A_54 : memref<520x128xf32, #tpu.memory_space<vmem_shared>>) target_semaphore(%run_scoped3A_51 : memref<!tpu.dma_semaphore, #tpu.memory_space<semaphore_mem>>)
        %dma_wait3A = arith.constant 9480 : i32
        %dma_wait3A_57 = arith.constant 0 : i32
        %dma_wait3A_58 = tpu.memref_slice %arg10[%dma_wait3A, %dma_wait3A_57] : memref<10000x128xf32, #tpu.memory_space<vmem_shared>> -> memref<520x128xf32, #tpu.memory_space<vmem_shared>>
        %dma_wait3A_59 = arith.constant 0 : i32
        %dma_wait3A_60 = tpu.memref_slice %arg2[%multiple_of3A, %dma_wait3A_59] : memref<20000x128xf32, #tpu.memory_space<hbm>> -> memref<520x128xf32, #tpu.memory_space<hbm>>
        tpu.wait_dma2 semaphore(%run_scoped3A_51 : memref<!tpu.dma_semaphore, #tpu.memory_space<semaphore_mem>>) src(%dma_wait3A_60 : memref<520x128xf32, #tpu.memory_space<hbm>>) dst(%dma_wait3A_58 : memref<520x128xf32, #tpu.memory_space<vmem_shared>>)
        tpu.yield
      }) : () -> ()
    } else {
    }
    %barrier3A = arith.constant 0 : index
    tpu.barrier barrier_id(%barrier3A)
    %run_scoped3A = arith.constant 0 : i32
    "tpu.region"() ({
      %run_scoped3A_47 = tpu.sem_alloc : memref<!tpu.dma_semaphore, #tpu.memory_space<semaphore_mem>>
      %dma_start3A_48 = arith.constant 0 : i32
      %dma_start3A_49 = arith.constant 0 : i32
      %dma_start3A_50 = tpu.memref_slice %arg3[%add3A_1, %arg1, %run_scoped3A, %dma_start3A_48, %dma_start3A_49] : memref<2x16x2x50x100xi32, #tpu.memory_space<hbm>> -> memref<1x1x1x50x100xi32, #tpu.memory_space<hbm>>
      %dma_start3A_51 = tpu.memref_squeeze %dma_start3A_50 : memref<1x1x1x50x100xi32, #tpu.memory_space<hbm>> -> memref<50x100xi32, #tpu.memory_space<hbm>>
      %dma_start3A_52 = arith.constant 0 : i32
      %dma_start3A_53 = arith.constant 0 : i32
      %dma_start3A_54 = tpu.memref_slice %arg3[%add3A_1, %arg1, %run_scoped3A, %dma_start3A_52, %dma_start3A_53] : memref<2x16x2x50x100xi32, #tpu.memory_space<hbm>> -> memref<1x1x1x50x100xi32, #tpu.memory_space<hbm>>
      %dma_start3A_55 = tpu.memref_squeeze %dma_start3A_54 : memref<1x1x1x50x100xi32, #tpu.memory_space<hbm>> -> memref<50x100xi32, #tpu.memory_space<hbm>>
      tpu.enqueue_dma source(%dma_start3A_55 : memref<50x100xi32, #tpu.memory_space<hbm>>) target(%arg6 : memref<50x100xi32, #tpu.memory_space<vmem>>) target_semaphore(%run_scoped3A_47 : memref<!tpu.dma_semaphore, #tpu.memory_space<semaphore_mem>>)
      %dma_wait3A = arith.constant 0 : i32
      %dma_wait3A_56 = arith.constant 0 : i32
      %dma_wait3A_57 = tpu.memref_slice %arg3[%add3A_1, %arg1, %run_scoped3A, %dma_wait3A, %dma_wait3A_56] : memref<2x16x2x50x100xi32, #tpu.memory_space<hbm>> -> memref<1x1x1x50x100xi32, #tpu.memory_space<hbm>>
      %dma_wait3A_58 = tpu.memref_squeeze %dma_wait3A_57 : memref<1x1x1x50x100xi32, #tpu.memory_space<hbm>> -> memref<50x100xi32, #tpu.memory_space<hbm>>
      %dma_wait3A_59 = arith.constant 0 : i32
      %dma_wait3A_60 = arith.constant 0 : i32
      %dma_wait3A_61 = tpu.memref_slice %arg3[%add3A_1, %arg1, %run_scoped3A, %dma_wait3A_59, %dma_wait3A_60] : memref<2x16x2x50x100xi32, #tpu.memory_space<hbm>> -> memref<1x1x1x50x100xi32, #tpu.memory_space<hbm>>
      %dma_wait3A_62 = tpu.memref_squeeze %dma_wait3A_61 : memref<1x1x1x50x100xi32, #tpu.memory_space<hbm>> -> memref<50x100xi32, #tpu.memory_space<hbm>>
      tpu.wait_dma2 semaphore(%run_scoped3A_47 : memref<!tpu.dma_semaphore, #tpu.memory_space<semaphore_mem>>) src(%dma_wait3A_62 : memref<50x100xi32, #tpu.memory_space<hbm>>) dst(%arg6 : memref<50x100xi32, #tpu.memory_space<vmem>>)
      tpu.yield
    }) : () -> ()
    %run_scoped3A_8 = arith.constant 0 : i32
    "tpu.region"() ({
      %run_scoped3A_47 = tpu.sem_alloc : memref<!tpu.dma_semaphore, #tpu.memory_space<semaphore_mem>>
      %dma_start3A_48 = arith.constant 0 : i32
      %dma_start3A_49 = arith.constant 0 : i32
      %dma_start3A_50 = tpu.memref_slice %arg4[%arg1, %run_scoped3A_8, %dma_start3A_48, %dma_start3A_49] : memref<16x2x50x100xi32, #tpu.memory_space<hbm>> -> memref<1x1x50x100xi32, #tpu.memory_space<hbm>>
      %dma_start3A_51 = tpu.memref_squeeze %dma_start3A_50 : memref<1x1x50x100xi32, #tpu.memory_space<hbm>> -> memref<50x100xi32, #tpu.memory_space<hbm>>
      %dma_start3A_52 = arith.constant 0 : i32
      %dma_start3A_53 = arith.constant 0 : i32
      %dma_start3A_54 = tpu.memref_slice %arg4[%arg1, %run_scoped3A_8, %dma_start3A_52, %dma_start3A_53] : memref<16x2x50x100xi32, #tpu.memory_space<hbm>> -> memref<1x1x50x100xi32, #tpu.memory_space<hbm>>
      %dma_start3A_55 = tpu.memref_squeeze %dma_start3A_54 : memref<1x1x50x100xi32, #tpu.memory_space<hbm>> -> memref<50x100xi32, #tpu.memory_space<hbm>>
      tpu.enqueue_dma source(%dma_start3A_55 : memref<50x100xi32, #tpu.memory_space<hbm>>) target(%arg7 : memref<50x100xi32, #tpu.memory_space<vmem>>) target_semaphore(%run_scoped3A_47 : memref<!tpu.dma_semaphore, #tpu.memory_space<semaphore_mem>>)
      %dma_wait3A = arith.constant 0 : i32
      %dma_wait3A_56 = arith.constant 0 : i32
      %dma_wait3A_57 = tpu.memref_slice %arg4[%arg1, %run_scoped3A_8, %dma_wait3A, %dma_wait3A_56] : memref<16x2x50x100xi32, #tpu.memory_space<hbm>> -> memref<1x1x50x100xi32, #tpu.memory_space<hbm>>
      %dma_wait3A_58 = tpu.memref_squeeze %dma_wait3A_57 : memref<1x1x50x100xi32, #tpu.memory_space<hbm>> -> memref<50x100xi32, #tpu.memory_space<hbm>>
      %dma_wait3A_59 = arith.constant 0 : i32
      %dma_wait3A_60 = arith.constant 0 : i32
      %dma_wait3A_61 = tpu.memref_slice %arg4[%arg1, %run_scoped3A_8, %dma_wait3A_59, %dma_wait3A_60] : memref<16x2x50x100xi32, #tpu.memory_space<hbm>> -> memref<1x1x50x100xi32, #tpu.memory_space<hbm>>
      %dma_wait3A_62 = tpu.memref_squeeze %dma_wait3A_61 : memref<1x1x50x100xi32, #tpu.memory_space<hbm>> -> memref<50x100xi32, #tpu.memory_space<hbm>>
      tpu.wait_dma2 semaphore(%run_scoped3A_47 : memref<!tpu.dma_semaphore, #tpu.memory_space<semaphore_mem>>) src(%dma_wait3A_62 : memref<50x100xi32, #tpu.memory_space<hbm>>) dst(%arg7 : memref<50x100xi32, #tpu.memory_space<vmem>>)
      tpu.yield
    }) : () -> ()
    %dma_start3A = arith.constant 0 : i32
    %dma_start3A_9 = arith.constant 0 : i32
    %dma_start3A_10 = tpu.memref_slice %arg6[%dma_start3A, %dma_start3A_9] : memref<50x100xi32, #tpu.memory_space<vmem>> -> memref<1x100xi32, #tpu.memory_space<vmem>>
    %dma_start3A_11 = tpu.memref_squeeze %dma_start3A_10 : memref<1x100xi32, #tpu.memory_space<vmem>> -> memref<100xi32, #tpu.memory_space<vmem>>
    %dma_start3A_12 = arith.constant 0 : i32
    %dma_start3A_13 = arith.constant 0 : i32
    %dma_start3A_14 = tpu.memref_slice %arg2[%dma_start3A_12, %dma_start3A_13] : memref<20000x128xf32, #tpu.memory_space<hbm>> -> memref<20000x128xf32, #tpu.memory_space<hbm>>
    tpu.enqueue_indirect_dma source(%dma_start3A_14 : memref<20000x128xf32, #tpu.memory_space<hbm>>) target(%arg8 : memref<100x128xf32, #tpu.memory_space<vmem>>) offsets(%dma_start3A_11 : memref<100xi32, #tpu.memory_space<vmem>>) semaphore(%arg11 : memref<!tpu.dma_semaphore, #tpu.memory_space<semaphore_mem>>)
    %scan3A = arith.constant 0 : i32
    %scan3A_15 = arith.constant 0 : i32
    %scan3A_16 = arith.constant 25 : i32
    %scan3A_17 = arith.addi %scan3A_15, %scan3A_16 : i32
    %scan3A_18 = arith.constant 1 : i32
    scf.for %scan3A_47 = %scan3A_15 to %scan3A_17 step %scan3A_18  : i32 {
      %mul3A_48 = arith.constant 2 : i32
      %mul3A_49 = arith.muli %scan3A_47, %mul3A_48 : i32
      %add3A_50 = arith.constant 1 : i32
      %add3A_51 = arith.addi %mul3A_49, %add3A_50 : i32
      %dma_start3A_52 = arith.constant 0 : i32
      %dma_start3A_53 = tpu.memref_slice %arg6[%add3A_51, %dma_start3A_52] : memref<50x100xi32, #tpu.memory_space<vmem>> -> memref<1x100xi32, #tpu.memory_space<vmem>>
      %dma_start3A_54 = tpu.memref_squeeze %dma_start3A_53 : memref<1x100xi32, #tpu.memory_space<vmem>> -> memref<100xi32, #tpu.memory_space<vmem>>
      %dma_start3A_55 = arith.constant 0 : i32
      %dma_start3A_56 = arith.constant 0 : i32
      %dma_start3A_57 = tpu.memref_slice %arg2[%dma_start3A_55, %dma_start3A_56] : memref<20000x128xf32, #tpu.memory_space<hbm>> -> memref<20000x128xf32, #tpu.memory_space<hbm>>
      tpu.enqueue_indirect_dma source(%dma_start3A_57 : memref<20000x128xf32, #tpu.memory_space<hbm>>) target(%arg9 : memref<100x128xf32, #tpu.memory_space<vmem>>) offsets(%dma_start3A_54 : memref<100xi32, #tpu.memory_space<vmem>>) semaphore(%arg12 : memref<!tpu.dma_semaphore, #tpu.memory_space<semaphore_mem>>)
      %dma_wait3A = arith.constant 0 : i32
      %dma_wait3A_58 = tpu.memref_slice %arg6[%mul3A_49, %dma_wait3A] : memref<50x100xi32, #tpu.memory_space<vmem>> -> memref<1x100xi32, #tpu.memory_space<vmem>>
      %dma_wait3A_59 = tpu.memref_squeeze %dma_wait3A_58 : memref<1x100xi32, #tpu.memory_space<vmem>> -> memref<100xi32, #tpu.memory_space<vmem>>
      %dma_wait3A_60 = arith.constant 0 : i32
      %dma_wait3A_61 = arith.constant 0 : i32
      %dma_wait3A_62 = tpu.memref_slice %arg2[%dma_wait3A_60, %dma_wait3A_61] : memref<20000x128xf32, #tpu.memory_space<hbm>> -> memref<20000x128xf32, #tpu.memory_space<hbm>>
      tpu.wait_indirect_dma semaphore(%arg11 : memref<!tpu.dma_semaphore, #tpu.memory_space<semaphore_mem>>) src(%dma_wait3A_62 : memref<20000x128xf32, #tpu.memory_space<hbm>>) dst(%arg8 : memref<100x128xf32, #tpu.memory_space<vmem>>)
      "tpu.region"() ({
        %run_scoped3A_76 = tpu.sem_alloc : memref<!tpu.dma_semaphore, #tpu.memory_space<semaphore_mem>>
        %dma_start3A_77 = arith.constant 0 : i32
        %dma_start3A_78 = tpu.memref_slice %arg7[%mul3A_49, %dma_start3A_77] : memref<50x100xi32, #tpu.memory_space<vmem>> -> memref<1x100xi32, #tpu.memory_space<vmem>>
        %dma_start3A_79 = tpu.memref_squeeze %dma_start3A_78 : memref<1x100xi32, #tpu.memory_space<vmem>> -> memref<100xi32, #tpu.memory_space<vmem>>
        %dma_start3A_80 = arith.constant 0 : i32
        %dma_start3A_81 = arith.constant 0 : i32
        %dma_start3A_82 = tpu.memref_slice %arg10[%dma_start3A_80, %dma_start3A_81] : memref<10000x128xf32, #tpu.memory_space<vmem_shared>> -> memref<10000x128xf32, #tpu.memory_space<vmem_shared>>
        tpu.enqueue_indirect_dma source(%arg8 : memref<100x128xf32, #tpu.memory_space<vmem>>) target(%dma_start3A_82 : memref<10000x128xf32, #tpu.memory_space<vmem_shared>>) offsets(%dma_start3A_79 : memref<100xi32, #tpu.memory_space<vmem>>) semaphore(%run_scoped3A_76 : memref<!tpu.dma_semaphore, #tpu.memory_space<semaphore_mem>>) {add = true}
        %dma_wait3A_83 = arith.constant 0 : i32
        %dma_wait3A_84 = tpu.memref_slice %arg7[%mul3A_49, %dma_wait3A_83] : memref<50x100xi32, #tpu.memory_space<vmem>> -> memref<1x100xi32, #tpu.memory_space<vmem>>
        %dma_wait3A_85 = tpu.memref_squeeze %dma_wait3A_84 : memref<1x100xi32, #tpu.memory_space<vmem>> -> memref<100xi32, #tpu.memory_space<vmem>>
        %dma_wait3A_86 = arith.constant 0 : i32
        %dma_wait3A_87 = arith.constant 0 : i32
        %dma_wait3A_88 = tpu.memref_slice %arg10[%dma_wait3A_86, %dma_wait3A_87] : memref<10000x128xf32, #tpu.memory_space<vmem_shared>> -> memref<10000x128xf32, #tpu.memory_space<vmem_shared>>
        tpu.wait_indirect_dma semaphore(%run_scoped3A_76 : memref<!tpu.dma_semaphore, #tpu.memory_space<semaphore_mem>>) src(%arg8 : memref<100x128xf32, #tpu.memory_space<vmem>>) dst(%dma_wait3A_88 : memref<10000x128xf32, #tpu.memory_space<vmem_shared>>)
        tpu.yield
      }) : () -> ()
      %add3A_63 = arith.constant 1 : i32
      %add3A_64 = arith.addi %add3A_51, %add3A_63 : i32
      %lt3A_65 = arith.constant 50 : i32
      %lt3A_66 = arith.cmpi slt, %add3A_64, %lt3A_65 : i32
      %convert_element_type3A_67 = arith.extui %lt3A_66 : i1 to i32
      %cond3A_68 = arith.constant 0 : i32
      %cond3A_69 = arith.cmpi ne, %convert_element_type3A_67, %cond3A_68 : i32
      scf.if %cond3A_69 {
        %add3A_76 = arith.constant 1 : i32
        %add3A_77 = arith.addi %add3A_51, %add3A_76 : i32
        %dma_start3A_78 = arith.constant 0 : i32
        %dma_start3A_79 = tpu.memref_slice %arg6[%add3A_77, %dma_start3A_78] : memref<50x100xi32, #tpu.memory_space<vmem>> -> memref<1x100xi32, #tpu.memory_space<vmem>>
        %dma_start3A_80 = tpu.memref_squeeze %dma_start3A_79 : memref<1x100xi32, #tpu.memory_space<vmem>> -> memref<100xi32, #tpu.memory_space<vmem>>
        %dma_start3A_81 = arith.constant 0 : i32
        %dma_start3A_82 = arith.constant 0 : i32
        %dma_start3A_83 = tpu.memref_slice %arg2[%dma_start3A_81, %dma_start3A_82] : memref<20000x128xf32, #tpu.memory_space<hbm>> -> memref<20000x128xf32, #tpu.memory_space<hbm>>
        tpu.enqueue_indirect_dma source(%dma_start3A_83 : memref<20000x128xf32, #tpu.memory_space<hbm>>) target(%arg8 : memref<100x128xf32, #tpu.memory_space<vmem>>) offsets(%dma_start3A_80 : memref<100xi32, #tpu.memory_space<vmem>>) semaphore(%arg11 : memref<!tpu.dma_semaphore, #tpu.memory_space<semaphore_mem>>)
      } else {
      }
      %dma_wait3A_70 = arith.constant 0 : i32
      %dma_wait3A_71 = tpu.memref_slice %arg6[%add3A_51, %dma_wait3A_70] : memref<50x100xi32, #tpu.memory_space<vmem>> -> memref<1x100xi32, #tpu.memory_space<vmem>>
      %dma_wait3A_72 = tpu.memref_squeeze %dma_wait3A_71 : memref<1x100xi32, #tpu.memory_space<vmem>> -> memref<100xi32, #tpu.memory_space<vmem>>
      %dma_wait3A_73 = arith.constant 0 : i32
      %dma_wait3A_74 = arith.constant 0 : i32
      %dma_wait3A_75 = tpu.memref_slice %arg2[%dma_wait3A_73, %dma_wait3A_74] : memref<20000x128xf32, #tpu.memory_space<hbm>> -> memref<20000x128xf32, #tpu.memory_space<hbm>>
      tpu.wait_indirect_dma semaphore(%arg12 : memref<!tpu.dma_semaphore, #tpu.memory_space<semaphore_mem>>) src(%dma_wait3A_75 : memref<20000x128xf32, #tpu.memory_space<hbm>>) dst(%arg9 : memref<100x128xf32, #tpu.memory_space<vmem>>)
      "tpu.region"() ({
        %run_scoped3A_76 = tpu.sem_alloc : memref<!tpu.dma_semaphore, #tpu.memory_space<semaphore_mem>>
        %dma_start3A_77 = arith.constant 0 : i32
        %dma_start3A_78 = tpu.memref_slice %arg7[%add3A_51, %dma_start3A_77] : memref<50x100xi32, #tpu.memory_space<vmem>> -> memref<1x100xi32, #tpu.memory_space<vmem>>
        %dma_start3A_79 = tpu.memref_squeeze %dma_start3A_78 : memref<1x100xi32, #tpu.memory_space<vmem>> -> memref<100xi32, #tpu.memory_space<vmem>>
        %dma_start3A_80 = arith.constant 0 : i32
        %dma_start3A_81 = arith.constant 0 : i32
        %dma_start3A_82 = tpu.memref_slice %arg10[%dma_start3A_80, %dma_start3A_81] : memref<10000x128xf32, #tpu.memory_space<vmem_shared>> -> memref<10000x128xf32, #tpu.memory_space<vmem_shared>>
        tpu.enqueue_indirect_dma source(%arg9 : memref<100x128xf32, #tpu.memory_space<vmem>>) target(%dma_start3A_82 : memref<10000x128xf32, #tpu.memory_space<vmem_shared>>) offsets(%dma_start3A_79 : memref<100xi32, #tpu.memory_space<vmem>>) semaphore(%run_scoped3A_76 : memref<!tpu.dma_semaphore, #tpu.memory_space<semaphore_mem>>) {add = true}
        %dma_wait3A_83 = arith.constant 0 : i32
        %dma_wait3A_84 = tpu.memref_slice %arg7[%add3A_51, %dma_wait3A_83] : memref<50x100xi32, #tpu.memory_space<vmem>> -> memref<1x100xi32, #tpu.memory_space<vmem>>
        %dma_wait3A_85 = tpu.memref_squeeze %dma_wait3A_84 : memref<1x100xi32, #tpu.memory_space<vmem>> -> memref<100xi32, #tpu.memory_space<vmem>>
        %dma_wait3A_86 = arith.constant 0 : i32
        %dma_wait3A_87 = arith.constant 0 : i32
        %dma_wait3A_88 = tpu.memref_slice %arg10[%dma_wait3A_86, %dma_wait3A_87] : memref<10000x128xf32, #tpu.memory_space<vmem_shared>> -> memref<10000x128xf32, #tpu.memory_space<vmem_shared>>
        tpu.wait_indirect_dma semaphore(%run_scoped3A_76 : memref<!tpu.dma_semaphore, #tpu.memory_space<semaphore_mem>>) src(%arg9 : memref<100x128xf32, #tpu.memory_space<vmem>>) dst(%dma_wait3A_88 : memref<10000x128xf32, #tpu.memory_space<vmem_shared>>)
        tpu.yield
      }) : () -> ()
    }
    %scan3A_19 = arith.constant 25 : i32
    %run_scoped3A_20 = arith.constant 1 : i32
    "tpu.region"() ({
      %run_scoped3A_47 = tpu.sem_alloc : memref<!tpu.dma_semaphore, #tpu.memory_space<semaphore_mem>>
      %dma_start3A_48 = arith.constant 0 : i32
      %dma_start3A_49 = arith.constant 0 : i32
      %dma_start3A_50 = tpu.memref_slice %arg3[%add3A_1, %arg1, %run_scoped3A_20, %dma_start3A_48, %dma_start3A_49] : memref<2x16x2x50x100xi32, #tpu.memory_space<hbm>> -> memref<1x1x1x50x100xi32, #tpu.memory_space<hbm>>
      %dma_start3A_51 = tpu.memref_squeeze %dma_start3A_50 : memref<1x1x1x50x100xi32, #tpu.memory_space<hbm>> -> memref<50x100xi32, #tpu.memory_space<hbm>>
      %dma_start3A_52 = arith.constant 0 : i32
      %dma_start3A_53 = arith.constant 0 : i32
      %dma_start3A_54 = tpu.memref_slice %arg3[%add3A_1, %arg1, %run_scoped3A_20, %dma_start3A_52, %dma_start3A_53] : memref<2x16x2x50x100xi32, #tpu.memory_space<hbm>> -> memref<1x1x1x50x100xi32, #tpu.memory_space<hbm>>
      %dma_start3A_55 = tpu.memref_squeeze %dma_start3A_54 : memref<1x1x1x50x100xi32, #tpu.memory_space<hbm>> -> memref<50x100xi32, #tpu.memory_space<hbm>>
      tpu.enqueue_dma source(%dma_start3A_55 : memref<50x100xi32, #tpu.memory_space<hbm>>) target(%arg6 : memref<50x100xi32, #tpu.memory_space<vmem>>) target_semaphore(%run_scoped3A_47 : memref<!tpu.dma_semaphore, #tpu.memory_space<semaphore_mem>>)
      %dma_wait3A = arith.constant 0 : i32
      %dma_wait3A_56 = arith.constant 0 : i32
      %dma_wait3A_57 = tpu.memref_slice %arg3[%add3A_1, %arg1, %run_scoped3A_20, %dma_wait3A, %dma_wait3A_56] : memref<2x16x2x50x100xi32, #tpu.memory_space<hbm>> -> memref<1x1x1x50x100xi32, #tpu.memory_space<hbm>>
      %dma_wait3A_58 = tpu.memref_squeeze %dma_wait3A_57 : memref<1x1x1x50x100xi32, #tpu.memory_space<hbm>> -> memref<50x100xi32, #tpu.memory_space<hbm>>
      %dma_wait3A_59 = arith.constant 0 : i32
      %dma_wait3A_60 = arith.constant 0 : i32
      %dma_wait3A_61 = tpu.memref_slice %arg3[%add3A_1, %arg1, %run_scoped3A_20, %dma_wait3A_59, %dma_wait3A_60] : memref<2x16x2x50x100xi32, #tpu.memory_space<hbm>> -> memref<1x1x1x50x100xi32, #tpu.memory_space<hbm>>
      %dma_wait3A_62 = tpu.memref_squeeze %dma_wait3A_61 : memref<1x1x1x50x100xi32, #tpu.memory_space<hbm>> -> memref<50x100xi32, #tpu.memory_space<hbm>>
      tpu.wait_dma2 semaphore(%run_scoped3A_47 : memref<!tpu.dma_semaphore, #tpu.memory_space<semaphore_mem>>) src(%dma_wait3A_62 : memref<50x100xi32, #tpu.memory_space<hbm>>) dst(%arg6 : memref<50x100xi32, #tpu.memory_space<vmem>>)
      tpu.yield
    }) : () -> ()
    %run_scoped3A_21 = arith.constant 1 : i32
    "tpu.region"() ({
      %run_scoped3A_47 = tpu.sem_alloc : memref<!tpu.dma_semaphore, #tpu.memory_space<semaphore_mem>>
      %dma_start3A_48 = arith.constant 0 : i32
      %dma_start3A_49 = arith.constant 0 : i32
      %dma_start3A_50 = tpu.memref_slice %arg4[%arg1, %run_scoped3A_21, %dma_start3A_48, %dma_start3A_49] : memref<16x2x50x100xi32, #tpu.memory_space<hbm>> -> memref<1x1x50x100xi32, #tpu.memory_space<hbm>>
      %dma_start3A_51 = tpu.memref_squeeze %dma_start3A_50 : memref<1x1x50x100xi32, #tpu.memory_space<hbm>> -> memref<50x100xi32, #tpu.memory_space<hbm>>
      %dma_start3A_52 = arith.constant 0 : i32
      %dma_start3A_53 = arith.constant 0 : i32
      %dma_start3A_54 = tpu.memref_slice %arg4[%arg1, %run_scoped3A_21, %dma_start3A_52, %dma_start3A_53] : memref<16x2x50x100xi32, #tpu.memory_space<hbm>> -> memref<1x1x50x100xi32, #tpu.memory_space<hbm>>
      %dma_start3A_55 = tpu.memref_squeeze %dma_start3A_54 : memref<1x1x50x100xi32, #tpu.memory_space<hbm>> -> memref<50x100xi32, #tpu.memory_space<hbm>>
      tpu.enqueue_dma source(%dma_start3A_55 : memref<50x100xi32, #tpu.memory_space<hbm>>) target(%arg7 : memref<50x100xi32, #tpu.memory_space<vmem>>) target_semaphore(%run_scoped3A_47 : memref<!tpu.dma_semaphore, #tpu.memory_space<semaphore_mem>>)
      %dma_wait3A = arith.constant 0 : i32
      %dma_wait3A_56 = arith.constant 0 : i32
      %dma_wait3A_57 = tpu.memref_slice %arg4[%arg1, %run_scoped3A_21, %dma_wait3A, %dma_wait3A_56] : memref<16x2x50x100xi32, #tpu.memory_space<hbm>> -> memref<1x1x50x100xi32, #tpu.memory_space<hbm>>
      %dma_wait3A_58 = tpu.memref_squeeze %dma_wait3A_57 : memref<1x1x50x100xi32, #tpu.memory_space<hbm>> -> memref<50x100xi32, #tpu.memory_space<hbm>>
      %dma_wait3A_59 = arith.constant 0 : i32
      %dma_wait3A_60 = arith.constant 0 : i32
      %dma_wait3A_61 = tpu.memref_slice %arg4[%arg1, %run_scoped3A_21, %dma_wait3A_59, %dma_wait3A_60] : memref<16x2x50x100xi32, #tpu.memory_space<hbm>> -> memref<1x1x50x100xi32, #tpu.memory_space<hbm>>
      %dma_wait3A_62 = tpu.memref_squeeze %dma_wait3A_61 : memref<1x1x50x100xi32, #tpu.memory_space<hbm>> -> memref<50x100xi32, #tpu.memory_space<hbm>>
      tpu.wait_dma2 semaphore(%run_scoped3A_47 : memref<!tpu.dma_semaphore, #tpu.memory_space<semaphore_mem>>) src(%dma_wait3A_62 : memref<50x100xi32, #tpu.memory_space<hbm>>) dst(%arg7 : memref<50x100xi32, #tpu.memory_space<vmem>>)
      tpu.yield
    }) : () -> ()
    %dma_start3A_22 = arith.constant 0 : i32
    %dma_start3A_23 = arith.constant 0 : i32
    %dma_start3A_24 = tpu.memref_slice %arg6[%dma_start3A_22, %dma_start3A_23] : memref<50x100xi32, #tpu.memory_space<vmem>> -> memref<1x100xi32, #tpu.memory_space<vmem>>
    %dma_start3A_25 = tpu.memref_squeeze %dma_start3A_24 : memref<1x100xi32, #tpu.memory_space<vmem>> -> memref<100xi32, #tpu.memory_space<vmem>>
    %dma_start3A_26 = arith.constant 0 : i32
    %dma_start3A_27 = arith.constant 0 : i32
    %dma_start3A_28 = tpu.memref_slice %arg2[%dma_start3A_26, %dma_start3A_27] : memref<20000x128xf32, #tpu.memory_space<hbm>> -> memref<20000x128xf32, #tpu.memory_space<hbm>>
    tpu.enqueue_indirect_dma source(%dma_start3A_28 : memref<20000x128xf32, #tpu.memory_space<hbm>>) target(%arg8 : memref<100x128xf32, #tpu.memory_space<vmem>>) offsets(%dma_start3A_25 : memref<100xi32, #tpu.memory_space<vmem>>) semaphore(%arg11 : memref<!tpu.dma_semaphore, #tpu.memory_space<semaphore_mem>>)
    %scan3A_29 = arith.constant 0 : i32
    %scan3A_30 = arith.constant 0 : i32
    %scan3A_31 = arith.constant 25 : i32
    %scan3A_32 = arith.addi %scan3A_30, %scan3A_31 : i32
    %scan3A_33 = arith.constant 1 : i32
    scf.for %scan3A_47 = %scan3A_30 to %scan3A_32 step %scan3A_33  : i32 {
      %mul3A_48 = arith.constant 2 : i32
      %mul3A_49 = arith.muli %scan3A_47, %mul3A_48 : i32
      %add3A_50 = arith.constant 1 : i32
      %add3A_51 = arith.addi %mul3A_49, %add3A_50 : i32
      %dma_start3A_52 = arith.constant 0 : i32
      %dma_start3A_53 = tpu.memref_slice %arg6[%add3A_51, %dma_start3A_52] : memref<50x100xi32, #tpu.memory_space<vmem>> -> memref<1x100xi32, #tpu.memory_space<vmem>>
      %dma_start3A_54 = tpu.memref_squeeze %dma_start3A_53 : memref<1x100xi32, #tpu.memory_space<vmem>> -> memref<100xi32, #tpu.memory_space<vmem>>
      %dma_start3A_55 = arith.constant 0 : i32
      %dma_start3A_56 = arith.constant 0 : i32
      %dma_start3A_57 = tpu.memref_slice %arg2[%dma_start3A_55, %dma_start3A_56] : memref<20000x128xf32, #tpu.memory_space<hbm>> -> memref<20000x128xf32, #tpu.memory_space<hbm>>
      tpu.enqueue_indirect_dma source(%dma_start3A_57 : memref<20000x128xf32, #tpu.memory_space<hbm>>) target(%arg9 : memref<100x128xf32, #tpu.memory_space<vmem>>) offsets(%dma_start3A_54 : memref<100xi32, #tpu.memory_space<vmem>>) semaphore(%arg12 : memref<!tpu.dma_semaphore, #tpu.memory_space<semaphore_mem>>)
      %dma_wait3A = arith.constant 0 : i32
      %dma_wait3A_58 = tpu.memref_slice %arg6[%mul3A_49, %dma_wait3A] : memref<50x100xi32, #tpu.memory_space<vmem>> -> memref<1x100xi32, #tpu.memory_space<vmem>>
      %dma_wait3A_59 = tpu.memref_squeeze %dma_wait3A_58 : memref<1x100xi32, #tpu.memory_space<vmem>> -> memref<100xi32, #tpu.memory_space<vmem>>
      %dma_wait3A_60 = arith.constant 0 : i32
      %dma_wait3A_61 = arith.constant 0 : i32
      %dma_wait3A_62 = tpu.memref_slice %arg2[%dma_wait3A_60, %dma_wait3A_61] : memref<20000x128xf32, #tpu.memory_space<hbm>> -> memref<20000x128xf32, #tpu.memory_space<hbm>>
      tpu.wait_indirect_dma semaphore(%arg11 : memref<!tpu.dma_semaphore, #tpu.memory_space<semaphore_mem>>) src(%dma_wait3A_62 : memref<20000x128xf32, #tpu.memory_space<hbm>>) dst(%arg8 : memref<100x128xf32, #tpu.memory_space<vmem>>)
      "tpu.region"() ({
        %run_scoped3A_76 = tpu.sem_alloc : memref<!tpu.dma_semaphore, #tpu.memory_space<semaphore_mem>>
        %dma_start3A_77 = arith.constant 0 : i32
        %dma_start3A_78 = tpu.memref_slice %arg7[%mul3A_49, %dma_start3A_77] : memref<50x100xi32, #tpu.memory_space<vmem>> -> memref<1x100xi32, #tpu.memory_space<vmem>>
        %dma_start3A_79 = tpu.memref_squeeze %dma_start3A_78 : memref<1x100xi32, #tpu.memory_space<vmem>> -> memref<100xi32, #tpu.memory_space<vmem>>
        %dma_start3A_80 = arith.constant 0 : i32
        %dma_start3A_81 = arith.constant 0 : i32
        %dma_start3A_82 = tpu.memref_slice %arg10[%dma_start3A_80, %dma_start3A_81] : memref<10000x128xf32, #tpu.memory_space<vmem_shared>> -> memref<10000x128xf32, #tpu.memory_space<vmem_shared>>
        tpu.enqueue_indirect_dma source(%arg8 : memref<100x128xf32, #tpu.memory_space<vmem>>) target(%dma_start3A_82 : memref<10000x128xf32, #tpu.memory_space<vmem_shared>>) offsets(%dma_start3A_79 : memref<100xi32, #tpu.memory_space<vmem>>) semaphore(%run_scoped3A_76 : memref<!tpu.dma_semaphore, #tpu.memory_space<semaphore_mem>>) {add = true}
        %dma_wait3A_83 = arith.constant 0 : i32
        %dma_wait3A_84 = tpu.memref_slice %arg7[%mul3A_49, %dma_wait3A_83] : memref<50x100xi32, #tpu.memory_space<vmem>> -> memref<1x100xi32, #tpu.memory_space<vmem>>
        %dma_wait3A_85 = tpu.memref_squeeze %dma_wait3A_84 : memref<1x100xi32, #tpu.memory_space<vmem>> -> memref<100xi32, #tpu.memory_space<vmem>>
        %dma_wait3A_86 = arith.constant 0 : i32
        %dma_wait3A_87 = arith.constant 0 : i32
        %dma_wait3A_88 = tpu.memref_slice %arg10[%dma_wait3A_86, %dma_wait3A_87] : memref<10000x128xf32, #tpu.memory_space<vmem_shared>> -> memref<10000x128xf32, #tpu.memory_space<vmem_shared>>
        tpu.wait_indirect_dma semaphore(%run_scoped3A_76 : memref<!tpu.dma_semaphore, #tpu.memory_space<semaphore_mem>>) src(%arg8 : memref<100x128xf32, #tpu.memory_space<vmem>>) dst(%dma_wait3A_88 : memref<10000x128xf32, #tpu.memory_space<vmem_shared>>)
        tpu.yield
      }) : () -> ()
      %add3A_63 = arith.constant 1 : i32
      %add3A_64 = arith.addi %add3A_51, %add3A_63 : i32
      %lt3A_65 = arith.constant 50 : i32
      %lt3A_66 = arith.cmpi slt, %add3A_64, %lt3A_65 : i32
      %convert_element_type3A_67 = arith.extui %lt3A_66 : i1 to i32
      %cond3A_68 = arith.constant 0 : i32
      %cond3A_69 = arith.cmpi ne, %convert_element_type3A_67, %cond3A_68 : i32
      scf.if %cond3A_69 {
        %add3A_76 = arith.constant 1 : i32
        %add3A_77 = arith.addi %add3A_51, %add3A_76 : i32
        %dma_start3A_78 = arith.constant 0 : i32
        %dma_start3A_79 = tpu.memref_slice %arg6[%add3A_77, %dma_start3A_78] : memref<50x100xi32, #tpu.memory_space<vmem>> -> memref<1x100xi32, #tpu.memory_space<vmem>>
        %dma_start3A_80 = tpu.memref_squeeze %dma_start3A_79 : memref<1x100xi32, #tpu.memory_space<vmem>> -> memref<100xi32, #tpu.memory_space<vmem>>
        %dma_start3A_81 = arith.constant 0 : i32
        %dma_start3A_82 = arith.constant 0 : i32
        %dma_start3A_83 = tpu.memref_slice %arg2[%dma_start3A_81, %dma_start3A_82] : memref<20000x128xf32, #tpu.memory_space<hbm>> -> memref<20000x128xf32, #tpu.memory_space<hbm>>
        tpu.enqueue_indirect_dma source(%dma_start3A_83 : memref<20000x128xf32, #tpu.memory_space<hbm>>) target(%arg8 : memref<100x128xf32, #tpu.memory_space<vmem>>) offsets(%dma_start3A_80 : memref<100xi32, #tpu.memory_space<vmem>>) semaphore(%arg11 : memref<!tpu.dma_semaphore, #tpu.memory_space<semaphore_mem>>)
      } else {
      }
      %dma_wait3A_70 = arith.constant 0 : i32
      %dma_wait3A_71 = tpu.memref_slice %arg6[%add3A_51, %dma_wait3A_70] : memref<50x100xi32, #tpu.memory_space<vmem>> -> memref<1x100xi32, #tpu.memory_space<vmem>>
      %dma_wait3A_72 = tpu.memref_squeeze %dma_wait3A_71 : memref<1x100xi32, #tpu.memory_space<vmem>> -> memref<100xi32, #tpu.memory_space<vmem>>
      %dma_wait3A_73 = arith.constant 0 : i32
      %dma_wait3A_74 = arith.constant 0 : i32
      %dma_wait3A_75 = tpu.memref_slice %arg2[%dma_wait3A_73, %dma_wait3A_74] : memref<20000x128xf32, #tpu.memory_space<hbm>> -> memref<20000x128xf32, #tpu.memory_space<hbm>>
      tpu.wait_indirect_dma semaphore(%arg12 : memref<!tpu.dma_semaphore, #tpu.memory_space<semaphore_mem>>) src(%dma_wait3A_75 : memref<20000x128xf32, #tpu.memory_space<hbm>>) dst(%arg9 : memref<100x128xf32, #tpu.memory_space<vmem>>)
      "tpu.region"() ({
        %run_scoped3A_76 = tpu.sem_alloc : memref<!tpu.dma_semaphore, #tpu.memory_space<semaphore_mem>>
        %dma_start3A_77 = arith.constant 0 : i32
        %dma_start3A_78 = tpu.memref_slice %arg7[%add3A_51, %dma_start3A_77] : memref<50x100xi32, #tpu.memory_space<vmem>> -> memref<1x100xi32, #tpu.memory_space<vmem>>
        %dma_start3A_79 = tpu.memref_squeeze %dma_start3A_78 : memref<1x100xi32, #tpu.memory_space<vmem>> -> memref<100xi32, #tpu.memory_space<vmem>>
        %dma_start3A_80 = arith.constant 0 : i32
        %dma_start3A_81 = arith.constant 0 : i32
        %dma_start3A_82 = tpu.memref_slice %arg10[%dma_start3A_80, %dma_start3A_81] : memref<10000x128xf32, #tpu.memory_space<vmem_shared>> -> memref<10000x128xf32, #tpu.memory_space<vmem_shared>>
        tpu.enqueue_indirect_dma source(%arg9 : memref<100x128xf32, #tpu.memory_space<vmem>>) target(%dma_start3A_82 : memref<10000x128xf32, #tpu.memory_space<vmem_shared>>) offsets(%dma_start3A_79 : memref<100xi32, #tpu.memory_space<vmem>>) semaphore(%run_scoped3A_76 : memref<!tpu.dma_semaphore, #tpu.memory_space<semaphore_mem>>) {add = true}
        %dma_wait3A_83 = arith.constant 0 : i32
        %dma_wait3A_84 = tpu.memref_slice %arg7[%add3A_51, %dma_wait3A_83] : memref<50x100xi32, #tpu.memory_space<vmem>> -> memref<1x100xi32, #tpu.memory_space<vmem>>
        %dma_wait3A_85 = tpu.memref_squeeze %dma_wait3A_84 : memref<1x100xi32, #tpu.memory_space<vmem>> -> memref<100xi32, #tpu.memory_space<vmem>>
        %dma_wait3A_86 = arith.constant 0 : i32
        %dma_wait3A_87 = arith.constant 0 : i32
        %dma_wait3A_88 = tpu.memref_slice %arg10[%dma_wait3A_86, %dma_wait3A_87] : memref<10000x128xf32, #tpu.memory_space<vmem_shared>> -> memref<10000x128xf32, #tpu.memory_space<vmem_shared>>
        tpu.wait_indirect_dma semaphore(%run_scoped3A_76 : memref<!tpu.dma_semaphore, #tpu.memory_space<semaphore_mem>>) src(%arg9 : memref<100x128xf32, #tpu.memory_space<vmem>>) dst(%dma_wait3A_88 : memref<10000x128xf32, #tpu.memory_space<vmem_shared>>)
        tpu.yield
      }) : () -> ()
    }
    %scan3A_34 = arith.constant 25 : i32
    %barrier3A_35 = arith.constant 0 : index
    tpu.barrier barrier_id(%barrier3A_35)
    %lt3A_36 = arith.constant 15 : i32
    %lt3A_37 = arith.cmpi slt, %arg1, %lt3A_36 : i32
    %convert_element_type3A_38 = arith.extui %lt3A_37 : i1 to i32
    %cond3A_39 = arith.constant 0 : i32
    %cond3A_40 = arith.cmpi ne, %convert_element_type3A_38, %cond3A_39 : i32
    scf.if %cond3A_40 {
      %mul3A_47 = arith.constant 10000 : i32
      %mul3A_48 = arith.muli %add3A_1, %mul3A_47 : i32
      %mul3A_49 = arith.constant 632 : i32
      %mul3A_50 = arith.muli %arg1, %mul3A_49 : i32
      %add3A_51 = arith.addi %mul3A_48, %mul3A_50 : i32
      %multiple_of3A = tpu.assume_multiple %add3A_51, 8 : i32
      %mul3A_52 = arith.constant 632 : i32
      %mul3A_53 = arith.muli %arg1, %mul3A_52 : i32
      %multiple_of3A_54 = tpu.assume_multiple %mul3A_53, 8 : i32
      "tpu.region"() ({
        %run_scoped3A_55 = tpu.sem_alloc : memref<!tpu.dma_semaphore, #tpu.memory_space<semaphore_mem>>
        %dma_start3A_56 = arith.constant 0 : i32
        %dma_start3A_57 = tpu.memref_slice %arg5[%multiple_of3A, %dma_start3A_56] : memref<20000x128xf32, #tpu.memory_space<hbm>> -> memref<632x128xf32, #tpu.memory_space<hbm>>
        %dma_start3A_58 = arith.constant 0 : i32
        %dma_start3A_59 = tpu.memref_slice %arg10[%multiple_of3A_54, %dma_start3A_58] : memref<10000x128xf32, #tpu.memory_space<vmem_shared>> -> memref<632x128xf32, #tpu.memory_space<vmem_shared>>
        tpu.enqueue_dma source(%dma_start3A_59 : memref<632x128xf32, #tpu.memory_space<vmem_shared>>) target(%dma_start3A_57 : memref<632x128xf32, #tpu.memory_space<hbm>>) target_semaphore(%run_scoped3A_55 : memref<!tpu.dma_semaphore, #tpu.memory_space<semaphore_mem>>)
        %dma_wait3A = arith.constant 0 : i32
        %dma_wait3A_60 = tpu.memref_slice %arg5[%multiple_of3A, %dma_wait3A] : memref<20000x128xf32, #tpu.memory_space<hbm>> -> memref<632x128xf32, #tpu.memory_space<hbm>>
        %dma_wait3A_61 = arith.constant 0 : i32
        %dma_wait3A_62 = tpu.memref_slice %arg10[%multiple_of3A_54, %dma_wait3A_61] : memref<10000x128xf32, #tpu.memory_space<vmem_shared>> -> memref<632x128xf32, #tpu.memory_space<vmem_shared>>
        tpu.wait_dma2 semaphore(%run_scoped3A_55 : memref<!tpu.dma_semaphore, #tpu.memory_space<semaphore_mem>>) src(%dma_wait3A_62 : memref<632x128xf32, #tpu.memory_space<vmem_shared>>) dst(%dma_wait3A_60 : memref<632x128xf32, #tpu.memory_space<hbm>>)
        tpu.yield
      }) : () -> ()
    } else {
    }
    %eq3A_41 = arith.constant 15 : i32
    %eq3A_42 = arith.cmpi eq, %arg1, %eq3A_41 : i32
    %convert_element_type3A_43 = arith.extui %eq3A_42 : i1 to i32
    %cond3A_44 = arith.constant 0 : i32
    %cond3A_45 = arith.cmpi ne, %convert_element_type3A_43, %cond3A_44 : i32
    scf.if %cond3A_45 {
      %mul3A_47 = arith.constant 10000 : i32
      %mul3A_48 = arith.muli %add3A_1, %mul3A_47 : i32
      %add3A_49 = arith.constant 9480 : i32
      %add3A_50 = arith.addi %mul3A_48, %add3A_49 : i32
      %multiple_of3A = tpu.assume_multiple %add3A_50, 8 : i32
      "tpu.region"() ({
        %run_scoped3A_51 = tpu.sem_alloc : memref<!tpu.dma_semaphore, #tpu.memory_space<semaphore_mem>>
        %dma_start3A_52 = arith.constant 0 : i32
        %dma_start3A_53 = tpu.memref_slice %arg5[%multiple_of3A, %dma_start3A_52] : memref<20000x128xf32, #tpu.memory_space<hbm>> -> memref<520x128xf32, #tpu.memory_space<hbm>>
        %dma_start3A_54 = arith.constant 9480 : i32
        %dma_start3A_55 = arith.constant 0 : i32
        %dma_start3A_56 = tpu.memref_slice %arg10[%dma_start3A_54, %dma_start3A_55] : memref<10000x128xf32, #tpu.memory_space<vmem_shared>> -> memref<520x128xf32, #tpu.memory_space<vmem_shared>>
        tpu.enqueue_dma source(%dma_start3A_56 : memref<520x128xf32, #tpu.memory_space<vmem_shared>>) target(%dma_start3A_53 : memref<520x128xf32, #tpu.memory_space<hbm>>) target_semaphore(%run_scoped3A_51 : memref<!tpu.dma_semaphore, #tpu.memory_space<semaphore_mem>>)
        %dma_wait3A = arith.constant 0 : i32
        %dma_wait3A_57 = tpu.memref_slice %arg5[%multiple_of3A, %dma_wait3A] : memref<20000x128xf32, #tpu.memory_space<hbm>> -> memref<520x128xf32, #tpu.memory_space<hbm>>
        %dma_wait3A_58 = arith.constant 9480 : i32
        %dma_wait3A_59 = arith.constant 0 : i32
        %dma_wait3A_60 = tpu.memref_slice %arg10[%dma_wait3A_58, %dma_wait3A_59] : memref<10000x128xf32, #tpu.memory_space<vmem_shared>> -> memref<520x128xf32, #tpu.memory_space<vmem_shared>>
        tpu.wait_dma2 semaphore(%run_scoped3A_51 : memref<!tpu.dma_semaphore, #tpu.memory_space<semaphore_mem>>) src(%dma_wait3A_60 : memref<520x128xf32, #tpu.memory_space<vmem_shared>>) dst(%dma_wait3A_57 : memref<520x128xf32, #tpu.memory_space<hbm>>)
        tpu.yield
      }) : () -> ()
    } else {
    }
    %barrier3A_46 = arith.constant 0 : index
    tpu.barrier barrier_id(%barrier3A_46)
    return
  }
}

module attributes {stable_mosaic.version = 14 : i64} {
  func.func @_score_body(%arg0: i32, %arg1: memref<1x500x256xf32, #tpu.memory_space<vmem>>, %arg2: memref<1x500x1xf32, #tpu.memory_space<vmem>>, %arg3: memref<1x500x1xf32, #tpu.memory_space<vmem>>, %arg4: memref<256x256xf32, #tpu.memory_space<vmem>>, %arg5: memref<1x256xf32, #tpu.memory_space<vmem>>, %arg6: memref<1x500x1xf32, #tpu.memory_space<vmem>>) attributes {dimension_semantics = [#tpu.dimension_semantics<arbitrary>], iteration_bounds = array<i64: 20>, scalar_prefetch = 0 : i64, scratch_operands = 0 : i64, tpu.core_type = #tpu.core_type<tc>, window_params = [{transform_indices = @transform_0, window_bounds = array<i64: 1, 500, 256>}, {transform_indices = @transform_1, window_bounds = array<i64: 1, 500, 1>}, {transform_indices = @transform_2, window_bounds = array<i64: 1, 500, 1>}, {pipeline_mode = #tpu.pipeline_mode<synchronous>, transform_indices = @transform_3, window_bounds = array<i64: 256, 256>}, {pipeline_mode = #tpu.pipeline_mode<synchronous>, transform_indices = @transform_4, window_bounds = array<i64: 1, 256>}, {transform_indices = @transform_5, window_bounds = array<i64: 1, 500, 1>}]} {
    %get3A = arith.constant 0 : index
    %get3A_0 = arith.constant 0 : index
    %get3A_1 = arith.constant 0 : index
    %get3A_2 = vector.load %arg1[%get3A, %get3A_0, %get3A_1] : memref<1x500x256xf32, #tpu.memory_space<vmem>>, vector<1x500x256xf32>
    %get3A_3 = vector.shape_cast %get3A_2 : vector<1x500x256xf32> to vector<500x256xf32>
    %get3A_4 = arith.constant 0 : index
    %get3A_5 = arith.constant 0 : index
    %get3A_6 = vector.load %arg4[%get3A_4, %get3A_5] : memref<256x256xf32, #tpu.memory_space<vmem>>, vector<256x256xf32>
    %dot_general3A = arith.constant dense<0.000000e+00> : vector<500x256xf32>
    %dot_general3A_7 = tpu.matmul %get3A_3, %get3A_6, %dot_general3A {dimension_numbers = #tpu.dot_dimension_numbers<[1], [0], [0], [1], [0, 0, 1, 1], [], []>, precision = #tpu.contract_precision<fp32>, transpose_lhs_hint = false} : vector<500x256xf32>, vector<256x256xf32>, vector<500x256xf32> -> vector<500x256xf32>
    %tanh3A = math.tanh %dot_general3A_7 : vector<500x256xf32>
    %get3A_8 = arith.constant 0 : index
    %get3A_9 = arith.constant 0 : index
    %get3A_10 = vector.load %arg5[%get3A_8, %get3A_9] : memref<1x256xf32, #tpu.memory_space<vmem>>, vector<1x256xf32>
    %mul3A = vector.broadcast %get3A_10 : vector<1x256xf32> to vector<500x256xf32>
    %mul3A_11 = arith.mulf %tanh3A, %mul3A : vector<500x256xf32>
    %reduce_sum3A = arith.constant dense<0.000000e+00> : vector<500xf32>
    %reduce_sum3A_12 = vector.multi_reduction <add>, %mul3A_11, %reduce_sum3A [1] : vector<500x256xf32> to vector<500xf32>
    %broadcast_in_dim3A = vector.shape_cast %reduce_sum3A_12 : vector<500xf32> to vector<500x1xf32>
    %get3A_13 = arith.constant 0 : index
    %get3A_14 = arith.constant 0 : index
    %get3A_15 = arith.constant 0 : index
    %get3A_16 = vector.load %arg2[%get3A_13, %get3A_14, %get3A_15] : memref<1x500x1xf32, #tpu.memory_space<vmem>>, vector<1x500x1xf32>
    %get3A_17 = vector.shape_cast %get3A_16 : vector<1x500x1xf32> to vector<500x1xf32>
    %add3A = arith.addf %broadcast_in_dim3A, %get3A_17 : vector<500x1xf32>
    %get3A_18 = arith.constant 0 : index
    %get3A_19 = arith.constant 0 : index
    %get3A_20 = arith.constant 0 : index
    %get3A_21 = vector.load %arg3[%get3A_18, %get3A_19, %get3A_20] : memref<1x500x1xf32, #tpu.memory_space<vmem>>, vector<1x500x1xf32>
    %get3A_22 = vector.shape_cast %get3A_21 : vector<1x500x1xf32> to vector<500x1xf32>
    %add3A_23 = arith.addf %add3A, %get3A_22 : vector<500x1xf32>
    %swap3A = arith.constant 0 : index
    %swap3A_24 = arith.constant 0 : index
    %swap3A_25 = arith.constant 0 : index
    %swap3A_26 = vector.load %arg6[%swap3A, %swap3A_24, %swap3A_25] : memref<1x500x1xf32, #tpu.memory_space<vmem>>, vector<1x500x1xf32>
    %swap3A_27 = vector.shape_cast %swap3A_26 : vector<1x500x1xf32> to vector<500x1xf32>
    %swap3A_28 = vector.shape_cast %add3A_23 : vector<500x1xf32> to vector<1x500x1xf32>
    tpu.vector_store %arg6[%swap3A, %swap3A_24, %swap3A_25], %swap3A_28 {strides = array<i32>} : memref<1x500x1xf32, #tpu.memory_space<vmem>>, vector<1x500x1xf32>,
    return
  }
  func.func @transform_0(%arg0: i32) -> (i32, i32, i32) {
    %c0_i32 = arith.constant 0 : i32
    %c0_i32_0 = arith.constant 0 : i32
    %c0_i32_1 = arith.constant 0 : i32
    return %arg0, %c0_i32, %c0_i32_0 : i32, i32, i32
  }
  func.func @transform_1(%arg0: i32) -> (i32, i32, i32) {
    %c0_i32 = arith.constant 0 : i32
    %c0_i32_0 = arith.constant 0 : i32
    %c0_i32_1 = arith.constant 0 : i32
    return %arg0, %c0_i32, %c0_i32_0 : i32, i32, i32
  }
  func.func @transform_2(%arg0: i32) -> (i32, i32, i32) {
    %c0_i32 = arith.constant 0 : i32
    %c0_i32_0 = arith.constant 0 : i32
    %c0_i32_1 = arith.constant 0 : i32
    return %arg0, %c0_i32, %c0_i32_0 : i32, i32, i32
  }
  func.func @transform_3(%arg0: i32) -> (i32, i32) {
    %c0_i32 = arith.constant 0 : i32
    %c0_i32_0 = arith.constant 0 : i32
    %c0_i32_1 = arith.constant 0 : i32
    return %c0_i32, %c0_i32_0 : i32, i32
  }
  func.func @transform_4(%arg0: i32) -> (i32, i32) {
    %c0_i32 = arith.constant 0 : i32
    %c0_i32_0 = arith.constant 0 : i32
    %c0_i32_1 = arith.constant 0 : i32
    return %c0_i32, %c0_i32_0 : i32, i32
  }
  func.func @transform_5(%arg0: i32) -> (i32, i32, i32) {
    %c0_i32 = arith.constant 0 : i32
    %c0_i32_0 = arith.constant 0 : i32
    %c0_i32_1 = arith.constant 0 : i32
    return %arg0, %c0_i32, %c0_i32_0 : i32, i32, i32
  }
}

module attributes {stable_mosaic.version = 14 : i64} {
  func.func @_top4_body(%arg0: memref<20x512xf32, #tpu.memory_space<vmem>>, %arg1: memref<10000x256xf32, #tpu.memory_space<vmem>>, %arg2: memref<20x4x256xf32, #tpu.memory_space<vmem>>, %arg3: memref<20x4x1xi32, #tpu.memory_space<vmem>>) attributes {dimension_semantics = [], scalar_prefetch = 0 : i64, scratch_operands = 0 : i64, tpu.core_type = #tpu.core_type<tc>} {
    %get3A = arith.constant 0 : index
    %get3A_0 = arith.constant 0 : index
    %get3A_1 = vector.load %arg0[%get3A, %get3A_0] : memref<20x512xf32, #tpu.memory_space<vmem>>, vector<20x512xf32>
    %iota3A = tpu.iota {dimensions = array<i32: 1>} : vector<20x512xi32>
    %iota3A_2 = tpu.iota {dimensions = array<i32: 1>} : vector<20x10000xi32>
    %iota3A_3 = tpu.iota {dimensions = array<i32: 0>} : vector<20x1xi32>
    %mul3A = arith.constant 500 : i32
    %mul3A_4 = vector.broadcast %mul3A : i32 to vector<20x1xi32>
    %mul3A_5 = arith.muli %iota3A_3, %mul3A_4 : vector<20x1xi32>
    %get3A_6 = arith.constant 0 : index
    %get3A_7 = arith.constant 0 : index
    %get3A_8 = vector.load %arg1[%get3A_6, %get3A_7] : memref<10000x256xf32, #tpu.memory_space<vmem>>, vector<10000x256xf32>
    %reduce_max3A = arith.constant dense<0xFF800000> : vector<20xf32>
    %reduce_max3A_9 = vector.multi_reduction <maximumf>, %get3A_1, %reduce_max3A [1] : vector<20x512xf32> to vector<20xf32>
    %broadcast_in_dim3A = vector.shape_cast %reduce_max3A_9 : vector<20xf32> to vector<20x1xf32>
    %eq3A = vector.broadcast %broadcast_in_dim3A : vector<20x1xf32> to vector<20x512xf32>
    %eq3A_10 = arith.cmpf oeq, %get3A_1, %eq3A : vector<20x512xf32>
    %jit3A = arith.constant 1073741824 : i32
    %broadcast_in_dim3A_11 = vector.broadcast %jit3A : i32 to vector<20x512xi32>
    %select_n3A = arith.select %eq3A_10, %iota3A, %broadcast_in_dim3A_11 : vector<20x512xi1>, vector<20x512xi32>
    %reduce_min3A = arith.constant dense<2147483647> : vector<20xi32>
    %reduce_min3A_12 = vector.multi_reduction <minsi>, %select_n3A, %reduce_min3A [1] : vector<20x512xi32> to vector<20xi32>
    %broadcast_in_dim3A_13 = vector.shape_cast %reduce_min3A_12 : vector<20xi32> to vector<20x1xi32>
    %tanh3A = math.tanh %broadcast_in_dim3A : vector<20x1xf32>
    %add3A = arith.addi %broadcast_in_dim3A_13, %mul3A_5 : vector<20x1xi32>
    %eq3A_14 = vector.broadcast %add3A : vector<20x1xi32> to vector<20x10000xi32>
    %eq3A_15 = arith.cmpi eq, %iota3A_2, %eq3A_14 : vector<20x10000xi32>
    %jit3A_16 = arith.constant 0.000000e+00 : f32
    %broadcast_in_dim3A_17 = vector.shape_cast %tanh3A : vector<20x1xf32> to vector<20x1xf32>
    %broadcast_in_dim3A_18 = vector.broadcast %broadcast_in_dim3A_17 : vector<20x1xf32> to vector<20x10000xf32>
    %broadcast_in_dim3A_19 = vector.broadcast %jit3A_16 : f32 to vector<20x10000xf32>
    %select_n3A_20 = arith.select %eq3A_15, %broadcast_in_dim3A_18, %broadcast_in_dim3A_19 : vector<20x10000xi1>, vector<20x10000xf32>
    %dot_general3A = arith.constant dense<0.000000e+00> : vector<20x256xf32>
    %dot_general3A_21 = tpu.matmul %select_n3A_20, %get3A_8, %dot_general3A {dimension_numbers = #tpu.dot_dimension_numbers<[1], [0], [0], [1], [0, 0, 1, 1], [], []>, precision = #tpu.contract_precision<fp32>, transpose_lhs_hint = false} : vector<20x10000xf32>, vector<10000x256xf32>, vector<20x256xf32> -> vector<20x256xf32>
    %eq3A_22 = vector.broadcast %broadcast_in_dim3A_13 : vector<20x1xi32> to vector<20x512xi32>
    %eq3A_23 = arith.cmpi eq, %iota3A, %eq3A_22 : vector<20x512xi32>
    %jit3A_24 = arith.constant -3.000000e+38 : f32
    %broadcast_in_dim3A_25 = vector.broadcast %jit3A_24 : f32 to vector<20x512xf32>
    %select_n3A_26 = arith.select %eq3A_23, %broadcast_in_dim3A_25, %get3A_1 : vector<20x512xi1>, vector<20x512xf32>
    %swap3A = arith.constant 0 : index
    %swap3A_27 = arith.constant 0 : index
    %swap3A_28 = arith.constant 0 : index
    %swap3A_29 = vector.load %arg3[%swap3A, %swap3A_27, %swap3A_28] : memref<20x4x1xi32, #tpu.memory_space<vmem>>, vector<20x1x1xi32>
    %swap3A_30 = vector.shape_cast %swap3A_29 : vector<20x1x1xi32> to vector<20x1xi32>
    %swap3A_31 = vector.shape_cast %broadcast_in_dim3A_13 : vector<20x1xi32> to vector<20x1x1xi32>
    tpu.vector_store %arg3[%swap3A, %swap3A_27, %swap3A_28], %swap3A_31 {strides = array<i32>} : memref<20x4x1xi32, #tpu.memory_space<vmem>>, vector<20x1x1xi32>,
    %reduce_max3A_32 = arith.constant dense<0xFF800000> : vector<20xf32>
    %reduce_max3A_33 = vector.multi_reduction <maximumf>, %select_n3A_26, %reduce_max3A_32 [1] : vector<20x512xf32> to vector<20xf32>
    %broadcast_in_dim3A_34 = vector.shape_cast %reduce_max3A_33 : vector<20xf32> to vector<20x1xf32>
    %eq3A_35 = vector.broadcast %broadcast_in_dim3A_34 : vector<20x1xf32> to vector<20x512xf32>
    %eq3A_36 = arith.cmpf oeq, %select_n3A_26, %eq3A_35 : vector<20x512xf32>
    %jit3A_37 = arith.constant 1073741824 : i32
    %broadcast_in_dim3A_38 = vector.broadcast %jit3A_37 : i32 to vector<20x512xi32>
    %select_n3A_39 = arith.select %eq3A_36, %iota3A, %broadcast_in_dim3A_38 : vector<20x512xi1>, vector<20x512xi32>
    %reduce_min3A_40 = arith.constant dense<2147483647> : vector<20xi32>
    %reduce_min3A_41 = vector.multi_reduction <minsi>, %select_n3A_39, %reduce_min3A_40 [1] : vector<20x512xi32> to vector<20xi32>
    %broadcast_in_dim3A_42 = vector.shape_cast %reduce_min3A_41 : vector<20xi32> to vector<20x1xi32>
    %tanh3A_43 = math.tanh %broadcast_in_dim3A_34 : vector<20x1xf32>
    %add3A_44 = arith.addi %broadcast_in_dim3A_42, %mul3A_5 : vector<20x1xi32>
    %eq3A_45 = vector.broadcast %add3A_44 : vector<20x1xi32> to vector<20x10000xi32>
    %eq3A_46 = arith.cmpi eq, %iota3A_2, %eq3A_45 : vector<20x10000xi32>
    %jit3A_47 = arith.constant 0.000000e+00 : f32
    %broadcast_in_dim3A_48 = vector.shape_cast %tanh3A_43 : vector<20x1xf32> to vector<20x1xf32>
    %broadcast_in_dim3A_49 = vector.broadcast %broadcast_in_dim3A_48 : vector<20x1xf32> to vector<20x10000xf32>
    %broadcast_in_dim3A_50 = vector.broadcast %jit3A_47 : f32 to vector<20x10000xf32>
    %select_n3A_51 = arith.select %eq3A_46, %broadcast_in_dim3A_49, %broadcast_in_dim3A_50 : vector<20x10000xi1>, vector<20x10000xf32>
    %dot_general3A_52 = arith.constant dense<0.000000e+00> : vector<20x256xf32>
    %dot_general3A_53 = tpu.matmul %select_n3A_51, %get3A_8, %dot_general3A_52 {dimension_numbers = #tpu.dot_dimension_numbers<[1], [0], [0], [1], [0, 0, 1, 1], [], []>, precision = #tpu.contract_precision<fp32>, transpose_lhs_hint = false} : vector<20x10000xf32>, vector<10000x256xf32>, vector<20x256xf32> -> vector<20x256xf32>
    %eq3A_54 = vector.broadcast %broadcast_in_dim3A_42 : vector<20x1xi32> to vector<20x512xi32>
    %eq3A_55 = arith.cmpi eq, %iota3A, %eq3A_54 : vector<20x512xi32>
    %jit3A_56 = arith.constant -3.000000e+38 : f32
    %broadcast_in_dim3A_57 = vector.broadcast %jit3A_56 : f32 to vector<20x512xf32>
    %select_n3A_58 = arith.select %eq3A_55, %broadcast_in_dim3A_57, %select_n3A_26 : vector<20x512xi1>, vector<20x512xf32>
    %swap3A_59 = arith.constant 0 : index
    %swap3A_60 = arith.constant 1 : index
    %swap3A_61 = arith.constant 0 : index
    %swap3A_62 = vector.load %arg3[%swap3A_59, %swap3A_60, %swap3A_61] : memref<20x4x1xi32, #tpu.memory_space<vmem>>, vector<20x1x1xi32>
    %swap3A_63 = vector.shape_cast %swap3A_62 : vector<20x1x1xi32> to vector<20x1xi32>
    %swap3A_64 = vector.shape_cast %broadcast_in_dim3A_42 : vector<20x1xi32> to vector<20x1x1xi32>
    tpu.vector_store %arg3[%swap3A_59, %swap3A_60, %swap3A_61], %swap3A_64 {strides = array<i32>} : memref<20x4x1xi32, #tpu.memory_space<vmem>>, vector<20x1x1xi32>,
    %reduce_max3A_65 = arith.constant dense<0xFF800000> : vector<20xf32>
    %reduce_max3A_66 = vector.multi_reduction <maximumf>, %select_n3A_58, %reduce_max3A_65 [1] : vector<20x512xf32> to vector<20xf32>
    %broadcast_in_dim3A_67 = vector.shape_cast %reduce_max3A_66 : vector<20xf32> to vector<20x1xf32>
    %eq3A_68 = vector.broadcast %broadcast_in_dim3A_67 : vector<20x1xf32> to vector<20x512xf32>
    %eq3A_69 = arith.cmpf oeq, %select_n3A_58, %eq3A_68 : vector<20x512xf32>
    %jit3A_70 = arith.constant 1073741824 : i32
    %broadcast_in_dim3A_71 = vector.broadcast %jit3A_70 : i32 to vector<20x512xi32>
    %select_n3A_72 = arith.select %eq3A_69, %iota3A, %broadcast_in_dim3A_71 : vector<20x512xi1>, vector<20x512xi32>
    %reduce_min3A_73 = arith.constant dense<2147483647> : vector<20xi32>
    %reduce_min3A_74 = vector.multi_reduction <minsi>, %select_n3A_72, %reduce_min3A_73 [1] : vector<20x512xi32> to vector<20xi32>
    %broadcast_in_dim3A_75 = vector.shape_cast %reduce_min3A_74 : vector<20xi32> to vector<20x1xi32>
    %tanh3A_76 = math.tanh %broadcast_in_dim3A_67 : vector<20x1xf32>
    %add3A_77 = arith.addi %broadcast_in_dim3A_75, %mul3A_5 : vector<20x1xi32>
    %eq3A_78 = vector.broadcast %add3A_77 : vector<20x1xi32> to vector<20x10000xi32>
    %eq3A_79 = arith.cmpi eq, %iota3A_2, %eq3A_78 : vector<20x10000xi32>
    %jit3A_80 = arith.constant 0.000000e+00 : f32
    %broadcast_in_dim3A_81 = vector.shape_cast %tanh3A_76 : vector<20x1xf32> to vector<20x1xf32>
    %broadcast_in_dim3A_82 = vector.broadcast %broadcast_in_dim3A_81 : vector<20x1xf32> to vector<20x10000xf32>
    %broadcast_in_dim3A_83 = vector.broadcast %jit3A_80 : f32 to vector<20x10000xf32>
    %select_n3A_84 = arith.select %eq3A_79, %broadcast_in_dim3A_82, %broadcast_in_dim3A_83 : vector<20x10000xi1>, vector<20x10000xf32>
    %dot_general3A_85 = arith.constant dense<0.000000e+00> : vector<20x256xf32>
    %dot_general3A_86 = tpu.matmul %select_n3A_84, %get3A_8, %dot_general3A_85 {dimension_numbers = #tpu.dot_dimension_numbers<[1], [0], [0], [1], [0, 0, 1, 1], [], []>, precision = #tpu.contract_precision<fp32>, transpose_lhs_hint = false} : vector<20x10000xf32>, vector<10000x256xf32>, vector<20x256xf32> -> vector<20x256xf32>
    %eq3A_87 = vector.broadcast %broadcast_in_dim3A_75 : vector<20x1xi32> to vector<20x512xi32>
    %eq3A_88 = arith.cmpi eq, %iota3A, %eq3A_87 : vector<20x512xi32>
    %jit3A_89 = arith.constant -3.000000e+38 : f32
    %broadcast_in_dim3A_90 = vector.broadcast %jit3A_89 : f32 to vector<20x512xf32>
    %select_n3A_91 = arith.select %eq3A_88, %broadcast_in_dim3A_90, %select_n3A_58 : vector<20x512xi1>, vector<20x512xf32>
    %swap3A_92 = arith.constant 0 : index
    %swap3A_93 = arith.constant 2 : index
    %swap3A_94 = arith.constant 0 : index
    %swap3A_95 = vector.load %arg3[%swap3A_92, %swap3A_93, %swap3A_94] : memref<20x4x1xi32, #tpu.memory_space<vmem>>, vector<20x1x1xi32>
    %swap3A_96 = vector.shape_cast %swap3A_95 : vector<20x1x1xi32> to vector<20x1xi32>
    %swap3A_97 = vector.shape_cast %broadcast_in_dim3A_75 : vector<20x1xi32> to vector<20x1x1xi32>
    tpu.vector_store %arg3[%swap3A_92, %swap3A_93, %swap3A_94], %swap3A_97 {strides = array<i32>} : memref<20x4x1xi32, #tpu.memory_space<vmem>>, vector<20x1x1xi32>,
    %reduce_max3A_98 = arith.constant dense<0xFF800000> : vector<20xf32>
    %reduce_max3A_99 = vector.multi_reduction <maximumf>, %select_n3A_91, %reduce_max3A_98 [1] : vector<20x512xf32> to vector<20xf32>
    %broadcast_in_dim3A_100 = vector.shape_cast %reduce_max3A_99 : vector<20xf32> to vector<20x1xf32>
    %eq3A_101 = vector.broadcast %broadcast_in_dim3A_100 : vector<20x1xf32> to vector<20x512xf32>
    %eq3A_102 = arith.cmpf oeq, %select_n3A_91, %eq3A_101 : vector<20x512xf32>
    %jit3A_103 = arith.constant 1073741824 : i32
    %broadcast_in_dim3A_104 = vector.broadcast %jit3A_103 : i32 to vector<20x512xi32>
    %select_n3A_105 = arith.select %eq3A_102, %iota3A, %broadcast_in_dim3A_104 : vector<20x512xi1>, vector<20x512xi32>
    %reduce_min3A_106 = arith.constant dense<2147483647> : vector<20xi32>
    %reduce_min3A_107 = vector.multi_reduction <minsi>, %select_n3A_105, %reduce_min3A_106 [1] : vector<20x512xi32> to vector<20xi32>
    %broadcast_in_dim3A_108 = vector.shape_cast %reduce_min3A_107 : vector<20xi32> to vector<20x1xi32>
    %tanh3A_109 = math.tanh %broadcast_in_dim3A_100 : vector<20x1xf32>
    %add3A_110 = arith.addi %broadcast_in_dim3A_108, %mul3A_5 : vector<20x1xi32>
    %eq3A_111 = vector.broadcast %add3A_110 : vector<20x1xi32> to vector<20x10000xi32>
    %eq3A_112 = arith.cmpi eq, %iota3A_2, %eq3A_111 : vector<20x10000xi32>
    %jit3A_113 = arith.constant 0.000000e+00 : f32
    %broadcast_in_dim3A_114 = vector.shape_cast %tanh3A_109 : vector<20x1xf32> to vector<20x1xf32>
    %broadcast_in_dim3A_115 = vector.broadcast %broadcast_in_dim3A_114 : vector<20x1xf32> to vector<20x10000xf32>
    %broadcast_in_dim3A_116 = vector.broadcast %jit3A_113 : f32 to vector<20x10000xf32>
    %select_n3A_117 = arith.select %eq3A_112, %broadcast_in_dim3A_115, %broadcast_in_dim3A_116 : vector<20x10000xi1>, vector<20x10000xf32>
    %dot_general3A_118 = arith.constant dense<0.000000e+00> : vector<20x256xf32>
    %dot_general3A_119 = tpu.matmul %select_n3A_117, %get3A_8, %dot_general3A_118 {dimension_numbers = #tpu.dot_dimension_numbers<[1], [0], [0], [1], [0, 0, 1, 1], [], []>, precision = #tpu.contract_precision<fp32>, transpose_lhs_hint = false} : vector<20x10000xf32>, vector<10000x256xf32>, vector<20x256xf32> -> vector<20x256xf32>
    %swap3A_120 = arith.constant 0 : index
    %swap3A_121 = arith.constant 3 : index
    %swap3A_122 = arith.constant 0 : index
    %swap3A_123 = vector.load %arg3[%swap3A_120, %swap3A_121, %swap3A_122] : memref<20x4x1xi32, #tpu.memory_space<vmem>>, vector<20x1x1xi32>
    %swap3A_124 = vector.shape_cast %swap3A_123 : vector<20x1x1xi32> to vector<20x1xi32>
    %swap3A_125 = vector.shape_cast %broadcast_in_dim3A_108 : vector<20x1xi32> to vector<20x1x1xi32>
    tpu.vector_store %arg3[%swap3A_120, %swap3A_121, %swap3A_122], %swap3A_125 {strides = array<i32>} : memref<20x4x1xi32, #tpu.memory_space<vmem>>, vector<20x1x1xi32>,
    %min3A = arith.minimumf %dot_general3A_21, %dot_general3A_53 : vector<20x256xf32>
    %max3A = arith.maximumf %dot_general3A_21, %dot_general3A_53 : vector<20x256xf32>
    %min3A_126 = arith.minimumf %dot_general3A_86, %dot_general3A_119 : vector<20x256xf32>
    %max3A_127 = arith.maximumf %dot_general3A_86, %dot_general3A_119 : vector<20x256xf32>
    %min3A_128 = arith.minimumf %min3A, %min3A_126 : vector<20x256xf32>
    %max3A_129 = arith.maximumf %min3A, %min3A_126 : vector<20x256xf32>
    %min3A_130 = arith.minimumf %max3A, %max3A_127 : vector<20x256xf32>
    %max3A_131 = arith.maximumf %max3A, %max3A_127 : vector<20x256xf32>
    %min3A_132 = arith.minimumf %min3A_130, %max3A_129 : vector<20x256xf32>
    %max3A_133 = arith.maximumf %min3A_130, %max3A_129 : vector<20x256xf32>
    %swap3A_134 = arith.constant 0 : index
    %swap3A_135 = arith.constant 0 : index
    %swap3A_136 = arith.constant 0 : index
    %swap3A_137 = vector.load %arg2[%swap3A_134, %swap3A_135, %swap3A_136] : memref<20x4x256xf32, #tpu.memory_space<vmem>>, vector<20x1x256xf32>
    %swap3A_138 = vector.shape_cast %swap3A_137 : vector<20x1x256xf32> to vector<20x256xf32>
    %swap3A_139 = vector.shape_cast %min3A_128 : vector<20x256xf32> to vector<20x1x256xf32>
    tpu.vector_store %arg2[%swap3A_134, %swap3A_135, %swap3A_136], %swap3A_139 {strides = array<i32>} : memref<20x4x256xf32, #tpu.memory_space<vmem>>, vector<20x1x256xf32>,
    %swap3A_140 = arith.constant 0 : index
    %swap3A_141 = arith.constant 1 : index
    %swap3A_142 = arith.constant 0 : index
    %swap3A_143 = vector.load %arg2[%swap3A_140, %swap3A_141, %swap3A_142] : memref<20x4x256xf32, #tpu.memory_space<vmem>>, vector<20x1x256xf32>
    %swap3A_144 = vector.shape_cast %swap3A_143 : vector<20x1x256xf32> to vector<20x256xf32>
    %swap3A_145 = vector.shape_cast %min3A_132 : vector<20x256xf32> to vector<20x1x256xf32>
    tpu.vector_store %arg2[%swap3A_140, %swap3A_141, %swap3A_142], %swap3A_145 {strides = array<i32>} : memref<20x4x256xf32, #tpu.memory_space<vmem>>, vector<20x1x256xf32>,
    %swap3A_146 = arith.constant 0 : index
    %swap3A_147 = arith.constant 2 : index
    %swap3A_148 = arith.constant 0 : index
    %swap3A_149 = vector.load %arg2[%swap3A_146, %swap3A_147, %swap3A_148] : memref<20x4x256xf32, #tpu.memory_space<vmem>>, vector<20x1x256xf32>
    %swap3A_150 = vector.shape_cast %swap3A_149 : vector<20x1x256xf32> to vector<20x256xf32>
    %swap3A_151 = vector.shape_cast %max3A_133 : vector<20x256xf32> to vector<20x1x256xf32>
    tpu.vector_store %arg2[%swap3A_146, %swap3A_147, %swap3A_148], %swap3A_151 {strides = array<i32>} : memref<20x4x256xf32, #tpu.memory_space<vmem>>, vector<20x1x256xf32>,
    %swap3A_152 = arith.constant 0 : index
    %swap3A_153 = arith.constant 3 : index
    %swap3A_154 = arith.constant 0 : index
    %swap3A_155 = vector.load %arg2[%swap3A_152, %swap3A_153, %swap3A_154] : memref<20x4x256xf32, #tpu.memory_space<vmem>>, vector<20x1x256xf32>
    %swap3A_156 = vector.shape_cast %swap3A_155 : vector<20x1x256xf32> to vector<20x256xf32>
    %swap3A_157 = vector.shape_cast %max3A_131 : vector<20x256xf32> to vector<20x1x256xf32>
    tpu.vector_store %arg2[%swap3A_152, %swap3A_153, %swap3A_154], %swap3A_157 {strides = array<i32>} : memref<20x4x256xf32, #tpu.memory_space<vmem>>, vector<20x1x256xf32>,
    return
  }
}

module attributes {stable_mosaic.version = 14 : i64} {
  func.func @_spline_body(%arg0: i32, %arg1: memref<1x500x256xf32, #tpu.memory_space<vmem>>, %arg2: memref<1x4x256xf32, #tpu.memory_space<vmem>>, %arg3: memref<1x4x1xi32, #tpu.memory_space<vmem>>, %arg4: memref<1x500x2xf32, #tpu.memory_space<vmem>>, %arg5: memref<1x256xf32, #tpu.memory_space<vmem>>, %arg6: memref<256x256xf32, #tpu.memory_space<vmem>>, %arg7: memref<256x256xf32, #tpu.memory_space<vmem>>, %arg8: memref<256x256xf32, #tpu.memory_space<vmem>>, %arg9: memref<256x256xf32, #tpu.memory_space<vmem>>, %arg10: memref<2x1x500x128xf32, #tpu.memory_space<vmem>>, %arg11: memref<1x1x256xf32, #tpu.memory_space<vmem>>) attributes {dimension_semantics = [#tpu.dimension_semantics<arbitrary>], iteration_bounds = array<i64: 20>, scalar_prefetch = 0 : i64, scratch_operands = 0 : i64, tpu.core_type = #tpu.core_type<tc>, window_params = [{transform_indices = @transform_0, window_bounds = array<i64: 1, 500, 256>}, {transform_indices = @transform_1, window_bounds = array<i64: 1, 4, 256>}, {transform_indices = @transform_2, window_bounds = array<i64: 1, 4, 1>}, {transform_indices = @transform_3, window_bounds = array<i64: 1, 500, 2>}, {pipeline_mode = #tpu.pipeline_mode<synchronous>, transform_indices = @transform_4, window_bounds = array<i64: 1, 256>}, {pipeline_mode = #tpu.pipeline_mode<synchronous>, transform_indices = @transform_5, window_bounds = array<i64: 256, 256>}, {pipeline_mode = #tpu.pipeline_mode<synchronous>, transform_indices = @transform_6, window_bounds = array<i64: 256, 256>}, {pipeline_mode = #tpu.pipeline_mode<synchronous>, transform_indices = @transform_7, window_bounds = array<i64: 256, 256>}, {pipeline_mode = #tpu.pipeline_mode<synchronous>, transform_indices = @transform_8, window_bounds = array<i64: 256, 256>}, {transform_indices = @transform_9, window_bounds = array<i64: 2, 1, 500, 128>}, {transform_indices = @transform_10, window_bounds = array<i64: 1, 1, 256>}]} {
    %get3A = arith.constant 0 : index
    %get3A_0 = arith.constant 0 : index
    %get3A_1 = arith.constant 0 : index
    %get3A_2 = vector.load %arg1[%get3A, %get3A_0, %get3A_1] : memref<1x500x256xf32, #tpu.memory_space<vmem>>, vector<1x500x256xf32>
    %get3A_3 = vector.shape_cast %get3A_2 : vector<1x500x256xf32> to vector<500x256xf32>
    %get3A_4 = arith.constant 0 : index
    %get3A_5 = arith.constant 0 : index
    %get3A_6 = arith.constant 0 : index
    %get3A_7 = vector.load %arg2[%get3A_4, %get3A_5, %get3A_6] : memref<1x4x256xf32, #tpu.memory_space<vmem>>, vector<1x4x256xf32>
    %get3A_8 = vector.shape_cast %get3A_7 : vector<1x4x256xf32> to vector<4x256xf32>
    %slice3A = vector.extract_strided_slice %get3A_8 {offsets = [3, 0], sizes = [1, 256], strides = [1, 1]} : vector<4x256xf32> to vector<1x256xf32>
    %sub3A = vector.broadcast %slice3A : vector<1x256xf32> to vector<500x256xf32>
    %sub3A_9 = arith.subf %get3A_3, %sub3A : vector<500x256xf32>
    %max3A = arith.constant 0.000000e+00 : f32
    %max3A_10 = vector.broadcast %max3A : f32 to vector<500x256xf32>
    %max3A_11 = arith.maximumf %sub3A_9, %max3A_10 : vector<500x256xf32>
    %integer_pow3A = arith.mulf %max3A_11, %max3A_11 : vector<500x256xf32>
    %integer_pow3A_12 = arith.mulf %max3A_11, %integer_pow3A : vector<500x256xf32>
    %get3A_13 = arith.constant 0 : index
    %get3A_14 = arith.constant 0 : index
    %get3A_15 = vector.load %arg6[%get3A_13, %get3A_14] : memref<256x256xf32, #tpu.memory_space<vmem>>, vector<256x256xf32>
    %dot_general3A = arith.constant dense<0.000000e+00> : vector<500x256xf32>
    %dot_general3A_16 = tpu.matmul %get3A_3, %get3A_15, %dot_general3A {dimension_numbers = #tpu.dot_dimension_numbers<[1], [0], [0], [1], [0, 0, 1, 1], [], []>, precision = #tpu.contract_precision<fp32>, transpose_lhs_hint = false} : vector<500x256xf32>, vector<256x256xf32>, vector<500x256xf32> -> vector<500x256xf32>
    %slice3A_17 = vector.extract_strided_slice %get3A_8 {offsets = [0, 0], sizes = [1, 256], strides = [1, 1]} : vector<4x256xf32> to vector<1x256xf32>
    %sub3A_18 = vector.broadcast %slice3A_17 : vector<1x256xf32> to vector<500x256xf32>
    %sub3A_19 = arith.subf %get3A_3, %sub3A_18 : vector<500x256xf32>
    %max3A_20 = arith.constant 0.000000e+00 : f32
    %max3A_21 = vector.broadcast %max3A_20 : f32 to vector<500x256xf32>
    %max3A_22 = arith.maximumf %sub3A_19, %max3A_21 : vector<500x256xf32>
    %integer_pow3A_23 = arith.mulf %max3A_22, %max3A_22 : vector<500x256xf32>
    %integer_pow3A_24 = arith.mulf %max3A_22, %integer_pow3A_23 : vector<500x256xf32>
    %sub3A_25 = arith.subf %integer_pow3A_24, %integer_pow3A_12 : vector<500x256xf32>
    %sub3A_26 = arith.subf %slice3A, %slice3A_17 : vector<1x256xf32>
    %add3A = arith.constant 9.99999997E-7 : f32
    %add3A_27 = vector.broadcast %add3A : f32 to vector<1x256xf32>
    %add3A_28 = arith.addf %sub3A_26, %add3A_27 : vector<1x256xf32>
    %div3A = vector.broadcast %add3A_28 : vector<1x256xf32> to vector<500x256xf32>
    %div3A_29 = arith.divf %sub3A_25, %div3A : vector<500x256xf32>
    %get3A_30 = arith.constant 0 : index
    %get3A_31 = arith.constant 0 : index
    %get3A_32 = vector.load %arg7[%get3A_30, %get3A_31] : memref<256x256xf32, #tpu.memory_space<vmem>>, vector<256x256xf32>
    %dot_general3A_33 = arith.constant dense<0.000000e+00> : vector<500x256xf32>
    %dot_general3A_34 = tpu.matmul %div3A_29, %get3A_32, %dot_general3A_33 {dimension_numbers = #tpu.dot_dimension_numbers<[1], [0], [0], [1], [0, 0, 1, 1], [], []>, precision = #tpu.contract_precision<fp32>, transpose_lhs_hint = false} : vector<500x256xf32>, vector<256x256xf32>, vector<500x256xf32> -> vector<500x256xf32>
    %add3A_35 = arith.addf %dot_general3A_16, %dot_general3A_34 : vector<500x256xf32>
    %slice3A_36 = vector.extract_strided_slice %get3A_8 {offsets = [1, 0], sizes = [1, 256], strides = [1, 1]} : vector<4x256xf32> to vector<1x256xf32>
    %sub3A_37 = vector.broadcast %slice3A_36 : vector<1x256xf32> to vector<500x256xf32>
    %sub3A_38 = arith.subf %get3A_3, %sub3A_37 : vector<500x256xf32>
    %max3A_39 = arith.constant 0.000000e+00 : f32
    %max3A_40 = vector.broadcast %max3A_39 : f32 to vector<500x256xf32>
    %max3A_41 = arith.maximumf %sub3A_38, %max3A_40 : vector<500x256xf32>
    %integer_pow3A_42 = arith.mulf %max3A_41, %max3A_41 : vector<500x256xf32>
    %integer_pow3A_43 = arith.mulf %max3A_41, %integer_pow3A_42 : vector<500x256xf32>
    %sub3A_44 = arith.subf %integer_pow3A_43, %integer_pow3A_12 : vector<500x256xf32>
    %sub3A_45 = arith.subf %slice3A, %slice3A_36 : vector<1x256xf32>
    %add3A_46 = arith.constant 9.99999997E-7 : f32
    %add3A_47 = vector.broadcast %add3A_46 : f32 to vector<1x256xf32>
    %add3A_48 = arith.addf %sub3A_45, %add3A_47 : vector<1x256xf32>
    %div3A_49 = vector.broadcast %add3A_48 : vector<1x256xf32> to vector<500x256xf32>
    %div3A_50 = arith.divf %sub3A_44, %div3A_49 : vector<500x256xf32>
    %get3A_51 = arith.constant 0 : index
    %get3A_52 = arith.constant 0 : index
    %get3A_53 = vector.load %arg8[%get3A_51, %get3A_52] : memref<256x256xf32, #tpu.memory_space<vmem>>, vector<256x256xf32>
    %dot_general3A_54 = arith.constant dense<0.000000e+00> : vector<500x256xf32>
    %dot_general3A_55 = tpu.matmul %div3A_50, %get3A_53, %dot_general3A_54 {dimension_numbers = #tpu.dot_dimension_numbers<[1], [0], [0], [1], [0, 0, 1, 1], [], []>, precision = #tpu.contract_precision<fp32>, transpose_lhs_hint = false} : vector<500x256xf32>, vector<256x256xf32>, vector<500x256xf32> -> vector<500x256xf32>
    %add3A_56 = arith.addf %add3A_35, %dot_general3A_55 : vector<500x256xf32>
    %slice3A_57 = vector.extract_strided_slice %get3A_8 {offsets = [2, 0], sizes = [1, 256], strides = [1, 1]} : vector<4x256xf32> to vector<1x256xf32>
    %sub3A_58 = vector.broadcast %slice3A_57 : vector<1x256xf32> to vector<500x256xf32>
    %sub3A_59 = arith.subf %get3A_3, %sub3A_58 : vector<500x256xf32>
    %max3A_60 = arith.constant 0.000000e+00 : f32
    %max3A_61 = vector.broadcast %max3A_60 : f32 to vector<500x256xf32>
    %max3A_62 = arith.maximumf %sub3A_59, %max3A_61 : vector<500x256xf32>
    %integer_pow3A_63 = arith.mulf %max3A_62, %max3A_62 : vector<500x256xf32>
    %integer_pow3A_64 = arith.mulf %max3A_62, %integer_pow3A_63 : vector<500x256xf32>
    %sub3A_65 = arith.subf %integer_pow3A_64, %integer_pow3A_12 : vector<500x256xf32>
    %sub3A_66 = arith.subf %slice3A, %slice3A_57 : vector<1x256xf32>
    %add3A_67 = arith.constant 9.99999997E-7 : f32
    %add3A_68 = vector.broadcast %add3A_67 : f32 to vector<1x256xf32>
    %add3A_69 = arith.addf %sub3A_66, %add3A_68 : vector<1x256xf32>
    %div3A_70 = vector.broadcast %add3A_69 : vector<1x256xf32> to vector<500x256xf32>
    %div3A_71 = arith.divf %sub3A_65, %div3A_70 : vector<500x256xf32>
    %get3A_72 = arith.constant 0 : index
    %get3A_73 = arith.constant 0 : index
    %get3A_74 = vector.load %arg9[%get3A_72, %get3A_73] : memref<256x256xf32, #tpu.memory_space<vmem>>, vector<256x256xf32>
    %dot_general3A_75 = arith.constant dense<0.000000e+00> : vector<500x256xf32>
    %dot_general3A_76 = tpu.matmul %div3A_71, %get3A_74, %dot_general3A_75 {dimension_numbers = #tpu.dot_dimension_numbers<[1], [0], [0], [1], [0, 0, 1, 1], [], []>, precision = #tpu.contract_precision<fp32>, transpose_lhs_hint = false} : vector<500x256xf32>, vector<256x256xf32>, vector<500x256xf32> -> vector<500x256xf32>
    %add3A_77 = arith.addf %add3A_56, %dot_general3A_76 : vector<500x256xf32>
    %get3A_78 = arith.constant 0 : index
    %get3A_79 = arith.constant 0 : index
    %get3A_80 = vector.load %arg5[%get3A_78, %get3A_79] : memref<1x256xf32, #tpu.memory_space<vmem>>, vector<1x256xf32>
    %add3A_81 = vector.broadcast %get3A_80 : vector<1x256xf32> to vector<500x256xf32>
    %add3A_82 = arith.addf %add3A_77, %add3A_81 : vector<500x256xf32>
    %get3A_83 = arith.constant 0 : index
    %get3A_84 = arith.constant 0 : index
    %get3A_85 = arith.constant 0 : index
    %get3A_86 = vector.load %arg3[%get3A_83, %get3A_84, %get3A_85] : memref<1x4x1xi32, #tpu.memory_space<vmem>>, vector<1x4x1xi32>
    %get3A_87 = vector.shape_cast %get3A_86 : vector<1x4x1xi32> to vector<4x1xi32>
    %iota3A = tpu.iota {dimensions = array<i32: 1>} : vector<4x500xi32>
    %eq3A = vector.broadcast %get3A_87 : vector<4x1xi32> to vector<4x500xi32>
    %eq3A_88 = arith.cmpi eq, %iota3A, %eq3A : vector<4x500xi32>
    %convert_element_type3A = arith.extui %eq3A_88 : vector<4x500xi1> to vector<4x500xi32>
    %convert_element_type3A_89 = arith.sitofp %convert_element_type3A : vector<4x500xi32> to vector<4x500xf32>
    %dot_general3A_90 = arith.constant dense<0.000000e+00> : vector<4x256xf32>
    %dot_general3A_91 = tpu.matmul %convert_element_type3A_89, %add3A_82, %dot_general3A_90 {dimension_numbers = #tpu.dot_dimension_numbers<[1], [0], [0], [1], [0, 0, 1, 1], [], []>, precision = #tpu.contract_precision<fp32>, transpose_lhs_hint = false} : vector<4x500xf32>, vector<500x256xf32>, vector<4x256xf32> -> vector<4x256xf32>
    %reduce_max3A = arith.constant dense<0xFF800000> : vector<256xf32>
    %reduce_max3A_92 = vector.multi_reduction <maximumf>, %dot_general3A_91, %reduce_max3A [0] : vector<4x256xf32> to vector<256xf32>
    %broadcast_in_dim3A = vector.shape_cast %reduce_max3A_92 : vector<256xf32> to vector<1x256xf32>
    %swap3A = arith.constant 0 : index
    %swap3A_93 = arith.constant 0 : index
    %swap3A_94 = arith.constant 0 : index
    %swap3A_95 = vector.load %arg11[%swap3A, %swap3A_93, %swap3A_94] : memref<1x1x256xf32, #tpu.memory_space<vmem>>, vector<1x1x256xf32>
    %swap3A_96 = vector.shape_cast %swap3A_95 : vector<1x1x256xf32> to vector<1x256xf32>
    %swap3A_97 = vector.shape_cast %broadcast_in_dim3A : vector<1x256xf32> to vector<1x1x256xf32>
    tpu.vector_store %arg11[%swap3A, %swap3A_93, %swap3A_94], %swap3A_97 {strides = array<i32>} : memref<1x1x256xf32, #tpu.memory_space<vmem>>, vector<1x1x256xf32>,
    %get3A_98 = arith.constant 0 : index
    %get3A_99 = arith.constant 0 : index
    %get3A_100 = arith.constant 0 : index
    %get3A_101 = vector.load %arg4[%get3A_98, %get3A_99, %get3A_100] : memref<1x500x2xf32, #tpu.memory_space<vmem>>, vector<1x500x2xf32>
    %get3A_102 = vector.shape_cast %get3A_101 : vector<1x500x2xf32> to vector<500x2xf32>
    %slice3A_103 = vector.extract_strided_slice %get3A_102 {offsets = [0, 0], sizes = [500, 1], strides = [1, 1]} : vector<500x2xf32> to vector<500x1xf32>
    %add3A_104 = arith.constant 1.000000e+00 : f32
    %add3A_105 = vector.broadcast %add3A_104 : f32 to vector<500x1xf32>
    %add3A_106 = arith.addf %add3A_105, %slice3A_103 : vector<500x1xf32>
    %slice3A_107 = vector.extract_strided_slice %get3A_102 {offsets = [0, 1], sizes = [500, 1], strides = [1, 1]} : vector<500x2xf32> to vector<500x1xf32>
    %add3A_108 = arith.addf %add3A_106, %slice3A_107 : vector<500x1xf32>
    %rsqrt3A = math.rsqrt %add3A_108 : vector<500x1xf32>
    %mul3A = vector.broadcast %rsqrt3A : vector<500x1xf32> to vector<500x256xf32>
    %mul3A_109 = arith.mulf %add3A_82, %mul3A : vector<500x256xf32>
    %slice3A_110 = vector.extract_strided_slice %mul3A_109 {offsets = [0, 0], sizes = [500, 128], strides = [1, 1]} : vector<500x256xf32> to vector<500x128xf32>
    %swap3A_111 = arith.constant 0 : index
    %swap3A_112 = arith.constant 0 : index
    %swap3A_113 = arith.constant 0 : index
    %swap3A_114 = arith.constant 0 : index
    %swap3A_115 = vector.load %arg10[%swap3A_111, %swap3A_112, %swap3A_113, %swap3A_114] : memref<2x1x500x128xf32, #tpu.memory_space<vmem>>, vector<1x1x500x128xf32>
    %swap3A_116 = vector.shape_cast %swap3A_115 : vector<1x1x500x128xf32> to vector<500x128xf32>
    %swap3A_117 = vector.shape_cast %slice3A_110 : vector<500x128xf32> to vector<1x1x500x128xf32>
    tpu.vector_store %arg10[%swap3A_111, %swap3A_112, %swap3A_113, %swap3A_114], %swap3A_117 {strides = array<i32>} : memref<2x1x500x128xf32, #tpu.memory_space<vmem>>, vector<1x1x500x128xf32>,
    %slice3A_118 = vector.extract_strided_slice %mul3A_109 {offsets = [0, 128], sizes = [500, 128], strides = [1, 1]} : vector<500x256xf32> to vector<500x128xf32>
    %swap3A_119 = arith.constant 1 : index
    %swap3A_120 = arith.constant 0 : index
    %swap3A_121 = arith.constant 0 : index
    %swap3A_122 = arith.constant 0 : index
    %swap3A_123 = vector.load %arg10[%swap3A_119, %swap3A_120, %swap3A_121, %swap3A_122] : memref<2x1x500x128xf32, #tpu.memory_space<vmem>>, vector<1x1x500x128xf32>
    %swap3A_124 = vector.shape_cast %swap3A_123 : vector<1x1x500x128xf32> to vector<500x128xf32>
    %swap3A_125 = vector.shape_cast %slice3A_118 : vector<500x128xf32> to vector<1x1x500x128xf32>
    tpu.vector_store %arg10[%swap3A_119, %swap3A_120, %swap3A_121, %swap3A_122], %swap3A_125 {strides = array<i32>} : memref<2x1x500x128xf32, #tpu.memory_space<vmem>>, vector<1x1x500x128xf32>,
    return
  }
  func.func @transform_0(%arg0: i32) -> (i32, i32, i32) {
    %c0_i32 = arith.constant 0 : i32
    %c0_i32_0 = arith.constant 0 : i32
    %c0_i32_1 = arith.constant 0 : i32
    return %arg0, %c0_i32, %c0_i32_0 : i32, i32, i32
  }
  func.func @transform_1(%arg0: i32) -> (i32, i32, i32) {
    %c0_i32 = arith.constant 0 : i32
    %c0_i32_0 = arith.constant 0 : i32
    %c0_i32_1 = arith.constant 0 : i32
    return %arg0, %c0_i32, %c0_i32_0 : i32, i32, i32
  }
  func.func @transform_2(%arg0: i32) -> (i32, i32, i32) {
    %c0_i32 = arith.constant 0 : i32
    %c0_i32_0 = arith.constant 0 : i32
    %c0_i32_1 = arith.constant 0 : i32
    return %arg0, %c0_i32, %c0_i32_0 : i32, i32, i32
  }
  func.func @transform_3(%arg0: i32) -> (i32, i32, i32) {
    %c0_i32 = arith.constant 0 : i32
    %c0_i32_0 = arith.constant 0 : i32
    %c0_i32_1 = arith.constant 0 : i32
    return %arg0, %c0_i32, %c0_i32_0 : i32, i32, i32
  }
  func.func @transform_4(%arg0: i32) -> (i32, i32) {
    %c0_i32 = arith.constant 0 : i32
    %c0_i32_0 = arith.constant 0 : i32
    %c0_i32_1 = arith.constant 0 : i32
    return %c0_i32, %c0_i32_0 : i32, i32
  }
  func.func @transform_5(%arg0: i32) -> (i32, i32) {
    %c0_i32 = arith.constant 0 : i32
    %c0_i32_0 = arith.constant 0 : i32
    %c0_i32_1 = arith.constant 0 : i32
    return %c0_i32, %c0_i32_0 : i32, i32
  }
  func.func @transform_6(%arg0: i32) -> (i32, i32) {
    %c0_i32 = arith.constant 0 : i32
    %c0_i32_0 = arith.constant 0 : i32
    %c0_i32_1 = arith.constant 0 : i32
    return %c0_i32, %c0_i32_0 : i32, i32
  }
  func.func @transform_7(%arg0: i32) -> (i32, i32) {
    %c0_i32 = arith.constant 0 : i32
    %c0_i32_0 = arith.constant 0 : i32
    %c0_i32_1 = arith.constant 0 : i32
    return %c0_i32, %c0_i32_0 : i32, i32
  }
  func.func @transform_8(%arg0: i32) -> (i32, i32) {
    %c0_i32 = arith.constant 0 : i32
    %c0_i32_0 = arith.constant 0 : i32
    %c0_i32_1 = arith.constant 0 : i32
    return %c0_i32, %c0_i32_0 : i32, i32
  }
  func.func @transform_9(%arg0: i32) -> (i32, i32, i32, i32) {
    %c0_i32 = arith.constant 0 : i32
    %c0_i32_0 = arith.constant 0 : i32
    %c0_i32_1 = arith.constant 0 : i32
    %c0_i32_2 = arith.constant 0 : i32
    return %c0_i32, %arg0, %c0_i32_0, %c0_i32_1 : i32, i32, i32, i32
  }
  func.func @transform_10(%arg0: i32) -> (i32, i32, i32) {
    %c0_i32 = arith.constant 0 : i32
    %c0_i32_0 = arith.constant 0 : i32
    %c0_i32_1 = arith.constant 0 : i32
    return %arg0, %c0_i32, %c0_i32_0 : i32, i32, i32
  }
}

module attributes {stable_mosaic.version = 14 : i64} {
  func.func @_post1_body(%arg0: i32, %arg1: i32, %arg2: i32, %arg3: memref<1x1x1000x128xf32, #tpu.memory_space<vmem>>, %arg4: memref<1x1000x2xf32, #tpu.memory_space<vmem>>, %arg5: memref<1x1x128x128xf32, #tpu.memory_space<vmem>>, %arg6: memref<1x1x128xf32, #tpu.memory_space<vmem>>, %arg7: memref<1x1x1000x128xf32, #tpu.memory_space<vmem>>, %arg8: memref<1x2x128xf32, #tpu.memory_space<vmem>>, %arg9: memref<1000x128xf32, #tpu.memory_space<vmem>>, %arg10: memref<8x128xf32, #tpu.memory_space<vmem>>) attributes {dimension_semantics = [#tpu.dimension_semantics<arbitrary>, #tpu.dimension_semantics<arbitrary>, #tpu.dimension_semantics<arbitrary>], iteration_bounds = array<i64: 4, 10, 2>, scalar_prefetch = 0 : i64, scratch_operands = 2 : i64, tpu.core_type = #tpu.core_type<tc>, window_params = [{transform_indices = @transform_0, window_bounds = array<i64: 1, 1, 1000, 128>}, {transform_indices = @transform_1, window_bounds = array<i64: 1, 1000, 2>}, {transform_indices = @transform_2, window_bounds = array<i64: 1, 1, 128, 128>}, {transform_indices = @transform_3, window_bounds = array<i64: 1, 1, 128>}, {transform_indices = @transform_4, window_bounds = array<i64: 1, 1, 1000, 128>}, {transform_indices = @transform_5, window_bounds = array<i64: 1, 2, 128>}]} {
    %get3A = arith.constant 0 : index
    %get3A_0 = arith.constant 0 : index
    %get3A_1 = arith.constant 0 : index
    %get3A_2 = vector.load %arg4[%get3A, %get3A_0, %get3A_1] : memref<1x1000x2xf32, #tpu.memory_space<vmem>>, vector<1x1000x2xf32>
    %get3A_3 = vector.shape_cast %get3A_2 : vector<1x1000x2xf32> to vector<1000x2xf32>
    %slice3A = vector.extract_strided_slice %get3A_3 {offsets = [0, 0], sizes = [1000, 1], strides = [1, 1]} : vector<1000x2xf32> to vector<1000x1xf32>
    %add3A = arith.constant 1.000000e+00 : f32
    %add3A_4 = vector.broadcast %add3A : f32 to vector<1000x1xf32>
    %add3A_5 = arith.addf %add3A_4, %slice3A : vector<1000x1xf32>
    %slice3A_6 = vector.extract_strided_slice %get3A_3 {offsets = [0, 1], sizes = [1000, 1], strides = [1, 1]} : vector<1000x2xf32> to vector<1000x1xf32>
    %add3A_7 = arith.addf %add3A_5, %slice3A_6 : vector<1000x1xf32>
    %rsqrt3A = math.rsqrt %add3A_7 : vector<1000x1xf32>
    %get3A_8 = arith.constant 0 : index
    %get3A_9 = arith.constant 0 : index
    %get3A_10 = arith.constant 0 : index
    %get3A_11 = arith.constant 0 : index
    %get3A_12 = vector.load %arg3[%get3A_8, %get3A_9, %get3A_10, %get3A_11] : memref<1x1x1000x128xf32, #tpu.memory_space<vmem>>, vector<1x1x1000x128xf32>
    %get3A_13 = vector.shape_cast %get3A_12 : vector<1x1x1000x128xf32> to vector<1000x128xf32>
    %mul3A = vector.broadcast %rsqrt3A : vector<1000x1xf32> to vector<1000x128xf32>
    %mul3A_14 = arith.mulf %get3A_13, %mul3A : vector<1000x128xf32>
    %get3A_15 = arith.constant 0 : index
    %get3A_16 = arith.constant 0 : index
    %get3A_17 = arith.constant 0 : index
    %get3A_18 = arith.constant 0 : index
    %get3A_19 = vector.load %arg5[%get3A_15, %get3A_16, %get3A_17, %get3A_18] : memref<1x1x128x128xf32, #tpu.memory_space<vmem>>, vector<1x1x128x128xf32>
    %get3A_20 = vector.shape_cast %get3A_19 : vector<1x1x128x128xf32> to vector<128x128xf32>
    %dot_general3A = arith.constant dense<0.000000e+00> : vector<1000x128xf32>
    %dot_general3A_21 = tpu.matmul %mul3A_14, %get3A_20, %dot_general3A {dimension_numbers = #tpu.dot_dimension_numbers<[1], [0], [0], [1], [0, 0, 1, 1], [], []>, precision = #tpu.contract_precision<fp32>, transpose_lhs_hint = false} : vector<1000x128xf32>, vector<128x128xf32>, vector<1000x128xf32> -> vector<1000x128xf32>
    %eq3A = arith.constant 0 : i32
    %eq3A_22 = arith.cmpi eq, %arg2, %eq3A : i32
    %convert_element_type3A = arith.extui %eq3A_22 : i1 to i32
    %cond3A = arith.constant 0 : i32
    %cond3A_23 = arith.cmpi ne, %convert_element_type3A, %cond3A : i32
    scf.if %cond3A_23 {
      %swap3A = arith.constant 0 : index
      %swap3A_33 = arith.constant 0 : index
      %swap3A_34 = vector.load %arg9[%swap3A, %swap3A_33] : memref<1000x128xf32, #tpu.memory_space<vmem>>, vector<1000x128xf32>
      tpu.vector_store %arg9[%swap3A, %swap3A_33], %dot_general3A_21 {strides = array<i32>} : memref<1000x128xf32, #tpu.memory_space<vmem>>, vector<1000x128xf32>,
    } else {
    }
    %gt3A = arith.constant 0 : i32
    %gt3A_24 = arith.cmpi sgt, %arg2, %gt3A : i32
    %convert_element_type3A_25 = arith.extui %gt3A_24 : i1 to i32
    %cond3A_26 = arith.constant 0 : i32
    %cond3A_27 = arith.cmpi ne, %convert_element_type3A_25, %cond3A_26 : i32
    scf.if %cond3A_27 {
      %get3A_33 = arith.constant 0 : index
      %get3A_34 = arith.constant 0 : index
      %get3A_35 = vector.load %arg9[%get3A_33, %get3A_34] : memref<1000x128xf32, #tpu.memory_space<vmem>>, vector<1000x128xf32>
      %add3A_36 = arith.addf %get3A_35, %dot_general3A_21 : vector<1000x128xf32>
      %swap3A = arith.constant 0 : index
      %swap3A_37 = arith.constant 0 : index
      %swap3A_38 = vector.load %arg9[%swap3A, %swap3A_37] : memref<1000x128xf32, #tpu.memory_space<vmem>>, vector<1000x128xf32>
      tpu.vector_store %arg9[%swap3A, %swap3A_37], %add3A_36 {strides = array<i32>} : memref<1000x128xf32, #tpu.memory_space<vmem>>, vector<1000x128xf32>,
    } else {
    }
    %eq3A_28 = arith.constant 1 : i32
    %eq3A_29 = arith.cmpi eq, %arg2, %eq3A_28 : i32
    %convert_element_type3A_30 = arith.extui %eq3A_29 : i1 to i32
    %cond3A_31 = arith.constant 0 : i32
    %cond3A_32 = arith.cmpi ne, %convert_element_type3A_30, %cond3A_31 : i32
    scf.if %cond3A_32 {
      %get3A_33 = arith.constant 0 : index
      %get3A_34 = arith.constant 0 : index
      %get3A_35 = vector.load %arg9[%get3A_33, %get3A_34] : memref<1000x128xf32, #tpu.memory_space<vmem>>, vector<1000x128xf32>
      %get3A_36 = arith.constant 0 : index
      %get3A_37 = arith.constant 0 : index
      %get3A_38 = arith.constant 0 : index
      %get3A_39 = vector.load %arg6[%get3A_36, %get3A_37, %get3A_38] : memref<1x1x128xf32, #tpu.memory_space<vmem>>, vector<1x1x128xf32>
      %get3A_40 = vector.shape_cast %get3A_39 : vector<1x1x128xf32> to vector<1x128xf32>
      %add3A_41 = vector.broadcast %get3A_40 : vector<1x128xf32> to vector<1000x128xf32>
      %add3A_42 = arith.addf %get3A_35, %add3A_41 : vector<1000x128xf32>
      %max3A = arith.constant 0.000000e+00 : f32
      %max3A_43 = vector.broadcast %max3A : f32 to vector<1000x128xf32>
      %max3A_44 = arith.maximumf %add3A_42, %max3A_43 : vector<1000x128xf32>
      %swap3A = arith.constant 0 : index
      %swap3A_45 = arith.constant 0 : index
      %swap3A_46 = arith.constant 0 : index
      %swap3A_47 = arith.constant 0 : index
      %swap3A_48 = vector.load %arg7[%swap3A, %swap3A_45, %swap3A_46, %swap3A_47] : memref<1x1x1000x128xf32, #tpu.memory_space<vmem>>, vector<1x1x1000x128xf32>
      %swap3A_49 = vector.shape_cast %swap3A_48 : vector<1x1x1000x128xf32> to vector<1000x128xf32>
      %swap3A_50 = vector.shape_cast %max3A_44 : vector<1000x128xf32> to vector<1x1x1000x128xf32>
      tpu.vector_store %arg7[%swap3A, %swap3A_45, %swap3A_46, %swap3A_47], %swap3A_50 {strides = array<i32>} : memref<1x1x1000x128xf32, #tpu.memory_space<vmem>>, vector<1x1x1000x128xf32>,
      %reduce_sum3A = arith.constant dense<0.000000e+00> : vector<128xf32>
      %reduce_sum3A_51 = vector.multi_reduction <add>, %max3A_44, %reduce_sum3A [0] : vector<1000x128xf32> to vector<128xf32>
      %broadcast_in_dim3A = vector.shape_cast %reduce_sum3A_51 : vector<128xf32> to vector<1x128xf32>
      %mul3A_52 = arith.mulf %max3A_44, %max3A_44 : vector<1000x128xf32>
      %reduce_sum3A_53 = arith.constant dense<0.000000e+00> : vector<128xf32>
      %reduce_sum3A_54 = vector.multi_reduction <add>, %mul3A_52, %reduce_sum3A_53 [0] : vector<1000x128xf32> to vector<128xf32>
      %broadcast_in_dim3A_55 = vector.shape_cast %reduce_sum3A_54 : vector<128xf32> to vector<1x128xf32>
      %eq3A_56 = arith.constant 0 : i32
      %eq3A_57 = arith.cmpi eq, %arg1, %eq3A_56 : i32
      %convert_element_type3A_58 = arith.extui %eq3A_57 : i1 to i32
      %cond3A_59 = arith.constant 0 : i32
      %cond3A_60 = arith.cmpi ne, %convert_element_type3A_58, %cond3A_59 : i32
      scf.if %cond3A_60 {
        %swap3A_71 = arith.constant 0 : index
        %swap3A_72 = arith.constant 0 : index
        %swap3A_73 = vector.load %arg10[%swap3A_71, %swap3A_72] : memref<8x128xf32, #tpu.memory_space<vmem>>, vector<1x128xf32>
        tpu.vector_store %arg10[%swap3A_71, %swap3A_72], %broadcast_in_dim3A {strides = array<i32>} : memref<8x128xf32, #tpu.memory_space<vmem>>, vector<1x128xf32>,
        %swap3A_74 = arith.constant 1 : index
        %swap3A_75 = arith.constant 0 : index
        %swap3A_76 = vector.load %arg10[%swap3A_74, %swap3A_75] : memref<8x128xf32, #tpu.memory_space<vmem>>, vector<1x128xf32>
        tpu.vector_store %arg10[%swap3A_74, %swap3A_75], %broadcast_in_dim3A_55 {strides = array<i32>} : memref<8x128xf32, #tpu.memory_space<vmem>>, vector<1x128xf32>,
      } else {
      }
      %gt3A_61 = arith.constant 0 : i32
      %gt3A_62 = arith.cmpi sgt, %arg1, %gt3A_61 : i32
      %convert_element_type3A_63 = arith.extui %gt3A_62 : i1 to i32
      %cond3A_64 = arith.constant 0 : i32
      %cond3A_65 = arith.cmpi ne, %convert_element_type3A_63, %cond3A_64 : i32
      scf.if %cond3A_65 {
        %get3A_71 = arith.constant 0 : index
        %get3A_72 = arith.constant 0 : index
        %get3A_73 = vector.load %arg10[%get3A_71, %get3A_72] : memref<8x128xf32, #tpu.memory_space<vmem>>, vector<1x128xf32>
        %add3A_74 = arith.addf %get3A_73, %broadcast_in_dim3A : vector<1x128xf32>
        %swap3A_75 = arith.constant 0 : index
        %swap3A_76 = arith.constant 0 : index
        %swap3A_77 = vector.load %arg10[%swap3A_75, %swap3A_76] : memref<8x128xf32, #tpu.memory_space<vmem>>, vector<1x128xf32>
        tpu.vector_store %arg10[%swap3A_75, %swap3A_76], %add3A_74 {strides = array<i32>} : memref<8x128xf32, #tpu.memory_space<vmem>>, vector<1x128xf32>,
        %get3A_78 = arith.constant 1 : index
        %get3A_79 = arith.constant 0 : index
        %get3A_80 = vector.load %arg10[%get3A_78, %get3A_79] : memref<8x128xf32, #tpu.memory_space<vmem>>, vector<1x128xf32>
        %add3A_81 = arith.addf %get3A_80, %broadcast_in_dim3A_55 : vector<1x128xf32>
        %swap3A_82 = arith.constant 1 : index
        %swap3A_83 = arith.constant 0 : index
        %swap3A_84 = vector.load %arg10[%swap3A_82, %swap3A_83] : memref<8x128xf32, #tpu.memory_space<vmem>>, vector<1x128xf32>
        tpu.vector_store %arg10[%swap3A_82, %swap3A_83], %add3A_81 {strides = array<i32>} : memref<8x128xf32, #tpu.memory_space<vmem>>, vector<1x128xf32>,
      } else {
      }
      %eq3A_66 = arith.constant 9 : i32
      %eq3A_67 = arith.cmpi eq, %arg1, %eq3A_66 : i32
      %convert_element_type3A_68 = arith.extui %eq3A_67 : i1 to i32
      %cond3A_69 = arith.constant 0 : i32
      %cond3A_70 = arith.cmpi ne, %convert_element_type3A_68, %cond3A_69 : i32
      scf.if %cond3A_70 {
        %get3A_71 = arith.constant 0 : index
        %get3A_72 = arith.constant 0 : index
        %get3A_73 = vector.load %arg10[%get3A_71, %get3A_72] : memref<8x128xf32, #tpu.memory_space<vmem>>, vector<2x128xf32>
        %swap3A_74 = arith.constant 0 : index
        %swap3A_75 = arith.constant 0 : index
        %swap3A_76 = arith.constant 0 : index
        %swap3A_77 = vector.load %arg8[%swap3A_74, %swap3A_75, %swap3A_76] : memref<1x2x128xf32, #tpu.memory_space<vmem>>, vector<1x2x128xf32>
        %swap3A_78 = vector.shape_cast %swap3A_77 : vector<1x2x128xf32> to vector<2x128xf32>
        %swap3A_79 = vector.shape_cast %get3A_73 : vector<2x128xf32> to vector<1x2x128xf32>
        tpu.vector_store %arg8[%swap3A_74, %swap3A_75, %swap3A_76], %swap3A_79 {strides = array<i32>} : memref<1x2x128xf32, #tpu.memory_space<vmem>>, vector<1x2x128xf32>,
      } else {
      }
    } else {
    }
    return
  }
  func.func @transform_0(%arg0: i32, %arg1: i32, %arg2: i32) -> (i32, i32, i32, i32) {
    %c0_i32 = arith.constant 0 : i32
    %c0_i32_0 = arith.constant 0 : i32
    %c0_i32_1 = arith.constant 0 : i32
    return %arg2, %arg1, %c0_i32, %c0_i32_0 : i32, i32, i32, i32
  }
  func.func @transform_1(%arg0: i32, %arg1: i32, %arg2: i32) -> (i32, i32, i32) {
    %c0_i32 = arith.constant 0 : i32
    %c0_i32_0 = arith.constant 0 : i32
    %c0_i32_1 = arith.constant 0 : i32
    return %arg1, %c0_i32, %c0_i32_0 : i32, i32, i32
  }
  func.func @transform_2(%arg0: i32, %arg1: i32, %arg2: i32) -> (i32, i32, i32, i32) {
    %c0_i32 = arith.constant 0 : i32
    %c0_i32_0 = arith.constant 0 : i32
    %c0_i32_1 = arith.constant 0 : i32
    return %arg2, %arg0, %c0_i32, %c0_i32_0 : i32, i32, i32, i32
  }
  func.func @transform_3(%arg0: i32, %arg1: i32, %arg2: i32) -> (i32, i32, i32) {
    %c0_i32 = arith.constant 0 : i32
    %c0_i32_0 = arith.constant 0 : i32
    %c0_i32_1 = arith.constant 0 : i32
    return %arg0, %c0_i32, %c0_i32_0 : i32, i32, i32
  }
  func.func @transform_4(%arg0: i32, %arg1: i32, %arg2: i32) -> (i32, i32, i32, i32) {
    %c0_i32 = arith.constant 0 : i32
    %c0_i32_0 = arith.constant 0 : i32
    %c0_i32_1 = arith.constant 0 : i32
    return %arg0, %arg1, %c0_i32, %c0_i32_0 : i32, i32, i32, i32
  }
  func.func @transform_5(%arg0: i32, %arg1: i32, %arg2: i32) -> (i32, i32, i32) {
    %c0_i32 = arith.constant 0 : i32
    %c0_i32_0 = arith.constant 0 : i32
    %c0_i32_1 = arith.constant 0 : i32
    return %arg0, %c0_i32, %c0_i32_0 : i32, i32, i32
  }
}

module attributes {stable_mosaic.version = 14 : i64} {
  func.func @_mm_body(%arg0: i32, %arg1: i32, %arg2: i32, %arg3: memref<1x1x1000x128xf32, #tpu.memory_space<vmem>>, %arg4: memref<1x2x128xf32, #tpu.memory_space<vmem>>, %arg5: memref<1x1x128xf32, #tpu.memory_space<vmem>>, %arg6: memref<1x1x128xf32, #tpu.memory_space<vmem>>, %arg7: memref<1x1000x2xf32, #tpu.memory_space<vmem>>, %arg8: memref<1x1x128x128xf32, #tpu.memory_space<vmem>>, %arg9: memref<1x1x1000x128xf32, #tpu.memory_space<vmem>>, %arg10: memref<1000x128xf32, #tpu.memory_space<vmem>>) attributes {dimension_semantics = [#tpu.dimension_semantics<arbitrary>, #tpu.dimension_semantics<arbitrary>, #tpu.dimension_semantics<arbitrary>], iteration_bounds = array<i64: 4, 10, 4>, scalar_prefetch = 0 : i64, scratch_operands = 1 : i64, tpu.core_type = #tpu.core_type<tc>, window_params = [{transform_indices = @transform_0, window_bounds = array<i64: 1, 1, 1000, 128>}, {transform_indices = @transform_1, window_bounds = array<i64: 1, 2, 128>}, {transform_indices = @transform_2, window_bounds = array<i64: 1, 1, 128>}, {transform_indices = @transform_3, window_bounds = array<i64: 1, 1, 128>}, {transform_indices = @transform_4, window_bounds = array<i64: 1, 1000, 2>}, {transform_indices = @transform_5, window_bounds = array<i64: 1, 1, 128, 128>}, {transform_indices = @transform_6, window_bounds = array<i64: 1, 1, 1000, 128>}]} {
    %get3A = arith.constant 0 : index
    %get3A_0 = arith.constant 0 : index
    %get3A_1 = arith.constant 0 : index
    %get3A_2 = vector.load %arg4[%get3A, %get3A_0, %get3A_1] : memref<1x2x128xf32, #tpu.memory_space<vmem>>, vector<1x2x128xf32>
    %get3A_3 = vector.shape_cast %get3A_2 : vector<1x2x128xf32> to vector<2x128xf32>
    %slice3A = vector.extract_strided_slice %get3A_3 {offsets = [0, 0], sizes = [1, 128], strides = [1, 1]} : vector<2x128xf32> to vector<1x128xf32>
    %mul3A = arith.constant 9.99999974E-5 : f32
    %mul3A_4 = vector.broadcast %mul3A : f32 to vector<1x128xf32>
    %mul3A_5 = arith.mulf %slice3A, %mul3A_4 : vector<1x128xf32>
    %slice3A_6 = vector.extract_strided_slice %get3A_3 {offsets = [1, 0], sizes = [1, 128], strides = [1, 1]} : vector<2x128xf32> to vector<1x128xf32>
    %mul3A_7 = arith.constant 9.99999974E-5 : f32
    %mul3A_8 = vector.broadcast %mul3A_7 : f32 to vector<1x128xf32>
    %mul3A_9 = arith.mulf %slice3A_6, %mul3A_8 : vector<1x128xf32>
    %mul3A_10 = arith.mulf %mul3A_5, %mul3A_5 : vector<1x128xf32>
    %sub3A = arith.subf %mul3A_9, %mul3A_10 : vector<1x128xf32>
    %get3A_11 = arith.constant 0 : index
    %get3A_12 = arith.constant 0 : index
    %get3A_13 = arith.constant 0 : index
    %get3A_14 = vector.load %arg5[%get3A_11, %get3A_12, %get3A_13] : memref<1x1x128xf32, #tpu.memory_space<vmem>>, vector<1x1x128xf32>
    %get3A_15 = vector.shape_cast %get3A_14 : vector<1x1x128xf32> to vector<1x128xf32>
    %add3A = arith.constant 9.99999974E-6 : f32
    %add3A_16 = vector.broadcast %add3A : f32 to vector<1x128xf32>
    %add3A_17 = arith.addf %sub3A, %add3A_16 : vector<1x128xf32>
    %rsqrt3A = math.rsqrt %add3A_17 : vector<1x128xf32>
    %mul3A_18 = arith.mulf %get3A_15, %rsqrt3A : vector<1x128xf32>
    %get3A_19 = arith.constant 0 : index
    %get3A_20 = arith.constant 0 : index
    %get3A_21 = arith.constant 0 : index
    %get3A_22 = vector.load %arg6[%get3A_19, %get3A_20, %get3A_21] : memref<1x1x128xf32, #tpu.memory_space<vmem>>, vector<1x1x128xf32>
    %get3A_23 = vector.shape_cast %get3A_22 : vector<1x1x128xf32> to vector<1x128xf32>
    %mul3A_24 = arith.mulf %mul3A_5, %mul3A_18 : vector<1x128xf32>
    %sub3A_25 = arith.subf %get3A_23, %mul3A_24 : vector<1x128xf32>
    %get3A_26 = arith.constant 0 : index
    %get3A_27 = arith.constant 0 : index
    %get3A_28 = arith.constant 0 : index
    %get3A_29 = arith.constant 0 : index
    %get3A_30 = vector.load %arg3[%get3A_26, %get3A_27, %get3A_28, %get3A_29] : memref<1x1x1000x128xf32, #tpu.memory_space<vmem>>, vector<1x1x1000x128xf32>
    %get3A_31 = vector.shape_cast %get3A_30 : vector<1x1x1000x128xf32> to vector<1000x128xf32>
    %mul3A_32 = vector.broadcast %mul3A_18 : vector<1x128xf32> to vector<1000x128xf32>
    %mul3A_33 = arith.mulf %get3A_31, %mul3A_32 : vector<1000x128xf32>
    %add3A_34 = vector.broadcast %sub3A_25 : vector<1x128xf32> to vector<1000x128xf32>
    %add3A_35 = arith.addf %mul3A_33, %add3A_34 : vector<1000x128xf32>
    %get3A_36 = arith.constant 0 : index
    %get3A_37 = arith.constant 0 : index
    %get3A_38 = arith.constant 0 : index
    %get3A_39 = arith.constant 0 : index
    %get3A_40 = vector.load %arg8[%get3A_36, %get3A_37, %get3A_38, %get3A_39] : memref<1x1x128x128xf32, #tpu.memory_space<vmem>>, vector<1x1x128x128xf32>
    %get3A_41 = vector.shape_cast %get3A_40 : vector<1x1x128x128xf32> to vector<128x128xf32>
    %dot_general3A = arith.constant dense<0.000000e+00> : vector<1000x128xf32>
    %dot_general3A_42 = tpu.matmul %add3A_35, %get3A_41, %dot_general3A {dimension_numbers = #tpu.dot_dimension_numbers<[1], [0], [0], [1], [0, 0, 1, 1], [], []>, precision = #tpu.contract_precision<fp32>, transpose_lhs_hint = false} : vector<1000x128xf32>, vector<128x128xf32>, vector<1000x128xf32> -> vector<1000x128xf32>
    %eq3A = arith.constant 0 : i32
    %eq3A_43 = arith.cmpi eq, %arg2, %eq3A : i32
    %convert_element_type3A = arith.extui %eq3A_43 : i1 to i32
    %cond3A = arith.constant 0 : i32
    %cond3A_44 = arith.cmpi ne, %convert_element_type3A, %cond3A : i32
    scf.if %cond3A_44 {
      %swap3A = arith.constant 0 : index
      %swap3A_54 = arith.constant 0 : index
      %swap3A_55 = vector.load %arg10[%swap3A, %swap3A_54] : memref<1000x128xf32, #tpu.memory_space<vmem>>, vector<1000x128xf32>
      tpu.vector_store %arg10[%swap3A, %swap3A_54], %dot_general3A_42 {strides = array<i32>} : memref<1000x128xf32, #tpu.memory_space<vmem>>, vector<1000x128xf32>,
    } else {
    }
    %gt3A = arith.constant 0 : i32
    %gt3A_45 = arith.cmpi sgt, %arg2, %gt3A : i32
    %convert_element_type3A_46 = arith.extui %gt3A_45 : i1 to i32
    %cond3A_47 = arith.constant 0 : i32
    %cond3A_48 = arith.cmpi ne, %convert_element_type3A_46, %cond3A_47 : i32
    scf.if %cond3A_48 {
      %get3A_54 = arith.constant 0 : index
      %get3A_55 = arith.constant 0 : index
      %get3A_56 = vector.load %arg10[%get3A_54, %get3A_55] : memref<1000x128xf32, #tpu.memory_space<vmem>>, vector<1000x128xf32>
      %add3A_57 = arith.addf %get3A_56, %dot_general3A_42 : vector<1000x128xf32>
      %swap3A = arith.constant 0 : index
      %swap3A_58 = arith.constant 0 : index
      %swap3A_59 = vector.load %arg10[%swap3A, %swap3A_58] : memref<1000x128xf32, #tpu.memory_space<vmem>>, vector<1000x128xf32>
      tpu.vector_store %arg10[%swap3A, %swap3A_58], %add3A_57 {strides = array<i32>} : memref<1000x128xf32, #tpu.memory_space<vmem>>, vector<1000x128xf32>,
    } else {
    }
    %eq3A_49 = arith.constant 3 : i32
    %eq3A_50 = arith.cmpi eq, %arg2, %eq3A_49 : i32
    %convert_element_type3A_51 = arith.extui %eq3A_50 : i1 to i32
    %cond3A_52 = arith.constant 0 : i32
    %cond3A_53 = arith.cmpi ne, %convert_element_type3A_51, %cond3A_52 : i32
    scf.if %cond3A_53 {
      %get3A_54 = arith.constant 0 : index
      %get3A_55 = arith.constant 0 : index
      %get3A_56 = arith.constant 0 : index
      %get3A_57 = vector.load %arg7[%get3A_54, %get3A_55, %get3A_56] : memref<1x1000x2xf32, #tpu.memory_space<vmem>>, vector<1x1000x2xf32>
      %get3A_58 = vector.shape_cast %get3A_57 : vector<1x1000x2xf32> to vector<1000x2xf32>
      %slice3A_59 = vector.extract_strided_slice %get3A_58 {offsets = [0, 0], sizes = [1000, 1], strides = [1, 1]} : vector<1000x2xf32> to vector<1000x1xf32>
      %add3A_60 = arith.constant 1.000000e+00 : f32
      %add3A_61 = vector.broadcast %add3A_60 : f32 to vector<1000x1xf32>
      %add3A_62 = arith.addf %add3A_61, %slice3A_59 : vector<1000x1xf32>
      %slice3A_63 = vector.extract_strided_slice %get3A_58 {offsets = [0, 1], sizes = [1000, 1], strides = [1, 1]} : vector<1000x2xf32> to vector<1000x1xf32>
      %add3A_64 = arith.addf %add3A_62, %slice3A_63 : vector<1000x1xf32>
      %rsqrt3A_65 = math.rsqrt %add3A_64 : vector<1000x1xf32>
      %get3A_66 = arith.constant 0 : index
      %get3A_67 = arith.constant 0 : index
      %get3A_68 = vector.load %arg10[%get3A_66, %get3A_67] : memref<1000x128xf32, #tpu.memory_space<vmem>>, vector<1000x128xf32>
      %mul3A_69 = vector.broadcast %rsqrt3A_65 : vector<1000x1xf32> to vector<1000x128xf32>
      %mul3A_70 = arith.mulf %get3A_68, %mul3A_69 : vector<1000x128xf32>
      %swap3A = arith.constant 0 : index
      %swap3A_71 = arith.constant 0 : index
      %swap3A_72 = arith.constant 0 : index
      %swap3A_73 = arith.constant 0 : index
      %swap3A_74 = vector.load %arg9[%swap3A, %swap3A_71, %swap3A_72, %swap3A_73] : memref<1x1x1000x128xf32, #tpu.memory_space<vmem>>, vector<1x1x1000x128xf32>
      %swap3A_75 = vector.shape_cast %swap3A_74 : vector<1x1x1000x128xf32> to vector<1000x128xf32>
      %swap3A_76 = vector.shape_cast %mul3A_70 : vector<1000x128xf32> to vector<1x1x1000x128xf32>
      tpu.vector_store %arg9[%swap3A, %swap3A_71, %swap3A_72, %swap3A_73], %swap3A_76 {strides = array<i32>} : memref<1x1x1000x128xf32, #tpu.memory_space<vmem>>, vector<1x1x1000x128xf32>,
    } else {
    }
    return
  }
  func.func @transform_0(%arg0: i32, %arg1: i32, %arg2: i32) -> (i32, i32, i32, i32) {
    %c0_i32 = arith.constant 0 : i32
    %c0_i32_0 = arith.constant 0 : i32
    %c0_i32_1 = arith.constant 0 : i32
    return %arg2, %arg1, %c0_i32, %c0_i32_0 : i32, i32, i32, i32
  }
  func.func @transform_1(%arg0: i32, %arg1: i32, %arg2: i32) -> (i32, i32, i32) {
    %c0_i32 = arith.constant 0 : i32
    %c0_i32_0 = arith.constant 0 : i32
    %c0_i32_1 = arith.constant 0 : i32
    return %arg2, %c0_i32, %c0_i32_0 : i32, i32, i32
  }
  func.func @transform_2(%arg0: i32, %arg1: i32, %arg2: i32) -> (i32, i32, i32) {
    %c0_i32 = arith.constant 0 : i32
    %c0_i32_0 = arith.constant 0 : i32
    %c0_i32_1 = arith.constant 0 : i32
    return %arg2, %c0_i32, %c0_i32_0 : i32, i32, i32
  }
  func.func @transform_3(%arg0: i32, %arg1: i32, %arg2: i32) -> (i32, i32, i32) {
    %c0_i32 = arith.constant 0 : i32
    %c0_i32_0 = arith.constant 0 : i32
    %c0_i32_1 = arith.constant 0 : i32
    return %arg2, %c0_i32, %c0_i32_0 : i32, i32, i32
  }
  func.func @transform_4(%arg0: i32, %arg1: i32, %arg2: i32) -> (i32, i32, i32) {
    %c0_i32 = arith.constant 0 : i32
    %c0_i32_0 = arith.constant 0 : i32
    %c0_i32_1 = arith.constant 0 : i32
    return %arg1, %c0_i32, %c0_i32_0 : i32, i32, i32
  }
  func.func @transform_5(%arg0: i32, %arg1: i32, %arg2: i32) -> (i32, i32, i32, i32) {
    %c0_i32 = arith.constant 0 : i32
    %c0_i32_0 = arith.constant 0 : i32
    %c0_i32_1 = arith.constant 0 : i32
    return %arg2, %arg0, %c0_i32, %c0_i32_0 : i32, i32, i32, i32
  }
  func.func @transform_6(%arg0: i32, %arg1: i32, %arg2: i32) -> (i32, i32, i32, i32) {
    %c0_i32 = arith.constant 0 : i32
    %c0_i32_0 = arith.constant 0 : i32
    %c0_i32_1 = arith.constant 0 : i32
    return %arg0, %arg1, %c0_i32, %c0_i32_0 : i32, i32, i32, i32
  }
}

module attributes {stable_mosaic.version = 14 : i64} {
  func.func @_post23_body(%arg0: i32, %arg1: i32, %arg2: memref<1x1x1000x128xf32, #tpu.memory_space<vmem>>, %arg3: memref<1x1x128xf32, #tpu.memory_space<vmem>>, %arg4: memref<1x1000x2xf32, #tpu.memory_space<vmem>>, %arg5: memref<1x1x1000x128xf32, #tpu.memory_space<vmem>>, %arg6: memref<1x2x128xf32, #tpu.memory_space<vmem>>, %arg7: memref<8x128xf32, #tpu.memory_space<vmem>>) attributes {dimension_semantics = [#tpu.dimension_semantics<arbitrary>, #tpu.dimension_semantics<arbitrary>], iteration_bounds = array<i64: 4, 10>, scalar_prefetch = 0 : i64, scratch_operands = 1 : i64, tpu.core_type = #tpu.core_type<tc>, window_params = [{transform_indices = @transform_0, window_bounds = array<i64: 1, 1, 1000, 128>}, {transform_indices = @transform_1, window_bounds = array<i64: 1, 1, 128>}, {transform_indices = @transform_2, window_bounds = array<i64: 1, 1000, 2>}, {transform_indices = @transform_3, window_bounds = array<i64: 1, 1, 1000, 128>}, {transform_indices = @transform_4, window_bounds = array<i64: 1, 2, 128>}]} {
    %get3A = arith.constant 0 : index
    %get3A_0 = arith.constant 0 : index
    %get3A_1 = arith.constant 0 : index
    %get3A_2 = vector.load %arg4[%get3A, %get3A_0, %get3A_1] : memref<1x1000x2xf32, #tpu.memory_space<vmem>>, vector<1x1000x2xf32>
    %get3A_3 = vector.shape_cast %get3A_2 : vector<1x1000x2xf32> to vector<1000x2xf32>
    %slice3A = vector.extract_strided_slice %get3A_3 {offsets = [0, 0], sizes = [1000, 1], strides = [1, 1]} : vector<1000x2xf32> to vector<1000x1xf32>
    %add3A = arith.constant 1.000000e+00 : f32
    %add3A_4 = vector.broadcast %add3A : f32 to vector<1000x1xf32>
    %add3A_5 = arith.addf %add3A_4, %slice3A : vector<1000x1xf32>
    %slice3A_6 = vector.extract_strided_slice %get3A_3 {offsets = [0, 1], sizes = [1000, 1], strides = [1, 1]} : vector<1000x2xf32> to vector<1000x1xf32>
    %add3A_7 = arith.addf %add3A_5, %slice3A_6 : vector<1000x1xf32>
    %rsqrt3A = math.rsqrt %add3A_7 : vector<1000x1xf32>
    %get3A_8 = arith.constant 0 : index
    %get3A_9 = arith.constant 0 : index
    %get3A_10 = arith.constant 0 : index
    %get3A_11 = arith.constant 0 : index
    %get3A_12 = vector.load %arg2[%get3A_8, %get3A_9, %get3A_10, %get3A_11] : memref<1x1x1000x128xf32, #tpu.memory_space<vmem>>, vector<1x1x1000x128xf32>
    %get3A_13 = vector.shape_cast %get3A_12 : vector<1x1x1000x128xf32> to vector<1000x128xf32>
    %mul3A = vector.broadcast %rsqrt3A : vector<1000x1xf32> to vector<1000x128xf32>
    %mul3A_14 = arith.mulf %get3A_13, %mul3A : vector<1000x128xf32>
    %get3A_15 = arith.constant 0 : index
    %get3A_16 = arith.constant 0 : index
    %get3A_17 = arith.constant 0 : index
    %get3A_18 = vector.load %arg3[%get3A_15, %get3A_16, %get3A_17] : memref<1x1x128xf32, #tpu.memory_space<vmem>>, vector<1x1x128xf32>
    %get3A_19 = vector.shape_cast %get3A_18 : vector<1x1x128xf32> to vector<1x128xf32>
    %add3A_20 = vector.broadcast %get3A_19 : vector<1x128xf32> to vector<1000x128xf32>
    %add3A_21 = arith.addf %mul3A_14, %add3A_20 : vector<1000x128xf32>
    %max3A = arith.constant 0.000000e+00 : f32
    %max3A_22 = vector.broadcast %max3A : f32 to vector<1000x128xf32>
    %max3A_23 = arith.maximumf %add3A_21, %max3A_22 : vector<1000x128xf32>
    %swap3A = arith.constant 0 : index
    %swap3A_24 = arith.constant 0 : index
    %swap3A_25 = arith.constant 0 : index
    %swap3A_26 = arith.constant 0 : index
    %swap3A_27 = vector.load %arg5[%swap3A, %swap3A_24, %swap3A_25, %swap3A_26] : memref<1x1x1000x128xf32, #tpu.memory_space<vmem>>, vector<1x1x1000x128xf32>
    %swap3A_28 = vector.shape_cast %swap3A_27 : vector<1x1x1000x128xf32> to vector<1000x128xf32>
    %swap3A_29 = vector.shape_cast %max3A_23 : vector<1000x128xf32> to vector<1x1x1000x128xf32>
    tpu.vector_store %arg5[%swap3A, %swap3A_24, %swap3A_25, %swap3A_26], %swap3A_29 {strides = array<i32>} : memref<1x1x1000x128xf32, #tpu.memory_space<vmem>>, vector<1x1x1000x128xf32>,
    %reduce_sum3A = arith.constant dense<0.000000e+00> : vector<128xf32>
    %reduce_sum3A_30 = vector.multi_reduction <add>, %max3A_23, %reduce_sum3A [0] : vector<1000x128xf32> to vector<128xf32>
    %broadcast_in_dim3A = vector.shape_cast %reduce_sum3A_30 : vector<128xf32> to vector<1x128xf32>
    %mul3A_31 = arith.mulf %max3A_23, %max3A_23 : vector<1000x128xf32>
    %reduce_sum3A_32 = arith.constant dense<0.000000e+00> : vector<128xf32>
    %reduce_sum3A_33 = vector.multi_reduction <add>, %mul3A_31, %reduce_sum3A_32 [0] : vector<1000x128xf32> to vector<128xf32>
    %broadcast_in_dim3A_34 = vector.shape_cast %reduce_sum3A_33 : vector<128xf32> to vector<1x128xf32>
    %eq3A = arith.constant 0 : i32
    %eq3A_35 = arith.cmpi eq, %arg1, %eq3A : i32
    %convert_element_type3A = arith.extui %eq3A_35 : i1 to i32
    %cond3A = arith.constant 0 : i32
    %cond3A_36 = arith.cmpi ne, %convert_element_type3A, %cond3A : i32
    scf.if %cond3A_36 {
      %swap3A_46 = arith.constant 0 : index
      %swap3A_47 = arith.constant 0 : index
      %swap3A_48 = vector.load %arg7[%swap3A_46, %swap3A_47] : memref<8x128xf32, #tpu.memory_space<vmem>>, vector<1x128xf32>
      tpu.vector_store %arg7[%swap3A_46, %swap3A_47], %broadcast_in_dim3A {strides = array<i32>} : memref<8x128xf32, #tpu.memory_space<vmem>>, vector<1x128xf32>,
      %swap3A_49 = arith.constant 1 : index
      %swap3A_50 = arith.constant 0 : index
      %swap3A_51 = vector.load %arg7[%swap3A_49, %swap3A_50] : memref<8x128xf32, #tpu.memory_space<vmem>>, vector<1x128xf32>
      tpu.vector_store %arg7[%swap3A_49, %swap3A_50], %broadcast_in_dim3A_34 {strides = array<i32>} : memref<8x128xf32, #tpu.memory_space<vmem>>, vector<1x128xf32>,
    } else {
    }
    %gt3A = arith.constant 0 : i32
    %gt3A_37 = arith.cmpi sgt, %arg1, %gt3A : i32
    %convert_element_type3A_38 = arith.extui %gt3A_37 : i1 to i32
    %cond3A_39 = arith.constant 0 : i32
    %cond3A_40 = arith.cmpi ne, %convert_element_type3A_38, %cond3A_39 : i32
    scf.if %cond3A_40 {
      %get3A_46 = arith.constant 0 : index
      %get3A_47 = arith.constant 0 : index
      %get3A_48 = vector.load %arg7[%get3A_46, %get3A_47] : memref<8x128xf32, #tpu.memory_space<vmem>>, vector<1x128xf32>
      %add3A_49 = arith.addf %get3A_48, %broadcast_in_dim3A : vector<1x128xf32>
      %swap3A_50 = arith.constant 0 : index
      %swap3A_51 = arith.constant 0 : index
      %swap3A_52 = vector.load %arg7[%swap3A_50, %swap3A_51] : memref<8x128xf32, #tpu.memory_space<vmem>>, vector<1x128xf32>
      tpu.vector_store %arg7[%swap3A_50, %swap3A_51], %add3A_49 {strides = array<i32>} : memref<8x128xf32, #tpu.memory_space<vmem>>, vector<1x128xf32>,
      %get3A_53 = arith.constant 1 : index
      %get3A_54 = arith.constant 0 : index
      %get3A_55 = vector.load %arg7[%get3A_53, %get3A_54] : memref<8x128xf32, #tpu.memory_space<vmem>>, vector<1x128xf32>
      %add3A_56 = arith.addf %get3A_55, %broadcast_in_dim3A_34 : vector<1x128xf32>
      %swap3A_57 = arith.constant 1 : index
      %swap3A_58 = arith.constant 0 : index
      %swap3A_59 = vector.load %arg7[%swap3A_57, %swap3A_58] : memref<8x128xf32, #tpu.memory_space<vmem>>, vector<1x128xf32>
      tpu.vector_store %arg7[%swap3A_57, %swap3A_58], %add3A_56 {strides = array<i32>} : memref<8x128xf32, #tpu.memory_space<vmem>>, vector<1x128xf32>,
    } else {
    }
    %eq3A_41 = arith.constant 9 : i32
    %eq3A_42 = arith.cmpi eq, %arg1, %eq3A_41 : i32
    %convert_element_type3A_43 = arith.extui %eq3A_42 : i1 to i32
    %cond3A_44 = arith.constant 0 : i32
    %cond3A_45 = arith.cmpi ne, %convert_element_type3A_43, %cond3A_44 : i32
    scf.if %cond3A_45 {
      %get3A_46 = arith.constant 0 : index
      %get3A_47 = arith.constant 0 : index
      %get3A_48 = vector.load %arg7[%get3A_46, %get3A_47] : memref<8x128xf32, #tpu.memory_space<vmem>>, vector<2x128xf32>
      %swap3A_49 = arith.constant 0 : index
      %swap3A_50 = arith.constant 0 : index
      %swap3A_51 = arith.constant 0 : index
      %swap3A_52 = vector.load %arg6[%swap3A_49, %swap3A_50, %swap3A_51] : memref<1x2x128xf32, #tpu.memory_space<vmem>>, vector<1x2x128xf32>
      %swap3A_53 = vector.shape_cast %swap3A_52 : vector<1x2x128xf32> to vector<2x128xf32>
      %swap3A_54 = vector.shape_cast %get3A_48 : vector<2x128xf32> to vector<1x2x128xf32>
      tpu.vector_store %arg6[%swap3A_49, %swap3A_50, %swap3A_51], %swap3A_54 {strides = array<i32>} : memref<1x2x128xf32, #tpu.memory_space<vmem>>, vector<1x2x128xf32>,
    } else {
    }
    return
  }
  func.func @transform_0(%arg0: i32, %arg1: i32) -> (i32, i32, i32, i32) {
    %c0_i32 = arith.constant 0 : i32
    %c0_i32_0 = arith.constant 0 : i32
    %c0_i32_1 = arith.constant 0 : i32
    return %arg0, %arg1, %c0_i32, %c0_i32_0 : i32, i32, i32, i32
  }
  func.func @transform_1(%arg0: i32, %arg1: i32) -> (i32, i32, i32) {
    %c0_i32 = arith.constant 0 : i32
    %c0_i32_0 = arith.constant 0 : i32
    %c0_i32_1 = arith.constant 0 : i32
    return %arg0, %c0_i32, %c0_i32_0 : i32, i32, i32
  }
  func.func @transform_2(%arg0: i32, %arg1: i32) -> (i32, i32, i32) {
    %c0_i32 = arith.constant 0 : i32
    %c0_i32_0 = arith.constant 0 : i32
    %c0_i32_1 = arith.constant 0 : i32
    return %arg1, %c0_i32, %c0_i32_0 : i32, i32, i32
  }
  func.func @transform_3(%arg0: i32, %arg1: i32) -> (i32, i32, i32, i32) {
    %c0_i32 = arith.constant 0 : i32
    %c0_i32_0 = arith.constant 0 : i32
    %c0_i32_1 = arith.constant 0 : i32
    return %arg0, %arg1, %c0_i32, %c0_i32_0 : i32, i32, i32, i32
  }
  func.func @transform_4(%arg0: i32, %arg1: i32) -> (i32, i32, i32) {
    %c0_i32 = arith.constant 0 : i32
    %c0_i32_0 = arith.constant 0 : i32
    %c0_i32_1 = arith.constant 0 : i32
    return %arg0, %c0_i32, %c0_i32_0 : i32, i32, i32
  }
}

module attributes {stable_mosaic.version = 14 : i64} {
  func.func @_final_body(%arg0: i32, %arg1: memref<4x1x500x128xf32, #tpu.memory_space<vmem>>, %arg2: memref<4x2x128xf32, #tpu.memory_space<vmem>>, %arg3: memref<4x1x128xf32, #tpu.memory_space<vmem>>, %arg4: memref<4x1x128xf32, #tpu.memory_space<vmem>>, %arg5: memref<1x1x256xf32, #tpu.memory_space<vmem>>, %arg6: memref<768x512xf32, #tpu.memory_space<vmem>>, %arg7: memref<1x512xf32, #tpu.memory_space<vmem>>, %arg8: memref<512x10xf32, #tpu.memory_space<vmem>>, %arg9: memref<1x10xf32, #tpu.memory_space<vmem>>, %arg10: memref<1x1x10xf32, #tpu.memory_space<vmem>>) attributes {dimension_semantics = [#tpu.dimension_semantics<arbitrary>], iteration_bounds = array<i64: 20>, scalar_prefetch = 0 : i64, scratch_operands = 0 : i64, tpu.core_type = #tpu.core_type<tc>, window_params = [{transform_indices = @transform_0, window_bounds = array<i64: 4, 1, 500, 128>}, {pipeline_mode = #tpu.pipeline_mode<synchronous>, transform_indices = @transform_1, window_bounds = array<i64: 4, 2, 128>}, {pipeline_mode = #tpu.pipeline_mode<synchronous>, transform_indices = @transform_2, window_bounds = array<i64: 4, 1, 128>}, {pipeline_mode = #tpu.pipeline_mode<synchronous>, transform_indices = @transform_3, window_bounds = array<i64: 4, 1, 128>}, {transform_indices = @transform_4, window_bounds = array<i64: 1, 1, 256>}, {pipeline_mode = #tpu.pipeline_mode<synchronous>, transform_indices = @transform_5, window_bounds = array<i64: 768, 512>}, {pipeline_mode = #tpu.pipeline_mode<synchronous>, transform_indices = @transform_6, window_bounds = array<i64: 1, 512>}, {pipeline_mode = #tpu.pipeline_mode<synchronous>, transform_indices = @transform_7, window_bounds = array<i64: 512, 10>}, {pipeline_mode = #tpu.pipeline_mode<synchronous>, transform_indices = @transform_8, window_bounds = array<i64: 1, 10>}, {transform_indices = @transform_9, window_bounds = array<i64: 1, 1, 10>}]} {
    %get3A = arith.constant 0 : index
    %get3A_0 = arith.constant 0 : index
    %get3A_1 = arith.constant 0 : index
    %get3A_2 = vector.load %arg2[%get3A, %get3A_0, %get3A_1] : memref<4x2x128xf32, #tpu.memory_space<vmem>>, vector<1x2x128xf32>
    %get3A_3 = vector.shape_cast %get3A_2 : vector<1x2x128xf32> to vector<2x128xf32>
    %slice3A = vector.extract_strided_slice %get3A_3 {offsets = [0, 0], sizes = [1, 128], strides = [1, 1]} : vector<2x128xf32> to vector<1x128xf32>
    %mul3A = arith.constant 9.99999974E-5 : f32
    %mul3A_4 = vector.broadcast %mul3A : f32 to vector<1x128xf32>
    %mul3A_5 = arith.mulf %slice3A, %mul3A_4 : vector<1x128xf32>
    %slice3A_6 = vector.extract_strided_slice %get3A_3 {offsets = [1, 0], sizes = [1, 128], strides = [1, 1]} : vector<2x128xf32> to vector<1x128xf32>
    %mul3A_7 = arith.constant 9.99999974E-5 : f32
    %mul3A_8 = vector.broadcast %mul3A_7 : f32 to vector<1x128xf32>
    %mul3A_9 = arith.mulf %slice3A_6, %mul3A_8 : vector<1x128xf32>
    %mul3A_10 = arith.mulf %mul3A_5, %mul3A_5 : vector<1x128xf32>
    %sub3A = arith.subf %mul3A_9, %mul3A_10 : vector<1x128xf32>
    %get3A_11 = arith.constant 0 : index
    %get3A_12 = arith.constant 0 : index
    %get3A_13 = arith.constant 0 : index
    %get3A_14 = vector.load %arg3[%get3A_11, %get3A_12, %get3A_13] : memref<4x1x128xf32, #tpu.memory_space<vmem>>, vector<1x1x128xf32>
    %get3A_15 = vector.shape_cast %get3A_14 : vector<1x1x128xf32> to vector<1x128xf32>
    %add3A = arith.constant 9.99999974E-6 : f32
    %add3A_16 = vector.broadcast %add3A : f32 to vector<1x128xf32>
    %add3A_17 = arith.addf %sub3A, %add3A_16 : vector<1x128xf32>
    %rsqrt3A = math.rsqrt %add3A_17 : vector<1x128xf32>
    %mul3A_18 = arith.mulf %get3A_15, %rsqrt3A : vector<1x128xf32>
    %get3A_19 = arith.constant 0 : index
    %get3A_20 = arith.constant 0 : index
    %get3A_21 = arith.constant 0 : index
    %get3A_22 = vector.load %arg4[%get3A_19, %get3A_20, %get3A_21] : memref<4x1x128xf32, #tpu.memory_space<vmem>>, vector<1x1x128xf32>
    %get3A_23 = vector.shape_cast %get3A_22 : vector<1x1x128xf32> to vector<1x128xf32>
    %mul3A_24 = arith.mulf %mul3A_5, %mul3A_18 : vector<1x128xf32>
    %sub3A_25 = arith.subf %get3A_23, %mul3A_24 : vector<1x128xf32>
    %get3A_26 = arith.constant 0 : index
    %get3A_27 = arith.constant 0 : index
    %get3A_28 = arith.constant 0 : index
    %get3A_29 = arith.constant 0 : index
    %get3A_30 = vector.load %arg1[%get3A_26, %get3A_27, %get3A_28, %get3A_29] : memref<4x1x500x128xf32, #tpu.memory_space<vmem>>, vector<1x1x500x128xf32>
    %get3A_31 = vector.shape_cast %get3A_30 : vector<1x1x500x128xf32> to vector<500x128xf32>
    %reduce_sum3A = arith.constant dense<0.000000e+00> : vector<128xf32>
    %reduce_sum3A_32 = vector.multi_reduction <add>, %get3A_31, %reduce_sum3A [0] : vector<500x128xf32> to vector<128xf32>
    %broadcast_in_dim3A = vector.shape_cast %reduce_sum3A_32 : vector<128xf32> to vector<1x128xf32>
    %mul3A_33 = arith.constant 2.000000e-03 : f32
    %mul3A_34 = vector.broadcast %mul3A_33 : f32 to vector<1x128xf32>
    %mul3A_35 = arith.mulf %broadcast_in_dim3A, %mul3A_34 : vector<1x128xf32>
    %mul3A_36 = arith.mulf %mul3A_18, %mul3A_35 : vector<1x128xf32>
    %add3A_37 = arith.addf %mul3A_36, %sub3A_25 : vector<1x128xf32>
    %get3A_38 = arith.constant 1 : index
    %get3A_39 = arith.constant 0 : index
    %get3A_40 = arith.constant 0 : index
    %get3A_41 = vector.load %arg2[%get3A_38, %get3A_39, %get3A_40] : memref<4x2x128xf32, #tpu.memory_space<vmem>>, vector<1x2x128xf32>
    %get3A_42 = vector.shape_cast %get3A_41 : vector<1x2x128xf32> to vector<2x128xf32>
    %slice3A_43 = vector.extract_strided_slice %get3A_42 {offsets = [0, 0], sizes = [1, 128], strides = [1, 1]} : vector<2x128xf32> to vector<1x128xf32>
    %mul3A_44 = arith.constant 9.99999974E-5 : f32
    %mul3A_45 = vector.broadcast %mul3A_44 : f32 to vector<1x128xf32>
    %mul3A_46 = arith.mulf %slice3A_43, %mul3A_45 : vector<1x128xf32>
    %slice3A_47 = vector.extract_strided_slice %get3A_42 {offsets = [1, 0], sizes = [1, 128], strides = [1, 1]} : vector<2x128xf32> to vector<1x128xf32>
    %mul3A_48 = arith.constant 9.99999974E-5 : f32
    %mul3A_49 = vector.broadcast %mul3A_48 : f32 to vector<1x128xf32>
    %mul3A_50 = arith.mulf %slice3A_47, %mul3A_49 : vector<1x128xf32>
    %mul3A_51 = arith.mulf %mul3A_46, %mul3A_46 : vector<1x128xf32>
    %sub3A_52 = arith.subf %mul3A_50, %mul3A_51 : vector<1x128xf32>
    %get3A_53 = arith.constant 1 : index
    %get3A_54 = arith.constant 0 : index
    %get3A_55 = arith.constant 0 : index
    %get3A_56 = vector.load %arg3[%get3A_53, %get3A_54, %get3A_55] : memref<4x1x128xf32, #tpu.memory_space<vmem>>, vector<1x1x128xf32>
    %get3A_57 = vector.shape_cast %get3A_56 : vector<1x1x128xf32> to vector<1x128xf32>
    %add3A_58 = arith.constant 9.99999974E-6 : f32
    %add3A_59 = vector.broadcast %add3A_58 : f32 to vector<1x128xf32>
    %add3A_60 = arith.addf %sub3A_52, %add3A_59 : vector<1x128xf32>
    %rsqrt3A_61 = math.rsqrt %add3A_60 : vector<1x128xf32>
    %mul3A_62 = arith.mulf %get3A_57, %rsqrt3A_61 : vector<1x128xf32>
    %get3A_63 = arith.constant 1 : index
    %get3A_64 = arith.constant 0 : index
    %get3A_65 = arith.constant 0 : index
    %get3A_66 = vector.load %arg4[%get3A_63, %get3A_64, %get3A_65] : memref<4x1x128xf32, #tpu.memory_space<vmem>>, vector<1x1x128xf32>
    %get3A_67 = vector.shape_cast %get3A_66 : vector<1x1x128xf32> to vector<1x128xf32>
    %mul3A_68 = arith.mulf %mul3A_46, %mul3A_62 : vector<1x128xf32>
    %sub3A_69 = arith.subf %get3A_67, %mul3A_68 : vector<1x128xf32>
    %get3A_70 = arith.constant 1 : index
    %get3A_71 = arith.constant 0 : index
    %get3A_72 = arith.constant 0 : index
    %get3A_73 = arith.constant 0 : index
    %get3A_74 = vector.load %arg1[%get3A_70, %get3A_71, %get3A_72, %get3A_73] : memref<4x1x500x128xf32, #tpu.memory_space<vmem>>, vector<1x1x500x128xf32>
    %get3A_75 = vector.shape_cast %get3A_74 : vector<1x1x500x128xf32> to vector<500x128xf32>
    %reduce_sum3A_76 = arith.constant dense<0.000000e+00> : vector<128xf32>
    %reduce_sum3A_77 = vector.multi_reduction <add>, %get3A_75, %reduce_sum3A_76 [0] : vector<500x128xf32> to vector<128xf32>
    %broadcast_in_dim3A_78 = vector.shape_cast %reduce_sum3A_77 : vector<128xf32> to vector<1x128xf32>
    %mul3A_79 = arith.constant 2.000000e-03 : f32
    %mul3A_80 = vector.broadcast %mul3A_79 : f32 to vector<1x128xf32>
    %mul3A_81 = arith.mulf %broadcast_in_dim3A_78, %mul3A_80 : vector<1x128xf32>
    %mul3A_82 = arith.mulf %mul3A_62, %mul3A_81 : vector<1x128xf32>
    %add3A_83 = arith.addf %mul3A_82, %sub3A_69 : vector<1x128xf32>
    %get3A_84 = arith.constant 2 : index
    %get3A_85 = arith.constant 0 : index
    %get3A_86 = arith.constant 0 : index
    %get3A_87 = vector.load %arg2[%get3A_84, %get3A_85, %get3A_86] : memref<4x2x128xf32, #tpu.memory_space<vmem>>, vector<1x2x128xf32>
    %get3A_88 = vector.shape_cast %get3A_87 : vector<1x2x128xf32> to vector<2x128xf32>
    %slice3A_89 = vector.extract_strided_slice %get3A_88 {offsets = [0, 0], sizes = [1, 128], strides = [1, 1]} : vector<2x128xf32> to vector<1x128xf32>
    %mul3A_90 = arith.constant 9.99999974E-5 : f32
    %mul3A_91 = vector.broadcast %mul3A_90 : f32 to vector<1x128xf32>
    %mul3A_92 = arith.mulf %slice3A_89, %mul3A_91 : vector<1x128xf32>
    %slice3A_93 = vector.extract_strided_slice %get3A_88 {offsets = [1, 0], sizes = [1, 128], strides = [1, 1]} : vector<2x128xf32> to vector<1x128xf32>
    %mul3A_94 = arith.constant 9.99999974E-5 : f32
    %mul3A_95 = vector.broadcast %mul3A_94 : f32 to vector<1x128xf32>
    %mul3A_96 = arith.mulf %slice3A_93, %mul3A_95 : vector<1x128xf32>
    %mul3A_97 = arith.mulf %mul3A_92, %mul3A_92 : vector<1x128xf32>
    %sub3A_98 = arith.subf %mul3A_96, %mul3A_97 : vector<1x128xf32>
    %get3A_99 = arith.constant 2 : index
    %get3A_100 = arith.constant 0 : index
    %get3A_101 = arith.constant 0 : index
    %get3A_102 = vector.load %arg3[%get3A_99, %get3A_100, %get3A_101] : memref<4x1x128xf32, #tpu.memory_space<vmem>>, vector<1x1x128xf32>
    %get3A_103 = vector.shape_cast %get3A_102 : vector<1x1x128xf32> to vector<1x128xf32>
    %add3A_104 = arith.constant 9.99999974E-6 : f32
    %add3A_105 = vector.broadcast %add3A_104 : f32 to vector<1x128xf32>
    %add3A_106 = arith.addf %sub3A_98, %add3A_105 : vector<1x128xf32>
    %rsqrt3A_107 = math.rsqrt %add3A_106 : vector<1x128xf32>
    %mul3A_108 = arith.mulf %get3A_103, %rsqrt3A_107 : vector<1x128xf32>
    %get3A_109 = arith.constant 2 : index
    %get3A_110 = arith.constant 0 : index
    %get3A_111 = arith.constant 0 : index
    %get3A_112 = vector.load %arg4[%get3A_109, %get3A_110, %get3A_111] : memref<4x1x128xf32, #tpu.memory_space<vmem>>, vector<1x1x128xf32>
    %get3A_113 = vector.shape_cast %get3A_112 : vector<1x1x128xf32> to vector<1x128xf32>
    %mul3A_114 = arith.mulf %mul3A_92, %mul3A_108 : vector<1x128xf32>
    %sub3A_115 = arith.subf %get3A_113, %mul3A_114 : vector<1x128xf32>
    %get3A_116 = arith.constant 2 : index
    %get3A_117 = arith.constant 0 : index
    %get3A_118 = arith.constant 0 : index
    %get3A_119 = arith.constant 0 : index
    %get3A_120 = vector.load %arg1[%get3A_116, %get3A_117, %get3A_118, %get3A_119] : memref<4x1x500x128xf32, #tpu.memory_space<vmem>>, vector<1x1x500x128xf32>
    %get3A_121 = vector.shape_cast %get3A_120 : vector<1x1x500x128xf32> to vector<500x128xf32>
    %reduce_sum3A_122 = arith.constant dense<0.000000e+00> : vector<128xf32>
    %reduce_sum3A_123 = vector.multi_reduction <add>, %get3A_121, %reduce_sum3A_122 [0] : vector<500x128xf32> to vector<128xf32>
    %broadcast_in_dim3A_124 = vector.shape_cast %reduce_sum3A_123 : vector<128xf32> to vector<1x128xf32>
    %mul3A_125 = arith.constant 2.000000e-03 : f32
    %mul3A_126 = vector.broadcast %mul3A_125 : f32 to vector<1x128xf32>
    %mul3A_127 = arith.mulf %broadcast_in_dim3A_124, %mul3A_126 : vector<1x128xf32>
    %mul3A_128 = arith.mulf %mul3A_108, %mul3A_127 : vector<1x128xf32>
    %add3A_129 = arith.addf %mul3A_128, %sub3A_115 : vector<1x128xf32>
    %get3A_130 = arith.constant 3 : index
    %get3A_131 = arith.constant 0 : index
    %get3A_132 = arith.constant 0 : index
    %get3A_133 = vector.load %arg2[%get3A_130, %get3A_131, %get3A_132] : memref<4x2x128xf32, #tpu.memory_space<vmem>>, vector<1x2x128xf32>
    %get3A_134 = vector.shape_cast %get3A_133 : vector<1x2x128xf32> to vector<2x128xf32>
    %slice3A_135 = vector.extract_strided_slice %get3A_134 {offsets = [0, 0], sizes = [1, 128], strides = [1, 1]} : vector<2x128xf32> to vector<1x128xf32>
    %mul3A_136 = arith.constant 9.99999974E-5 : f32
    %mul3A_137 = vector.broadcast %mul3A_136 : f32 to vector<1x128xf32>
    %mul3A_138 = arith.mulf %slice3A_135, %mul3A_137 : vector<1x128xf32>
    %slice3A_139 = vector.extract_strided_slice %get3A_134 {offsets = [1, 0], sizes = [1, 128], strides = [1, 1]} : vector<2x128xf32> to vector<1x128xf32>
    %mul3A_140 = arith.constant 9.99999974E-5 : f32
    %mul3A_141 = vector.broadcast %mul3A_140 : f32 to vector<1x128xf32>
    %mul3A_142 = arith.mulf %slice3A_139, %mul3A_141 : vector<1x128xf32>
    %mul3A_143 = arith.mulf %mul3A_138, %mul3A_138 : vector<1x128xf32>
    %sub3A_144 = arith.subf %mul3A_142, %mul3A_143 : vector<1x128xf32>
    %get3A_145 = arith.constant 3 : index
    %get3A_146 = arith.constant 0 : index
    %get3A_147 = arith.constant 0 : index
    %get3A_148 = vector.load %arg3[%get3A_145, %get3A_146, %get3A_147] : memref<4x1x128xf32, #tpu.memory_space<vmem>>, vector<1x1x128xf32>
    %get3A_149 = vector.shape_cast %get3A_148 : vector<1x1x128xf32> to vector<1x128xf32>
    %add3A_150 = arith.constant 9.99999974E-6 : f32
    %add3A_151 = vector.broadcast %add3A_150 : f32 to vector<1x128xf32>
    %add3A_152 = arith.addf %sub3A_144, %add3A_151 : vector<1x128xf32>
    %rsqrt3A_153 = math.rsqrt %add3A_152 : vector<1x128xf32>
    %mul3A_154 = arith.mulf %get3A_149, %rsqrt3A_153 : vector<1x128xf32>
    %get3A_155 = arith.constant 3 : index
    %get3A_156 = arith.constant 0 : index
    %get3A_157 = arith.constant 0 : index
    %get3A_158 = vector.load %arg4[%get3A_155, %get3A_156, %get3A_157] : memref<4x1x128xf32, #tpu.memory_space<vmem>>, vector<1x1x128xf32>
    %get3A_159 = vector.shape_cast %get3A_158 : vector<1x1x128xf32> to vector<1x128xf32>
    %mul3A_160 = arith.mulf %mul3A_138, %mul3A_154 : vector<1x128xf32>
    %sub3A_161 = arith.subf %get3A_159, %mul3A_160 : vector<1x128xf32>
    %get3A_162 = arith.constant 3 : index
    %get3A_163 = arith.constant 0 : index
    %get3A_164 = arith.constant 0 : index
    %get3A_165 = arith.constant 0 : index
    %get3A_166 = vector.load %arg1[%get3A_162, %get3A_163, %get3A_164, %get3A_165] : memref<4x1x500x128xf32, #tpu.memory_space<vmem>>, vector<1x1x500x128xf32>
    %get3A_167 = vector.shape_cast %get3A_166 : vector<1x1x500x128xf32> to vector<500x128xf32>
    %reduce_sum3A_168 = arith.constant dense<0.000000e+00> : vector<128xf32>
    %reduce_sum3A_169 = vector.multi_reduction <add>, %get3A_167, %reduce_sum3A_168 [0] : vector<500x128xf32> to vector<128xf32>
    %broadcast_in_dim3A_170 = vector.shape_cast %reduce_sum3A_169 : vector<128xf32> to vector<1x128xf32>
    %mul3A_171 = arith.constant 2.000000e-03 : f32
    %mul3A_172 = vector.broadcast %mul3A_171 : f32 to vector<1x128xf32>
    %mul3A_173 = arith.mulf %broadcast_in_dim3A_170, %mul3A_172 : vector<1x128xf32>
    %mul3A_174 = arith.mulf %mul3A_154, %mul3A_173 : vector<1x128xf32>
    %add3A_175 = arith.addf %mul3A_174, %sub3A_161 : vector<1x128xf32>
    %concatenate3A = tpu.concatenate %add3A_37, %add3A_83, %add3A_129, %add3A_175 in 1 : vector<1x128xf32>, vector<1x128xf32>, vector<1x128xf32>, vector<1x128xf32> -> vector<1x512xf32>
    %get3A_176 = arith.constant 0 : index
    %get3A_177 = arith.constant 0 : index
    %get3A_178 = arith.constant 0 : index
    %get3A_179 = vector.load %arg5[%get3A_176, %get3A_177, %get3A_178] : memref<1x1x256xf32, #tpu.memory_space<vmem>>, vector<1x1x256xf32>
    %get3A_180 = vector.shape_cast %get3A_179 : vector<1x1x256xf32> to vector<1x256xf32>
    %concatenate3A_181 = tpu.concatenate %concatenate3A, %get3A_180 in 1 : vector<1x512xf32>, vector<1x256xf32> -> vector<1x768xf32>
    %get3A_182 = arith.constant 0 : index
    %get3A_183 = arith.constant 0 : index
    %get3A_184 = vector.load %arg6[%get3A_182, %get3A_183] : memref<768x512xf32, #tpu.memory_space<vmem>>, vector<768x512xf32>
    %dot_general3A = arith.constant dense<0.000000e+00> : vector<1x512xf32>
    %dot_general3A_185 = tpu.matmul %concatenate3A_181, %get3A_184, %dot_general3A {dimension_numbers = #tpu.dot_dimension_numbers<[1], [0], [0], [1], [0, 0, 1, 1], [], []>, precision = #tpu.contract_precision<fp32>, transpose_lhs_hint = false} : vector<1x768xf32>, vector<768x512xf32>, vector<1x512xf32> -> vector<1x512xf32>
    %get3A_186 = arith.constant 0 : index
    %get3A_187 = arith.constant 0 : index
    %get3A_188 = vector.load %arg7[%get3A_186, %get3A_187] : memref<1x512xf32, #tpu.memory_space<vmem>>, vector<1x512xf32>
    %add3A_189 = arith.addf %dot_general3A_185, %get3A_188 : vector<1x512xf32>
    %max3A = arith.constant 0.000000e+00 : f32
    %max3A_190 = vector.broadcast %max3A : f32 to vector<1x512xf32>
    %max3A_191 = arith.maximumf %add3A_189, %max3A_190 : vector<1x512xf32>
    %get3A_192 = arith.constant 0 : index
    %get3A_193 = arith.constant 0 : index
    %get3A_194 = vector.load %arg8[%get3A_192, %get3A_193] : memref<512x10xf32, #tpu.memory_space<vmem>>, vector<512x10xf32>
    %dot_general3A_195 = arith.constant dense<0.000000e+00> : vector<1x10xf32>
    %dot_general3A_196 = tpu.matmul %max3A_191, %get3A_194, %dot_general3A_195 {dimension_numbers = #tpu.dot_dimension_numbers<[1], [0], [0], [1], [0, 0, 1, 1], [], []>, precision = #tpu.contract_precision<fp32>, transpose_lhs_hint = false} : vector<1x512xf32>, vector<512x10xf32>, vector<1x10xf32> -> vector<1x10xf32>
    %get3A_197 = arith.constant 0 : index
    %get3A_198 = arith.constant 0 : index
    %get3A_199 = vector.load %arg9[%get3A_197, %get3A_198] : memref<1x10xf32, #tpu.memory_space<vmem>>, vector<1x10xf32>
    %add3A_200 = arith.addf %dot_general3A_196, %get3A_199 : vector<1x10xf32>
    %reduce_max3A = arith.constant dense<0xFF800000> : vector<1xf32>
    %reduce_max3A_201 = vector.multi_reduction <maximumf>, %add3A_200, %reduce_max3A [1] : vector<1x10xf32> to vector<1xf32>
    %broadcast_in_dim3A_202 = vector.shape_cast %reduce_max3A_201 : vector<1xf32> to vector<1x1xf32>
    %sub3A_203 = vector.broadcast %broadcast_in_dim3A_202 : vector<1x1xf32> to vector<1x10xf32>
    %sub3A_204 = arith.subf %add3A_200, %sub3A_203 : vector<1x10xf32>
    %exp3A = math.exp %sub3A_204 : vector<1x10xf32>
    %reduce_sum3A_205 = arith.constant dense<0.000000e+00> : vector<1xf32>
    %reduce_sum3A_206 = vector.multi_reduction <add>, %exp3A, %reduce_sum3A_205 [1] : vector<1x10xf32> to vector<1xf32>
    %broadcast_in_dim3A_207 = vector.shape_cast %reduce_sum3A_206 : vector<1xf32> to vector<1x1xf32>
    %log3A = math.log %broadcast_in_dim3A_207 : vector<1x1xf32>
    %add3A_208 = arith.addf %log3A, %broadcast_in_dim3A_202 : vector<1x1xf32>
    %sub3A_209 = vector.broadcast %add3A_208 : vector<1x1xf32> to vector<1x10xf32>
    %sub3A_210 = arith.subf %add3A_200, %sub3A_209 : vector<1x10xf32>
    %swap3A = arith.constant 0 : index
    %swap3A_211 = arith.constant 0 : index
    %swap3A_212 = arith.constant 0 : index
    %swap3A_213 = vector.load %arg10[%swap3A, %swap3A_211, %swap3A_212] : memref<1x1x10xf32, #tpu.memory_space<vmem>>, vector<1x1x10xf32>
    %swap3A_214 = vector.shape_cast %swap3A_213 : vector<1x1x10xf32> to vector<1x10xf32>
    %swap3A_215 = vector.shape_cast %sub3A_210 : vector<1x10xf32> to vector<1x1x10xf32>
    tpu.vector_store %arg10[%swap3A, %swap3A_211, %swap3A_212], %swap3A_215 {strides = array<i32>} : memref<1x1x10xf32, #tpu.memory_space<vmem>>, vector<1x1x10xf32>,
    return
  }
  func.func @transform_0(%arg0: i32) -> (i32, i32, i32, i32) {
    %c0_i32 = arith.constant 0 : i32
    %c0_i32_0 = arith.constant 0 : i32
    %c0_i32_1 = arith.constant 0 : i32
    %c0_i32_2 = arith.constant 0 : i32
    return %c0_i32, %arg0, %c0_i32_0, %c0_i32_1 : i32, i32, i32, i32
  }
  func.func @transform_1(%arg0: i32) -> (i32, i32, i32) {
    %c0_i32 = arith.constant 0 : i32
    %c0_i32_0 = arith.constant 0 : i32
    %c0_i32_1 = arith.constant 0 : i32
    %c0_i32_2 = arith.constant 0 : i32
    return %c0_i32, %c0_i32_0, %c0_i32_1 : i32, i32, i32
  }
  func.func @transform_2(%arg0: i32) -> (i32, i32, i32) {
    %c0_i32 = arith.constant 0 : i32
    %c0_i32_0 = arith.constant 0 : i32
    %c0_i32_1 = arith.constant 0 : i32
    %c0_i32_2 = arith.constant 0 : i32
    return %c0_i32, %c0_i32_0, %c0_i32_1 : i32, i32, i32
  }
  func.func @transform_3(%arg0: i32) -> (i32, i32, i32) {
    %c0_i32 = arith.constant 0 : i32
    %c0_i32_0 = arith.constant 0 : i32
    %c0_i32_1 = arith.constant 0 : i32
    %c0_i32_2 = arith.constant 0 : i32
    return %c0_i32, %c0_i32_0, %c0_i32_1 : i32, i32, i32
  }
  func.func @transform_4(%arg0: i32) -> (i32, i32, i32) {
    %c0_i32 = arith.constant 0 : i32
    %c0_i32_0 = arith.constant 0 : i32
    %c0_i32_1 = arith.constant 0 : i32
    return %arg0, %c0_i32, %c0_i32_0 : i32, i32, i32
  }
  func.func @transform_5(%arg0: i32) -> (i32, i32) {
    %c0_i32 = arith.constant 0 : i32
    %c0_i32_0 = arith.constant 0 : i32
    %c0_i32_1 = arith.constant 0 : i32
    return %c0_i32, %c0_i32_0 : i32, i32
  }
  func.func @transform_6(%arg0: i32) -> (i32, i32) {
    %c0_i32 = arith.constant 0 : i32
    %c0_i32_0 = arith.constant 0 : i32
    %c0_i32_1 = arith.constant 0 : i32
    return %c0_i32, %c0_i32_0 : i32, i32
  }
  func.func @transform_7(%arg0: i32) -> (i32, i32) {
    %c0_i32 = arith.constant 0 : i32
    %c0_i32_0 = arith.constant 0 : i32
    %c0_i32_1 = arith.constant 0 : i32
    return %c0_i32, %c0_i32_0 : i32, i32
  }
  func.func @transform_8(%arg0: i32) -> (i32, i32) {
    %c0_i32 = arith.constant 0 : i32
    %c0_i32_0 = arith.constant 0 : i32
    %c0_i32_1 = arith.constant 0 : i32
    return %c0_i32, %c0_i32_0 : i32, i32
  }
  func.func @transform_9(%arg0: i32) -> (i32, i32, i32) {
    %c0_i32 = arith.constant 0 : i32
    %c0_i32_0 = arith.constant 0 : i32
    %c0_i32_1 = arith.constant 0 : i32
    return %arg0, %c0_i32, %c0_i32_0 : i32, i32, i32
  }
}

</mosaic_0001>

<sc_bundles>
// kernel: kernel.15.cloned.1.call-start
scs
__scs_entry_jumppad:
0x0: {  	(pc) =	sbr.rel $0x88, $3  }
0x1: {  	(tag) =	ssettag $0x0;
	lr =	simm.s32 $0x1  }
0x2: {  	[smem:$0x3F89] =	sst lr;
	_ =	strace $0xD0000000  }
0x3: {  	_ = 	snop  }
0x4: {  	_ = 	snop  }
0x5: {  	_ = 	snop  }
0x6: {  	_ = 	snop  }
0x7: {  	_ = 	snop  }
__scs_overlays_trampoline_lowered:
0x8: {  	[smem:$0x3F98] =	sst s0  }
0x9: {  	[smem:$0x3F99] =	sst s1  }
0xa: {  	[smem:$0x3F9A] =	sst s2  }
0xb: {  	[smem:$0x3F9B] =	sst s3  }
0xc: {  	[smem:$0x3F9C] =	sst s4  }
0xd: {  	[smem:$0x3F9D] =	sst s5  }
0xe: {  	[smem:$0x3F9E] =	sst s6  }
0xf: {  	[smem:$0x3F9F] =	sst s7  }
0x10: {  	[smem:$0x3FA0] =	sst s8  }
0x11: {  	[smem:$0x3FA1] =	sst s9;
	s0 =	simm.s32 @!p0 $0x0  }
0x12: {  	s1 =	sld [smem:$0x3F87];
	s0 =	simm.s32 @p0 $0x1  }
0x13: {  	[smem:$0x3FA2] =	sst s0;
	s0 =	simm.s32 @!p1 $0x0  }
0x14: {  	s2 =	sld [smem:$0x3F86];
	s0 =	simm.s32 @p1 $0x1  }
0x15: {  	[smem:$0x3FA3] =	sst s0;
	s0 =	simm.s32 @!p2 $0x0  }
0x16: {  	s3 =	sld [smem:$0x3FDB];
	s0 =	simm.s32 @p2 $0x1  }
0x17: {  	s4 =	simm.s32 $0x1BF5;
	[smem:$0x3FA5] =	sst s0  }
0x18: {  	s0 =	sld [smem:$0x3F88];
	_ =	swait.ge [sflag:s4], $0x0  }
0x19: {  	s7 =	sld [smem:$0x3F89]  }
0x1a: {  	s8 =	sadd.s32 $0xFFFFE003, lr  }
0x1b: {  	s9 =	sadd.s32 $0xFFFFFEF7, lr;
	s5 =	simm.s32 $0xFFFFFFFF;
	p2 =	slt.u32 s8, $0xFFFFF086  }
0x1c: {  	p1 =	slt.u32 s9, $0xF7A;
	s5 =	simm.s32 @!p2 $0x0  }
0x1d: {  	s5 =	simm.s32 @p1 $0x1;
	p0 =	seq.s32 s7, s2  }
0x1e: {  	s7 =	smul.u32 @!p0 $0xF7A, s2;
	p2 =	seq.s32 @!p0 s5, $0x0  }
0x1f: {  	s9 =	smul.u32 $0xF7A, s1;
	s8 =	simm.s32 @!p0 $0x1BF5;
	p2 =	por !p2, p0  }
0x20: {  	[sflag:s8] =	ssyncset.s32 @!p0 $0xFFFFF086;
	s6 =	sadd.s32 @!p0 s3, s7;
	s7 =	simm.s32 @!p0 $0x108  }
0x21: {  	s3 =	sadd.s32 s3, s9;
	s6 =	sadd.s32 @!p0 $0x88, s6;
	s7 =	simm.s32 @p2 $0x1082  }
0x22: {  	[simem:s7], [sflag:s8] =	dma.local @!p0 [hbm:s6], $0xF7A  }
0x23: {  	s9 =	sor.u32 $0xD0000000, s2;
	s6 =	simm.s32 $0x108;
	_ =	swait.ge @!p0 [sflag:s8], $0x0  }
0x24: {  	s3 =	sadd.s32 $0x88, s3;
	s6 =	simm.s32 @!p1 $0x1082;
	[sflag:s4] =	ssyncset.s32 $0xFFFFF086  }
0x25: {  	[simem:s6], [sflag:s4] =	dma.local [hbm:s3], $0xF7A  }
0x26: {  	[smem:$0x3F89] =	sst s1;
	(tag) =	ssettag s2;
	_ =	strace s9  }
0x27: {  	s1 =	sld [smem:$0x3F99]  }
0x28: {  	s2 =	sld [smem:$0x3F9A]  }
0x29: {  	s4 =	sld [smem:$0x3F9C]  }
0x2a: {  	p0 =	seq.s32 s5, $0x0;
	s5 =	sld [smem:$0x3F9D]  }
0x2b: {  	s6 =	sld [smem:$0x3F9E]  }
0x2c: {  	s7 =	sld [smem:$0x3F9F]  }
0x2d: {  	s3 =	simm.s32 $0x108;
	s8 =	sld [smem:$0x3FA0]  }
0x2e: {  	s3 =	simm.s32 @!p0 $0x1082;
	s9 =	sld [smem:$0x3FA1]  }
0x2f: {  	lr =	sadd.s32 s0, s3;
	s0 =	sld [smem:$0x3F98]  }
0x30: {  	s3 =	sld [smem:$0x3F9B]  }
0x31: {  	[smem:$0x3FA4] =	sst s10  }
0x32: {  	s10 =	sld [smem:$0x3FA2];
	_ =	sdelay $0x3  }
0x33: {  	p0 =	seq.s32 s10, $0x1;
	s10 =	sld [smem:$0x3FA4];
	_ =	sdelay $0x3  }
0x34: {  	[smem:$0x3FA4] =	sst s10  }
0x35: {  	s10 =	sld [smem:$0x3FA3];
	_ =	sdelay $0x3  }
0x36: {  	p1 =	seq.s32 s10, $0x1;
	s10 =	sld [smem:$0x3FA4];
	_ =	sdelay $0x3  }
0x37: {  	[smem:$0x3FA4] =	sst s10  }
0x38: {  	s10 =	sld [smem:$0x3FA5]  }
0x39: {  	_ = 	snop;
	(pc) =	sbr.ind lr, $3  }
0x3a: {  	_ = 	snop  }
0x3b: {  	_ = 	snop  }
0x3c: {  	p2 =	seq.s32 s10, $0x1;
	s10 =	sld [smem:$0x3FA4]  }
0x3d: {  	_ =	shalt  }
0x3e: {  	_ =	shalt  }
0x3f: {  	_ =	shalt  }
0x40: {  	_ =	shalt  }
0x41: {  	_ =	shalt  }
0x42: {  	_ =	shalt  }
0x43: {  	_ =	shalt  }
0x44: {  	_ =	shalt  }
0x45: {  	_ =	shalt  }
0x46: {  	_ =	shalt  }
0x47: {  	_ =	shalt  }
0x48: {  	_ =	shalt  }
0x49: {  	_ =	shalt  }
0x4a: {  	_ =	shalt  }
0x4b: {  	_ =	shalt  }
0x4c: {  	_ =	shalt  }
0x4d: {  	_ =	shalt  }
0x4e: {  	_ =	shalt  }
0x4f: {  	_ =	shalt  }
0x50: {  	_ =	shalt  }
0x51: {  	_ =	shalt  }
0x52: {  	_ =	shalt  }
0x53: {  	_ =	shalt  }
0x54: {  	_ =	shalt  }
0x55: {  	_ =	shalt  }
0x56: {  	_ =	shalt  }
0x57: {  	_ =	shalt  }
0x58: {  	_ =	shalt  }
0x59: {  	_ =	shalt  }
0x5a: {  	_ =	shalt  }
0x5b: {  	_ =	shalt  }
0x5c: {  	_ =	shalt  }
0x5d: {  	_ =	shalt  }
0x5e: {  	_ =	shalt  }
0x5f: {  	_ =	shalt  }
0x60: {  	_ =	shalt  }
0x61: {  	_ =	shalt  }
0x62: {  	_ =	shalt  }
0x63: {  	_ =	shalt  }
0x64: {  	_ =	shalt  }
0x65: {  	_ =	shalt  }
0x66: {  	_ =	shalt  }
0x67: {  	_ =	shalt  }
0x68: {  	_ =	shalt  }
0x69: {  	_ =	shalt  }
0x6a: {  	_ =	shalt  }
0x6b: {  	_ =	shalt  }
0x6c: {  	_ =	shalt  }
0x6d: {  	_ =	shalt  }
0x6e: {  	_ =	shalt  }
0x6f: {  	_ =	shalt  }
0x70: {  	_ =	shalt  }
0x71: {  	_ =	shalt  }
0x72: {  	_ =	shalt  }
0x73: {  	_ =	shalt  }
0x74: {  	_ =	shalt  }
0x75: {  	_ =	shalt  }
0x76: {  	_ =	shalt  }
0x77: {  	_ =	shalt  }
0x78: {  	_ =	shalt  }
0x79: {  	_ =	shalt  }
0x7a: {  	_ =	shalt  }
0x7b: {  	_ =	shalt  }
0x7c: {  	_ =	shalt  }
0x7d: {  	_ =	shalt  }
0x7e: {  	_ =	shalt  }
0x7f: {  	_ =	shalt  }
0x80: {  	_ =	shalt  }
0x81: {  	_ =	shalt  }
0x82: {  	_ =	shalt  }
0x83: {  	_ =	shalt  }
0x84: {  	_ =	shalt  }
0x85: {  	_ =	shalt  }
0x86: {  	_ =	shalt  }
0x87: {  	_ =	shalt  }
.Lfunc_end0:
.L_simem_size_0:
called_computation_lowered:
.L_overlay_start_0:
0x88: {  	s2 =	sld [smem:$0x3FD9]  }
0x89: {  	s3 =	sld [smem:$0x3FFE];
	_ =	sdelay $0x1  }
0x8a: {  	s1 =	srdreg.scid  }
0x8b: {  	s0 =	sand.u32 $0x1, s1  }
0x8c: {  	s17 =	sshll.u32 s0, $0xA;
	s2 =	sadd.s32 s3, s2  }
0x8d: {  	s2 =	sadd.s32 s2, s17  }
0x8e: {  	[smem:$0x3FB0] =	sst s2  }
0x8f: {  	_ = 	snop  }
0x90: {  	s2 =	sld [smem:$0x3FD0];
	(tm) =	ssettm $0x1  }
0x91: {  	s18 =	sld [smem:$0x3FFB];
	_ =	sdelay $0x3  }
0x92: {  	_ =	strace s18  }
0x93: {  	s3 =	sld [smem:$0x3FFC];
	_ =	sdelay $0x3  }
0x94: {  	_ =	strace s3  }
0x95: {  	s3 =	sld [smem:$0x3FFD];
	_ =	sdelay $0x3  }
0x96: {  	_ =	strace s3  }
0x97: {  	_ =	strace $0x8FFFFFFF  }
0x98: {  	s19 =	sld [smem:$0x3FDB];
	_ =	sdelay $0x1  }
0x99: {  	s4 =	simm.s32 $_scs_section_size  }
0x9a: {  	s5 =	simm.s32 $_size__tile_overlayer_lowered;
	s6 =	simm.s32 $_tile_overlayer_lowered  }
0x9b: {  	s22 =	simm.s32 $0x1BFF;
	s21 =	sshll.u32 s6, $0x1;
	s3 =	sadd.s32 s4, s19  }
0x9c: {  	s7 =	simm.s32 $0x0;
	s20 =	sshll.u32 s5, $0x1;
	s5 =	sadd.s32 s21, s3  }
0x9d: {  	[timem:s7], [sflag:s22] =	dma.local [hbm:s5], s20  }
0x9e: {  	_ =	swait.ge [sflag:s22], s20  }
0x9f: {  	s4 =	ssub.s32 $0x0, s20;
	[sflag:s22] =	ssyncset.done $0x0  }
0xa0: {  	[sflag:s22] =	ssyncadd.s32 s4;
	_ =	sdelay $0x1  }
0xa1: {  	s23 =	simm.s32 $0x1B8B  }
0xa2: {  	_ =	swait.ge [sflag:s23], $0x1  }
0xa3: {  	[sflag:s23] =	ssyncset.done $0x0  }
0xa4: {  	s25 =	simm.s32 $0x1B8E;
	s24 =	sld [smem:$0x3FFE];
	[sflag:s23] =	ssyncadd.s32 $0xFFFFFFFF  }
0xa5: {  	s26 =	simm.s32 $execute0_lowered;
	[smem:$0x3FD2] =	sst s25  }
0xa6: {  	s5 =	sshll.u32 s26, $0x1;
	_ =	strace $0x80000046;
	[dreg:$0x1] =	wrdreg $0xFFFFFFFF  }
0xa7: {  	s28 =	simm.s32 $_size_execute0_lowered;
	s3 =	sadd.s32 s3, s5;
	[dreg:$0x0] =	wrdreg $0x0  }
0xa8: {  	s5 =	sshll.u32 s28, $0x1;
	[dreg:$0x2] =	wrdreg s3  }
0xa9: {  	[dreg:$0x3] =	wrdreg s5  }
0xaa: {  	[dreg:$0x4] =	wrdreg $0xC0  }
0xab: {  	_ =	task [dreg:s7], $0x5FFFF  }
0xac: {  	[dreg:$0x1] =	wrdreg $0xFFFFFFFF  }
0xad: {  	[dreg:$0x0] =	wrdreg $0x60  }
0xae: {  	[dreg:$0x2] =	wrdreg s24  }
0xaf: {  	[dreg:$0x3] =	wrdreg s2  }
0xb0: {  	[dreg:$0x4] =	wrdreg $0x1C800  }
0xb1: {  	[dreg:$0x5] =	wrdreg $0x9  }
0xb2: {  	_ =	task.clear_ibuf [dreg:s7], $0x6FFFF;
	_ =	strace $0x90000046  }
0xb3: {  	s29 =	simm.s32 $0x9;
	_ =	strace $0x80000048  }
0xb4: {  	_ =	swait.ge [sflag:s29], $0x1  }
0xb5: {  	[sflag:s29] =	ssyncadd.s32 $0xFFFFFFFF  }
0xb6: {  	_ =	strace $0x90000048  }
0xb7: {  	_ =	sfence  }
0xb8: {  	s30 =	sld [smem:$0x0];
	_ =	sdelay $0x2  }
0xb9: {  	s31 =	sshll.u32 s1, $0xD;
	s1 =	sshrl.u32 s1, $0x2  }
0xba: {  	s3 =	sand.u32 $0x4000, s31;
	s1 =	sadd.s32 s1, s30  }
0xbb: {  	s0 =	sor.u32 s3, s0;
	s1 =	sshll.u32 s1, $0x11  }
0xbc: {  	s0 =	sor.u32 s1, s0  }
0xbd: {  	s0 =	sadd.s32 $0x8F2B, s0  }
0xbe: {  	[sflag:s0] =	ssyncadd.remote.s32 $0x1  }
0xbf: {  	_ =	sfence.sel $0xFFFF  }
0xc0: {  	[dreg:$0x0] =	wrdreg $0xFFFFFFFF;
	(pc) =	sbr.abs _section_cstart, $3  }
0xc1: {  	[dreg:$0x1] =	wrdreg $0xFFFFFFFF  }
0xc2: {  	_ =	task.clear_ibuf [dreg:s7], $0x2FFFF;
	_ =	strace $0x9FFFFFFF  }
0xc3: {  	(tm) =	ssettm $0x7FFFFFFF  }
tec
execute0_lowered:
.L_overlay_start_1:
0x0: {  	(tag) =	ssettag $0x1  }
0x1: {  	s0 =	srdreg.scid;
	s5 =	rddreg [dreg:$0x0]  }
0x2: {  	s1 =	rddreg [dreg:$0x1];
	s8 =	stileid.u32  }
0x3: {  	s2 =	rddreg [dreg:$0x2];
	s3 =	simm.s32 $0x0;
	s11 =	simm.s32 $0x64  }
0x4: {  	s12 =	simm.s32 $0x0;
	s4 =	sand.u32 $0x1, s0;
	s0 =	rddreg [dreg:$0x3]  }
0x5: {  	[smem:$0x7FF] =	sst s3;
	p0 =	sne.s32 s8, $0x0;
	s6 =	sshll.u32 s4, $0x4  }
0x6: {  	s9 =	ssub.s32 $0x2, s4;
	_ =	strace $0x80000047;
	s7 =	sor.u32 s8, s6  }
0x7: {  	s4 =	sadd.s32 $0xBE00, s5;
	s10 =	sshrl.u32 s9, $0x1;
	s7 =	smul.u32 $0x380, s7  }
0x8: {  	s6 =	sadd.s32 s6, s5;
	s8 =	simm.s32 $0x1;
	s9 =	ssub.s32 s9, s10  }
0x9: {  	s6 =	sadd.s32 $0xC400, s6;
	s10 =	sshrl.u32 @!p0 s2, $0x3;
	s7 =	sadd.s32 s7, s5  }
0xa: {  	s5 =	sadd.s32 $0x4E00, s7;
	s7 =	smax.u32 s9, $0x1;
	s9 =	simm.s32 $0x1C00  }
.LBB2_1:
0xb: {  	[tilespmem:s3], [sflag:$0x1] =	stream.linear.gather [hbm4b:s5+s3], $0x1900, $0x38;
	[tilespmem:$0x1EF8] =	vst v63  }
0xc: {  	_ =	swait.ge [sflag:s8], $0x1900  }
0xd: {  	[sflag:s8] =	ssyncset.done $0x0  }
0xe: {  	[sflag:s8] =	ssyncadd.s32 $0xFFFFE700  }
0xf: {  	[tilespmem:s9], [sflag:$0x1] =	stream.linear.gather [hbm4b:s1+s3], $0x80, $0x38;
	[tilespmem:$0x1EF8] =	vst v63  }
0x10: {  	_ =	swait.ge [sflag:s8], $0x80  }
0x11: {  	[sflag:s8] =	ssyncset.done $0x0  }
0x12: {  	s13 =	simm.s32 @!p0 $0x1C01;
	[sflag:s8] =	ssyncadd.s32 $0xFFFFFF80  }
0x13: {  	[spmem:s10], [sflag:s13] =	dma.local @!p0 [hbm:s4], $0x4F0  }
0x14: {  	s13 =	simm.s32 @!p0 $0x1  }
0x15: {  	_ =	swait.ge @!p0 [sflag:s13], $0x4F0  }
0x16: {  	[sflag:s13] =	ssyncset.done @!p0 $0x0  }
0x17: {  	[sflag:s13] =	ssyncadd.s32 @!p0 $0xFFFFFB10  }
0x18: {  	s31 =	simm.s32 $0x0;
	[bflag:$0x0] =	sbarrier.arrive $0xFFFF  }
0x19: {  	[spmem:s2] =	stream.indirect.scatter.add.f32 [tilespmem:s9], [sflag:$0x1], $0x1, s31, s11, $0xb8;
	[tilespmem:$0x1EF8] =	vst v63  }
0x1a: {  	_ =	swait.ge [sflag:s8], $0x64  }
0x1b: {  	s13 =	simm.s32 $0x200;
	[sflag:s8] =	ssyncset.done $0x0  }
.LBB2_2:
0x1c: {  	s14 =	sshra.s32 s13, $0x2;
	[sflag:s8] =	ssyncadd.s32 $0xFFFFFF9C;
	p1 =	sne.s32 s13, $0x6200  }
0x1d: {  	[spmem:s2] =	stream.indirect.scatter.add.f32 [tilespmem:s9], [sflag:$0x1], $0x1, s14, s11, $0xb8;
	[tilespmem:$0x1EF8] =	vst v63  }
.Ltmp0:
0x1e: {  	_ = 	snop;
	(pc) =	sbr.rel @p1 .LBB2_2-.Ltmp0, $4  }
0x1f: {  	_ = 	snop  }
0x20: {  	s13 =	sadd.s32 $0x200, s13  }
0x21: {  	_ =	swait.ge [sflag:s8], $0x64  }
0x22: {  	[sflag:s8] =	ssyncset.done $0x0  }
0x23: {  	[sflag:s8] =	ssyncadd.s32 $0xFFFFFF9C;
	s13 =	simm.s32 @!p0 $0x1;
	s12 =	sadd.s32 $0x1, s12  }
0x24: {  	s14 =	simm.s32 @!p0 $0x20;
	s15 =	simm.s32 @!p0 $0x10;
	p1 =	sne.s32 s12, s7  }
.Ltmp1:
0x25: {  	s16 =	simm.s32 @!p0 $0x1C01;
	[bflag:$0x0] =	sbarrier.arrive $0xFFFF;
	(pc) =	sbr.rel @p1 .LBB2_1-.Ltmp1, $4  }
0x26: {  	[hbm:s6@s14], [sflag:s16] =	dma.strided @!p0 [spmem:s10@s15], $0x4F0, s13, $0x10   }
0x27: {  	_ =	swait.ge @!p0 [sflag:s13], $0x4F0  }
0x28: {  	[sflag:s13] =	ssyncset.done @!p0 $0x0  }
0x29: {  	[sflag:s13] =	ssyncadd.s32 @!p0 $0xFFFFFB10  }
0x2a: {  	_ =	sfence.sel $0x180000  }
0x2b: {  	[bflag:$0x0] =	sbarrier.arrive $0xFFFF  }
0x2c: {  	_ =	strace $0x90000047  }
0x2d: {  	s0 =	sadd.s32 @!p0 $0x100000, s0;
	[bflag:$0x2] =	sbarrier.arrive $0xFFFF  }
0x2e: {  	[sflag:s0] =	ssyncadd.tile.s32 @!p0 $0x1;
	_ =	shalt  }
.Lfunc_end2:
_tile_overlayer_lowered:
.L_overlay_start_2:
0x2f: {  	(tag) =	ssettag $0x2  }
0x30: {  	s0 =	rddreg [dreg:$0x0];
	s2 =	stileid.u32  }
0x31: {  	s1 =	rddreg [dreg:$0x1];
	p0 =	sne.s32 s2, $0x0  }
0x32: {  	s3 =	rddreg [dreg:$0x2];
	[bflag:$0x3] =	sbarrier.arrive $0xFFFF;
	s2 =	simm.s32 @!p0 $0x1C01  }
0x33: {  	[timem:s3], [sflag:s2] =	dma.local @!p0 [hbm:s0], s1  }
0x34: {  	s0 =	simm.s32 @!p0 $0x1  }
0x35: {  	_ =	swait.ge @!p0 [sflag:s0], s1  }
0x36: {  	s1 =	ssub.s32 @!p0 $0x0, s1;
	[sflag:s0] =	ssyncset.done @!p0 $0x0  }
0x37: {  	[sflag:s0] =	ssyncadd.s32 @!p0 s1  }
0x38: {  	[bflag:$0x3] =	sbarrier.arrive $0xFFFF  }
0x39: {  	_ =	shalt  }

// kernel: kernel.18.cloned.1.call-start
scs
__scs_entry_jumppad:
0x0: {  	(pc) =	sbr.rel $0x88, $3  }
0x1: {  	(tag) =	ssettag $0x0;
	lr =	simm.s32 $0x1  }
0x2: {  	[smem:$0x3F89] =	sst lr;
	_ =	strace $0xD0000000  }
0x3: {  	_ = 	snop  }
0x4: {  	_ = 	snop  }
0x5: {  	_ = 	snop  }
0x6: {  	_ = 	snop  }
0x7: {  	_ = 	snop  }
__scs_overlays_trampoline_lowered:
0x8: {  	[smem:$0x3F98] =	sst s0  }
0x9: {  	[smem:$0x3F99] =	sst s1  }
0xa: {  	[smem:$0x3F9A] =	sst s2  }
0xb: {  	[smem:$0x3F9B] =	sst s3  }
0xc: {  	[smem:$0x3F9C] =	sst s4  }
0xd: {  	[smem:$0x3F9D] =	sst s5  }
0xe: {  	[smem:$0x3F9E] =	sst s6  }
0xf: {  	[smem:$0x3F9F] =	sst s7  }
0x10: {  	[smem:$0x3FA0] =	sst s8  }
0x11: {  	[smem:$0x3FA1] =	sst s9;
	s0 =	simm.s32 @!p0 $0x0  }
0x12: {  	s1 =	sld [smem:$0x3F87];
	s0 =	simm.s32 @p0 $0x1  }
0x13: {  	[smem:$0x3FA2] =	sst s0;
	s0 =	simm.s32 @!p1 $0x0  }
0x14: {  	s2 =	sld [smem:$0x3F86];
	s0 =	simm.s32 @p1 $0x1  }
0x15: {  	[smem:$0x3FA3] =	sst s0;
	s0 =	simm.s32 @!p2 $0x0  }
0x16: {  	s3 =	sld [smem:$0x3FDB];
	s0 =	simm.s32 @p2 $0x1  }
0x17: {  	s4 =	simm.s32 $0x1BF5;
	[smem:$0x3FA5] =	sst s0  }
0x18: {  	s0 =	sld [smem:$0x3F88];
	_ =	swait.ge [sflag:s4], $0x0  }
0x19: {  	s7 =	sld [smem:$0x3F89]  }
0x1a: {  	s8 =	sadd.s32 $0xFFFFE003, lr  }
0x1b: {  	s9 =	sadd.s32 $0xFFFFFEF7, lr;
	s5 =	simm.s32 $0xFFFFFFFF;
	p2 =	slt.u32 s8, $0xFFFFF086  }
0x1c: {  	p1 =	slt.u32 s9, $0xF7A;
	s5 =	simm.s32 @!p2 $0x0  }
0x1d: {  	s5 =	simm.s32 @p1 $0x1;
	p0 =	seq.s32 s7, s2  }
0x1e: {  	s7 =	smul.u32 @!p0 $0xF7A, s2;
	p2 =	seq.s32 @!p0 s5, $0x0  }
0x1f: {  	s9 =	smul.u32 $0xF7A, s1;
	s8 =	simm.s32 @!p0 $0x1BF5;
	p2 =	por !p2, p0  }
0x20: {  	[sflag:s8] =	ssyncset.s32 @!p0 $0xFFFFF086;
	s6 =	sadd.s32 @!p0 s3, s7;
	s7 =	simm.s32 @!p0 $0x108  }
0x21: {  	s3 =	sadd.s32 s3, s9;
	s6 =	sadd.s32 @!p0 $0x88, s6;
	s7 =	simm.s32 @p2 $0x1082  }
0x22: {  	[simem:s7], [sflag:s8] =	dma.local @!p0 [hbm:s6], $0xF7A  }
0x23: {  	s9 =	sor.u32 $0xD0000000, s2;
	s6 =	simm.s32 $0x108;
	_ =	swait.ge @!p0 [sflag:s8], $0x0  }
0x24: {  	s3 =	sadd.s32 $0x88, s3;
	s6 =	simm.s32 @!p1 $0x1082;
	[sflag:s4] =	ssyncset.s32 $0xFFFFF086  }
0x25: {  	[simem:s6], [sflag:s4] =	dma.local [hbm:s3], $0xF7A  }
0x26: {  	[smem:$0x3F89] =	sst s1;
	(tag) =	ssettag s2;
	_ =	strace s9  }
0x27: {  	s1 =	sld [smem:$0x3F99]  }
0x28: {  	s2 =	sld [smem:$0x3F9A]  }
0x29: {  	s4 =	sld [smem:$0x3F9C]  }
0x2a: {  	p0 =	seq.s32 s5, $0x0;
	s5 =	sld [smem:$0x3F9D]  }
0x2b: {  	s6 =	sld [smem:$0x3F9E]  }
0x2c: {  	s7 =	sld [smem:$0x3F9F]  }
0x2d: {  	s3 =	simm.s32 $0x108;
	s8 =	sld [smem:$0x3FA0]  }
0x2e: {  	s3 =	simm.s32 @!p0 $0x1082;
	s9 =	sld [smem:$0x3FA1]  }
0x2f: {  	lr =	sadd.s32 s0, s3;
	s0 =	sld [smem:$0x3F98]  }
0x30: {  	s3 =	sld [smem:$0x3F9B]  }
0x31: {  	[smem:$0x3FA4] =	sst s10  }
0x32: {  	s10 =	sld [smem:$0x3FA2];
	_ =	sdelay $0x3  }
0x33: {  	p0 =	seq.s32 s10, $0x1;
	s10 =	sld [smem:$0x3FA4];
	_ =	sdelay $0x3  }
0x34: {  	[smem:$0x3FA4] =	sst s10  }
0x35: {  	s10 =	sld [smem:$0x3FA3];
	_ =	sdelay $0x3  }
0x36: {  	p1 =	seq.s32 s10, $0x1;
	s10 =	sld [smem:$0x3FA4];
	_ =	sdelay $0x3  }
0x37: {  	[smem:$0x3FA4] =	sst s10  }
0x38: {  	s10 =	sld [smem:$0x3FA5]  }
0x39: {  	_ = 	snop;
	(pc) =	sbr.ind lr, $3  }
0x3a: {  	_ = 	snop  }
0x3b: {  	_ = 	snop  }
0x3c: {  	p2 =	seq.s32 s10, $0x1;
	s10 =	sld [smem:$0x3FA4]  }
0x3d: {  	_ =	shalt  }
0x3e: {  	_ =	shalt  }
0x3f: {  	_ =	shalt  }
0x40: {  	_ =	shalt  }
0x41: {  	_ =	shalt  }
0x42: {  	_ =	shalt  }
0x43: {  	_ =	shalt  }
0x44: {  	_ =	shalt  }
0x45: {  	_ =	shalt  }
0x46: {  	_ =	shalt  }
0x47: {  	_ =	shalt  }
0x48: {  	_ =	shalt  }
0x49: {  	_ =	shalt  }
0x4a: {  	_ =	shalt  }
0x4b: {  	_ =	shalt  }
0x4c: {  	_ =	shalt  }
0x4d: {  	_ =	shalt  }
0x4e: {  	_ =	shalt  }
0x4f: {  	_ =	shalt  }
0x50: {  	_ =	shalt  }
0x51: {  	_ =	shalt  }
0x52: {  	_ =	shalt  }
0x53: {  	_ =	shalt  }
0x54: {  	_ =	shalt  }
0x55: {  	_ =	shalt  }
0x56: {  	_ =	shalt  }
0x57: {  	_ =	shalt  }
0x58: {  	_ =	shalt  }
0x59: {  	_ =	shalt  }
0x5a: {  	_ =	shalt  }
0x5b: {  	_ =	shalt  }
0x5c: {  	_ =	shalt  }
0x5d: {  	_ =	shalt  }
0x5e: {  	_ =	shalt  }
0x5f: {  	_ =	shalt  }
0x60: {  	_ =	shalt  }
0x61: {  	_ =	shalt  }
0x62: {  	_ =	shalt  }
0x63: {  	_ =	shalt  }
0x64: {  	_ =	shalt  }
0x65: {  	_ =	shalt  }
0x66: {  	_ =	shalt  }
0x67: {  	_ =	shalt  }
0x68: {  	_ =	shalt  }
0x69: {  	_ =	shalt  }
0x6a: {  	_ =	shalt  }
0x6b: {  	_ =	shalt  }
0x6c: {  	_ =	shalt  }
0x6d: {  	_ =	shalt  }
0x6e: {  	_ =	shalt  }
0x6f: {  	_ =	shalt  }
0x70: {  	_ =	shalt  }
0x71: {  	_ =	shalt  }
0x72: {  	_ =	shalt  }
0x73: {  	_ =	shalt  }
0x74: {  	_ =	shalt  }
0x75: {  	_ =	shalt  }
0x76: {  	_ =	shalt  }
0x77: {  	_ =	shalt  }
0x78: {  	_ =	shalt  }
0x79: {  	_ =	shalt  }
0x7a: {  	_ =	shalt  }
0x7b: {  	_ =	shalt  }
0x7c: {  	_ =	shalt  }
0x7d: {  	_ =	shalt  }
0x7e: {  	_ =	shalt  }
0x7f: {  	_ =	shalt  }
0x80: {  	_ =	shalt  }
0x81: {  	_ =	shalt  }
0x82: {  	_ =	shalt  }
0x83: {  	_ =	shalt  }
0x84: {  	_ =	shalt  }
0x85: {  	_ =	shalt  }
0x86: {  	_ =	shalt  }
0x87: {  	_ =	shalt  }
.Lfunc_end0:
.L_simem_size_0:
called_computation.1_lowered:
.L_overlay_start_0:
0x88: {  	s2 =	sld [smem:$0x3FD9]  }
0x89: {  	s3 =	sld [smem:$0x3FFE];
	_ =	sdelay $0x1  }
0x8a: {  	s1 =	srdreg.scid  }
0x8b: {  	s0 =	sand.u32 $0x1, s1  }
0x8c: {  	s16 =	sshll.u32 s0, $0xA;
	s2 =	sadd.s32 s3, s2  }
0x8d: {  	s2 =	sadd.s32 s2, s16  }
0x8e: {  	[smem:$0x3FB0] =	sst s2  }
0x8f: {  	_ = 	snop  }
0x90: {  	(tm) =	ssettm $0x1  }
0x91: {  	s17 =	sld [smem:$0x3FFB];
	_ =	sdelay $0x3  }
0x92: {  	_ =	strace s17  }
0x93: {  	s2 =	sld [smem:$0x3FFC];
	_ =	sdelay $0x3  }
0x94: {  	_ =	strace s2  }
0x95: {  	s2 =	sld [smem:$0x3FFD];
	_ =	sdelay $0x3  }
0x96: {  	_ =	strace s2  }
0x97: {  	_ =	strace $0x8FFFFFFF  }
0x98: {  	s18 =	sld [smem:$0x3FDB];
	_ =	sdelay $0x1  }
0x99: {  	s19 =	simm.s32 $_scs_section_size  }
0x9a: {  	s4 =	simm.s32 $_size__tile_overlayer_lowered;
	s5 =	simm.s32 $_tile_overlayer_lowered  }
0x9b: {  	s22 =	simm.s32 $0x1BFF;
	s21 =	sshll.u32 s5, $0x1;
	s2 =	sadd.s32 s19, s18  }
0x9c: {  	s6 =	simm.s32 $0x0;
	s20 =	sshll.u32 s4, $0x1;
	s4 =	sadd.s32 s21, s2  }
0x9d: {  	[timem:s6], [sflag:s22] =	dma.local [hbm:s4], s20  }
0x9e: {  	_ =	swait.ge [sflag:s22], s20  }
0x9f: {  	s3 =	ssub.s32 $0x0, s20;
	[sflag:s22] =	ssyncset.done $0x0  }
0xa0: {  	[sflag:s22] =	ssyncadd.s32 s3;
	_ =	sdelay $0x1  }
0xa1: {  	s23 =	simm.s32 $0x1B8B  }
0xa2: {  	_ =	swait.ge [sflag:s23], $0x1  }
0xa3: {  	[sflag:s23] =	ssyncset.done $0x0  }
0xa4: {  	s25 =	simm.s32 $0x1B8E;
	s24 =	sld [smem:$0x3FFE];
	[sflag:s23] =	ssyncadd.s32 $0xFFFFFFFF  }
0xa5: {  	s26 =	simm.s32 $execute0_lowered;
	[smem:$0x3FD2] =	sst s25  }
0xa6: {  	s4 =	sshll.u32 s26, $0x1;
	_ =	strace $0x80000049;
	[dreg:$0x1] =	wrdreg $0xFFFFFFFF  }
0xa7: {  	s28 =	simm.s32 $_size_execute0_lowered;
	s2 =	sadd.s32 s2, s4;
	[dreg:$0x0] =	wrdreg $0x0  }
0xa8: {  	s4 =	sshll.u32 s28, $0x1;
	[dreg:$0x2] =	wrdreg s2  }
0xa9: {  	[dreg:$0x3] =	wrdreg s4  }
0xaa: {  	[dreg:$0x4] =	wrdreg $0xC0  }
0xab: {  	_ =	task [dreg:s6], $0x5FFFF  }
0xac: {  	[dreg:$0x1] =	wrdreg $0xFFFFFFFF  }
0xad: {  	[dreg:$0x0] =	wrdreg $0x60  }
0xae: {  	[dreg:$0x2] =	wrdreg s24  }
0xaf: {  	[dreg:$0x3] =	wrdreg $0xA0000  }
0xb0: {  	[dreg:$0x4] =	wrdreg $0x9  }
0xb1: {  	_ =	task.clear_ibuf [dreg:s6], $0x5FFFF;
	_ =	strace $0x90000049  }
0xb2: {  	s29 =	simm.s32 $0x9;
	_ =	strace $0x8000004B  }
0xb3: {  	_ =	swait.ge [sflag:s29], $0x1  }
0xb4: {  	[sflag:s29] =	ssyncadd.s32 $0xFFFFFFFF  }
0xb5: {  	_ =	strace $0x9000004B  }
0xb6: {  	_ =	sfence  }
0xb7: {  	s30 =	sld [smem:$0x0];
	_ =	sdelay $0x2  }
0xb8: {  	s31 =	sshll.u32 s1, $0xD;
	s1 =	sshrl.u32 s1, $0x2  }
0xb9: {  	s3 =	sand.u32 $0x4000, s31;
	s1 =	sadd.s32 s1, s30  }
0xba: {  	s0 =	sor.u32 s3, s0;
	s1 =	sshll.u32 s1, $0x11  }
0xbb: {  	s0 =	sor.u32 s1, s0  }
0xbc: {  	s0 =	sadd.s32 $0x8F2B, s0  }
0xbd: {  	[sflag:s0] =	ssyncadd.remote.s32 $0x1  }
0xbe: {  	_ =	sfence.sel $0xFFFF  }
0xbf: {  	[dreg:$0x0] =	wrdreg $0xFFFFFFFF;
	(pc) =	sbr.abs _section_cstart, $3  }
0xc0: {  	[dreg:$0x1] =	wrdreg $0xFFFFFFFF  }
0xc1: {  	_ =	task.clear_ibuf [dreg:s6], $0x2FFFF;
	_ =	strace $0x9FFFFFFF  }
0xc2: {  	(tm) =	ssettm $0x7FFFFFFF  }
0xc3: {  	_ =	shalt  }
tec
execute0_lowered:
.L_overlay_start_1:
0x0: {  	(tag) =	ssettag $0x1  }
0x1: {  	s5 =	rddreg [dreg:$0x0]  }
0x2: {  	s0 =	srdreg.scid;
	s2 =	rddreg [dreg:$0x1];
	s3 =	simm.s32 $0x0  }
0x3: {  	s19 =	simm.s32 $0x64;
	s20 =	simm.s32 $0x3800;
	s6 =	sand.u32 $0x1, s0  }
0x4: {  	s21 =	simm.s32 $0x6C00;
	s0 =	stileid.u32;
	s4 =	smul.u32 $0x38000, s6  }
0x5: {  	s22 =	simm.s32 $0x1;
	s23 =	simm.s32 $0x2;
	s7 =	smul.u32 $0x3800, s0  }
0x6: {  	s24 =	simm.s32 $0x1880;
	s28 =	simm.s32 $0x0;
	s9 =	smul.u32 $0x4F000, s0  }
0x7: {  	[smem:$0x7FF] =	sst s3;
	s17 =	sadd.s32 $0x128400, s2;
	s25 =	smul.u32 $0x27100, s6  }
0x8: {  	s14 =	sadd.s32 $0x70A00, s5;
	_ =	strace $0x8000004A;
	s12 =	smul.u32 $0x2780, s0  }
0x9: {  	s11 =	ssub.s32 $0x2, s6;
	s6 =	smul.u32 $0x138800, s6;
	p0 =	seq.s32 s0, $0xF  }
0xa: {  	s26 =	sshrl.u32 s11, $0x1;
	s18 =	sshll.u32 @!p0 s0, $0x6;
	s4 =	sadd.s32 s7, s4  }
0xb: {  	s7 =	sshrl.u32 s7, $0x3;
	s15 =	ssub.s32 s11, s26;
	s29 =	sshrl.u32 s9, $0x2  }
0xc: {  	s30 =	sadd.s32 s12, s25;
	s6 =	sshrl.u32 s6, $0x3;
	s25 =	simm.s32 $0x3400  }
0xd: {  	s26 =	simm.s32 $0x3480;
	s8 =	sshrl.u32 s4, $0x3;
	s4 =	sadd.s32 $0x13E00, s5  }
0xe: {  	s13 =	sadd.s32 s7, s5;
	s16 =	sadd.s32 s29, s2;
	s31 =	sadd.s32 $0x25080, s6  }
0xf: {  	s11 =	sadd.s32 s14, s30;
	s10 =	sadd.s32 s8, s5;
	s5 =	sadd.s32 s4, s30  }
0x10: {  	s6 =	sadd.s32 s4, s31;
	s8 =	sadd.s32 $0xCE00, s13;
	s12 =	sadd.s32 s14, s31  }
0x11: {  	s14 =	sshrl.u32 @p0 s17, $0x3;
	s16 =	sshrl.u32 @!p0 s16, $0x3;
	s17 =	simm.s32 $0x3  }
0x12: {  	s7 =	sadd.s32 $0x62A00, s10;
	s9 =	sadd.s32 $0x62D80, s10;
	s10 =	sadd.s32 $0xD180, s13  }
0x13: {  	s13 =	smax.u32 s15, $0x1;
	s15 =	sor.u32 @!p0 $0x1C03, s18;
	s18 =	simm.s32 $0x1C00  }
.LBB2_1:
0x14: {  	s29 =	simm.s32 @p0 $0x1FC3  }
0x15: {  	[spmem:s14], [sflag:s29] =	dma.local @p0 [hbm:s6], $0x2080  }
0x16: {  	s29 =	simm.s32 @p0 $0x3  }
0x17: {  	_ =	swait.ge @p0 [sflag:s29], $0x2080  }
0x18: {  	[sflag:s29] =	ssyncset.done @p0 $0x0  }
0x19: {  	[sflag:s29] =	ssyncadd.s32 @p0 $0xFFFFDF80;
	s29 =	simm.s32 @!p0 $0x3  }
0x1a: {  	[spmem:s16], [sflag:s15] =	dma.local @!p0 [hbm:s5], $0x2780  }
0x1b: {  	_ =	swait.ge @!p0 [sflag:s29], $0x2780  }
0x1c: {  	[sflag:s29] =	ssyncset.done @!p0 $0x0  }
0x1d: {  	[sflag:s29] =	ssyncadd.s32 @!p0 $0xFFFFD880  }
0x1e: {  	[bflag:$0x0] =	sbarrier.arrive $0xFFFF  }
0x1f: {  	[tilespmem:s3], [sflag:$0x3] =	stream.linear.gather [hbm4b:s7+s3], $0x1900, $0x38;
	[tilespmem:$0x1D880] =	vst v63  }
0x20: {  	_ =	swait.ge [sflag:s17], $0x1900  }
0x21: {  	[sflag:s17] =	ssyncset.done $0x0  }
0x22: {  	[sflag:s17] =	ssyncadd.s32 $0xFFFFE700  }
0x23: {  	[tilespmem:s18], [sflag:$0x3] =	stream.linear.gather [hbm4b:s8+s3], $0x1900, $0x38;
	[tilespmem:$0x1D880] =	vst v63  }
0x24: {  	_ =	swait.ge [sflag:s17], $0x1900  }
0x25: {  	[sflag:s17] =	ssyncset.done $0x0  }
0x26: {  	[sflag:s17] =	ssyncadd.s32 $0xFFFFE700  }
0x27: {  	[tilespmem:s20], [sflag:$0x1] =	stream.indirect.gather [hbm4b:s4+s19], $0x80, s3, s19, $0xb8;
	[tilespmem:$0x1D880] =	vst v63  }
0x28: {  	s29 =	simm.s32 $0x80  }
0x29: {  	[tilespmem:s21], [sflag:$0x2] =	stream.indirect.gather [hbm4b:s4+s19], $0x80, s29, s19, $0xb8;
	[tilespmem:$0x1D880] =	vst v63  }
0x2a: {  	_ =	swait.ge [sflag:s22], $0x3200  }
0x2b: {  	[sflag:s22] =	ssyncset.done $0x0  }
0x2c: {  	s29 =	simm.s32 $0x1C00;
	[sflag:s22] =	ssyncadd.s32 $0xFFFFCE00  }
0x2d: {  	[spmem:s2] =	stream.indirect.scatter.add.f32 [tilespmem:s20], [sflag:$0x3], $0x80, s29, s19, $0xb8;
	[tilespmem:$0x1D880] =	vst v63  }
0x2e: {  	_ =	swait.ge [sflag:s17], $0x3200  }
0x2f: {  	[sflag:s17] =	ssyncset.done $0x0  }
0x30: {  	s29 =	simm.s32 $0x100;
	[sflag:s17] =	ssyncadd.s32 $0xFFFFCE00  }
0x31: {  	[tilespmem:s20], [sflag:$0x1] =	stream.indirect.gather [hbm4b:s4+s19], $0x80, s29, s19, $0xb8;
	[tilespmem:$0x1D880] =	vst v63  }
0x32: {  	_ =	swait.ge [sflag:s23], $0x3200  }
0x33: {  	[sflag:s23] =	ssyncset.done $0x0  }
0x34: {  	s29 =	simm.s32 $0x1C80;
	[sflag:s23] =	ssyncadd.s32 $0xFFFFCE00  }
0x35: {  	[spmem:s2] =	stream.indirect.scatter.add.f32 [tilespmem:s21], [sflag:$0x3], $0x80, s29, s19, $0xb8;
	[tilespmem:$0x1D880] =	vst v63  }
0x36: {  	_ =	swait.ge [sflag:s17], $0x3200  }
0x37: {  	s30 =	simm.s32 $0x800;
	s29 =	simm.s32 $0x100;
	[sflag:s17] =	ssyncset.done $0x0  }
.LBB2_2:
0x38: {  	s31 =	sadd.s32 $0x80, s29  }
0x39: {  	[sflag:s17] =	ssyncadd.s32 $0xFFFFCE00;
	s1 =	smov.u32 s30;
	s0 =	sadd.s32 $0x400, s30  }
0x3a: {  	[tilespmem:s21], [sflag:$0x2] =	stream.indirect.gather [hbm4b:s4+s19], $0x80, s31, s19, $0xb8;
	[tilespmem:$0x1D880] =	vst v63  }
0x3b: {  	p1 =	sne.s32 s30, $0x5C00;
	_ =	swait.ge [sflag:s22], $0x3200  }
0x3c: {  	[sflag:s22] =	ssyncset.done $0x0  }
0x3d: {  	s30 =	sadd.s32 $0x1C00, s29;
	[sflag:s22] =	ssyncadd.s32 $0xFFFFCE00  }
0x3e: {  	[spmem:s2] =	stream.indirect.scatter.add.f32 [tilespmem:s20], [sflag:$0x3], $0x80, s30, s19, $0xb8;
	[tilespmem:$0x1D880] =	vst v63  }
0x3f: {  	_ =	swait.ge [sflag:s17], $0x3200  }
0x40: {  	[sflag:s17] =	ssyncset.done $0x0  }
0x41: {  	s30 =	sadd.s32 $0x100, s29;
	[sflag:s17] =	ssyncadd.s32 $0xFFFFCE00  }
0x42: {  	[tilespmem:s20], [sflag:$0x1] =	stream.indirect.gather [hbm4b:s4+s19], $0x80, s30, s19, $0xb8;
	[tilespmem:$0x1D880] =	vst v63  }
0x43: {  	_ =	swait.ge [sflag:s23], $0x3200  }
.Ltmp0:
0x44: {  	[sflag:s23] =	ssyncset.done $0x0;
	(pc) =	sbr.rel @p1 .LBB2_2-.Ltmp0, $4  }
0x45: {  	s29 =	sadd.s32 $0x1C80, s29;
	[sflag:s23] =	ssyncadd.s32 $0xFFFFCE00  }
0x46: {  	[spmem:s2] =	stream.indirect.scatter.add.f32 [tilespmem:s21], [sflag:$0x3], $0x80, s29, s19, $0xb8;
	[tilespmem:$0x1D880] =	vst v63  }
0x47: {  	_ =	swait.ge [sflag:s17], $0x3200  }
0x48: {  	s30 =	smov.u32 s0;
	s29 =	sshra.s32 s1, $0x2;
	[sflag:s17] =	ssyncset.done $0x0  }
0x49: {  	s0 =	sadd.s32 $0x80, s29;
	[sflag:s17] =	ssyncadd.s32 $0xFFFFCE00  }
0x4a: {  	[tilespmem:s21], [sflag:$0x2] =	stream.indirect.gather [hbm4b:s4+s19], $0x80, s0, s19, $0xb8;
	[tilespmem:$0x1D880] =	vst v63  }
0x4b: {  	_ =	swait.ge [sflag:s22], $0x3200  }
0x4c: {  	[sflag:s22] =	ssyncset.done $0x0  }
0x4d: {  	s1 =	sadd.s32 $0x1C00, s29;
	[sflag:s22] =	ssyncadd.s32 $0xFFFFCE00  }
0x4e: {  	[spmem:s2] =	stream.indirect.scatter.add.f32 [tilespmem:s20], [sflag:$0x3], $0x80, s1, s19, $0xb8;
	[tilespmem:$0x1D880] =	vst v63  }
0x4f: {  	_ =	swait.ge [sflag:s17], $0x3200  }
0x50: {  	[sflag:s17] =	ssyncset.done $0x0  }
0x51: {  	s31 =	sadd.s32 $0x100, s29;
	[sflag:s17] =	ssyncadd.s32 $0xFFFFCE00  }
0x52: {  	[tilespmem:s20], [sflag:$0x1] =	stream.indirect.gather [hbm4b:s4+s19], $0x80, s31, s19, $0xb8;
	[tilespmem:$0x1D880] =	vst v63  }
0x53: {  	_ =	swait.ge [sflag:s23], $0x3200  }
0x54: {  	[sflag:s23] =	ssyncset.done $0x0  }
0x55: {  	s1 =	sadd.s32 $0x1C80, s29;
	[sflag:s23] =	ssyncadd.s32 $0xFFFFCE00  }
0x56: {  	[spmem:s2] =	stream.indirect.scatter.add.f32 [tilespmem:s21], [sflag:$0x3], $0x80, s1, s19, $0xb8;
	[tilespmem:$0x1D880] =	vst v63  }
0x57: {  	_ =	swait.ge [sflag:s17], $0x3200  }
0x58: {  	[sflag:s17] =	ssyncset.done $0x0  }
0x59: {  	[sflag:s17] =	ssyncadd.s32 $0xFFFFCE00  }
0x5a: {  	[tilespmem:s21], [sflag:$0x2] =	stream.indirect.gather [hbm4b:s4+s19], $0x80, s24, s19, $0xb8;
	[tilespmem:$0x1D880] =	vst v63  }
0x5b: {  	_ =	swait.ge [sflag:s22], $0x3200  }
0x5c: {  	[sflag:s22] =	ssyncset.done $0x0  }
0x5d: {  	[sflag:s22] =	ssyncadd.s32 $0xFFFFCE00  }
0x5e: {  	[spmem:s2] =	stream.indirect.scatter.add.f32 [tilespmem:s20], [sflag:$0x3], $0x80, s25, s19, $0xb8;
	[tilespmem:$0x1D880] =	vst v63  }
0x5f: {  	_ =	swait.ge [sflag:s17], $0x3200  }
0x60: {  	[sflag:s17] =	ssyncset.done $0x0  }
0x61: {  	[sflag:s17] =	ssyncadd.s32 $0xFFFFCE00  }
0x62: {  	_ =	swait.ge [sflag:s23], $0x3200  }
0x63: {  	[sflag:s23] =	ssyncset.done $0x0  }
0x64: {  	[sflag:s23] =	ssyncadd.s32 $0xFFFFCE00  }
0x65: {  	[spmem:s2] =	stream.indirect.scatter.add.f32 [tilespmem:s21], [sflag:$0x3], $0x80, s26, s19, $0xb8;
	[tilespmem:$0x1D880] =	vst v63  }
0x66: {  	_ =	swait.ge [sflag:s17], $0x3200  }
0x67: {  	[sflag:s17] =	ssyncset.done $0x0  }
0x68: {  	s31 =	simm.s32 $0x0;
	[sflag:s17] =	ssyncadd.s32 $0xFFFFCE00  }
0x69: {  	[tilespmem:s31], [sflag:$0x3] =	stream.linear.gather [hbm4b:s9+s31], $0x1900, $0x38;
	[tilespmem:$0x1D880] =	vst v63  }
0x6a: {  	_ =	swait.ge [sflag:s17], $0x1900  }
0x6b: {  	[sflag:s17] =	ssyncset.done $0x0  }
0x6c: {  	[sflag:s17] =	ssyncadd.s32 $0xFFFFE700  }
0x6d: {  	[tilespmem:s18], [sflag:$0x3] =	stream.linear.gather [hbm4b:s10+s31], $0x1900, $0x38;
	[tilespmem:$0x1D880] =	vst v63  }
0x6e: {  	_ =	swait.ge [sflag:s17], $0x1900  }
0x6f: {  	[sflag:s17] =	ssyncset.done $0x0  }
0x70: {  	[sflag:s17] =	ssyncadd.s32 $0xFFFFE700  }
0x71: {  	[tilespmem:s20], [sflag:$0x1] =	stream.indirect.gather [hbm4b:s4+s19], $0x80, s31, s19, $0xb8;
	[tilespmem:$0x1D880] =	vst v63  }
0x72: {  	s1 =	simm.s32 $0x80  }
0x73: {  	[tilespmem:s21], [sflag:$0x2] =	stream.indirect.gather [hbm4b:s4+s19], $0x80, s1, s19, $0xb8;
	[tilespmem:$0x1D880] =	vst v63  }
0x74: {  	_ =	swait.ge [sflag:s22], $0x3200  }
0x75: {  	[sflag:s22] =	ssyncset.done $0x0  }
0x76: {  	s31 =	simm.s32 $0x1C00;
	[sflag:s22] =	ssyncadd.s32 $0xFFFFCE00  }
0x77: {  	[spmem:s2] =	stream.indirect.scatter.add.f32 [tilespmem:s20], [sflag:$0x3], $0x80, s31, s19, $0xb8;
	[tilespmem:$0x1D880] =	vst v63  }
0x78: {  	_ =	swait.ge [sflag:s17], $0x3200  }
0x79: {  	[sflag:s17] =	ssyncset.done $0x0  }
0x7a: {  	s1 =	simm.s32 $0x100;
	[sflag:s17] =	ssyncadd.s32 $0xFFFFCE00  }
0x7b: {  	[tilespmem:s20], [sflag:$0x1] =	stream.indirect.gather [hbm4b:s4+s19], $0x80, s1, s19, $0xb8;
	[tilespmem:$0x1D880] =	vst v63  }
0x7c: {  	_ =	swait.ge [sflag:s23], $0x3200  }
0x7d: {  	[sflag:s23] =	ssyncset.done $0x0  }
0x7e: {  	s31 =	simm.s32 $0x1C80;
	[sflag:s23] =	ssyncadd.s32 $0xFFFFCE00  }
0x7f: {  	[spmem:s2] =	stream.indirect.scatter.add.f32 [tilespmem:s21], [sflag:$0x3], $0x80, s31, s19, $0xb8;
	[tilespmem:$0x1D880] =	vst v63  }
0x80: {  	_ =	swait.ge [sflag:s17], $0x3200  }
0x81: {  	s30 =	simm.s32 $0x800;
	s29 =	simm.s32 $0x100;
	[sflag:s17] =	ssyncset.done $0x0  }
.LBB2_4:
0x82: {  	s0 =	sadd.s32 $0x80, s29  }
0x83: {  	[sflag:s17] =	ssyncadd.s32 $0xFFFFCE00;
	s1 =	smov.u32 s30;
	s31 =	sadd.s32 $0x400, s30  }
0x84: {  	[tilespmem:s21], [sflag:$0x2] =	stream.indirect.gather [hbm4b:s4+s19], $0x80, s0, s19, $0xb8;
	[tilespmem:$0x1D880] =	vst v63  }
0x85: {  	p1 =	sne.s32 s30, $0x5C00;
	_ =	swait.ge [sflag:s22], $0x3200  }
0x86: {  	[sflag:s22] =	ssyncset.done $0x0  }
0x87: {  	s0 =	sadd.s32 $0x1C00, s29;
	[sflag:s22] =	ssyncadd.s32 $0xFFFFCE00  }
0x88: {  	[spmem:s2] =	stream.indirect.scatter.add.f32 [tilespmem:s20], [sflag:$0x3], $0x80, s0, s19, $0xb8;
	[tilespmem:$0x1D880] =	vst v63  }
0x89: {  	_ =	swait.ge [sflag:s17], $0x3200  }
0x8a: {  	[sflag:s17] =	ssyncset.done $0x0  }
0x8b: {  	s0 =	sadd.s32 $0x100, s29;
	[sflag:s17] =	ssyncadd.s32 $0xFFFFCE00  }
0x8c: {  	[tilespmem:s20], [sflag:$0x1] =	stream.indirect.gather [hbm4b:s4+s19], $0x80, s0, s19, $0xb8;
	[tilespmem:$0x1D880] =	vst v63  }
0x8d: {  	_ =	swait.ge [sflag:s23], $0x3200  }
.Ltmp1:
0x8e: {  	[sflag:s23] =	ssyncset.done $0x0;
	(pc) =	sbr.rel @p1 .LBB2_4-.Ltmp1, $4  }
0x8f: {  	s0 =	sadd.s32 $0x1C80, s29;
	[sflag:s23] =	ssyncadd.s32 $0xFFFFCE00  }
0x90: {  	[spmem:s2] =	stream.indirect.scatter.add.f32 [tilespmem:s21], [sflag:$0x3], $0x80, s0, s19, $0xb8;
	[tilespmem:$0x1D880] =	vst v63  }
0x91: {  	_ =	swait.ge [sflag:s17], $0x3200  }
0x92: {  	s30 =	smov.u32 s31;
	s29 =	sshra.s32 s1, $0x2;
	[sflag:s17] =	ssyncset.done $0x0  }
0x93: {  	s0 =	sadd.s32 $0x80, s29;
	[sflag:s17] =	ssyncadd.s32 $0xFFFFCE00  }
0x94: {  	[tilespmem:s21], [sflag:$0x2] =	stream.indirect.gather [hbm4b:s4+s19], $0x80, s0, s19, $0xb8;
	[tilespmem:$0x1D880] =	vst v63  }
0x95: {  	_ =	swait.ge [sflag:s22], $0x3200  }
0x96: {  	[sflag:s22] =	ssyncset.done $0x0  }
0x97: {  	s1 =	sadd.s32 $0x1C00, s29;
	[sflag:s22] =	ssyncadd.s32 $0xFFFFCE00  }
0x98: {  	[spmem:s2] =	stream.indirect.scatter.add.f32 [tilespmem:s20], [sflag:$0x3], $0x80, s1, s19, $0xb8;
	[tilespmem:$0x1D880] =	vst v63  }
0x99: {  	_ =	swait.ge [sflag:s17], $0x3200  }
0x9a: {  	[sflag:s17] =	ssyncset.done $0x0  }
0x9b: {  	s30 =	sadd.s32 $0x100, s29;
	[sflag:s17] =	ssyncadd.s32 $0xFFFFCE00  }
0x9c: {  	[tilespmem:s20], [sflag:$0x1] =	stream.indirect.gather [hbm4b:s4+s19], $0x80, s30, s19, $0xb8;
	[tilespmem:$0x1D880] =	vst v63  }
0x9d: {  	_ =	swait.ge [sflag:s23], $0x3200  }
0x9e: {  	[sflag:s23] =	ssyncset.done $0x0  }
0x9f: {  	s31 =	sadd.s32 $0x1C80, s29;
	[sflag:s23] =	ssyncadd.s32 $0xFFFFCE00  }
0xa0: {  	[spmem:s2] =	stream.indirect.scatter.add.f32 [tilespmem:s21], [sflag:$0x3], $0x80, s31, s19, $0xb8;
	[tilespmem:$0x1D880] =	vst v63  }
0xa1: {  	_ =	swait.ge [sflag:s17], $0x3200  }
0xa2: {  	[sflag:s17] =	ssyncset.done $0x0  }
0xa3: {  	[sflag:s17] =	ssyncadd.s32 $0xFFFFCE00  }
0xa4: {  	[tilespmem:s21], [sflag:$0x2] =	stream.indirect.gather [hbm4b:s4+s19], $0x80, s24, s19, $0xb8;
	[tilespmem:$0x1D880] =	vst v63  }
0xa5: {  	_ =	swait.ge [sflag:s22], $0x3200  }
0xa6: {  	[sflag:s22] =	ssyncset.done $0x0  }
0xa7: {  	[sflag:s22] =	ssyncadd.s32 $0xFFFFCE00  }
0xa8: {  	[spmem:s2] =	stream.indirect.scatter.add.f32 [tilespmem:s20], [sflag:$0x3], $0x80, s25, s19, $0xb8;
	[tilespmem:$0x1D880] =	vst v63  }
0xa9: {  	_ =	swait.ge [sflag:s17], $0x3200  }
0xaa: {  	[sflag:s17] =	ssyncset.done $0x0  }
0xab: {  	[sflag:s17] =	ssyncadd.s32 $0xFFFFCE00  }
0xac: {  	_ =	swait.ge [sflag:s23], $0x3200  }
0xad: {  	[sflag:s23] =	ssyncset.done $0x0  }
0xae: {  	[sflag:s23] =	ssyncadd.s32 $0xFFFFCE00  }
0xaf: {  	[spmem:s2] =	stream.indirect.scatter.add.f32 [tilespmem:s21], [sflag:$0x3], $0x80, s26, s19, $0xb8;
	[tilespmem:$0x1D880] =	vst v63  }
0xb0: {  	_ =	swait.ge [sflag:s17], $0x3200  }
0xb1: {  	[sflag:s17] =	ssyncset.done $0x0  }
0xb2: {  	[sflag:s17] =	ssyncadd.s32 $0xFFFFCE00  }
0xb3: {  	s0 =	simm.s32 @p0 $0x1FC3;
	[bflag:$0x0] =	sbarrier.arrive $0xFFFF  }
0xb4: {  	[hbm:s12], [sflag:s0] =	dma.local @p0 [spmem:s14], $0x2080  }
0xb5: {  	s0 =	simm.s32 @p0 $0x3  }
0xb6: {  	_ =	swait.ge @p0 [sflag:s0], $0x2080  }
0xb7: {  	s28 =	sadd.s32 $0x1, s28;
	[sflag:s0] =	ssyncset.done @p0 $0x0  }
0xb8: {  	p1 =	sne.s32 s28, s13;
	[sflag:s0] =	ssyncadd.s32 @p0 $0xFFFFDF80;
	s0 =	simm.s32 @!p0 $0x3  }
0xb9: {  	[hbm:s11], [sflag:s15] =	dma.local @!p0 [spmem:s16], $0x2780  }
.Ltmp2:
0xba: {  	_ =	swait.ge @!p0 [sflag:s0], $0x2780;
	(pc) =	sbr.rel @p1 .LBB2_1-.Ltmp2, $3  }
0xbb: {  	[sflag:s0] =	ssyncset.done @!p0 $0x0  }
0xbc: {  	[sflag:s0] =	ssyncadd.s32 @!p0 $0xFFFFD880  }
0xbd: {  	[bflag:$0x0] =	sbarrier.arrive $0xFFFF;
	_ =	sdelay $0x1  }
0xbe: {  	_ =	sfence.sel $0x180000  }
0xbf: {  	[bflag:$0x0] =	sbarrier.arrive $0xFFFF  }
0xc0: {  	_ =	strace $0x9000004A  }
0xc1: {  	s0 =	stileid.u32;
	[bflag:$0x2] =	sbarrier.arrive $0xFFFF  }
0xc2: {  	p0 =	sne.s32 s0, $0x0;
	s0 =	rddreg [dreg:$0x2]  }
0xc3: {  	s0 =	sadd.s32 @!p0 $0x100000, s0  }
0xc4: {  	[sflag:s0] =	ssyncadd.tile.s32 @!p0 $0x1;
	_ =	shalt  }
.Lfunc_end2:
_tile_overlayer_lowered:
.L_overlay_start_2:
0xc5: {  	(tag) =	ssettag $0x2  }
0xc6: {  	s0 =	rddreg [dreg:$0x0];
	s2 =	stileid.u32  }
0xc7: {  	s1 =	rddreg [dreg:$0x1];
	p0 =	sne.s32 s2, $0x0  }
0xc8: {  	s3 =	rddreg [dreg:$0x2];
	[bflag:$0x3] =	sbarrier.arrive $0xFFFF;
	s2 =	simm.s32 @!p0 $0x1C03  }
0xc9: {  	[timem:s3], [sflag:s2] =	dma.local @!p0 [hbm:s0], s1  }
0xca: {  	s0 =	simm.s32 @!p0 $0x3  }
0xcb: {  	_ =	swait.ge @!p0 [sflag:s0], s1  }
0xcc: {  	s1 =	ssub.s32 @!p0 $0x0, s1;
	[sflag:s0] =	ssyncset.done @!p0 $0x0  }
0xcd: {  	[sflag:s0] =	ssyncadd.s32 @!p0 s1  }
0xce: {  	[bflag:$0x3] =	sbarrier.arrive $0xFFFF  }
0xcf: {  	_ =	shalt  }

// kernel: kernel.21.cloned.1.call-start
scs
__scs_entry_jumppad:
0x0: {  	(pc) =	sbr.rel $0x88, $3  }
0x1: {  	(tag) =	ssettag $0x0;
	lr =	simm.s32 $0x1  }
0x2: {  	[smem:$0x3F89] =	sst lr;
	_ =	strace $0xD0000000  }
0x3: {  	_ = 	snop  }
0x4: {  	_ = 	snop  }
0x5: {  	_ = 	snop  }
0x6: {  	_ = 	snop  }
0x7: {  	_ = 	snop  }
__scs_overlays_trampoline_lowered:
0x8: {  	[smem:$0x3F98] =	sst s0  }
0x9: {  	[smem:$0x3F99] =	sst s1  }
0xa: {  	[smem:$0x3F9A] =	sst s2  }
0xb: {  	[smem:$0x3F9B] =	sst s3  }
0xc: {  	[smem:$0x3F9C] =	sst s4  }
0xd: {  	[smem:$0x3F9D] =	sst s5  }
0xe: {  	[smem:$0x3F9E] =	sst s6  }
0xf: {  	[smem:$0x3F9F] =	sst s7  }
0x10: {  	[smem:$0x3FA0] =	sst s8  }
0x11: {  	[smem:$0x3FA1] =	sst s9;
	s0 =	simm.s32 @!p0 $0x0  }
0x12: {  	s1 =	sld [smem:$0x3F87];
	s0 =	simm.s32 @p0 $0x1  }
0x13: {  	[smem:$0x3FA2] =	sst s0;
	s0 =	simm.s32 @!p1 $0x0  }
0x14: {  	s2 =	sld [smem:$0x3F86];
	s0 =	simm.s32 @p1 $0x1  }
0x15: {  	[smem:$0x3FA3] =	sst s0;
	s0 =	simm.s32 @!p2 $0x0  }
0x16: {  	s3 =	sld [smem:$0x3FDB];
	s0 =	simm.s32 @p2 $0x1  }
0x17: {  	s4 =	simm.s32 $0x1BF5;
	[smem:$0x3FA5] =	sst s0  }
0x18: {  	s0 =	sld [smem:$0x3F88];
	_ =	swait.ge [sflag:s4], $0x0  }
0x19: {  	s7 =	sld [smem:$0x3F89]  }
0x1a: {  	s8 =	sadd.s32 $0xFFFFE003, lr  }
0x1b: {  	s9 =	sadd.s32 $0xFFFFFEF7, lr;
	s5 =	simm.s32 $0xFFFFFFFF;
	p2 =	slt.u32 s8, $0xFFFFF086  }
0x1c: {  	p1 =	slt.u32 s9, $0xF7A;
	s5 =	simm.s32 @!p2 $0x0  }
0x1d: {  	s5 =	simm.s32 @p1 $0x1;
	p0 =	seq.s32 s7, s2  }
0x1e: {  	s7 =	smul.u32 @!p0 $0xF7A, s2;
	p2 =	seq.s32 @!p0 s5, $0x0  }
0x1f: {  	s9 =	smul.u32 $0xF7A, s1;
	s8 =	simm.s32 @!p0 $0x1BF5;
	p2 =	por !p2, p0  }
0x20: {  	[sflag:s8] =	ssyncset.s32 @!p0 $0xFFFFF086;
	s6 =	sadd.s32 @!p0 s3, s7;
	s7 =	simm.s32 @!p0 $0x108  }
0x21: {  	s3 =	sadd.s32 s3, s9;
	s6 =	sadd.s32 @!p0 $0x88, s6;
	s7 =	simm.s32 @p2 $0x1082  }
0x22: {  	[simem:s7], [sflag:s8] =	dma.local @!p0 [hbm:s6], $0xF7A  }
0x23: {  	s9 =	sor.u32 $0xD0000000, s2;
	s6 =	simm.s32 $0x108;
	_ =	swait.ge @!p0 [sflag:s8], $0x0  }
0x24: {  	s3 =	sadd.s32 $0x88, s3;
	s6 =	simm.s32 @!p1 $0x1082;
	[sflag:s4] =	ssyncset.s32 $0xFFFFF086  }
0x25: {  	[simem:s6], [sflag:s4] =	dma.local [hbm:s3], $0xF7A  }
0x26: {  	[smem:$0x3F89] =	sst s1;
	(tag) =	ssettag s2;
	_ =	strace s9  }
0x27: {  	s1 =	sld [smem:$0x3F99]  }
0x28: {  	s2 =	sld [smem:$0x3F9A]  }
0x29: {  	s4 =	sld [smem:$0x3F9C]  }
0x2a: {  	p0 =	seq.s32 s5, $0x0;
	s5 =	sld [smem:$0x3F9D]  }
0x2b: {  	s6 =	sld [smem:$0x3F9E]  }
0x2c: {  	s7 =	sld [smem:$0x3F9F]  }
0x2d: {  	s3 =	simm.s32 $0x108;
	s8 =	sld [smem:$0x3FA0]  }
0x2e: {  	s3 =	simm.s32 @!p0 $0x1082;
	s9 =	sld [smem:$0x3FA1]  }
0x2f: {  	lr =	sadd.s32 s0, s3;
	s0 =	sld [smem:$0x3F98]  }
0x30: {  	s3 =	sld [smem:$0x3F9B]  }
0x31: {  	[smem:$0x3FA4] =	sst s10  }
0x32: {  	s10 =	sld [smem:$0x3FA2];
	_ =	sdelay $0x3  }
0x33: {  	p0 =	seq.s32 s10, $0x1;
	s10 =	sld [smem:$0x3FA4];
	_ =	sdelay $0x3  }
0x34: {  	[smem:$0x3FA4] =	sst s10  }
0x35: {  	s10 =	sld [smem:$0x3FA3];
	_ =	sdelay $0x3  }
0x36: {  	p1 =	seq.s32 s10, $0x1;
	s10 =	sld [smem:$0x3FA4];
	_ =	sdelay $0x3  }
0x37: {  	[smem:$0x3FA4] =	sst s10  }
0x38: {  	s10 =	sld [smem:$0x3FA5]  }
0x39: {  	_ = 	snop;
	(pc) =	sbr.ind lr, $3  }
0x3a: {  	_ = 	snop  }
0x3b: {  	_ = 	snop  }
0x3c: {  	p2 =	seq.s32 s10, $0x1;
	s10 =	sld [smem:$0x3FA4]  }
0x3d: {  	_ =	shalt  }
0x3e: {  	_ =	shalt  }
0x3f: {  	_ =	shalt  }
0x40: {  	_ =	shalt  }
0x41: {  	_ =	shalt  }
0x42: {  	_ =	shalt  }
0x43: {  	_ =	shalt  }
0x44: {  	_ =	shalt  }
0x45: {  	_ =	shalt  }
0x46: {  	_ =	shalt  }
0x47: {  	_ =	shalt  }
0x48: {  	_ =	shalt  }
0x49: {  	_ =	shalt  }
0x4a: {  	_ =	shalt  }
0x4b: {  	_ =	shalt  }
0x4c: {  	_ =	shalt  }
0x4d: {  	_ =	shalt  }
0x4e: {  	_ =	shalt  }
0x4f: {  	_ =	shalt  }
0x50: {  	_ =	shalt  }
0x51: {  	_ =	shalt  }
0x52: {  	_ =	shalt  }
0x53: {  	_ =	shalt  }
0x54: {  	_ =	shalt  }
0x55: {  	_ =	shalt  }
0x56: {  	_ =	shalt  }
0x57: {  	_ =	shalt  }
0x58: {  	_ =	shalt  }
0x59: {  	_ =	shalt  }
0x5a: {  	_ =	shalt  }
0x5b: {  	_ =	shalt  }
0x5c: {  	_ =	shalt  }
0x5d: {  	_ =	shalt  }
0x5e: {  	_ =	shalt  }
0x5f: {  	_ =	shalt  }
0x60: {  	_ =	shalt  }
0x61: {  	_ =	shalt  }
0x62: {  	_ =	shalt  }
0x63: {  	_ =	shalt  }
0x64: {  	_ =	shalt  }
0x65: {  	_ =	shalt  }
0x66: {  	_ =	shalt  }
0x67: {  	_ =	shalt  }
0x68: {  	_ =	shalt  }
0x69: {  	_ =	shalt  }
0x6a: {  	_ =	shalt  }
0x6b: {  	_ =	shalt  }
0x6c: {  	_ =	shalt  }
0x6d: {  	_ =	shalt  }
0x6e: {  	_ =	shalt  }
0x6f: {  	_ =	shalt  }
0x70: {  	_ =	shalt  }
0x71: {  	_ =	shalt  }
0x72: {  	_ =	shalt  }
0x73: {  	_ =	shalt  }
0x74: {  	_ =	shalt  }
0x75: {  	_ =	shalt  }
0x76: {  	_ =	shalt  }
0x77: {  	_ =	shalt  }
0x78: {  	_ =	shalt  }
0x79: {  	_ =	shalt  }
0x7a: {  	_ =	shalt  }
0x7b: {  	_ =	shalt  }
0x7c: {  	_ =	shalt  }
0x7d: {  	_ =	shalt  }
0x7e: {  	_ =	shalt  }
0x7f: {  	_ =	shalt  }
0x80: {  	_ =	shalt  }
0x81: {  	_ =	shalt  }
0x82: {  	_ =	shalt  }
0x83: {  	_ =	shalt  }
0x84: {  	_ =	shalt  }
0x85: {  	_ =	shalt  }
0x86: {  	_ =	shalt  }
0x87: {  	_ =	shalt  }
.Lfunc_end0:
.L_simem_size_0:
called_computation.2_lowered:
.L_overlay_start_0:
0x88: {  	s2 =	sld [smem:$0x3FD9]  }
0x89: {  	s3 =	sld [smem:$0x3FFE];
	_ =	sdelay $0x1  }
0x8a: {  	s1 =	srdreg.scid  }
0x8b: {  	s0 =	sand.u32 $0x1, s1  }
0x8c: {  	s16 =	sshll.u32 s0, $0xA;
	s2 =	sadd.s32 s3, s2  }
0x8d: {  	s2 =	sadd.s32 s2, s16  }
0x8e: {  	[smem:$0x3FB0] =	sst s2  }
0x8f: {  	_ = 	snop  }
0x90: {  	(tm) =	ssettm $0x1  }
0x91: {  	s17 =	sld [smem:$0x3FFB];
	_ =	sdelay $0x3  }
0x92: {  	_ =	strace s17  }
0x93: {  	s2 =	sld [smem:$0x3FFC];
	_ =	sdelay $0x3  }
0x94: {  	_ =	strace s2  }
0x95: {  	s2 =	sld [smem:$0x3FFD];
	_ =	sdelay $0x3  }
0x96: {  	_ =	strace s2  }
0x97: {  	_ =	strace $0x8FFFFFFF  }
0x98: {  	s18 =	sld [smem:$0x3FDB];
	_ =	sdelay $0x1  }
0x99: {  	s19 =	simm.s32 $_scs_section_size  }
0x9a: {  	s4 =	simm.s32 $_size__tile_overlayer_lowered;
	s5 =	simm.s32 $_tile_overlayer_lowered  }
0x9b: {  	s22 =	simm.s32 $0x1BFF;
	s21 =	sshll.u32 s5, $0x1;
	s2 =	sadd.s32 s19, s18  }
0x9c: {  	s6 =	simm.s32 $0x0;
	s20 =	sshll.u32 s4, $0x1;
	s4 =	sadd.s32 s21, s2  }
0x9d: {  	[timem:s6], [sflag:s22] =	dma.local [hbm:s4], s20  }
0x9e: {  	_ =	swait.ge [sflag:s22], s20  }
0x9f: {  	s3 =	ssub.s32 $0x0, s20;
	[sflag:s22] =	ssyncset.done $0x0  }
0xa0: {  	[sflag:s22] =	ssyncadd.s32 s3;
	_ =	sdelay $0x1  }
0xa1: {  	s23 =	simm.s32 $0x1B8B  }
0xa2: {  	_ =	swait.ge [sflag:s23], $0x1  }
0xa3: {  	[sflag:s23] =	ssyncset.done $0x0  }
0xa4: {  	s25 =	simm.s32 $0x1B8E;
	s24 =	sld [smem:$0x3FFE];
	[sflag:s23] =	ssyncadd.s32 $0xFFFFFFFF  }
0xa5: {  	s26 =	simm.s32 $execute0_lowered;
	[smem:$0x3FD2] =	sst s25  }
0xa6: {  	s4 =	sshll.u32 s26, $0x1;
	_ =	strace $0x8000004C;
	[dreg:$0x1] =	wrdreg $0xFFFFFFFF  }
0xa7: {  	s28 =	simm.s32 $_size_execute0_lowered;
	s2 =	sadd.s32 s2, s4;
	[dreg:$0x0] =	wrdreg $0x0  }
0xa8: {  	s4 =	sshll.u32 s28, $0x1;
	[dreg:$0x2] =	wrdreg s2  }
0xa9: {  	[dreg:$0x3] =	wrdreg s4  }
0xaa: {  	[dreg:$0x4] =	wrdreg $0xC0  }
0xab: {  	_ =	task [dreg:s6], $0x5FFFF  }
0xac: {  	[dreg:$0x1] =	wrdreg $0xFFFFFFFF  }
0xad: {  	[dreg:$0x0] =	wrdreg $0x60  }
0xae: {  	[dreg:$0x2] =	wrdreg s24  }
0xaf: {  	[dreg:$0x3] =	wrdreg $0xA0000  }
0xb0: {  	[dreg:$0x4] =	wrdreg $0x9  }
0xb1: {  	_ =	task.clear_ibuf [dreg:s6], $0x5FFFF;
	_ =	strace $0x9000004C  }
0xb2: {  	s29 =	simm.s32 $0x9;
	_ =	strace $0x8000004E  }
0xb3: {  	_ =	swait.ge [sflag:s29], $0x1  }
0xb4: {  	[sflag:s29] =	ssyncadd.s32 $0xFFFFFFFF  }
0xb5: {  	_ =	strace $0x9000004E  }
0xb6: {  	_ =	sfence  }
0xb7: {  	s30 =	sld [smem:$0x0];
	_ =	sdelay $0x2  }
0xb8: {  	s31 =	sshll.u32 s1, $0xD;
	s1 =	sshrl.u32 s1, $0x2  }
0xb9: {  	s3 =	sand.u32 $0x4000, s31;
	s1 =	sadd.s32 s1, s30  }
0xba: {  	s0 =	sor.u32 s3, s0;
	s1 =	sshll.u32 s1, $0x11  }
0xbb: {  	s0 =	sor.u32 s1, s0  }
0xbc: {  	s0 =	sadd.s32 $0x8F2B, s0  }
0xbd: {  	[sflag:s0] =	ssyncadd.remote.s32 $0x1  }
0xbe: {  	_ =	sfence.sel $0xFFFF  }
0xbf: {  	[dreg:$0x0] =	wrdreg $0xFFFFFFFF;
	(pc) =	sbr.abs _section_cstart, $3  }
0xc0: {  	[dreg:$0x1] =	wrdreg $0xFFFFFFFF  }
0xc1: {  	_ =	task.clear_ibuf [dreg:s6], $0x2FFFF;
	_ =	strace $0x9FFFFFFF  }
0xc2: {  	(tm) =	ssettm $0x7FFFFFFF  }
0xc3: {  	_ =	shalt  }
tec
execute0_lowered:
.L_overlay_start_1:
0x0: {  	(tag) =	ssettag $0x1  }
0x1: {  	s0 =	rddreg [dreg:$0x0]  }
0x2: {  	s2 =	rddreg [dreg:$0x1];
	s3 =	simm.s32 $0x0  }
0x3: {  	s13 =	stileid.u32;
	s6 =	srdreg.scid;
	s28 =	simm.s32 $0x1  }
0x4: {  	s29 =	simm.s32 $0x2;
	s30 =	simm.s32 $0x1880;
	s1 =	smul.u32 $0x3800, s13  }
0x5: {  	s31 =	simm.s32 $0x3400;
	[smem:$0x7FF] =	sst s3;
	s8 =	smul.u32 $0x4F000, s13  }
0x6: {  	s4 =	sadd.s32 $0xDAC00, s0;
	s6 =	sand.u32 $0x1, s6;
	s17 =	smul.u32 $0x2780, s13  }
0x7: {  	s5 =	sadd.s32 $0xBEC00, s0;
	s15 =	sadd.s32 $0x128400, s2;
	s10 =	smul.u32 $0x4E200, s6  }
0x8: {  	p0 =	seq.s32 s13, $0xF;
	_ =	strace $0x8000004D;
	s25 =	smul.u32 $0x271000, s6  }
0x9: {  	s9 =	ssub.s32 $0x2, s6;
	s14 =	smul.u32 $0x70000, s6;
	[dreg:$0x5] =	wrdreg s15  }
0xa: {  	s6 =	sshllo.u32 s6, $0x1;
	s7 =	sshrl.u32 s1, $0x3;
	s11 =	sshrl.u32 s9, $0x1  }
0xb: {  	s8 =	sshrl.u32 s8, $0x2;
	s20 =	smul.u32 $0x27100, s6;
	s7 =	sadd.s32 s7, s0  }
0xc: {  	s0 =	sadd.s32 $0x13E00, s0;
	s11 =	ssub.s32 s9, s11;
	s8 =	sadd.s32 s8, s2  }
0xd: {  	s26 =	sadd.s32 s17, s10;
	s16 =	sadd.s32 s1, s14;
	s14 =	smul.u32 $0x138800, s6  }
0xe: {  	s9 =	sshrl.u32 s25, $0x3;
	s6 =	smul.u32 $0x38000, s6;
	[dreg:$0x3] =	wrdreg s8  }
0xf: {  	s12 =	sadd.s32 s4, s26;
	s15 =	sadd.s32 $0x25080, s9;
	s9 =	sshrl.u32 s16, $0x3  }
0x10: {  	s10 =	sadd.s32 $0xCE00, s7;
	s21 =	sadd.s32 s0, s26;
	s22 =	sadd.s32 s17, s20  }
0x11: {  	s26 =	sadd.s32 s0, s17;
	s17 =	smax.u32 s11, $0x1;
	[dreg:$0x4] =	wrdreg s12  }
0x12: {  	s18 =	sadd.s32 s4, s15;
	s9 =	sadd.s32 s5, s9;
	s12 =	sadd.s32 $0xD180, s7  }
0x13: {  	[dreg:$0x8] =	wrdreg s21;
	s23 =	sshrl.u32 s14, $0x3;
	s7 =	sadd.s32 s4, s22  }
0x14: {  	s1 =	sadd.s32 s1, s6;
	s25 =	sadd.s32 s0, s15;
	s20 =	sadd.s32 s26, s20  }
0x15: {  	s22 =	simm.s32 $0x3;
	s26 =	simm.s32 $0x6C00;
	[dreg:$0x6] =	wrdreg s18  }
0x16: {  	s19 =	sadd.s32 $0x380, s9;
	[dreg:$0x9] =	wrdreg s7;
	s24 =	sadd.s32 $0x25080, s23  }
0x17: {  	[dreg:$0xa] =	wrdreg s25;
	s1 =	sshrl.u32 s1, $0x3;
	s23 =	simm.s32 $0x1C00  }
0x18: {  	s25 =	simm.s32 $0x3800;
	[dreg:$0x7] =	wrdreg s19;
	s16 =	sadd.s32 s4, s24  }
0x19: {  	s18 =	sadd.s32 s5, s1;
	s21 =	sadd.s32 s0, s24;
	s24 =	simm.s32 $0x64  }
0x1a: {  	s0 =	simm.s32 $0x3480;
	s1 =	simm.s32 $0x0;
	s19 =	sadd.s32 $0x380, s18  }
.LBB2_1:
0x1b: {  	s5 =	rddreg [dreg:$0x5]  }
0x1c: {  	s6 =	simm.s32 @p0 $0x1FC3;
	s7 =	rddreg [dreg:$0x6];
	s5 =	sshrl.u32 @p0 s5, $0x3  }
0x1d: {  	[spmem:s5], [sflag:s6] =	dma.local @p0 [hbm:s7], $0x2080  }
0x1e: {  	s6 =	simm.s32 @p0 $0x3  }
0x1f: {  	s7 =	stileid.u32;
	_ =	swait.ge @p0 [sflag:s6], $0x2080  }
0x20: {  	s7 =	sshll.u32 @!p0 s7, $0x6;
	[sflag:s6] =	ssyncset.done @p0 $0x0  }
0x21: {  	[sflag:s6] =	ssyncadd.s32 @p0 $0xFFFFDF80;
	s6 =	sor.u32 @!p0 $0x1C03, s7;
	s7 =	rddreg [dreg:$0x3]  }
0x22: {  	s8 =	rddreg [dreg:$0x4];
	s7 =	sshrl.u32 @!p0 s7, $0x3  }
0x23: {  	[spmem:s7], [sflag:s6] =	dma.local @!p0 [hbm:s8], $0x2780  }
0x24: {  	s8 =	simm.s32 @!p0 $0x3  }
0x25: {  	_ =	swait.ge @!p0 [sflag:s8], $0x2780  }
0x26: {  	[sflag:s8] =	ssyncset.done @!p0 $0x0  }
0x27: {  	[sflag:s8] =	ssyncadd.s32 @!p0 $0xFFFFD880  }
0x28: {  	[bflag:$0x0] =	sbarrier.arrive $0xFFFF  }
0x29: {  	[tilespmem:s3], [sflag:$0x3] =	stream.linear.gather [hbm4b:s9+s3], $0x1900, $0x38;
	[tilespmem:$0x1D880] =	vst v63  }
0x2a: {  	_ =	swait.ge [sflag:s22], $0x1900  }
0x2b: {  	[sflag:s22] =	ssyncset.done $0x0  }
0x2c: {  	[sflag:s22] =	ssyncadd.s32 $0xFFFFE700  }
0x2d: {  	[tilespmem:s23], [sflag:$0x3] =	stream.linear.gather [hbm4b:s10+s3], $0x1900, $0x38;
	[tilespmem:$0x1D880] =	vst v63  }
0x2e: {  	_ =	swait.ge [sflag:s22], $0x1900  }
0x2f: {  	[sflag:s22] =	ssyncset.done $0x0  }
0x30: {  	[sflag:s22] =	ssyncadd.s32 $0xFFFFE700  }
0x31: {  	[tilespmem:s25], [sflag:$0x1] =	stream.indirect.gather [hbm4b:s4+s24], $0x80, s3, s24, $0xb8;
	[tilespmem:$0x1D880] =	vst v63  }
0x32: {  	s11 =	simm.s32 $0x80  }
0x33: {  	[tilespmem:s26], [sflag:$0x2] =	stream.indirect.gather [hbm4b:s4+s24], $0x80, s11, s24, $0xb8;
	[tilespmem:$0x1D880] =	vst v63  }
0x34: {  	_ =	swait.ge [sflag:s28], $0x3200  }
0x35: {  	[sflag:s28] =	ssyncset.done $0x0  }
0x36: {  	s13 =	simm.s32 $0x1C00;
	[sflag:s28] =	ssyncadd.s32 $0xFFFFCE00  }
0x37: {  	[spmem:s2] =	stream.indirect.scatter.add.f32 [tilespmem:s25], [sflag:$0x3], $0x80, s13, s24, $0xb8;
	[tilespmem:$0x1D880] =	vst v63  }
0x38: {  	_ =	swait.ge [sflag:s22], $0x3200  }
0x39: {  	[sflag:s22] =	ssyncset.done $0x0  }
0x3a: {  	s14 =	simm.s32 $0x100;
	[sflag:s22] =	ssyncadd.s32 $0xFFFFCE00  }
0x3b: {  	[tilespmem:s25], [sflag:$0x1] =	stream.indirect.gather [hbm4b:s4+s24], $0x80, s14, s24, $0xb8;
	[tilespmem:$0x1D880] =	vst v63  }
0x3c: {  	_ =	swait.ge [sflag:s29], $0x3200  }
0x3d: {  	[sflag:s29] =	ssyncset.done $0x0  }
0x3e: {  	s15 =	simm.s32 $0x1C80;
	[sflag:s29] =	ssyncadd.s32 $0xFFFFCE00  }
0x3f: {  	[spmem:s2] =	stream.indirect.scatter.add.f32 [tilespmem:s26], [sflag:$0x3], $0x80, s15, s24, $0xb8;
	[tilespmem:$0x1D880] =	vst v63  }
0x40: {  	_ =	swait.ge [sflag:s22], $0x3200  }
0x41: {  	s8 =	simm.s32 $0x100;
	s11 =	simm.s32 $0x800;
	[sflag:s22] =	ssyncset.done $0x0  }
.LBB2_2:
0x42: {  	s13 =	sadd.s32 $0x80, s8  }
0x43: {  	[sflag:s22] =	ssyncadd.s32 $0xFFFFCE00;
	s14 =	smov.u32 s11;
	s15 =	sadd.s32 $0x400, s11  }
0x44: {  	[tilespmem:s26], [sflag:$0x2] =	stream.indirect.gather [hbm4b:s4+s24], $0x80, s13, s24, $0xb8;
	[tilespmem:$0x1D880] =	vst v63  }
0x45: {  	p1 =	sne.s32 s11, $0x5C00;
	_ =	swait.ge [sflag:s28], $0x3200  }
0x46: {  	[sflag:s28] =	ssyncset.done $0x0  }
0x47: {  	s11 =	sadd.s32 $0x1C00, s8;
	[sflag:s28] =	ssyncadd.s32 $0xFFFFCE00  }
0x48: {  	[spmem:s2] =	stream.indirect.scatter.add.f32 [tilespmem:s25], [sflag:$0x3], $0x80, s11, s24, $0xb8;
	[tilespmem:$0x1D880] =	vst v63  }
0x49: {  	_ =	swait.ge [sflag:s22], $0x3200  }
0x4a: {  	[sflag:s22] =	ssyncset.done $0x0  }
0x4b: {  	s11 =	sadd.s32 $0x100, s8;
	[sflag:s22] =	ssyncadd.s32 $0xFFFFCE00  }
0x4c: {  	[tilespmem:s25], [sflag:$0x1] =	stream.indirect.gather [hbm4b:s4+s24], $0x80, s11, s24, $0xb8;
	[tilespmem:$0x1D880] =	vst v63  }
0x4d: {  	_ =	swait.ge [sflag:s29], $0x3200  }
.Ltmp0:
0x4e: {  	[sflag:s29] =	ssyncset.done $0x0;
	(pc) =	sbr.rel @p1 .LBB2_2-.Ltmp0, $4  }
0x4f: {  	s8 =	sadd.s32 $0x1C80, s8;
	[sflag:s29] =	ssyncadd.s32 $0xFFFFCE00  }
0x50: {  	[spmem:s2] =	stream.indirect.scatter.add.f32 [tilespmem:s26], [sflag:$0x3], $0x80, s8, s24, $0xb8;
	[tilespmem:$0x1D880] =	vst v63  }
0x51: {  	_ =	swait.ge [sflag:s22], $0x3200  }
0x52: {  	s11 =	smov.u32 s15;
	s8 =	sshra.s32 s14, $0x2;
	[sflag:s22] =	ssyncset.done $0x0  }
0x53: {  	s11 =	sadd.s32 $0x80, s8;
	[sflag:s22] =	ssyncadd.s32 $0xFFFFCE00  }
0x54: {  	[tilespmem:s26], [sflag:$0x2] =	stream.indirect.gather [hbm4b:s4+s24], $0x80, s11, s24, $0xb8;
	[tilespmem:$0x1D880] =	vst v63  }
0x55: {  	_ =	swait.ge [sflag:s28], $0x3200  }
0x56: {  	[sflag:s28] =	ssyncset.done $0x0  }
0x57: {  	s14 =	sadd.s32 $0x1C00, s8;
	[sflag:s28] =	ssyncadd.s32 $0xFFFFCE00  }
0x58: {  	[spmem:s2] =	stream.indirect.scatter.add.f32 [tilespmem:s25], [sflag:$0x3], $0x80, s14, s24, $0xb8;
	[tilespmem:$0x1D880] =	vst v63  }
0x59: {  	_ =	swait.ge [sflag:s22], $0x3200  }
0x5a: {  	[sflag:s22] =	ssyncset.done $0x0  }
0x5b: {  	s15 =	sadd.s32 $0x100, s8;
	[sflag:s22] =	ssyncadd.s32 $0xFFFFCE00  }
0x5c: {  	[tilespmem:s25], [sflag:$0x1] =	stream.indirect.gather [hbm4b:s4+s24], $0x80, s15, s24, $0xb8;
	[tilespmem:$0x1D880] =	vst v63  }
0x5d: {  	_ =	swait.ge [sflag:s29], $0x3200  }
0x5e: {  	[sflag:s29] =	ssyncset.done $0x0  }
0x5f: {  	s13 =	sadd.s32 $0x1C80, s8;
	[sflag:s29] =	ssyncadd.s32 $0xFFFFCE00  }
0x60: {  	[spmem:s2] =	stream.indirect.scatter.add.f32 [tilespmem:s26], [sflag:$0x3], $0x80, s13, s24, $0xb8;
	[tilespmem:$0x1D880] =	vst v63  }
0x61: {  	_ =	swait.ge [sflag:s22], $0x3200  }
0x62: {  	[sflag:s22] =	ssyncset.done $0x0  }
0x63: {  	[sflag:s22] =	ssyncadd.s32 $0xFFFFCE00  }
0x64: {  	[tilespmem:s26], [sflag:$0x2] =	stream.indirect.gather [hbm4b:s4+s24], $0x80, s30, s24, $0xb8;
	[tilespmem:$0x1D880] =	vst v63  }
0x65: {  	_ =	swait.ge [sflag:s28], $0x3200  }
0x66: {  	[sflag:s28] =	ssyncset.done $0x0  }
0x67: {  	[sflag:s28] =	ssyncadd.s32 $0xFFFFCE00  }
0x68: {  	[spmem:s2] =	stream.indirect.scatter.add.f32 [tilespmem:s25], [sflag:$0x3], $0x80, s31, s24, $0xb8;
	[tilespmem:$0x1D880] =	vst v63  }
0x69: {  	_ =	swait.ge [sflag:s22], $0x3200  }
0x6a: {  	[sflag:s22] =	ssyncset.done $0x0  }
0x6b: {  	[sflag:s22] =	ssyncadd.s32 $0xFFFFCE00  }
0x6c: {  	_ =	swait.ge [sflag:s29], $0x3200  }
0x6d: {  	[sflag:s29] =	ssyncset.done $0x0  }
0x6e: {  	[sflag:s29] =	ssyncadd.s32 $0xFFFFCE00  }
0x6f: {  	[spmem:s2] =	stream.indirect.scatter.add.f32 [tilespmem:s26], [sflag:$0x3], $0x80, s0, s24, $0xb8;
	[tilespmem:$0x1D880] =	vst v63  }
0x70: {  	_ =	swait.ge [sflag:s22], $0x3200  }
0x71: {  	[sflag:s22] =	ssyncset.done $0x0  }
0x72: {  	s14 =	simm.s32 $0x0;
	s15 =	rddreg [dreg:$0x7];
	[sflag:s22] =	ssyncadd.s32 $0xFFFFCE00  }
0x73: {  	[tilespmem:s14], [sflag:$0x3] =	stream.linear.gather [hbm4b:s15+s14], $0x1900, $0x38;
	[tilespmem:$0x1D880] =	vst v63  }
0x74: {  	_ =	swait.ge [sflag:s22], $0x1900  }
0x75: {  	[sflag:s22] =	ssyncset.done $0x0  }
0x76: {  	[sflag:s22] =	ssyncadd.s32 $0xFFFFE700  }
0x77: {  	[tilespmem:s23], [sflag:$0x3] =	stream.linear.gather [hbm4b:s12+s14], $0x1900, $0x38;
	[tilespmem:$0x1D880] =	vst v63  }
0x78: {  	_ =	swait.ge [sflag:s22], $0x1900  }
0x79: {  	[sflag:s22] =	ssyncset.done $0x0  }
0x7a: {  	[sflag:s22] =	ssyncadd.s32 $0xFFFFE700  }
0x7b: {  	[tilespmem:s25], [sflag:$0x1] =	stream.indirect.gather [hbm4b:s4+s24], $0x80, s14, s24, $0xb8;
	[tilespmem:$0x1D880] =	vst v63  }
0x7c: {  	s11 =	simm.s32 $0x80  }
0x7d: {  	[tilespmem:s26], [sflag:$0x2] =	stream.indirect.gather [hbm4b:s4+s24], $0x80, s11, s24, $0xb8;
	[tilespmem:$0x1D880] =	vst v63  }
0x7e: {  	_ =	swait.ge [sflag:s28], $0x3200  }
0x7f: {  	[sflag:s28] =	ssyncset.done $0x0  }
0x80: {  	s13 =	simm.s32 $0x1C00;
	[sflag:s28] =	ssyncadd.s32 $0xFFFFCE00  }
0x81: {  	[spmem:s2] =	stream.indirect.scatter.add.f32 [tilespmem:s25], [sflag:$0x3], $0x80, s13, s24, $0xb8;
	[tilespmem:$0x1D880] =	vst v63  }
0x82: {  	_ =	swait.ge [sflag:s22], $0x3200  }
0x83: {  	[sflag:s22] =	ssyncset.done $0x0  }
0x84: {  	s14 =	simm.s32 $0x100;
	[sflag:s22] =	ssyncadd.s32 $0xFFFFCE00  }
0x85: {  	[tilespmem:s25], [sflag:$0x1] =	stream.indirect.gather [hbm4b:s4+s24], $0x80, s14, s24, $0xb8;
	[tilespmem:$0x1D880] =	vst v63  }
0x86: {  	_ =	swait.ge [sflag:s29], $0x3200  }
0x87: {  	[sflag:s29] =	ssyncset.done $0x0  }
0x88: {  	s15 =	simm.s32 $0x1C80;
	[sflag:s29] =	ssyncadd.s32 $0xFFFFCE00  }
0x89: {  	[spmem:s2] =	stream.indirect.scatter.add.f32 [tilespmem:s26], [sflag:$0x3], $0x80, s15, s24, $0xb8;
	[tilespmem:$0x1D880] =	vst v63  }
0x8a: {  	_ =	swait.ge [sflag:s22], $0x3200  }
0x8b: {  	s8 =	simm.s32 $0x100;
	s11 =	simm.s32 $0x800;
	[sflag:s22] =	ssyncset.done $0x0  }
.LBB2_4:
0x8c: {  	s13 =	sadd.s32 $0x80, s8  }
0x8d: {  	[sflag:s22] =	ssyncadd.s32 $0xFFFFCE00;
	s14 =	smov.u32 s11;
	s15 =	sadd.s32 $0x400, s11  }
0x8e: {  	[tilespmem:s26], [sflag:$0x2] =	stream.indirect.gather [hbm4b:s4+s24], $0x80, s13, s24, $0xb8;
	[tilespmem:$0x1D880] =	vst v63  }
0x8f: {  	p1 =	sne.s32 s11, $0x5C00;
	_ =	swait.ge [sflag:s28], $0x3200  }
0x90: {  	[sflag:s28] =	ssyncset.done $0x0  }
0x91: {  	s11 =	sadd.s32 $0x1C00, s8;
	[sflag:s28] =	ssyncadd.s32 $0xFFFFCE00  }
0x92: {  	[spmem:s2] =	stream.indirect.scatter.add.f32 [tilespmem:s25], [sflag:$0x3], $0x80, s11, s24, $0xb8;
	[tilespmem:$0x1D880] =	vst v63  }
0x93: {  	_ =	swait.ge [sflag:s22], $0x3200  }
0x94: {  	[sflag:s22] =	ssyncset.done $0x0  }
0x95: {  	s11 =	sadd.s32 $0x100, s8;
	[sflag:s22] =	ssyncadd.s32 $0xFFFFCE00  }
0x96: {  	[tilespmem:s25], [sflag:$0x1] =	stream.indirect.gather [hbm4b:s4+s24], $0x80, s11, s24, $0xb8;
	[tilespmem:$0x1D880] =	vst v63  }
0x97: {  	_ =	swait.ge [sflag:s29], $0x3200  }
.Ltmp1:
0x98: {  	[sflag:s29] =	ssyncset.done $0x0;
	(pc) =	sbr.rel @p1 .LBB2_4-.Ltmp1, $4  }
0x99: {  	s8 =	sadd.s32 $0x1C80, s8;
	[sflag:s29] =	ssyncadd.s32 $0xFFFFCE00  }
0x9a: {  	[spmem:s2] =	stream.indirect.scatter.add.f32 [tilespmem:s26], [sflag:$0x3], $0x80, s8, s24, $0xb8;
	[tilespmem:$0x1D880] =	vst v63  }
0x9b: {  	_ =	swait.ge [sflag:s22], $0x3200  }
0x9c: {  	s11 =	smov.u32 s15;
	s8 =	sshra.s32 s14, $0x2;
	[sflag:s22] =	ssyncset.done $0x0  }
0x9d: {  	s11 =	sadd.s32 $0x80, s8;
	[sflag:s22] =	ssyncadd.s32 $0xFFFFCE00  }
0x9e: {  	[tilespmem:s26], [sflag:$0x2] =	stream.indirect.gather [hbm4b:s4+s24], $0x80, s11, s24, $0xb8;
	[tilespmem:$0x1D880] =	vst v63  }
0x9f: {  	_ =	swait.ge [sflag:s28], $0x3200  }
0xa0: {  	[sflag:s28] =	ssyncset.done $0x0  }
0xa1: {  	s15 =	sadd.s32 $0x1C00, s8;
	[sflag:s28] =	ssyncadd.s32 $0xFFFFCE00  }
0xa2: {  	[spmem:s2] =	stream.indirect.scatter.add.f32 [tilespmem:s25], [sflag:$0x3], $0x80, s15, s24, $0xb8;
	[tilespmem:$0x1D880] =	vst v63  }
0xa3: {  	_ =	swait.ge [sflag:s22], $0x3200  }
0xa4: {  	[sflag:s22] =	ssyncset.done $0x0  }
0xa5: {  	s13 =	sadd.s32 $0x100, s8;
	[sflag:s22] =	ssyncadd.s32 $0xFFFFCE00  }
0xa6: {  	[tilespmem:s25], [sflag:$0x1] =	stream.indirect.gather [hbm4b:s4+s24], $0x80, s13, s24, $0xb8;
	[tilespmem:$0x1D880] =	vst v63  }
0xa7: {  	_ =	swait.ge [sflag:s29], $0x3200  }
0xa8: {  	[sflag:s29] =	ssyncset.done $0x0  }
0xa9: {  	s14 =	sadd.s32 $0x1C80, s8;
	[sflag:s29] =	ssyncadd.s32 $0xFFFFCE00  }
0xaa: {  	[spmem:s2] =	stream.indirect.scatter.add.f32 [tilespmem:s26], [sflag:$0x3], $0x80, s14, s24, $0xb8;
	[tilespmem:$0x1D880] =	vst v63  }
0xab: {  	_ =	swait.ge [sflag:s22], $0x3200  }
0xac: {  	[sflag:s22] =	ssyncset.done $0x0  }
0xad: {  	[sflag:s22] =	ssyncadd.s32 $0xFFFFCE00  }
0xae: {  	[tilespmem:s26], [sflag:$0x2] =	stream.indirect.gather [hbm4b:s4+s24], $0x80, s30, s24, $0xb8;
	[tilespmem:$0x1D880] =	vst v63  }
0xaf: {  	_ =	swait.ge [sflag:s28], $0x3200  }
0xb0: {  	[sflag:s28] =	ssyncset.done $0x0  }
0xb1: {  	[sflag:s28] =	ssyncadd.s32 $0xFFFFCE00  }
0xb2: {  	[spmem:s2] =	stream.indirect.scatter.add.f32 [tilespmem:s25], [sflag:$0x3], $0x80, s31, s24, $0xb8;
	[tilespmem:$0x1D880] =	vst v63  }
0xb3: {  	_ =	swait.ge [sflag:s22], $0x3200  }
0xb4: {  	[sflag:s22] =	ssyncset.done $0x0  }
0xb5: {  	[sflag:s22] =	ssyncadd.s32 $0xFFFFCE00  }
0xb6: {  	_ =	swait.ge [sflag:s29], $0x3200  }
0xb7: {  	[sflag:s29] =	ssyncset.done $0x0  }
0xb8: {  	[sflag:s29] =	ssyncadd.s32 $0xFFFFCE00  }
0xb9: {  	[spmem:s2] =	stream.indirect.scatter.add.f32 [tilespmem:s26], [sflag:$0x3], $0x80, s0, s24, $0xb8;
	[tilespmem:$0x1D880] =	vst v63  }
0xba: {  	_ =	swait.ge [sflag:s22], $0x3200  }
0xbb: {  	[sflag:s22] =	ssyncset.done $0x0  }
0xbc: {  	[sflag:s22] =	ssyncadd.s32 $0xFFFFCE00  }
0xbd: {  	[bflag:$0x0] =	sbarrier.arrive $0xFFFF  }
0xbe: {  	s8 =	simm.s32 @p0 $0x1FC3;
	s11 =	rddreg [dreg:$0xa]  }
0xbf: {  	[hbm:s11], [sflag:s8] =	dma.local @p0 [spmem:s5], $0x2080  }
0xc0: {  	s11 =	simm.s32 @p0 $0x3  }
0xc1: {  	_ =	swait.ge @p0 [sflag:s11], $0x2080  }
0xc2: {  	[sflag:s11] =	ssyncset.done @p0 $0x0  }
0xc3: {  	[sflag:s11] =	ssyncadd.s32 @p0 $0xFFFFDF80  }
0xc4: {  	[bflag:$0x0] =	sbarrier.arrive @p0 $0xFFFF  }
0xc5: {  	[spmem:s5], [sflag:s8] =	dma.local @p0 [hbm:s16], $0x2080  }
0xc6: {  	_ =	swait.ge @p0 [sflag:s11], $0x2080  }
0xc7: {  	[sflag:s11] =	ssyncset.done @p0 $0x0  }
0xc8: {  	s8 =	rddreg [dreg:$0x8];
	[sflag:s11] =	ssyncadd.s32 @p0 $0xFFFFDF80  }
0xc9: {  	[hbm:s8], [sflag:s6] =	dma.local @!p0 [spmem:s7], $0x2780  }
0xca: {  	s8 =	simm.s32 @!p0 $0x3  }
0xcb: {  	_ =	swait.ge @!p0 [sflag:s8], $0x2780  }
0xcc: {  	[sflag:s8] =	ssyncset.done @!p0 $0x0  }
0xcd: {  	[sflag:s8] =	ssyncadd.s32 @!p0 $0xFFFFD880  }
0xce: {  	[bflag:$0x0] =	sbarrier.arrive @!p0 $0xFFFF  }
0xcf: {  	s11 =	rddreg [dreg:$0x9]  }
0xd0: {  	[spmem:s7], [sflag:s6] =	dma.local @!p0 [hbm:s11], $0x2780  }
0xd1: {  	_ =	swait.ge @!p0 [sflag:s8], $0x2780  }
0xd2: {  	[sflag:s8] =	ssyncset.done @!p0 $0x0  }
0xd3: {  	[sflag:s8] =	ssyncadd.s32 @!p0 $0xFFFFD880  }
0xd4: {  	s15 =	simm.s32 $0x0;
	[bflag:$0x0] =	sbarrier.arrive $0xFFFF  }
0xd5: {  	[tilespmem:s15], [sflag:$0x3] =	stream.linear.gather [hbm4b:s18+s15], $0x1900, $0x38;
	[tilespmem:$0x1D880] =	vst v63  }
0xd6: {  	_ =	swait.ge [sflag:s22], $0x1900  }
0xd7: {  	[sflag:s22] =	ssyncset.done $0x0  }
0xd8: {  	[sflag:s22] =	ssyncadd.s32 $0xFFFFE700  }
0xd9: {  	[tilespmem:s23], [sflag:$0x3] =	stream.linear.gather [hbm4b:s10+s15], $0x1900, $0x38;
	[tilespmem:$0x1D880] =	vst v63  }
0xda: {  	_ =	swait.ge [sflag:s22], $0x1900  }
0xdb: {  	[sflag:s22] =	ssyncset.done $0x0  }
0xdc: {  	[sflag:s22] =	ssyncadd.s32 $0xFFFFE700  }
0xdd: {  	[tilespmem:s25], [sflag:$0x1] =	stream.indirect.gather [hbm4b:s4+s24], $0x80, s15, s24, $0xb8;
	[tilespmem:$0x1D880] =	vst v63  }
0xde: {  	s11 =	simm.s32 $0x80  }
0xdf: {  	[tilespmem:s26], [sflag:$0x2] =	stream.indirect.gather [hbm4b:s4+s24], $0x80, s11, s24, $0xb8;
	[tilespmem:$0x1D880] =	vst v63  }
0xe0: {  	_ =	swait.ge [sflag:s28], $0x3200  }
0xe1: {  	[sflag:s28] =	ssyncset.done $0x0  }
0xe2: {  	s13 =	simm.s32 $0x1C00;
	[sflag:s28] =	ssyncadd.s32 $0xFFFFCE00  }
0xe3: {  	[spmem:s2] =	stream.indirect.scatter.add.f32 [tilespmem:s25], [sflag:$0x3], $0x80, s13, s24, $0xb8;
	[tilespmem:$0x1D880] =	vst v63  }
0xe4: {  	_ =	swait.ge [sflag:s22], $0x3200  }
0xe5: {  	[sflag:s22] =	ssyncset.done $0x0  }
0xe6: {  	s14 =	simm.s32 $0x100;
	[sflag:s22] =	ssyncadd.s32 $0xFFFFCE00  }
0xe7: {  	[tilespmem:s25], [sflag:$0x1] =	stream.indirect.gather [hbm4b:s4+s24], $0x80, s14, s24, $0xb8;
	[tilespmem:$0x1D880] =	vst v63  }
0xe8: {  	_ =	swait.ge [sflag:s29], $0x3200  }
0xe9: {  	[sflag:s29] =	ssyncset.done $0x0  }
0xea: {  	s15 =	simm.s32 $0x1C80;
	[sflag:s29] =	ssyncadd.s32 $0xFFFFCE00  }
0xeb: {  	[spmem:s2] =	stream.indirect.scatter.add.f32 [tilespmem:s26], [sflag:$0x3], $0x80, s15, s24, $0xb8;
	[tilespmem:$0x1D880] =	vst v63  }
0xec: {  	_ =	swait.ge [sflag:s22], $0x3200  }
0xed: {  	s8 =	simm.s32 $0x100;
	s11 =	simm.s32 $0x800;
	[sflag:s22] =	ssyncset.done $0x0  }
.LBB2_6:
0xee: {  	s13 =	sadd.s32 $0x80, s8  }
0xef: {  	[sflag:s22] =	ssyncadd.s32 $0xFFFFCE00;
	s14 =	smov.u32 s11;
	s15 =	sadd.s32 $0x400, s11  }
0xf0: {  	[tilespmem:s26], [sflag:$0x2] =	stream.indirect.gather [hbm4b:s4+s24], $0x80, s13, s24, $0xb8;
	[tilespmem:$0x1D880] =	vst v63  }
0xf1: {  	p1 =	sne.s32 s11, $0x5C00;
	_ =	swait.ge [sflag:s28], $0x3200  }
0xf2: {  	[sflag:s28] =	ssyncset.done $0x0  }
0xf3: {  	s11 =	sadd.s32 $0x1C00, s8;
	[sflag:s28] =	ssyncadd.s32 $0xFFFFCE00  }
0xf4: {  	[spmem:s2] =	stream.indirect.scatter.add.f32 [tilespmem:s25], [sflag:$0x3], $0x80, s11, s24, $0xb8;
	[tilespmem:$0x1D880] =	vst v63  }
0xf5: {  	_ =	swait.ge [sflag:s22], $0x3200  }
0xf6: {  	[sflag:s22] =	ssyncset.done $0x0  }
0xf7: {  	s11 =	sadd.s32 $0x100, s8;
	[sflag:s22] =	ssyncadd.s32 $0xFFFFCE00  }
0xf8: {  	[tilespmem:s25], [sflag:$0x1] =	stream.indirect.gather [hbm4b:s4+s24], $0x80, s11, s24, $0xb8;
	[tilespmem:$0x1D880] =	vst v63  }
0xf9: {  	_ =	swait.ge [sflag:s29], $0x3200  }
.Ltmp2:
0xfa: {  	[sflag:s29] =	ssyncset.done $0x0;
	(pc) =	sbr.rel @p1 .LBB2_6-.Ltmp2, $4  }
0xfb: {  	s8 =	sadd.s32 $0x1C80, s8;
	[sflag:s29] =	ssyncadd.s32 $0xFFFFCE00  }
0xfc: {  	[spmem:s2] =	stream.indirect.scatter.add.f32 [tilespmem:s26], [sflag:$0x3], $0x80, s8, s24, $0xb8;
	[tilespmem:$0x1D880] =	vst v63  }
0xfd: {  	_ =	swait.ge [sflag:s22], $0x3200  }
0xfe: {  	s11 =	smov.u32 s15;
	s8 =	sshra.s32 s14, $0x2;
	[sflag:s22] =	ssyncset.done $0x0  }
0xff: {  	s11 =	sadd.s32 $0x80, s8;
	[sflag:s22] =	ssyncadd.s32 $0xFFFFCE00  }
0x100: {  	[tilespmem:s26], [sflag:$0x2] =	stream.indirect.gather [hbm4b:s4+s24], $0x80, s11, s24, $0xb8;
	[tilespmem:$0x1D880] =	vst v63  }
0x101: {  	_ =	swait.ge [sflag:s28], $0x3200  }
0x102: {  	[sflag:s28] =	ssyncset.done $0x0  }
0x103: {  	s15 =	sadd.s32 $0x1C00, s8;
	[sflag:s28] =	ssyncadd.s32 $0xFFFFCE00  }
0x104: {  	[spmem:s2] =	stream.indirect.scatter.add.f32 [tilespmem:s25], [sflag:$0x3], $0x80, s15, s24, $0xb8;
	[tilespmem:$0x1D880] =	vst v63  }
0x105: {  	_ =	swait.ge [sflag:s22], $0x3200  }
0x106: {  	[sflag:s22] =	ssyncset.done $0x0  }
0x107: {  	s13 =	sadd.s32 $0x100, s8;
	[sflag:s22] =	ssyncadd.s32 $0xFFFFCE00  }
0x108: {  	[tilespmem:s25], [sflag:$0x1] =	stream.indirect.gather [hbm4b:s4+s24], $0x80, s13, s24, $0xb8;
	[tilespmem:$0x1D880] =	vst v63  }
0x109: {  	_ =	swait.ge [sflag:s29], $0x3200  }
0x10a: {  	[sflag:s29] =	ssyncset.done $0x0  }
0x10b: {  	s14 =	sadd.s32 $0x1C80, s8;
	[sflag:s29] =	ssyncadd.s32 $0xFFFFCE00  }
0x10c: {  	[spmem:s2] =	stream.indirect.scatter.add.f32 [tilespmem:s26], [sflag:$0x3], $0x80, s14, s24, $0xb8;
	[tilespmem:$0x1D880] =	vst v63  }
0x10d: {  	_ =	swait.ge [sflag:s22], $0x3200  }
0x10e: {  	[sflag:s22] =	ssyncset.done $0x0  }
0x10f: {  	[sflag:s22] =	ssyncadd.s32 $0xFFFFCE00  }
0x110: {  	[tilespmem:s26], [sflag:$0x2] =	stream.indirect.gather [hbm4b:s4+s24], $0x80, s30, s24, $0xb8;
	[tilespmem:$0x1D880] =	vst v63  }
0x111: {  	_ =	swait.ge [sflag:s28], $0x3200  }
0x112: {  	[sflag:s28] =	ssyncset.done $0x0  }
0x113: {  	[sflag:s28] =	ssyncadd.s32 $0xFFFFCE00  }
0x114: {  	[spmem:s2] =	stream.indirect.scatter.add.f32 [tilespmem:s25], [sflag:$0x3], $0x80, s31, s24, $0xb8;
	[tilespmem:$0x1D880] =	vst v63  }
0x115: {  	_ =	swait.ge [sflag:s22], $0x3200  }
0x116: {  	[sflag:s22] =	ssyncset.done $0x0  }
0x117: {  	[sflag:s22] =	ssyncadd.s32 $0xFFFFCE00  }
0x118: {  	_ =	swait.ge [sflag:s29], $0x3200  }
0x119: {  	[sflag:s29] =	ssyncset.done $0x0  }
0x11a: {  	[sflag:s29] =	ssyncadd.s32 $0xFFFFCE00  }
0x11b: {  	[spmem:s2] =	stream.indirect.scatter.add.f32 [tilespmem:s26], [sflag:$0x3], $0x80, s0, s24, $0xb8;
	[tilespmem:$0x1D880] =	vst v63  }
0x11c: {  	_ =	swait.ge [sflag:s22], $0x3200  }
0x11d: {  	[sflag:s22] =	ssyncset.done $0x0  }
0x11e: {  	s15 =	simm.s32 $0x0;
	[sflag:s22] =	ssyncadd.s32 $0xFFFFCE00  }
0x11f: {  	[tilespmem:s15], [sflag:$0x3] =	stream.linear.gather [hbm4b:s19+s15], $0x1900, $0x38;
	[tilespmem:$0x1D880] =	vst v63  }
0x120: {  	_ =	swait.ge [sflag:s22], $0x1900  }
0x121: {  	[sflag:s22] =	ssyncset.done $0x0  }
0x122: {  	[sflag:s22] =	ssyncadd.s32 $0xFFFFE700  }
0x123: {  	[tilespmem:s23], [sflag:$0x3] =	stream.linear.gather [hbm4b:s12+s15], $0x1900, $0x38;
	[tilespmem:$0x1D880] =	vst v63  }
0x124: {  	_ =	swait.ge [sflag:s22], $0x1900  }
0x125: {  	[sflag:s22] =	ssyncset.done $0x0  }
0x126: {  	[sflag:s22] =	ssyncadd.s32 $0xFFFFE700  }
0x127: {  	[tilespmem:s25], [sflag:$0x1] =	stream.indirect.gather [hbm4b:s4+s24], $0x80, s15, s24, $0xb8;
	[tilespmem:$0x1D880] =	vst v63  }
0x128: {  	s11 =	simm.s32 $0x80  }
0x129: {  	[tilespmem:s26], [sflag:$0x2] =	stream.indirect.gather [hbm4b:s4+s24], $0x80, s11, s24, $0xb8;
	[tilespmem:$0x1D880] =	vst v63  }
0x12a: {  	_ =	swait.ge [sflag:s28], $0x3200  }
0x12b: {  	[sflag:s28] =	ssyncset.done $0x0  }
0x12c: {  	s13 =	simm.s32 $0x1C00;
	[sflag:s28] =	ssyncadd.s32 $0xFFFFCE00  }
0x12d: {  	[spmem:s2] =	stream.indirect.scatter.add.f32 [tilespmem:s25], [sflag:$0x3], $0x80, s13, s24, $0xb8;
	[tilespmem:$0x1D880] =	vst v63  }
0x12e: {  	_ =	swait.ge [sflag:s22], $0x3200  }
0x12f: {  	[sflag:s22] =	ssyncset.done $0x0  }
0x130: {  	s14 =	simm.s32 $0x100;
	[sflag:s22] =	ssyncadd.s32 $0xFFFFCE00  }
0x131: {  	[tilespmem:s25], [sflag:$0x1] =	stream.indirect.gather [hbm4b:s4+s24], $0x80, s14, s24, $0xb8;
	[tilespmem:$0x1D880] =	vst v63  }
0x132: {  	_ =	swait.ge [sflag:s29], $0x3200  }
0x133: {  	[sflag:s29] =	ssyncset.done $0x0  }
0x134: {  	s15 =	simm.s32 $0x1C80;
	[sflag:s29] =	ssyncadd.s32 $0xFFFFCE00  }
0x135: {  	[spmem:s2] =	stream.indirect.scatter.add.f32 [tilespmem:s26], [sflag:$0x3], $0x80, s15, s24, $0xb8;
	[tilespmem:$0x1D880] =	vst v63  }
0x136: {  	_ =	swait.ge [sflag:s22], $0x3200  }
0x137: {  	s8 =	simm.s32 $0x100;
	s11 =	simm.s32 $0x800;
	[sflag:s22] =	ssyncset.done $0x0  }
.LBB2_8:
0x138: {  	s13 =	sadd.s32 $0x80, s8  }
0x139: {  	[sflag:s22] =	ssyncadd.s32 $0xFFFFCE00;
	s14 =	smov.u32 s11;
	s15 =	sadd.s32 $0x400, s11  }
0x13a: {  	[tilespmem:s26], [sflag:$0x2] =	stream.indirect.gather [hbm4b:s4+s24], $0x80, s13, s24, $0xb8;
	[tilespmem:$0x1D880] =	vst v63  }
0x13b: {  	p1 =	sne.s32 s11, $0x5C00;
	_ =	swait.ge [sflag:s28], $0x3200  }
0x13c: {  	[sflag:s28] =	ssyncset.done $0x0  }
0x13d: {  	s11 =	sadd.s32 $0x1C00, s8;
	[sflag:s28] =	ssyncadd.s32 $0xFFFFCE00  }
0x13e: {  	[spmem:s2] =	stream.indirect.scatter.add.f32 [tilespmem:s25], [sflag:$0x3], $0x80, s11, s24, $0xb8;
	[tilespmem:$0x1D880] =	vst v63  }
0x13f: {  	_ =	swait.ge [sflag:s22], $0x3200  }
0x140: {  	[sflag:s22] =	ssyncset.done $0x0  }
0x141: {  	s11 =	sadd.s32 $0x100, s8;
	[sflag:s22] =	ssyncadd.s32 $0xFFFFCE00  }
0x142: {  	[tilespmem:s25], [sflag:$0x1] =	stream.indirect.gather [hbm4b:s4+s24], $0x80, s11, s24, $0xb8;
	[tilespmem:$0x1D880] =	vst v63  }
0x143: {  	_ =	swait.ge [sflag:s29], $0x3200  }
.Ltmp3:
0x144: {  	[sflag:s29] =	ssyncset.done $0x0;
	(pc) =	sbr.rel @p1 .LBB2_8-.Ltmp3, $4  }
0x145: {  	s8 =	sadd.s32 $0x1C80, s8;
	[sflag:s29] =	ssyncadd.s32 $0xFFFFCE00  }
0x146: {  	[spmem:s2] =	stream.indirect.scatter.add.f32 [tilespmem:s26], [sflag:$0x3], $0x80, s8, s24, $0xb8;
	[tilespmem:$0x1D880] =	vst v63  }
0x147: {  	_ =	swait.ge [sflag:s22], $0x3200  }
0x148: {  	s11 =	smov.u32 s15;
	s8 =	sshra.s32 s14, $0x2;
	[sflag:s22] =	ssyncset.done $0x0  }
0x149: {  	s11 =	sadd.s32 $0x80, s8;
	[sflag:s22] =	ssyncadd.s32 $0xFFFFCE00  }
0x14a: {  	[tilespmem:s26], [sflag:$0x2] =	stream.indirect.gather [hbm4b:s4+s24], $0x80, s11, s24, $0xb8;
	[tilespmem:$0x1D880] =	vst v63  }
0x14b: {  	_ =	swait.ge [sflag:s28], $0x3200  }
0x14c: {  	[sflag:s28] =	ssyncset.done $0x0  }
0x14d: {  	s13 =	sadd.s32 $0x1C00, s8;
	[sflag:s28] =	ssyncadd.s32 $0xFFFFCE00  }
0x14e: {  	[spmem:s2] =	stream.indirect.scatter.add.f32 [tilespmem:s25], [sflag:$0x3], $0x80, s13, s24, $0xb8;
	[tilespmem:$0x1D880] =	vst v63  }
0x14f: {  	_ =	swait.ge [sflag:s22], $0x3200  }
0x150: {  	[sflag:s22] =	ssyncset.done $0x0  }
0x151: {  	s14 =	sadd.s32 $0x100, s8;
	[sflag:s22] =	ssyncadd.s32 $0xFFFFCE00  }
0x152: {  	[tilespmem:s25], [sflag:$0x1] =	stream.indirect.gather [hbm4b:s4+s24], $0x80, s14, s24, $0xb8;
	[tilespmem:$0x1D880] =	vst v63  }
0x153: {  	_ =	swait.ge [sflag:s29], $0x3200  }
0x154: {  	[sflag:s29] =	ssyncset.done $0x0  }
0x155: {  	s15 =	sadd.s32 $0x1C80, s8;
	[sflag:s29] =	ssyncadd.s32 $0xFFFFCE00  }
0x156: {  	[spmem:s2] =	stream.indirect.scatter.add.f32 [tilespmem:s26], [sflag:$0x3], $0x80, s15, s24, $0xb8;
	[tilespmem:$0x1D880] =	vst v63  }
0x157: {  	_ =	swait.ge [sflag:s22], $0x3200  }
0x158: {  	[sflag:s22] =	ssyncset.done $0x0  }
0x159: {  	[sflag:s22] =	ssyncadd.s32 $0xFFFFCE00  }
0x15a: {  	[tilespmem:s26], [sflag:$0x2] =	stream.indirect.gather [hbm4b:s4+s24], $0x80, s30, s24, $0xb8;
	[tilespmem:$0x1D880] =	vst v63  }
0x15b: {  	_ =	swait.ge [sflag:s28], $0x3200  }
0x15c: {  	[sflag:s28] =	ssyncset.done $0x0  }
0x15d: {  	[sflag:s28] =	ssyncadd.s32 $0xFFFFCE00  }
0x15e: {  	[spmem:s2] =	stream.indirect.scatter.add.f32 [tilespmem:s25], [sflag:$0x3], $0x80, s31, s24, $0xb8;
	[tilespmem:$0x1D880] =	vst v63  }
0x15f: {  	_ =	swait.ge [sflag:s22], $0x3200  }
0x160: {  	[sflag:s22] =	ssyncset.done $0x0  }
0x161: {  	[sflag:s22] =	ssyncadd.s32 $0xFFFFCE00  }
0x162: {  	_ =	swait.ge [sflag:s29], $0x3200  }
0x163: {  	[sflag:s29] =	ssyncset.done $0x0  }
0x164: {  	[sflag:s29] =	ssyncadd.s32 $0xFFFFCE00  }
0x165: {  	[spmem:s2] =	stream.indirect.scatter.add.f32 [tilespmem:s26], [sflag:$0x3], $0x80, s0, s24, $0xb8;
	[tilespmem:$0x1D880] =	vst v63  }
0x166: {  	_ =	swait.ge [sflag:s22], $0x3200  }
0x167: {  	[sflag:s22] =	ssyncset.done $0x0  }
0x168: {  	[sflag:s22] =	ssyncadd.s32 $0xFFFFCE00  }
0x169: {  	s8 =	simm.s32 @p0 $0x1FC3;
	[bflag:$0x0] =	sbarrier.arrive $0xFFFF  }
0x16a: {  	[hbm:s21], [sflag:s8] =	dma.local @p0 [spmem:s5], $0x2080  }
0x16b: {  	s5 =	simm.s32 @p0 $0x3  }
0x16c: {  	_ =	swait.ge @p0 [sflag:s5], $0x2080  }
0x16d: {  	s1 =	sadd.s32 $0x1, s1;
	[sflag:s5] =	ssyncset.done @p0 $0x0  }
0x16e: {  	p1 =	sne.s32 s1, s17;
	[sflag:s5] =	ssyncadd.s32 @p0 $0xFFFFDF80;
	s5 =	simm.s32 @!p0 $0x3  }
0x16f: {  	[hbm:s20], [sflag:s6] =	dma.local @!p0 [spmem:s7], $0x2780  }
.Ltmp4:
0x170: {  	_ =	swait.ge @!p0 [sflag:s5], $0x2780;
	(pc) =	sbr.rel @p1 .LBB2_1-.Ltmp4, $3  }
0x171: {  	[sflag:s5] =	ssyncset.done @!p0 $0x0  }
0x172: {  	[sflag:s5] =	ssyncadd.s32 @!p0 $0xFFFFD880  }
0x173: {  	[bflag:$0x0] =	sbarrier.arrive $0xFFFF;
	_ =	sdelay $0x1  }
0x174: {  	_ =	sfence.sel $0x180000  }
0x175: {  	[bflag:$0x0] =	sbarrier.arrive $0xFFFF  }
0x176: {  	_ =	strace $0x9000004D  }
0x177: {  	s0 =	stileid.u32;
	[bflag:$0x2] =	sbarrier.arrive $0xFFFF  }
0x178: {  	p0 =	sne.s32 s0, $0x0;
	s0 =	rddreg [dreg:$0x2]  }
0x179: {  	s0 =	sadd.s32 @!p0 $0x100000, s0  }
0x17a: {  	[sflag:s0] =	ssyncadd.tile.s32 @!p0 $0x1;
	_ =	shalt  }
.Lfunc_end2:
_tile_overlayer_lowered:
.L_overlay_start_2:
0x17b: {  	(tag) =	ssettag $0x2  }
0x17c: {  	s0 =	rddreg [dreg:$0x0];
	s2 =	stileid.u32  }
0x17d: {  	s1 =	rddreg [dreg:$0x1];
	p0 =	sne.s32 s2, $0x0  }
0x17e: {  	s3 =	rddreg [dreg:$0x2];
	[bflag:$0x3] =	sbarrier.arrive $0xFFFF;
	s2 =	simm.s32 @!p0 $0x1C03  }
0x17f: {  	[timem:s3], [sflag:s2] =	dma.local @!p0 [hbm:s0], s1  }
0x180: {  	s0 =	simm.s32 @!p0 $0x3  }
0x181: {  	_ =	swait.ge @!p0 [sflag:s0], s1  }
0x182: {  	s1 =	ssub.s32 @!p0 $0x0, s1;
	[sflag:s0] =	ssyncset.done @!p0 $0x0  }
0x183: {  	[sflag:s0] =	ssyncadd.s32 @!p0 s1  }
0x184: {  	[bflag:$0x3] =	sbarrier.arrive $0xFFFF  }
0x185: {  	_ =	shalt  }

// kernel: kernel.24.cloned.1.call-start
scs
__scs_entry_jumppad:
0x0: {  	(pc) =	sbr.rel $0x88, $3  }
0x1: {  	(tag) =	ssettag $0x0;
	lr =	simm.s32 $0x1  }
0x2: {  	[smem:$0x3F89] =	sst lr;
	_ =	strace $0xD0000000  }
0x3: {  	_ = 	snop  }
0x4: {  	_ = 	snop  }
0x5: {  	_ = 	snop  }
0x6: {  	_ = 	snop  }
0x7: {  	_ = 	snop  }
__scs_overlays_trampoline_lowered:
0x8: {  	[smem:$0x3F98] =	sst s0  }
0x9: {  	[smem:$0x3F99] =	sst s1  }
0xa: {  	[smem:$0x3F9A] =	sst s2  }
0xb: {  	[smem:$0x3F9B] =	sst s3  }
0xc: {  	[smem:$0x3F9C] =	sst s4  }
0xd: {  	[smem:$0x3F9D] =	sst s5  }
0xe: {  	[smem:$0x3F9E] =	sst s6  }
0xf: {  	[smem:$0x3F9F] =	sst s7  }
0x10: {  	[smem:$0x3FA0] =	sst s8  }
0x11: {  	[smem:$0x3FA1] =	sst s9;
	s0 =	simm.s32 @!p0 $0x0  }
0x12: {  	s1 =	sld [smem:$0x3F87];
	s0 =	simm.s32 @p0 $0x1  }
0x13: {  	[smem:$0x3FA2] =	sst s0;
	s0 =	simm.s32 @!p1 $0x0  }
0x14: {  	s2 =	sld [smem:$0x3F86];
	s0 =	simm.s32 @p1 $0x1  }
0x15: {  	[smem:$0x3FA3] =	sst s0;
	s0 =	simm.s32 @!p2 $0x0  }
0x16: {  	s3 =	sld [smem:$0x3FDB];
	s0 =	simm.s32 @p2 $0x1  }
0x17: {  	s4 =	simm.s32 $0x1BF5;
	[smem:$0x3FA5] =	sst s0  }
0x18: {  	s0 =	sld [smem:$0x3F88];
	_ =	swait.ge [sflag:s4], $0x0  }
0x19: {  	s7 =	sld [smem:$0x3F89]  }
0x1a: {  	s8 =	sadd.s32 $0xFFFFE003, lr  }
0x1b: {  	s9 =	sadd.s32 $0xFFFFFEF7, lr;
	s5 =	simm.s32 $0xFFFFFFFF;
	p2 =	slt.u32 s8, $0xFFFFF086  }
0x1c: {  	p1 =	slt.u32 s9, $0xF7A;
	s5 =	simm.s32 @!p2 $0x0  }
0x1d: {  	s5 =	simm.s32 @p1 $0x1;
	p0 =	seq.s32 s7, s2  }
0x1e: {  	s7 =	smul.u32 @!p0 $0xF7A, s2;
	p2 =	seq.s32 @!p0 s5, $0x0  }
0x1f: {  	s9 =	smul.u32 $0xF7A, s1;
	s8 =	simm.s32 @!p0 $0x1BF5;
	p2 =	por !p2, p0  }
0x20: {  	[sflag:s8] =	ssyncset.s32 @!p0 $0xFFFFF086;
	s6 =	sadd.s32 @!p0 s3, s7;
	s7 =	simm.s32 @!p0 $0x108  }
0x21: {  	s3 =	sadd.s32 s3, s9;
	s6 =	sadd.s32 @!p0 $0x88, s6;
	s7 =	simm.s32 @p2 $0x1082  }
0x22: {  	[simem:s7], [sflag:s8] =	dma.local @!p0 [hbm:s6], $0xF7A  }
0x23: {  	s9 =	sor.u32 $0xD0000000, s2;
	s6 =	simm.s32 $0x108;
	_ =	swait.ge @!p0 [sflag:s8], $0x0  }
0x24: {  	s3 =	sadd.s32 $0x88, s3;
	s6 =	simm.s32 @!p1 $0x1082;
	[sflag:s4] =	ssyncset.s32 $0xFFFFF086  }
0x25: {  	[simem:s6], [sflag:s4] =	dma.local [hbm:s3], $0xF7A  }
0x26: {  	[smem:$0x3F89] =	sst s1;
	(tag) =	ssettag s2;
	_ =	strace s9  }
0x27: {  	s1 =	sld [smem:$0x3F99]  }
0x28: {  	s2 =	sld [smem:$0x3F9A]  }
0x29: {  	s4 =	sld [smem:$0x3F9C]  }
0x2a: {  	p0 =	seq.s32 s5, $0x0;
	s5 =	sld [smem:$0x3F9D]  }
0x2b: {  	s6 =	sld [smem:$0x3F9E]  }
0x2c: {  	s7 =	sld [smem:$0x3F9F]  }
0x2d: {  	s3 =	simm.s32 $0x108;
	s8 =	sld [smem:$0x3FA0]  }
0x2e: {  	s3 =	simm.s32 @!p0 $0x1082;
	s9 =	sld [smem:$0x3FA1]  }
0x2f: {  	lr =	sadd.s32 s0, s3;
	s0 =	sld [smem:$0x3F98]  }
0x30: {  	s3 =	sld [smem:$0x3F9B]  }
0x31: {  	[smem:$0x3FA4] =	sst s10  }
0x32: {  	s10 =	sld [smem:$0x3FA2];
	_ =	sdelay $0x3  }
0x33: {  	p0 =	seq.s32 s10, $0x1;
	s10 =	sld [smem:$0x3FA4];
	_ =	sdelay $0x3  }
0x34: {  	[smem:$0x3FA4] =	sst s10  }
0x35: {  	s10 =	sld [smem:$0x3FA3];
	_ =	sdelay $0x3  }
0x36: {  	p1 =	seq.s32 s10, $0x1;
	s10 =	sld [smem:$0x3FA4];
	_ =	sdelay $0x3  }
0x37: {  	[smem:$0x3FA4] =	sst s10  }
0x38: {  	s10 =	sld [smem:$0x3FA5]  }
0x39: {  	_ = 	snop;
	(pc) =	sbr.ind lr, $3  }
0x3a: {  	_ = 	snop  }
0x3b: {  	_ = 	snop  }
0x3c: {  	p2 =	seq.s32 s10, $0x1;
	s10 =	sld [smem:$0x3FA4]  }
0x3d: {  	_ =	shalt  }
0x3e: {  	_ =	shalt  }
0x3f: {  	_ =	shalt  }
0x40: {  	_ =	shalt  }
0x41: {  	_ =	shalt  }
0x42: {  	_ =	shalt  }
0x43: {  	_ =	shalt  }
0x44: {  	_ =	shalt  }
0x45: {  	_ =	shalt  }
0x46: {  	_ =	shalt  }
0x47: {  	_ =	shalt  }
0x48: {  	_ =	shalt  }
0x49: {  	_ =	shalt  }
0x4a: {  	_ =	shalt  }
0x4b: {  	_ =	shalt  }
0x4c: {  	_ =	shalt  }
0x4d: {  	_ =	shalt  }
0x4e: {  	_ =	shalt  }
0x4f: {  	_ =	shalt  }
0x50: {  	_ =	shalt  }
0x51: {  	_ =	shalt  }
0x52: {  	_ =	shalt  }
0x53: {  	_ =	shalt  }
0x54: {  	_ =	shalt  }
0x55: {  	_ =	shalt  }
0x56: {  	_ =	shalt  }
0x57: {  	_ =	shalt  }
0x58: {  	_ =	shalt  }
0x59: {  	_ =	shalt  }
0x5a: {  	_ =	shalt  }
0x5b: {  	_ =	shalt  }
0x5c: {  	_ =	shalt  }
0x5d: {  	_ =	shalt  }
0x5e: {  	_ =	shalt  }
0x5f: {  	_ =	shalt  }
0x60: {  	_ =	shalt  }
0x61: {  	_ =	shalt  }
0x62: {  	_ =	shalt  }
0x63: {  	_ =	shalt  }
0x64: {  	_ =	shalt  }
0x65: {  	_ =	shalt  }
0x66: {  	_ =	shalt  }
0x67: {  	_ =	shalt  }
0x68: {  	_ =	shalt  }
0x69: {  	_ =	shalt  }
0x6a: {  	_ =	shalt  }
0x6b: {  	_ =	shalt  }
0x6c: {  	_ =	shalt  }
0x6d: {  	_ =	shalt  }
0x6e: {  	_ =	shalt  }
0x6f: {  	_ =	shalt  }
0x70: {  	_ =	shalt  }
0x71: {  	_ =	shalt  }
0x72: {  	_ =	shalt  }
0x73: {  	_ =	shalt  }
0x74: {  	_ =	shalt  }
0x75: {  	_ =	shalt  }
0x76: {  	_ =	shalt  }
0x77: {  	_ =	shalt  }
0x78: {  	_ =	shalt  }
0x79: {  	_ =	shalt  }
0x7a: {  	_ =	shalt  }
0x7b: {  	_ =	shalt  }
0x7c: {  	_ =	shalt  }
0x7d: {  	_ =	shalt  }
0x7e: {  	_ =	shalt  }
0x7f: {  	_ =	shalt  }
0x80: {  	_ =	shalt  }
0x81: {  	_ =	shalt  }
0x82: {  	_ =	shalt  }
0x83: {  	_ =	shalt  }
0x84: {  	_ =	shalt  }
0x85: {  	_ =	shalt  }
0x86: {  	_ =	shalt  }
0x87: {  	_ =	shalt  }
.Lfunc_end0:
.L_simem_size_0:
called_computation.3_lowered:
.L_overlay_start_0:
0x88: {  	s2 =	sld [smem:$0x3FD9]  }
0x89: {  	s3 =	sld [smem:$0x3FFE];
	_ =	sdelay $0x1  }
0x8a: {  	s1 =	srdreg.scid  }
0x8b: {  	s0 =	sand.u32 $0x1, s1  }
0x8c: {  	s16 =	sshll.u32 s0, $0xA;
	s2 =	sadd.s32 s3, s2  }
0x8d: {  	s2 =	sadd.s32 s2, s16  }
0x8e: {  	[smem:$0x3FB0] =	sst s2  }
0x8f: {  	_ = 	snop  }
0x90: {  	(tm) =	ssettm $0x1  }
0x91: {  	s17 =	sld [smem:$0x3FFB];
	_ =	sdelay $0x3  }
0x92: {  	_ =	strace s17  }
0x93: {  	s2 =	sld [smem:$0x3FFC];
	_ =	sdelay $0x3  }
0x94: {  	_ =	strace s2  }
0x95: {  	s2 =	sld [smem:$0x3FFD];
	_ =	sdelay $0x3  }
0x96: {  	_ =	strace s2  }
0x97: {  	_ =	strace $0x8FFFFFFF  }
0x98: {  	s18 =	sld [smem:$0x3FDB];
	_ =	sdelay $0x1  }
0x99: {  	s19 =	simm.s32 $_scs_section_size  }
0x9a: {  	s4 =	simm.s32 $_size__tile_overlayer_lowered;
	s5 =	simm.s32 $_tile_overlayer_lowered  }
0x9b: {  	s22 =	simm.s32 $0x1BFF;
	s21 =	sshll.u32 s5, $0x1;
	s2 =	sadd.s32 s19, s18  }
0x9c: {  	s6 =	simm.s32 $0x0;
	s20 =	sshll.u32 s4, $0x1;
	s4 =	sadd.s32 s21, s2  }
0x9d: {  	[timem:s6], [sflag:s22] =	dma.local [hbm:s4], s20  }
0x9e: {  	_ =	swait.ge [sflag:s22], s20  }
0x9f: {  	s3 =	ssub.s32 $0x0, s20;
	[sflag:s22] =	ssyncset.done $0x0  }
0xa0: {  	[sflag:s22] =	ssyncadd.s32 s3;
	_ =	sdelay $0x1  }
0xa1: {  	s23 =	simm.s32 $0x1B8B  }
0xa2: {  	_ =	swait.ge [sflag:s23], $0x1  }
0xa3: {  	[sflag:s23] =	ssyncset.done $0x0  }
0xa4: {  	s25 =	simm.s32 $0x1B8E;
	s24 =	sld [smem:$0x3FFE];
	[sflag:s23] =	ssyncadd.s32 $0xFFFFFFFF  }
0xa5: {  	s26 =	simm.s32 $execute0_lowered;
	[smem:$0x3FD2] =	sst s25  }
0xa6: {  	s4 =	sshll.u32 s26, $0x1;
	_ =	strace $0x8000004F;
	[dreg:$0x1] =	wrdreg $0xFFFFFFFF  }
0xa7: {  	s28 =	simm.s32 $_size_execute0_lowered;
	s2 =	sadd.s32 s2, s4;
	[dreg:$0x0] =	wrdreg $0x0  }
0xa8: {  	s4 =	sshll.u32 s28, $0x1;
	[dreg:$0x2] =	wrdreg s2  }
0xa9: {  	[dreg:$0x3] =	wrdreg s4  }
0xaa: {  	[dreg:$0x4] =	wrdreg $0xC0  }
0xab: {  	_ =	task [dreg:s6], $0x5FFFF  }
0xac: {  	[dreg:$0x1] =	wrdreg $0xFFFFFFFF  }
0xad: {  	[dreg:$0x0] =	wrdreg $0x60  }
0xae: {  	[dreg:$0x2] =	wrdreg s24  }
0xaf: {  	[dreg:$0x3] =	wrdreg $0xA0000  }
0xb0: {  	[dreg:$0x4] =	wrdreg $0x9  }
0xb1: {  	_ =	task.clear_ibuf [dreg:s6], $0x5FFFF;
	_ =	strace $0x9000004F  }
0xb2: {  	s29 =	simm.s32 $0x9;
	_ =	strace $0x80000051  }
0xb3: {  	_ =	swait.ge [sflag:s29], $0x1  }
0xb4: {  	[sflag:s29] =	ssyncadd.s32 $0xFFFFFFFF  }
0xb5: {  	_ =	strace $0x90000051  }
0xb6: {  	_ =	sfence  }
0xb7: {  	s30 =	sld [smem:$0x0];
	_ =	sdelay $0x2  }
0xb8: {  	s31 =	sshll.u32 s1, $0xD;
	s1 =	sshrl.u32 s1, $0x2  }
0xb9: {  	s3 =	sand.u32 $0x4000, s31;
	s1 =	sadd.s32 s1, s30  }
0xba: {  	s0 =	sor.u32 s3, s0;
	s1 =	sshll.u32 s1, $0x11  }
0xbb: {  	s0 =	sor.u32 s1, s0  }
0xbc: {  	s0 =	sadd.s32 $0x8F2B, s0  }
0xbd: {  	[sflag:s0] =	ssyncadd.remote.s32 $0x1  }
0xbe: {  	_ =	sfence.sel $0xFFFF  }
0xbf: {  	[dreg:$0x0] =	wrdreg $0xFFFFFFFF;
	(pc) =	sbr.abs _section_cstart, $3  }
0xc0: {  	[dreg:$0x1] =	wrdreg $0xFFFFFFFF  }
0xc1: {  	_ =	task.clear_ibuf [dreg:s6], $0x2FFFF;
	_ =	strace $0x9FFFFFFF  }
0xc2: {  	(tm) =	ssettm $0x7FFFFFFF  }
0xc3: {  	_ =	shalt  }
tec
execute0_lowered:
.L_overlay_start_1:
0x0: {  	(tag) =	ssettag $0x1  }
0x1: {  	s0 =	rddreg [dreg:$0x0]  }
0x2: {  	s2 =	rddreg [dreg:$0x1];
	s3 =	simm.s32 $0x0  }
0x3: {  	s13 =	stileid.u32;
	s6 =	srdreg.scid;
	s28 =	simm.s32 $0x1  }
0x4: {  	s29 =	simm.s32 $0x2;
	s30 =	simm.s32 $0x1880;
	s1 =	smul.u32 $0x3800, s13  }
0x5: {  	s31 =	simm.s32 $0x3400;
	[smem:$0x7FF] =	sst s3;
	s8 =	smul.u32 $0x4F000, s13  }
0x6: {  	s4 =	sadd.s32 $0x13E00, s0;
	s6 =	sand.u32 $0x1, s6;
	s17 =	smul.u32 $0x2780, s13  }
0x7: {  	s5 =	sadd.s32 $0xBEC00, s0;
	s15 =	sadd.s32 $0x128400, s2;
	s10 =	smul.u32 $0x4E200, s6  }
0x8: {  	p0 =	seq.s32 s13, $0xF;
	_ =	strace $0x80000050;
	s25 =	smul.u32 $0x271000, s6  }
0x9: {  	s9 =	ssub.s32 $0x2, s6;
	s14 =	smul.u32 $0x70000, s6;
	[dreg:$0x5] =	wrdreg s15  }
0xa: {  	s6 =	sshllo.u32 s6, $0x1;
	s7 =	sshrl.u32 s1, $0x3;
	s11 =	sshrl.u32 s9, $0x1  }
0xb: {  	s8 =	sshrl.u32 s8, $0x2;
	s20 =	smul.u32 $0x27100, s6;
	s7 =	sadd.s32 s7, s0  }
0xc: {  	s0 =	sadd.s32 $0xDAC00, s0;
	s11 =	ssub.s32 s9, s11;
	s8 =	sadd.s32 s8, s2  }
0xd: {  	s26 =	sadd.s32 s17, s10;
	s16 =	sadd.s32 s1, s14;
	s14 =	smul.u32 $0x138800, s6  }
0xe: {  	s9 =	sshrl.u32 s25, $0x3;
	s6 =	smul.u32 $0x38000, s6;
	[dreg:$0x3] =	wrdreg s8  }
0xf: {  	s12 =	sadd.s32 s4, s26;
	s15 =	sadd.s32 $0x25080, s9;
	s9 =	sshrl.u32 s16, $0x3  }
0x10: {  	s10 =	sadd.s32 $0xCE00, s7;
	s21 =	sadd.s32 s0, s26;
	s22 =	sadd.s32 s17, s20  }
0x11: {  	s26 =	sadd.s32 s0, s17;
	s17 =	smax.u32 s11, $0x1;
	[dreg:$0x4] =	wrdreg s12  }
0x12: {  	s18 =	sadd.s32 s4, s15;
	s9 =	sadd.s32 s5, s9;
	s12 =	sadd.s32 $0xD180, s7  }
0x13: {  	[dreg:$0x8] =	wrdreg s21;
	s23 =	sshrl.u32 s14, $0x3;
	s7 =	sadd.s32 s4, s22  }
0x14: {  	s1 =	sadd.s32 s1, s6;
	s25 =	sadd.s32 s0, s15;
	s20 =	sadd.s32 s26, s20  }
0x15: {  	s22 =	simm.s32 $0x3;
	s26 =	simm.s32 $0x6C00;
	[dreg:$0x6] =	wrdreg s18  }
0x16: {  	s19 =	sadd.s32 $0x380, s9;
	[dreg:$0x9] =	wrdreg s7;
	s24 =	sadd.s32 $0x25080, s23  }
0x17: {  	[dreg:$0xa] =	wrdreg s25;
	s1 =	sshrl.u32 s1, $0x3;
	s23 =	simm.s32 $0x1C00  }
0x18: {  	s25 =	simm.s32 $0x3800;
	[dreg:$0x7] =	wrdreg s19;
	s16 =	sadd.s32 s4, s24  }
0x19: {  	s18 =	sadd.s32 s5, s1;
	s21 =	sadd.s32 s0, s24;
	s24 =	simm.s32 $0x64  }
0x1a: {  	s0 =	simm.s32 $0x3480;
	s1 =	simm.s32 $0x0;
	s19 =	sadd.s32 $0x380, s18  }
.LBB2_1:
0x1b: {  	s5 =	rddreg [dreg:$0x5]  }
0x1c: {  	s6 =	simm.s32 @p0 $0x1FC3;
	s7 =	rddreg [dreg:$0x6];
	s5 =	sshrl.u32 @p0 s5, $0x3  }
0x1d: {  	[spmem:s5], [sflag:s6] =	dma.local @p0 [hbm:s7], $0x2080  }
0x1e: {  	s6 =	simm.s32 @p0 $0x3  }
0x1f: {  	s7 =	stileid.u32;
	_ =	swait.ge @p0 [sflag:s6], $0x2080  }
0x20: {  	s7 =	sshll.u32 @!p0 s7, $0x6;
	[sflag:s6] =	ssyncset.done @p0 $0x0  }
0x21: {  	[sflag:s6] =	ssyncadd.s32 @p0 $0xFFFFDF80;
	s6 =	sor.u32 @!p0 $0x1C03, s7;
	s7 =	rddreg [dreg:$0x3]  }
0x22: {  	s8 =	rddreg [dreg:$0x4];
	s7 =	sshrl.u32 @!p0 s7, $0x3  }
0x23: {  	[spmem:s7], [sflag:s6] =	dma.local @!p0 [hbm:s8], $0x2780  }
0x24: {  	s8 =	simm.s32 @!p0 $0x3  }
0x25: {  	_ =	swait.ge @!p0 [sflag:s8], $0x2780  }
0x26: {  	[sflag:s8] =	ssyncset.done @!p0 $0x0  }
0x27: {  	[sflag:s8] =	ssyncadd.s32 @!p0 $0xFFFFD880  }
0x28: {  	[bflag:$0x0] =	sbarrier.arrive $0xFFFF  }
0x29: {  	[tilespmem:s3], [sflag:$0x3] =	stream.linear.gather [hbm4b:s9+s3], $0x1900, $0x38;
	[tilespmem:$0x1D880] =	vst v63  }
0x2a: {  	_ =	swait.ge [sflag:s22], $0x1900  }
0x2b: {  	[sflag:s22] =	ssyncset.done $0x0  }
0x2c: {  	[sflag:s22] =	ssyncadd.s32 $0xFFFFE700  }
0x2d: {  	[tilespmem:s23], [sflag:$0x3] =	stream.linear.gather [hbm4b:s10+s3], $0x1900, $0x38;
	[tilespmem:$0x1D880] =	vst v63  }
0x2e: {  	_ =	swait.ge [sflag:s22], $0x1900  }
0x2f: {  	[sflag:s22] =	ssyncset.done $0x0  }
0x30: {  	[sflag:s22] =	ssyncadd.s32 $0xFFFFE700  }
0x31: {  	[tilespmem:s25], [sflag:$0x1] =	stream.indirect.gather [hbm4b:s4+s24], $0x80, s3, s24, $0xb8;
	[tilespmem:$0x1D880] =	vst v63  }
0x32: {  	s11 =	simm.s32 $0x80  }
0x33: {  	[tilespmem:s26], [sflag:$0x2] =	stream.indirect.gather [hbm4b:s4+s24], $0x80, s11, s24, $0xb8;
	[tilespmem:$0x1D880] =	vst v63  }
0x34: {  	_ =	swait.ge [sflag:s28], $0x3200  }
0x35: {  	[sflag:s28] =	ssyncset.done $0x0  }
0x36: {  	s13 =	simm.s32 $0x1C00;
	[sflag:s28] =	ssyncadd.s32 $0xFFFFCE00  }
0x37: {  	[spmem:s2] =	stream.indirect.scatter.add.f32 [tilespmem:s25], [sflag:$0x3], $0x80, s13, s24, $0xb8;
	[tilespmem:$0x1D880] =	vst v63  }
0x38: {  	_ =	swait.ge [sflag:s22], $0x3200  }
0x39: {  	[sflag:s22] =	ssyncset.done $0x0  }
0x3a: {  	s14 =	simm.s32 $0x100;
	[sflag:s22] =	ssyncadd.s32 $0xFFFFCE00  }
0x3b: {  	[tilespmem:s25], [sflag:$0x1] =	stream.indirect.gather [hbm4b:s4+s24], $0x80, s14, s24, $0xb8;
	[tilespmem:$0x1D880] =	vst v63  }
0x3c: {  	_ =	swait.ge [sflag:s29], $0x3200  }
0x3d: {  	[sflag:s29] =	ssyncset.done $0x0  }
0x3e: {  	s15 =	simm.s32 $0x1C80;
	[sflag:s29] =	ssyncadd.s32 $0xFFFFCE00  }
0x3f: {  	[spmem:s2] =	stream.indirect.scatter.add.f32 [tilespmem:s26], [sflag:$0x3], $0x80, s15, s24, $0xb8;
	[tilespmem:$0x1D880] =	vst v63  }
0x40: {  	_ =	swait.ge [sflag:s22], $0x3200  }
0x41: {  	s8 =	simm.s32 $0x100;
	s11 =	simm.s32 $0x800;
	[sflag:s22] =	ssyncset.done $0x0  }
.LBB2_2:
0x42: {  	s13 =	sadd.s32 $0x80, s8  }
0x43: {  	[sflag:s22] =	ssyncadd.s32 $0xFFFFCE00;
	s14 =	smov.u32 s11;
	s15 =	sadd.s32 $0x400, s11  }
0x44: {  	[tilespmem:s26], [sflag:$0x2] =	stream.indirect.gather [hbm4b:s4+s24], $0x80, s13, s24, $0xb8;
	[tilespmem:$0x1D880] =	vst v63  }
0x45: {  	p1 =	sne.s32 s11, $0x5C00;
	_ =	swait.ge [sflag:s28], $0x3200  }
0x46: {  	[sflag:s28] =	ssyncset.done $0x0  }
0x47: {  	s11 =	sadd.s32 $0x1C00, s8;
	[sflag:s28] =	ssyncadd.s32 $0xFFFFCE00  }
0x48: {  	[spmem:s2] =	stream.indirect.scatter.add.f32 [tilespmem:s25], [sflag:$0x3], $0x80, s11, s24, $0xb8;
	[tilespmem:$0x1D880] =	vst v63  }
0x49: {  	_ =	swait.ge [sflag:s22], $0x3200  }
0x4a: {  	[sflag:s22] =	ssyncset.done $0x0  }
0x4b: {  	s11 =	sadd.s32 $0x100, s8;
	[sflag:s22] =	ssyncadd.s32 $0xFFFFCE00  }
0x4c: {  	[tilespmem:s25], [sflag:$0x1] =	stream.indirect.gather [hbm4b:s4+s24], $0x80, s11, s24, $0xb8;
	[tilespmem:$0x1D880] =	vst v63  }
0x4d: {  	_ =	swait.ge [sflag:s29], $0x3200  }
.Ltmp0:
0x4e: {  	[sflag:s29] =	ssyncset.done $0x0;
	(pc) =	sbr.rel @p1 .LBB2_2-.Ltmp0, $4  }
0x4f: {  	s8 =	sadd.s32 $0x1C80, s8;
	[sflag:s29] =	ssyncadd.s32 $0xFFFFCE00  }
0x50: {  	[spmem:s2] =	stream.indirect.scatter.add.f32 [tilespmem:s26], [sflag:$0x3], $0x80, s8, s24, $0xb8;
	[tilespmem:$0x1D880] =	vst v63  }
0x51: {  	_ =	swait.ge [sflag:s22], $0x3200  }
0x52: {  	s11 =	smov.u32 s15;
	s8 =	sshra.s32 s14, $0x2;
	[sflag:s22] =	ssyncset.done $0x0  }
0x53: {  	s11 =	sadd.s32 $0x80, s8;
	[sflag:s22] =	ssyncadd.s32 $0xFFFFCE00  }
0x54: {  	[tilespmem:s26], [sflag:$0x2] =	stream.indirect.gather [hbm4b:s4+s24], $0x80, s11, s24, $0xb8;
	[tilespmem:$0x1D880] =	vst v63  }
0x55: {  	_ =	swait.ge [sflag:s28], $0x3200  }
0x56: {  	[sflag:s28] =	ssyncset.done $0x0  }
0x57: {  	s14 =	sadd.s32 $0x1C00, s8;
	[sflag:s28] =	ssyncadd.s32 $0xFFFFCE00  }
0x58: {  	[spmem:s2] =	stream.indirect.scatter.add.f32 [tilespmem:s25], [sflag:$0x3], $0x80, s14, s24, $0xb8;
	[tilespmem:$0x1D880] =	vst v63  }
0x59: {  	_ =	swait.ge [sflag:s22], $0x3200  }
0x5a: {  	[sflag:s22] =	ssyncset.done $0x0  }
0x5b: {  	s15 =	sadd.s32 $0x100, s8;
	[sflag:s22] =	ssyncadd.s32 $0xFFFFCE00  }
0x5c: {  	[tilespmem:s25], [sflag:$0x1] =	stream.indirect.gather [hbm4b:s4+s24], $0x80, s15, s24, $0xb8;
	[tilespmem:$0x1D880] =	vst v63  }
0x5d: {  	_ =	swait.ge [sflag:s29], $0x3200  }
0x5e: {  	[sflag:s29] =	ssyncset.done $0x0  }
0x5f: {  	s13 =	sadd.s32 $0x1C80, s8;
	[sflag:s29] =	ssyncadd.s32 $0xFFFFCE00  }
0x60: {  	[spmem:s2] =	stream.indirect.scatter.add.f32 [tilespmem:s26], [sflag:$0x3], $0x80, s13, s24, $0xb8;
	[tilespmem:$0x1D880] =	vst v63  }
0x61: {  	_ =	swait.ge [sflag:s22], $0x3200  }
0x62: {  	[sflag:s22] =	ssyncset.done $0x0  }
0x63: {  	[sflag:s22] =	ssyncadd.s32 $0xFFFFCE00  }
0x64: {  	[tilespmem:s26], [sflag:$0x2] =	stream.indirect.gather [hbm4b:s4+s24], $0x80, s30, s24, $0xb8;
	[tilespmem:$0x1D880] =	vst v63  }
0x65: {  	_ =	swait.ge [sflag:s28], $0x3200  }
0x66: {  	[sflag:s28] =	ssyncset.done $0x0  }
0x67: {  	[sflag:s28] =	ssyncadd.s32 $0xFFFFCE00  }
0x68: {  	[spmem:s2] =	stream.indirect.scatter.add.f32 [tilespmem:s25], [sflag:$0x3], $0x80, s31, s24, $0xb8;
	[tilespmem:$0x1D880] =	vst v63  }
0x69: {  	_ =	swait.ge [sflag:s22], $0x3200  }
0x6a: {  	[sflag:s22] =	ssyncset.done $0x0  }
0x6b: {  	[sflag:s22] =	ssyncadd.s32 $0xFFFFCE00  }
0x6c: {  	_ =	swait.ge [sflag:s29], $0x3200  }
0x6d: {  	[sflag:s29] =	ssyncset.done $0x0  }
0x6e: {  	[sflag:s29] =	ssyncadd.s32 $0xFFFFCE00  }
0x6f: {  	[spmem:s2] =	stream.indirect.scatter.add.f32 [tilespmem:s26], [sflag:$0x3], $0x80, s0, s24, $0xb8;
	[tilespmem:$0x1D880] =	vst v63  }
0x70: {  	_ =	swait.ge [sflag:s22], $0x3200  }
0x71: {  	[sflag:s22] =	ssyncset.done $0x0  }
0x72: {  	s14 =	simm.s32 $0x0;
	s15 =	rddreg [dreg:$0x7];
	[sflag:s22] =	ssyncadd.s32 $0xFFFFCE00  }
0x73: {  	[tilespmem:s14], [sflag:$0x3] =	stream.linear.gather [hbm4b:s15+s14], $0x1900, $0x38;
	[tilespmem:$0x1D880] =	vst v63  }
0x74: {  	_ =	swait.ge [sflag:s22], $0x1900  }
0x75: {  	[sflag:s22] =	ssyncset.done $0x0  }
0x76: {  	[sflag:s22] =	ssyncadd.s32 $0xFFFFE700  }
0x77: {  	[tilespmem:s23], [sflag:$0x3] =	stream.linear.gather [hbm4b:s12+s14], $0x1900, $0x38;
	[tilespmem:$0x1D880] =	vst v63  }
0x78: {  	_ =	swait.ge [sflag:s22], $0x1900  }
0x79: {  	[sflag:s22] =	ssyncset.done $0x0  }
0x7a: {  	[sflag:s22] =	ssyncadd.s32 $0xFFFFE700  }
0x7b: {  	[tilespmem:s25], [sflag:$0x1] =	stream.indirect.gather [hbm4b:s4+s24], $0x80, s14, s24, $0xb8;
	[tilespmem:$0x1D880] =	vst v63  }
0x7c: {  	s11 =	simm.s32 $0x80  }
0x7d: {  	[tilespmem:s26], [sflag:$0x2] =	stream.indirect.gather [hbm4b:s4+s24], $0x80, s11, s24, $0xb8;
	[tilespmem:$0x1D880] =	vst v63  }
0x7e: {  	_ =	swait.ge [sflag:s28], $0x3200  }
0x7f: {  	[sflag:s28] =	ssyncset.done $0x0  }
0x80: {  	s13 =	simm.s32 $0x1C00;
	[sflag:s28] =	ssyncadd.s32 $0xFFFFCE00  }
0x81: {  	[spmem:s2] =	stream.indirect.scatter.add.f32 [tilespmem:s25], [sflag:$0x3], $0x80, s13, s24, $0xb8;
	[tilespmem:$0x1D880] =	vst v63  }
0x82: {  	_ =	swait.ge [sflag:s22], $0x3200  }
0x83: {  	[sflag:s22] =	ssyncset.done $0x0  }
0x84: {  	s14 =	simm.s32 $0x100;
	[sflag:s22] =	ssyncadd.s32 $0xFFFFCE00  }
0x85: {  	[tilespmem:s25], [sflag:$0x1] =	stream.indirect.gather [hbm4b:s4+s24], $0x80, s14, s24, $0xb8;
	[tilespmem:$0x1D880] =	vst v63  }
0x86: {  	_ =	swait.ge [sflag:s29], $0x3200  }
0x87: {  	[sflag:s29] =	ssyncset.done $0x0  }
0x88: {  	s15 =	simm.s32 $0x1C80;
	[sflag:s29] =	ssyncadd.s32 $0xFFFFCE00  }
0x89: {  	[spmem:s2] =	stream.indirect.scatter.add.f32 [tilespmem:s26], [sflag:$0x3], $0x80, s15, s24, $0xb8;
	[tilespmem:$0x1D880] =	vst v63  }
0x8a: {  	_ =	swait.ge [sflag:s22], $0x3200  }
0x8b: {  	s8 =	simm.s32 $0x100;
	s11 =	simm.s32 $0x800;
	[sflag:s22] =	ssyncset.done $0x0  }
.LBB2_4:
0x8c: {  	s13 =	sadd.s32 $0x80, s8  }
0x8d: {  	[sflag:s22] =	ssyncadd.s32 $0xFFFFCE00;
	s14 =	smov.u32 s11;
	s15 =	sadd.s32 $0x400, s11  }
0x8e: {  	[tilespmem:s26], [sflag:$0x2] =	stream.indirect.gather [hbm4b:s4+s24], $0x80, s13, s24, $0xb8;
	[tilespmem:$0x1D880] =	vst v63  }
0x8f: {  	p1 =	sne.s32 s11, $0x5C00;
	_ =	swait.ge [sflag:s28], $0x3200  }
0x90: {  	[sflag:s28] =	ssyncset.done $0x0  }
0x91: {  	s11 =	sadd.s32 $0x1C00, s8;
	[sflag:s28] =	ssyncadd.s32 $0xFFFFCE00  }
0x92: {  	[spmem:s2] =	stream.indirect.scatter.add.f32 [tilespmem:s25], [sflag:$0x3], $0x80, s11, s24, $0xb8;
	[tilespmem:$0x1D880] =	vst v63  }
0x93: {  	_ =	swait.ge [sflag:s22], $0x3200  }
0x94: {  	[sflag:s22] =	ssyncset.done $0x0  }
0x95: {  	s11 =	sadd.s32 $0x100, s8;
	[sflag:s22] =	ssyncadd.s32 $0xFFFFCE00  }
0x96: {  	[tilespmem:s25], [sflag:$0x1] =	stream.indirect.gather [hbm4b:s4+s24], $0x80, s11, s24, $0xb8;
	[tilespmem:$0x1D880] =	vst v63  }
0x97: {  	_ =	swait.ge [sflag:s29], $0x3200  }
.Ltmp1:
0x98: {  	[sflag:s29] =	ssyncset.done $0x0;
	(pc) =	sbr.rel @p1 .LBB2_4-.Ltmp1, $4  }
0x99: {  	s8 =	sadd.s32 $0x1C80, s8;
	[sflag:s29] =	ssyncadd.s32 $0xFFFFCE00  }
0x9a: {  	[spmem:s2] =	stream.indirect.scatter.add.f32 [tilespmem:s26], [sflag:$0x3], $0x80, s8, s24, $0xb8;
	[tilespmem:$0x1D880] =	vst v63  }
0x9b: {  	_ =	swait.ge [sflag:s22], $0x3200  }
0x9c: {  	s11 =	smov.u32 s15;
	s8 =	sshra.s32 s14, $0x2;
	[sflag:s22] =	ssyncset.done $0x0  }
0x9d: {  	s11 =	sadd.s32 $0x80, s8;
	[sflag:s22] =	ssyncadd.s32 $0xFFFFCE00  }
0x9e: {  	[tilespmem:s26], [sflag:$0x2] =	stream.indirect.gather [hbm4b:s4+s24], $0x80, s11, s24, $0xb8;
	[tilespmem:$0x1D880] =	vst v63  }
0x9f: {  	_ =	swait.ge [sflag:s28], $0x3200  }
0xa0: {  	[sflag:s28] =	ssyncset.done $0x0  }
0xa1: {  	s15 =	sadd.s32 $0x1C00, s8;
	[sflag:s28] =	ssyncadd.s32 $0xFFFFCE00  }
0xa2: {  	[spmem:s2] =	stream.indirect.scatter.add.f32 [tilespmem:s25], [sflag:$0x3], $0x80, s15, s24, $0xb8;
	[tilespmem:$0x1D880] =	vst v63  }
0xa3: {  	_ =	swait.ge [sflag:s22], $0x3200  }
0xa4: {  	[sflag:s22] =	ssyncset.done $0x0  }
0xa5: {  	s13 =	sadd.s32 $0x100, s8;
	[sflag:s22] =	ssyncadd.s32 $0xFFFFCE00  }
0xa6: {  	[tilespmem:s25], [sflag:$0x1] =	stream.indirect.gather [hbm4b:s4+s24], $0x80, s13, s24, $0xb8;
	[tilespmem:$0x1D880] =	vst v63  }
0xa7: {  	_ =	swait.ge [sflag:s29], $0x3200  }
0xa8: {  	[sflag:s29] =	ssyncset.done $0x0  }
0xa9: {  	s14 =	sadd.s32 $0x1C80, s8;
	[sflag:s29] =	ssyncadd.s32 $0xFFFFCE00  }
0xaa: {  	[spmem:s2] =	stream.indirect.scatter.add.f32 [tilespmem:s26], [sflag:$0x3], $0x80, s14, s24, $0xb8;
	[tilespmem:$0x1D880] =	vst v63  }
0xab: {  	_ =	swait.ge [sflag:s22], $0x3200  }
0xac: {  	[sflag:s22] =	ssyncset.done $0x0  }
0xad: {  	[sflag:s22] =	ssyncadd.s32 $0xFFFFCE00  }
0xae: {  	[tilespmem:s26], [sflag:$0x2] =	stream.indirect.gather [hbm4b:s4+s24], $0x80, s30, s24, $0xb8;
	[tilespmem:$0x1D880] =	vst v63  }
0xaf: {  	_ =	swait.ge [sflag:s28], $0x3200  }
0xb0: {  	[sflag:s28] =	ssyncset.done $0x0  }
0xb1: {  	[sflag:s28] =	ssyncadd.s32 $0xFFFFCE00  }
0xb2: {  	[spmem:s2] =	stream.indirect.scatter.add.f32 [tilespmem:s25], [sflag:$0x3], $0x80, s31, s24, $0xb8;
	[tilespmem:$0x1D880] =	vst v63  }
0xb3: {  	_ =	swait.ge [sflag:s22], $0x3200  }
0xb4: {  	[sflag:s22] =	ssyncset.done $0x0  }
0xb5: {  	[sflag:s22] =	ssyncadd.s32 $0xFFFFCE00  }
0xb6: {  	_ =	swait.ge [sflag:s29], $0x3200  }
0xb7: {  	[sflag:s29] =	ssyncset.done $0x0  }
0xb8: {  	[sflag:s29] =	ssyncadd.s32 $0xFFFFCE00  }
0xb9: {  	[spmem:s2] =	stream.indirect.scatter.add.f32 [tilespmem:s26], [sflag:$0x3], $0x80, s0, s24, $0xb8;
	[tilespmem:$0x1D880] =	vst v63  }
0xba: {  	_ =	swait.ge [sflag:s22], $0x3200  }
0xbb: {  	[sflag:s22] =	ssyncset.done $0x0  }
0xbc: {  	[sflag:s22] =	ssyncadd.s32 $0xFFFFCE00  }
0xbd: {  	[bflag:$0x0] =	sbarrier.arrive $0xFFFF  }
0xbe: {  	s8 =	simm.s32 @p0 $0x1FC3;
	s11 =	rddreg [dreg:$0xa]  }
0xbf: {  	[hbm:s11], [sflag:s8] =	dma.local @p0 [spmem:s5], $0x2080  }
0xc0: {  	s11 =	simm.s32 @p0 $0x3  }
0xc1: {  	_ =	swait.ge @p0 [sflag:s11], $0x2080  }
0xc2: {  	[sflag:s11] =	ssyncset.done @p0 $0x0  }
0xc3: {  	[sflag:s11] =	ssyncadd.s32 @p0 $0xFFFFDF80  }
0xc4: {  	[bflag:$0x0] =	sbarrier.arrive @p0 $0xFFFF  }
0xc5: {  	[spmem:s5], [sflag:s8] =	dma.local @p0 [hbm:s16], $0x2080  }
0xc6: {  	_ =	swait.ge @p0 [sflag:s11], $0x2080  }
0xc7: {  	[sflag:s11] =	ssyncset.done @p0 $0x0  }
0xc8: {  	s8 =	rddreg [dreg:$0x8];
	[sflag:s11] =	ssyncadd.s32 @p0 $0xFFFFDF80  }
0xc9: {  	[hbm:s8], [sflag:s6] =	dma.local @!p0 [spmem:s7], $0x2780  }
0xca: {  	s8 =	simm.s32 @!p0 $0x3  }
0xcb: {  	_ =	swait.ge @!p0 [sflag:s8], $0x2780  }
0xcc: {  	[sflag:s8] =	ssyncset.done @!p0 $0x0  }
0xcd: {  	[sflag:s8] =	ssyncadd.s32 @!p0 $0xFFFFD880  }
0xce: {  	[bflag:$0x0] =	sbarrier.arrive @!p0 $0xFFFF  }
0xcf: {  	s11 =	rddreg [dreg:$0x9]  }
0xd0: {  	[spmem:s7], [sflag:s6] =	dma.local @!p0 [hbm:s11], $0x2780  }
0xd1: {  	_ =	swait.ge @!p0 [sflag:s8], $0x2780  }
0xd2: {  	[sflag:s8] =	ssyncset.done @!p0 $0x0  }
0xd3: {  	[sflag:s8] =	ssyncadd.s32 @!p0 $0xFFFFD880  }
0xd4: {  	s15 =	simm.s32 $0x0;
	[bflag:$0x0] =	sbarrier.arrive $0xFFFF  }
0xd5: {  	[tilespmem:s15], [sflag:$0x3] =	stream.linear.gather [hbm4b:s18+s15], $0x1900, $0x38;
	[tilespmem:$0x1D880] =	vst v63  }
0xd6: {  	_ =	swait.ge [sflag:s22], $0x1900  }
0xd7: {  	[sflag:s22] =	ssyncset.done $0x0  }
0xd8: {  	[sflag:s22] =	ssyncadd.s32 $0xFFFFE700  }
0xd9: {  	[tilespmem:s23], [sflag:$0x3] =	stream.linear.gather [hbm4b:s10+s15], $0x1900, $0x38;
	[tilespmem:$0x1D880] =	vst v63  }
0xda: {  	_ =	swait.ge [sflag:s22], $0x1900  }
0xdb: {  	[sflag:s22] =	ssyncset.done $0x0  }
0xdc: {  	[sflag:s22] =	ssyncadd.s32 $0xFFFFE700  }
0xdd: {  	[tilespmem:s25], [sflag:$0x1] =	stream.indirect.gather [hbm4b:s4+s24], $0x80, s15, s24, $0xb8;
	[tilespmem:$0x1D880] =	vst v63  }
0xde: {  	s11 =	simm.s32 $0x80  }
0xdf: {  	[tilespmem:s26], [sflag:$0x2] =	stream.indirect.gather [hbm4b:s4+s24], $0x80, s11, s24, $0xb8;
	[tilespmem:$0x1D880] =	vst v63  }
0xe0: {  	_ =	swait.ge [sflag:s28], $0x3200  }
0xe1: {  	[sflag:s28] =	ssyncset.done $0x0  }
0xe2: {  	s13 =	simm.s32 $0x1C00;
	[sflag:s28] =	ssyncadd.s32 $0xFFFFCE00  }
0xe3: {  	[spmem:s2] =	stream.indirect.scatter.add.f32 [tilespmem:s25], [sflag:$0x3], $0x80, s13, s24, $0xb8;
	[tilespmem:$0x1D880] =	vst v63  }
0xe4: {  	_ =	swait.ge [sflag:s22], $0x3200  }
0xe5: {  	[sflag:s22] =	ssyncset.done $0x0  }
0xe6: {  	s14 =	simm.s32 $0x100;
	[sflag:s22] =	ssyncadd.s32 $0xFFFFCE00  }
0xe7: {  	[tilespmem:s25], [sflag:$0x1] =	stream.indirect.gather [hbm4b:s4+s24], $0x80, s14, s24, $0xb8;
	[tilespmem:$0x1D880] =	vst v63  }
0xe8: {  	_ =	swait.ge [sflag:s29], $0x3200  }
0xe9: {  	[sflag:s29] =	ssyncset.done $0x0  }
0xea: {  	s15 =	simm.s32 $0x1C80;
	[sflag:s29] =	ssyncadd.s32 $0xFFFFCE00  }
0xeb: {  	[spmem:s2] =	stream.indirect.scatter.add.f32 [tilespmem:s26], [sflag:$0x3], $0x80, s15, s24, $0xb8;
	[tilespmem:$0x1D880] =	vst v63  }
0xec: {  	_ =	swait.ge [sflag:s22], $0x3200  }
0xed: {  	s8 =	simm.s32 $0x100;
	s11 =	simm.s32 $0x800;
	[sflag:s22] =	ssyncset.done $0x0  }
.LBB2_6:
0xee: {  	s13 =	sadd.s32 $0x80, s8  }
0xef: {  	[sflag:s22] =	ssyncadd.s32 $0xFFFFCE00;
	s14 =	smov.u32 s11;
	s15 =	sadd.s32 $0x400, s11  }
0xf0: {  	[tilespmem:s26], [sflag:$0x2] =	stream.indirect.gather [hbm4b:s4+s24], $0x80, s13, s24, $0xb8;
	[tilespmem:$0x1D880] =	vst v63  }
0xf1: {  	p1 =	sne.s32 s11, $0x5C00;
	_ =	swait.ge [sflag:s28], $0x3200  }
0xf2: {  	[sflag:s28] =	ssyncset.done $0x0  }
0xf3: {  	s11 =	sadd.s32 $0x1C00, s8;
	[sflag:s28] =	ssyncadd.s32 $0xFFFFCE00  }
0xf4: {  	[spmem:s2] =	stream.indirect.scatter.add.f32 [tilespmem:s25], [sflag:$0x3], $0x80, s11, s24, $0xb8;
	[tilespmem:$0x1D880] =	vst v63  }
0xf5: {  	_ =	swait.ge [sflag:s22], $0x3200  }
0xf6: {  	[sflag:s22] =	ssyncset.done $0x0  }
0xf7: {  	s11 =	sadd.s32 $0x100, s8;
	[sflag:s22] =	ssyncadd.s32 $0xFFFFCE00  }
0xf8: {  	[tilespmem:s25], [sflag:$0x1] =	stream.indirect.gather [hbm4b:s4+s24], $0x80, s11, s24, $0xb8;
	[tilespmem:$0x1D880] =	vst v63  }
0xf9: {  	_ =	swait.ge [sflag:s29], $0x3200  }
.Ltmp2:
0xfa: {  	[sflag:s29] =	ssyncset.done $0x0;
	(pc) =	sbr.rel @p1 .LBB2_6-.Ltmp2, $4  }
0xfb: {  	s8 =	sadd.s32 $0x1C80, s8;
	[sflag:s29] =	ssyncadd.s32 $0xFFFFCE00  }
0xfc: {  	[spmem:s2] =	stream.indirect.scatter.add.f32 [tilespmem:s26], [sflag:$0x3], $0x80, s8, s24, $0xb8;
	[tilespmem:$0x1D880] =	vst v63  }
0xfd: {  	_ =	swait.ge [sflag:s22], $0x3200  }
0xfe: {  	s11 =	smov.u32 s15;
	s8 =	sshra.s32 s14, $0x2;
	[sflag:s22] =	ssyncset.done $0x0  }
0xff: {  	s11 =	sadd.s32 $0x80, s8;
	[sflag:s22] =	ssyncadd.s32 $0xFFFFCE00  }
0x100: {  	[tilespmem:s26], [sflag:$0x2] =	stream.indirect.gather [hbm4b:s4+s24], $0x80, s11, s24, $0xb8;
	[tilespmem:$0x1D880] =	vst v63  }
0x101: {  	_ =	swait.ge [sflag:s28], $0x3200  }
0x102: {  	[sflag:s28] =	ssyncset.done $0x0  }
0x103: {  	s15 =	sadd.s32 $0x1C00, s8;
	[sflag:s28] =	ssyncadd.s32 $0xFFFFCE00  }
0x104: {  	[spmem:s2] =	stream.indirect.scatter.add.f32 [tilespmem:s25], [sflag:$0x3], $0x80, s15, s24, $0xb8;
	[tilespmem:$0x1D880] =	vst v63  }
0x105: {  	_ =	swait.ge [sflag:s22], $0x3200  }
0x106: {  	[sflag:s22] =	ssyncset.done $0x0  }
0x107: {  	s13 =	sadd.s32 $0x100, s8;
	[sflag:s22] =	ssyncadd.s32 $0xFFFFCE00  }
0x108: {  	[tilespmem:s25], [sflag:$0x1] =	stream.indirect.gather [hbm4b:s4+s24], $0x80, s13, s24, $0xb8;
	[tilespmem:$0x1D880] =	vst v63  }
0x109: {  	_ =	swait.ge [sflag:s29], $0x3200  }
0x10a: {  	[sflag:s29] =	ssyncset.done $0x0  }
0x10b: {  	s14 =	sadd.s32 $0x1C80, s8;
	[sflag:s29] =	ssyncadd.s32 $0xFFFFCE00  }
0x10c: {  	[spmem:s2] =	stream.indirect.scatter.add.f32 [tilespmem:s26], [sflag:$0x3], $0x80, s14, s24, $0xb8;
	[tilespmem:$0x1D880] =	vst v63  }
0x10d: {  	_ =	swait.ge [sflag:s22], $0x3200  }
0x10e: {  	[sflag:s22] =	ssyncset.done $0x0  }
0x10f: {  	[sflag:s22] =	ssyncadd.s32 $0xFFFFCE00  }
0x110: {  	[tilespmem:s26], [sflag:$0x2] =	stream.indirect.gather [hbm4b:s4+s24], $0x80, s30, s24, $0xb8;
	[tilespmem:$0x1D880] =	vst v63  }
0x111: {  	_ =	swait.ge [sflag:s28], $0x3200  }
0x112: {  	[sflag:s28] =	ssyncset.done $0x0  }
0x113: {  	[sflag:s28] =	ssyncadd.s32 $0xFFFFCE00  }
0x114: {  	[spmem:s2] =	stream.indirect.scatter.add.f32 [tilespmem:s25], [sflag:$0x3], $0x80, s31, s24, $0xb8;
	[tilespmem:$0x1D880] =	vst v63  }
0x115: {  	_ =	swait.ge [sflag:s22], $0x3200  }
0x116: {  	[sflag:s22] =	ssyncset.done $0x0  }
0x117: {  	[sflag:s22] =	ssyncadd.s32 $0xFFFFCE00  }
0x118: {  	_ =	swait.ge [sflag:s29], $0x3200  }
0x119: {  	[sflag:s29] =	ssyncset.done $0x0  }
0x11a: {  	[sflag:s29] =	ssyncadd.s32 $0xFFFFCE00  }
0x11b: {  	[spmem:s2] =	stream.indirect.scatter.add.f32 [tilespmem:s26], [sflag:$0x3], $0x80, s0, s24, $0xb8;
	[tilespmem:$0x1D880] =	vst v63  }
0x11c: {  	_ =	swait.ge [sflag:s22], $0x3200  }
0x11d: {  	[sflag:s22] =	ssyncset.done $0x0  }
0x11e: {  	s15 =	simm.s32 $0x0;
	[sflag:s22] =	ssyncadd.s32 $0xFFFFCE00  }
0x11f: {  	[tilespmem:s15], [sflag:$0x3] =	stream.linear.gather [hbm4b:s19+s15], $0x1900, $0x38;
	[tilespmem:$0x1D880] =	vst v63  }
0x120: {  	_ =	swait.ge [sflag:s22], $0x1900  }
0x121: {  	[sflag:s22] =	ssyncset.done $0x0  }
0x122: {  	[sflag:s22] =	ssyncadd.s32 $0xFFFFE700  }
0x123: {  	[tilespmem:s23], [sflag:$0x3] =	stream.linear.gather [hbm4b:s12+s15], $0x1900, $0x38;
	[tilespmem:$0x1D880] =	vst v63  }
0x124: {  	_ =	swait.ge [sflag:s22], $0x1900  }
0x125: {  	[sflag:s22] =	ssyncset.done $0x0  }
0x126: {  	[sflag:s22] =	ssyncadd.s32 $0xFFFFE700  }
0x127: {  	[tilespmem:s25], [sflag:$0x1] =	stream.indirect.gather [hbm4b:s4+s24], $0x80, s15, s24, $0xb8;
	[tilespmem:$0x1D880] =	vst v63  }
0x128: {  	s11 =	simm.s32 $0x80  }
0x129: {  	[tilespmem:s26], [sflag:$0x2] =	stream.indirect.gather [hbm4b:s4+s24], $0x80, s11, s24, $0xb8;
	[tilespmem:$0x1D880] =	vst v63  }
0x12a: {  	_ =	swait.ge [sflag:s28], $0x3200  }
0x12b: {  	[sflag:s28] =	ssyncset.done $0x0  }
0x12c: {  	s13 =	simm.s32 $0x1C00;
	[sflag:s28] =	ssyncadd.s32 $0xFFFFCE00  }
0x12d: {  	[spmem:s2] =	stream.indirect.scatter.add.f32 [tilespmem:s25], [sflag:$0x3], $0x80, s13, s24, $0xb8;
	[tilespmem:$0x1D880] =	vst v63  }
0x12e: {  	_ =	swait.ge [sflag:s22], $0x3200  }
0x12f: {  	[sflag:s22] =	ssyncset.done $0x0  }
0x130: {  	s14 =	simm.s32 $0x100;
	[sflag:s22] =	ssyncadd.s32 $0xFFFFCE00  }
0x131: {  	[tilespmem:s25], [sflag:$0x1] =	stream.indirect.gather [hbm4b:s4+s24], $0x80, s14, s24, $0xb8;
	[tilespmem:$0x1D880] =	vst v63  }
0x132: {  	_ =	swait.ge [sflag:s29], $0x3200  }
0x133: {  	[sflag:s29] =	ssyncset.done $0x0  }
0x134: {  	s15 =	simm.s32 $0x1C80;
	[sflag:s29] =	ssyncadd.s32 $0xFFFFCE00  }
0x135: {  	[spmem:s2] =	stream.indirect.scatter.add.f32 [tilespmem:s26], [sflag:$0x3], $0x80, s15, s24, $0xb8;
	[tilespmem:$0x1D880] =	vst v63  }
0x136: {  	_ =	swait.ge [sflag:s22], $0x3200  }
0x137: {  	s8 =	simm.s32 $0x100;
	s11 =	simm.s32 $0x800;
	[sflag:s22] =	ssyncset.done $0x0  }
.LBB2_8:
0x138: {  	s13 =	sadd.s32 $0x80, s8  }
0x139: {  	[sflag:s22] =	ssyncadd.s32 $0xFFFFCE00;
	s14 =	smov.u32 s11;
	s15 =	sadd.s32 $0x400, s11  }
0x13a: {  	[tilespmem:s26], [sflag:$0x2] =	stream.indirect.gather [hbm4b:s4+s24], $0x80, s13, s24, $0xb8;
	[tilespmem:$0x1D880] =	vst v63  }
0x13b: {  	p1 =	sne.s32 s11, $0x5C00;
	_ =	swait.ge [sflag:s28], $0x3200  }
0x13c: {  	[sflag:s28] =	ssyncset.done $0x0  }
0x13d: {  	s11 =	sadd.s32 $0x1C00, s8;
	[sflag:s28] =	ssyncadd.s32 $0xFFFFCE00  }
0x13e: {  	[spmem:s2] =	stream.indirect.scatter.add.f32 [tilespmem:s25], [sflag:$0x3], $0x80, s11, s24, $0xb8;
	[tilespmem:$0x1D880] =	vst v63  }
0x13f: {  	_ =	swait.ge [sflag:s22], $0x3200  }
0x140: {  	[sflag:s22] =	ssyncset.done $0x0  }
0x141: {  	s11 =	sadd.s32 $0x100, s8;
	[sflag:s22] =	ssyncadd.s32 $0xFFFFCE00  }
0x142: {  	[tilespmem:s25], [sflag:$0x1] =	stream.indirect.gather [hbm4b:s4+s24], $0x80, s11, s24, $0xb8;
	[tilespmem:$0x1D880] =	vst v63  }
0x143: {  	_ =	swait.ge [sflag:s29], $0x3200  }
.Ltmp3:
0x144: {  	[sflag:s29] =	ssyncset.done $0x0;
	(pc) =	sbr.rel @p1 .LBB2_8-.Ltmp3, $4  }
0x145: {  	s8 =	sadd.s32 $0x1C80, s8;
	[sflag:s29] =	ssyncadd.s32 $0xFFFFCE00  }
0x146: {  	[spmem:s2] =	stream.indirect.scatter.add.f32 [tilespmem:s26], [sflag:$0x3], $0x80, s8, s24, $0xb8;
	[tilespmem:$0x1D880] =	vst v63  }
0x147: {  	_ =	swait.ge [sflag:s22], $0x3200  }
0x148: {  	s11 =	smov.u32 s15;
	s8 =	sshra.s32 s14, $0x2;
	[sflag:s22] =	ssyncset.done $0x0  }
0x149: {  	s11 =	sadd.s32 $0x80, s8;
	[sflag:s22] =	ssyncadd.s32 $0xFFFFCE00  }
0x14a: {  	[tilespmem:s26], [sflag:$0x2] =	stream.indirect.gather [hbm4b:s4+s24], $0x80, s11, s24, $0xb8;
	[tilespmem:$0x1D880] =	vst v63  }
0x14b: {  	_ =	swait.ge [sflag:s28], $0x3200  }
0x14c: {  	[sflag:s28] =	ssyncset.done $0x0  }
0x14d: {  	s13 =	sadd.s32 $0x1C00, s8;
	[sflag:s28] =	ssyncadd.s32 $0xFFFFCE00  }
0x14e: {  	[spmem:s2] =	stream.indirect.scatter.add.f32 [tilespmem:s25], [sflag:$0x3], $0x80, s13, s24, $0xb8;
	[tilespmem:$0x1D880] =	vst v63  }
0x14f: {  	_ =	swait.ge [sflag:s22], $0x3200  }
0x150: {  	[sflag:s22] =	ssyncset.done $0x0  }
0x151: {  	s14 =	sadd.s32 $0x100, s8;
	[sflag:s22] =	ssyncadd.s32 $0xFFFFCE00  }
0x152: {  	[tilespmem:s25], [sflag:$0x1] =	stream.indirect.gather [hbm4b:s4+s24], $0x80, s14, s24, $0xb8;
	[tilespmem:$0x1D880] =	vst v63  }
0x153: {  	_ =	swait.ge [sflag:s29], $0x3200  }
0x154: {  	[sflag:s29] =	ssyncset.done $0x0  }
0x155: {  	s15 =	sadd.s32 $0x1C80, s8;
	[sflag:s29] =	ssyncadd.s32 $0xFFFFCE00  }
0x156: {  	[spmem:s2] =	stream.indirect.scatter.add.f32 [tilespmem:s26], [sflag:$0x3], $0x80, s15, s24, $0xb8;
	[tilespmem:$0x1D880] =	vst v63  }
0x157: {  	_ =	swait.ge [sflag:s22], $0x3200  }
0x158: {  	[sflag:s22] =	ssyncset.done $0x0  }
0x159: {  	[sflag:s22] =	ssyncadd.s32 $0xFFFFCE00  }
0x15a: {  	[tilespmem:s26], [sflag:$0x2] =	stream.indirect.gather [hbm4b:s4+s24], $0x80, s30, s24, $0xb8;
	[tilespmem:$0x1D880] =	vst v63  }
0x15b: {  	_ =	swait.ge [sflag:s28], $0x3200  }
0x15c: {  	[sflag:s28] =	ssyncset.done $0x0  }
0x15d: {  	[sflag:s28] =	ssyncadd.s32 $0xFFFFCE00  }
0x15e: {  	[spmem:s2] =	stream.indirect.scatter.add.f32 [tilespmem:s25], [sflag:$0x3], $0x80, s31, s24, $0xb8;
	[tilespmem:$0x1D880] =	vst v63  }
0x15f: {  	_ =	swait.ge [sflag:s22], $0x3200  }
0x160: {  	[sflag:s22] =	ssyncset.done $0x0  }
0x161: {  	[sflag:s22] =	ssyncadd.s32 $0xFFFFCE00  }
0x162: {  	_ =	swait.ge [sflag:s29], $0x3200  }
0x163: {  	[sflag:s29] =	ssyncset.done $0x0  }
0x164: {  	[sflag:s29] =	ssyncadd.s32 $0xFFFFCE00  }
0x165: {  	[spmem:s2] =	stream.indirect.scatter.add.f32 [tilespmem:s26], [sflag:$0x3], $0x80, s0, s24, $0xb8;
	[tilespmem:$0x1D880] =	vst v63  }
0x166: {  	_ =	swait.ge [sflag:s22], $0x3200  }
0x167: {  	[sflag:s22] =	ssyncset.done $0x0  }
0x168: {  	[sflag:s22] =	ssyncadd.s32 $0xFFFFCE00  }
0x169: {  	s8 =	simm.s32 @p0 $0x1FC3;
	[bflag:$0x0] =	sbarrier.arrive $0xFFFF  }
0x16a: {  	[hbm:s21], [sflag:s8] =	dma.local @p0 [spmem:s5], $0x2080  }
0x16b: {  	s5 =	simm.s32 @p0 $0x3  }
0x16c: {  	_ =	swait.ge @p0 [sflag:s5], $0x2080  }
0x16d: {  	s1 =	sadd.s32 $0x1, s1;
	[sflag:s5] =	ssyncset.done @p0 $0x0  }
0x16e: {  	p1 =	sne.s32 s1, s17;
	[sflag:s5] =	ssyncadd.s32 @p0 $0xFFFFDF80;
	s5 =	simm.s32 @!p0 $0x3  }
0x16f: {  	[hbm:s20], [sflag:s6] =	dma.local @!p0 [spmem:s7], $0x2780  }
.Ltmp4:
0x170: {  	_ =	swait.ge @!p0 [sflag:s5], $0x2780;
	(pc) =	sbr.rel @p1 .LBB2_1-.Ltmp4, $3  }
0x171: {  	[sflag:s5] =	ssyncset.done @!p0 $0x0  }
0x172: {  	[sflag:s5] =	ssyncadd.s32 @!p0 $0xFFFFD880  }
0x173: {  	[bflag:$0x0] =	sbarrier.arrive $0xFFFF;
	_ =	sdelay $0x1  }
0x174: {  	_ =	sfence.sel $0x180000  }
0x175: {  	[bflag:$0x0] =	sbarrier.arrive $0xFFFF  }
0x176: {  	_ =	strace $0x90000050  }
0x177: {  	s0 =	stileid.u32;
	[bflag:$0x2] =	sbarrier.arrive $0xFFFF  }
0x178: {  	p0 =	sne.s32 s0, $0x0;
	s0 =	rddreg [dreg:$0x2]  }
0x179: {  	s0 =	sadd.s32 @!p0 $0x100000, s0  }
0x17a: {  	[sflag:s0] =	ssyncadd.tile.s32 @!p0 $0x1;
	_ =	shalt  }
.Lfunc_end2:
_tile_overlayer_lowered:
.L_overlay_start_2:
0x17b: {  	(tag) =	ssettag $0x2  }
0x17c: {  	s0 =	rddreg [dreg:$0x0];
	s2 =	stileid.u32  }
0x17d: {  	s1 =	rddreg [dreg:$0x1];
	p0 =	sne.s32 s2, $0x0  }
0x17e: {  	s3 =	rddreg [dreg:$0x2];
	[bflag:$0x3] =	sbarrier.arrive $0xFFFF;
	s2 =	simm.s32 @!p0 $0x1C03  }
0x17f: {  	[timem:s3], [sflag:s2] =	dma.local @!p0 [hbm:s0], s1  }
0x180: {  	s0 =	simm.s32 @!p0 $0x3  }
0x181: {  	_ =	swait.ge @!p0 [sflag:s0], s1  }
0x182: {  	s1 =	ssub.s32 @!p0 $0x0, s1;
	[sflag:s0] =	ssyncset.done @!p0 $0x0  }
0x183: {  	[sflag:s0] =	ssyncadd.s32 @!p0 s1  }
0x184: {  	[bflag:$0x3] =	sbarrier.arrive $0xFFFF  }
0x185: {  	_ =	shalt  }

</sc_bundles>
